<compile_context>
chip_gen: v7x
topology: tpu7x:2x2x1
jax: 0.10.2.dev20260603
libtpu: 0.0.44.dev20260713+nightly
codegen_flags: <defaults>
</compile_context>

<pallas_src>
import jax
import jax.numpy as jnp
from jax import lax
from jax.experimental import pallas as pl
from jax.experimental.pallas import tpu as pltpu
from jax.experimental.pallas import tpu_sc as plsc

_MAX_NORM = 0.95
_L = 16
_D = 128
_NV = _D // _L

_NC = 2
_NS = 16
_NW = _NC * _NS

_B = 4096 * 50
_BPW = _B // _NW
_CHUNK = 128
_NCH = _BPW // _CHUNK
_NBUF = 6
_LOOK = 3


def _rsqrt_nr(x):
    i = plsc.bitcast(x, jnp.int32)
    y = plsc.bitcast(jnp.int32(0x5F3759DF) - (i >> 1), jnp.float32)
    xh = 0.5 * x
    for _ in range(2):
        y = y * (1.5 - xh * y * y)
    return y


def _project_rows(buf):
    def row_fn(r, carry):
        vs = [buf[r, pl.ds(k * _L, _L)] for k in range(_NV)]
        acc = vs[0] * vs[0]
        for k in range(1, _NV):
            acc = acc + vs[k] * vs[k]
        ss = jnp.full((_L,), jnp.sum(acc), jnp.float32)
        ss = jnp.maximum(ss, 1e-18)
        scale = jnp.minimum(_MAX_NORM * _rsqrt_nr(ss), 1.0)
        for k in range(_NV):
            buf[r, pl.ds(k * _L, _L)] = vs[k] * scale
        return carry

    lax.fori_loop(0, _CHUNK, row_fn, 0, unroll=4)


def _sc_body(idx_hbm, table_hbm, out_hbm, idx_v, bufs, gsems, osems):
    wid = lax.axis_index("s") * _NC + lax.axis_index("c")
    base = wid * _BPW
    pltpu.sync_copy(idx_hbm.at[pl.ds(base, _BPW)], idx_v)

    def gather(j, s):
        return pltpu.make_async_copy(
            table_hbm.at[idx_v.at[pl.ds(j * _CHUNK, _CHUNK)]], bufs[s], gsems[s])

    def out_cp(j, s):
        return pltpu.make_async_copy(
            bufs[s], out_hbm.at[pl.ds(base + j * _CHUNK, _CHUNK)], osems[s])

    for g in range(_LOOK):
        gather(g, g % _NBUF).start()

    def body(t, carry):
        for b in range(_NBUF):
            j = _NBUF * t + b
            gather(j, b).wait()
            _project_rows(bufs[b])
            out_cp(j, b).start()
            g = j + _LOOK
            s_next = (b + _LOOK) % _NBUF
            jd = g - _NBUF

            @pl.when(g < _NCH)
            def _refill():
                @pl.when(jd >= 0)
                def _drain_prev():
                    out_cp(jd, s_next).wait()

                gather(g, s_next).start()
        return carry

    n_full = _NCH // _NBUF
    lax.fori_loop(0, n_full, body, 0)

    for j in range(n_full * _NBUF, _NCH):
        b = j % _NBUF
        gather(j, b).wait()
        _project_rows(bufs[b])
        out_cp(j, b).start()
    for j in range(max(0, _NCH - _NBUF), _NCH):
        out_cp(j, j % _NBUF).wait()


def kernel(indices, weight):
    nb, ns = indices.shape
    idx = indices.astype(jnp.int32).T.reshape(_B)
    kfn = pl.kernel(
        lambda ih, th, oh, iv, *r: _sc_body(ih, th, oh, iv, r[:_NBUF], r[_NBUF:2*_NBUF], r[2*_NBUF:]),
        mesh=plsc.VectorSubcoreMesh(core_axis_name="c", subcore_axis_name="s"),
        out_type=jax.ShapeDtypeStruct((_B, _D), jnp.float32),
        scratch_types=(
            [pltpu.VMEM((_BPW,), jnp.int32)]
            + [pltpu.VMEM((_CHUNK, _D), jnp.float32)] * _NBUF
            + [pltpu.SemaphoreType.DMA] * (2 * _NBUF)
        ),
        compiler_params=pltpu.CompilerParams(needs_layout_passes=False),
    )
    out = kfn(idx, weight)
    return out.reshape(ns, nb, _D).transpose(1, 0, 2)

# --- scband reference (transcript-rebuilt; emitter-appended) ---
"""Pipeline reference for scband-poincare-ball-embedding-8976481648918 (READ-ONLY COPY).

The authoritative reference and input builder live on the scoring server;
editing this copy changes nothing except your own understanding.
"""

import math
import jax, jax.numpy as jnp
import numpy as np

CURVATURE = 1.0
MAX_NORM = 0.95


def _project(x):
    norm = jnp.maximum(jnp.linalg.norm(x, axis=-1, keepdims=True), 1e-9)
    max_radius = MAX_NORM / math.sqrt(CURVATURE)
    scale = jnp.minimum(max_radius / norm, 1.0)
    return x * scale


def setup_inputs(seed: int = 0) -> dict:
    key = jax.random.key(seed)
    k1, k2 = jax.random.split(key)
    indices = jax.random.randint(k1, (4096, 50), 0, 100000, dtype=jnp.int64)
    weight = jax.random.normal(k2, (100000, 128), dtype=jnp.float32) * 0.02
    weight = _project(weight)  # project_parameters_ at init
    return {"indices": indices, "weight": weight}


def reference(indices, weight):
    # forward: project(weight[indices])
    gathered = jnp.take(weight, indices, axis=0)
    return _project(gathered)

if __name__ == "__main__":
    import jax
    _d = setup_inputs()
    print(jax.jit(kernel)(*tuple(_d.values())))

</pallas_src>

<mosaic_0001>
#map = affine_map<(d0, d1) -> (0)>
#map1 = affine_map<(d0, d1) -> (0, 0)>
module attributes {stable_mosaic.version = 14 : i64} {
  func.func @_lambda_(%arg0: i32, %arg1: i32, %arg2: memref<204800xi32, #tpu.memory_space<hbm>>, %arg3: memref<100000x128xf32, #tpu.memory_space<hbm>>, %arg4: memref<204800x128xf32, #tpu.memory_space<hbm>>, %arg5: memref<6400xi32, #tpu.memory_space<vmem>>, %arg6: memref<128x128xf32, #tpu.memory_space<vmem>>, %arg7: memref<128x128xf32, #tpu.memory_space<vmem>>, %arg8: memref<128x128xf32, #tpu.memory_space<vmem>>, %arg9: memref<128x128xf32, #tpu.memory_space<vmem>>, %arg10: memref<128x128xf32, #tpu.memory_space<vmem>>, %arg11: memref<128x128xf32, #tpu.memory_space<vmem>>, %arg12: memref<!tpu.dma_semaphore, #tpu.memory_space<semaphore_mem>>, %arg13: memref<!tpu.dma_semaphore, #tpu.memory_space<semaphore_mem>>, %arg14: memref<!tpu.dma_semaphore, #tpu.memory_space<semaphore_mem>>, %arg15: memref<!tpu.dma_semaphore, #tpu.memory_space<semaphore_mem>>, %arg16: memref<!tpu.dma_semaphore, #tpu.memory_space<semaphore_mem>>, %arg17: memref<!tpu.dma_semaphore, #tpu.memory_space<semaphore_mem>>, %arg18: memref<!tpu.dma_semaphore, #tpu.memory_space<semaphore_mem>>, %arg19: memref<!tpu.dma_semaphore, #tpu.memory_space<semaphore_mem>>, %arg20: memref<!tpu.dma_semaphore, #tpu.memory_space<semaphore_mem>>, %arg21: memref<!tpu.dma_semaphore, #tpu.memory_space<semaphore_mem>>, %arg22: memref<!tpu.dma_semaphore, #tpu.memory_space<semaphore_mem>>, %arg23: memref<!tpu.dma_semaphore, #tpu.memory_space<semaphore_mem>>) attributes {dimension_semantics = [#tpu.dimension_semantics<core_parallel>, #tpu.dimension_semantics<subcore_parallel>], iteration_bounds = array<i64: 2, 16>, scalar_prefetch = 0 : i64, scratch_operands = 19 : i64, tpu.core_type = #tpu.core_type<sc_vector_subcore>, window_params = [{transform_indices = #map}, {transform_indices = #map1}, {transform_indices = #map1}]} {
    %mul3A = arith.constant 2 : i32
    %mul3A_0 = arith.muli %arg1, %mul3A : i32
    %add3A = arith.addi %mul3A_0, %arg0 : i32
    %mul3A_1 = arith.constant 6400 : i32
    %mul3A_2 = arith.muli %add3A, %mul3A_1 : i32
    "tpu.region"() ({
      %run_scoped3A = tpu.sem_alloc : memref<!tpu.dma_semaphore, #tpu.memory_space<semaphore_mem>>
      %dma_start3A_91 = tpu.memref_slice %arg2[%mul3A_2] : memref<204800xi32, #tpu.memory_space<hbm>> -> memref<6400xi32, #tpu.memory_space<hbm>>
      %dma_start3A_92 = tpu.memref_slice %arg2[%mul3A_2] : memref<204800xi32, #tpu.memory_space<hbm>> -> memref<6400xi32, #tpu.memory_space<hbm>>
      tpu.enqueue_dma source(%dma_start3A_92 : memref<6400xi32, #tpu.memory_space<hbm>>) target(%arg5 : memref<6400xi32, #tpu.memory_space<vmem>>) target_semaphore(%run_scoped3A : memref<!tpu.dma_semaphore, #tpu.memory_space<semaphore_mem>>)
      %dma_wait3A_93 = tpu.memref_slice %arg2[%mul3A_2] : memref<204800xi32, #tpu.memory_space<hbm>> -> memref<6400xi32, #tpu.memory_space<hbm>>
      %dma_wait3A_94 = tpu.memref_slice %arg2[%mul3A_2] : memref<204800xi32, #tpu.memory_space<hbm>> -> memref<6400xi32, #tpu.memory_space<hbm>>
      tpu.wait_dma2 semaphore(%run_scoped3A : memref<!tpu.dma_semaphore, #tpu.memory_space<semaphore_mem>>) src(%dma_wait3A_94 : memref<6400xi32, #tpu.memory_space<hbm>>) dst(%arg5 : memref<6400xi32, #tpu.memory_space<vmem>>)
      tpu.yield
    }) : () -> ()
    %dma_start3A = arith.constant 0 : i32
    %dma_start3A_3 = tpu.memref_slice %arg5[%dma_start3A] : memref<6400xi32, #tpu.memory_space<vmem>> -> memref<128xi32, #tpu.memory_space<vmem>>
    %dma_start3A_4 = arith.constant 0 : i32
    %dma_start3A_5 = arith.constant 0 : i32
    %dma_start3A_6 = tpu.memref_slice %arg3[%dma_start3A_4, %dma_start3A_5] : memref<100000x128xf32, #tpu.memory_space<hbm>> -> memref<100000x128xf32, #tpu.memory_space<hbm>>
    tpu.enqueue_indirect_dma source(%dma_start3A_6 : memref<100000x128xf32, #tpu.memory_space<hbm>>) target(%arg6 : memref<128x128xf32, #tpu.memory_space<vmem>>) offsets(%dma_start3A_3 : memref<128xi32, #tpu.memory_space<vmem>>) semaphore(%arg12 : memref<!tpu.dma_semaphore, #tpu.memory_space<semaphore_mem>>)
    %dma_start3A_7 = arith.constant 128 : i32
    %dma_start3A_8 = tpu.memref_slice %arg5[%dma_start3A_7] : memref<6400xi32, #tpu.memory_space<vmem>> -> memref<128xi32, #tpu.memory_space<vmem>>
    %dma_start3A_9 = arith.constant 0 : i32
    %dma_start3A_10 = arith.constant 0 : i32
    %dma_start3A_11 = tpu.memref_slice %arg3[%dma_start3A_9, %dma_start3A_10] : memref<100000x128xf32, #tpu.memory_space<hbm>> -> memref<100000x128xf32, #tpu.memory_space<hbm>>
    tpu.enqueue_indirect_dma source(%dma_start3A_11 : memref<100000x128xf32, #tpu.memory_space<hbm>>) target(%arg7 : memref<128x128xf32, #tpu.memory_space<vmem>>) offsets(%dma_start3A_8 : memref<128xi32, #tpu.memory_space<vmem>>) semaphore(%arg13 : memref<!tpu.dma_semaphore, #tpu.memory_space<semaphore_mem>>)
    %dma_start3A_12 = arith.constant 256 : i32
    %dma_start3A_13 = tpu.memref_slice %arg5[%dma_start3A_12] : memref<6400xi32, #tpu.memory_space<vmem>> -> memref<128xi32, #tpu.memory_space<vmem>>
    %dma_start3A_14 = arith.constant 0 : i32
    %dma_start3A_15 = arith.constant 0 : i32
    %dma_start3A_16 = tpu.memref_slice %arg3[%dma_start3A_14, %dma_start3A_15] : memref<100000x128xf32, #tpu.memory_space<hbm>> -> memref<100000x128xf32, #tpu.memory_space<hbm>>
    tpu.enqueue_indirect_dma source(%dma_start3A_16 : memref<100000x128xf32, #tpu.memory_space<hbm>>) target(%arg8 : memref<128x128xf32, #tpu.memory_space<vmem>>) offsets(%dma_start3A_13 : memref<128xi32, #tpu.memory_space<vmem>>) semaphore(%arg14 : memref<!tpu.dma_semaphore, #tpu.memory_space<semaphore_mem>>)
    %scan3A = arith.constant 0 : i32
    %scan3A_17 = arith.constant 0 : i32
    %scan3A_18 = arith.constant 8 : i32
    %scan3A_19 = arith.addi %scan3A_17, %scan3A_18 : i32
    %scan3A_20 = arith.constant 1 : i32
    scf.for %scan3A_91 = %scan3A_17 to %scan3A_19 step %scan3A_20  : i32 {
      %mul3A_92 = arith.constant 6 : i32
      %mul3A_93 = arith.muli %mul3A_92, %scan3A_91 : i32
      %add3A_94 = arith.constant 0 : i32
      %add3A_95 = arith.addi %mul3A_93, %add3A_94 : i32
      %mul3A_96 = arith.constant 128 : i32
      %mul3A_97 = arith.muli %add3A_95, %mul3A_96 : i32
      %dma_wait3A_98 = tpu.memref_slice %arg5[%mul3A_97] : memref<6400xi32, #tpu.memory_space<vmem>> -> memref<128xi32, #tpu.memory_space<vmem>>
      %dma_wait3A_99 = arith.constant 0 : i32
      %dma_wait3A_100 = arith.constant 0 : i32
      %dma_wait3A_101 = tpu.memref_slice %arg3[%dma_wait3A_99, %dma_wait3A_100] : memref<100000x128xf32, #tpu.memory_space<hbm>> -> memref<100000x128xf32, #tpu.memory_space<hbm>>
      tpu.wait_indirect_dma semaphore(%arg12 : memref<!tpu.dma_semaphore, #tpu.memory_space<semaphore_mem>>) src(%dma_wait3A_101 : memref<100000x128xf32, #tpu.memory_space<hbm>>) dst(%arg6 : memref<128x128xf32, #tpu.memory_space<vmem>>)
      %scan3A_102 = arith.constant 0 : i32
      %scan3A_103 = arith.constant 0 : i32
      %scan3A_104 = arith.constant 128 : i32
      %scan3A_105 = arith.addi %scan3A_103, %scan3A_104 : i32
      %scan3A_106 = arith.constant 4 : i32
      scf.for %scan3A_280 = %scan3A_103 to %scan3A_105 step %scan3A_106  : i32 {
        %get3A = arith.index_cast %scan3A_280 : i32 to index
        %get3A_281 = arith.constant 0 : index
        %get3A_282 = tpu.vector_load %arg6[%get3A, %get3A_281] {strides = array<i32>} : memref<128x128xf32, #tpu.memory_space<vmem>>, vector<16xf32>,
        %get3A_283 = arith.index_cast %scan3A_280 : i32 to index
        %get3A_284 = arith.constant 16 : index
        %get3A_285 = tpu.vector_load %arg6[%get3A_283, %get3A_284] {strides = array<i32>} : memref<128x128xf32, #tpu.memory_space<vmem>>, vector<16xf32>,
        %get3A_286 = arith.index_cast %scan3A_280 : i32 to index
        %get3A_287 = arith.constant 32 : index
        %get3A_288 = tpu.vector_load %arg6[%get3A_286, %get3A_287] {strides = array<i32>} : memref<128x128xf32, #tpu.memory_space<vmem>>, vector<16xf32>,
        %get3A_289 = arith.index_cast %scan3A_280 : i32 to index
        %get3A_290 = arith.constant 48 : index
        %get3A_291 = tpu.vector_load %arg6[%get3A_289, %get3A_290] {strides = array<i32>} : memref<128x128xf32, #tpu.memory_space<vmem>>, vector<16xf32>,
        %get3A_292 = arith.index_cast %scan3A_280 : i32 to index
        %get3A_293 = arith.constant 64 : index
        %get3A_294 = tpu.vector_load %arg6[%get3A_292, %get3A_293] {strides = array<i32>} : memref<128x128xf32, #tpu.memory_space<vmem>>, vector<16xf32>,
        %get3A_295 = arith.index_cast %scan3A_280 : i32 to index
        %get3A_296 = arith.constant 80 : index
        %get3A_297 = tpu.vector_load %arg6[%get3A_295, %get3A_296] {strides = array<i32>} : memref<128x128xf32, #tpu.memory_space<vmem>>, vector<16xf32>,
        %get3A_298 = arith.index_cast %scan3A_280 : i32 to index
        %get3A_299 = arith.constant 96 : index
        %get3A_300 = tpu.vector_load %arg6[%get3A_298, %get3A_299] {strides = array<i32>} : memref<128x128xf32, #tpu.memory_space<vmem>>, vector<16xf32>,
        %get3A_301 = arith.index_cast %scan3A_280 : i32 to index
        %get3A_302 = arith.constant 112 : index
        %get3A_303 = tpu.vector_load %arg6[%get3A_301, %get3A_302] {strides = array<i32>} : memref<128x128xf32, #tpu.memory_space<vmem>>, vector<16xf32>,
        %mul3A_304 = arith.mulf %get3A_282, %get3A_282 : vector<16xf32>
        %mul3A_305 = arith.mulf %get3A_285, %get3A_285 : vector<16xf32>
        %add3A_306 = arith.addf %mul3A_304, %mul3A_305 : vector<16xf32>
        %mul3A_307 = arith.mulf %get3A_288, %get3A_288 : vector<16xf32>
        %add3A_308 = arith.addf %add3A_306, %mul3A_307 : vector<16xf32>
        %mul3A_309 = arith.mulf %get3A_291, %get3A_291 : vector<16xf32>
        %add3A_310 = arith.addf %add3A_308, %mul3A_309 : vector<16xf32>
        %mul3A_311 = arith.mulf %get3A_294, %get3A_294 : vector<16xf32>
        %add3A_312 = arith.addf %add3A_310, %mul3A_311 : vector<16xf32>
        %mul3A_313 = arith.mulf %get3A_297, %get3A_297 : vector<16xf32>
        %add3A_314 = arith.addf %add3A_312, %mul3A_313 : vector<16xf32>
        %mul3A_315 = arith.mulf %get3A_300, %get3A_300 : vector<16xf32>
        %add3A_316 = arith.addf %add3A_314, %mul3A_315 : vector<16xf32>
        %mul3A_317 = arith.mulf %get3A_303, %get3A_303 : vector<16xf32>
        %add3A_318 = arith.addf %add3A_316, %mul3A_317 : vector<16xf32>
        %reduce_sum3A = arith.constant true
        %reduce_sum3A_319 = vector.broadcast %reduce_sum3A : i1 to vector<16xi1>
        %reduce_sum3A_320 = tpu.scan <sum>, %add3A_318 masked %reduce_sum3A_319 : vector<16xf32>, vector<16xi1> -> vector<16xf32>
        %reduce_sum3A_321 = vector.extract %reduce_sum3A_320[15] : f32 from vector<16xf32>
        %broadcast_in_dim3A = vector.broadcast %reduce_sum3A_321 : f32 to vector<16xf32>
        %max3A = arith.constant 1.000000e-18 : f32
        %max3A_322 = vector.broadcast %max3A : f32 to vector<16xf32>
        %max3A_323 = arith.maximumf %broadcast_in_dim3A, %max3A_322 : vector<16xf32>
        %bitcast3A = vector.bitcast %max3A_323 : vector<16xf32> to vector<16xi32>
        %shift_right_arithmetic3A = arith.constant 1 : i32
        %shift_right_arithmetic3A_324 = vector.broadcast %shift_right_arithmetic3A : i32 to vector<16xi32>
        %shift_right_arithmetic3A_325 = arith.shrsi %bitcast3A, %shift_right_arithmetic3A_324 : vector<16xi32>
        %sub3A_326 = arith.constant 1597463007 : i32
        %sub3A_327 = vector.broadcast %sub3A_326 : i32 to vector<16xi32>
        %sub3A_328 = arith.subi %sub3A_327, %shift_right_arithmetic3A_325 : vector<16xi32>
        %bitcast3A_329 = vector.bitcast %sub3A_328 : vector<16xi32> to vector<16xf32>
        %mul3A_330 = arith.constant 5.000000e-01 : f32
        %mul3A_331 = vector.broadcast %mul3A_330 : f32 to vector<16xf32>
        %mul3A_332 = arith.mulf %mul3A_331, %max3A_323 : vector<16xf32>
        %mul3A_333 = arith.mulf %mul3A_332, %bitcast3A_329 : vector<16xf32>
        %mul3A_334 = arith.mulf %mul3A_333, %bitcast3A_329 : vector<16xf32>
        %sub3A_335 = arith.constant 1.500000e+00 : f32
        %sub3A_336 = vector.broadcast %sub3A_335 : f32 to vector<16xf32>
        %sub3A_337 = arith.subf %sub3A_336, %mul3A_334 : vector<16xf32>
        %mul3A_338 = arith.mulf %bitcast3A_329, %sub3A_337 : vector<16xf32>
        %mul3A_339 = arith.mulf %mul3A_332, %mul3A_338 : vector<16xf32>
        %mul3A_340 = arith.mulf %mul3A_339, %mul3A_338 : vector<16xf32>
        %sub3A_341 = arith.constant 1.500000e+00 : f32
        %sub3A_342 = vector.broadcast %sub3A_341 : f32 to vector<16xf32>
        %sub3A_343 = arith.subf %sub3A_342, %mul3A_340 : vector<16xf32>
        %mul3A_344 = arith.mulf %mul3A_338, %sub3A_343 : vector<16xf32>
        %mul3A_345 = arith.constant 0.949999988 : f32
        %mul3A_346 = vector.broadcast %mul3A_345 : f32 to vector<16xf32>
        %mul3A_347 = arith.mulf %mul3A_346, %mul3A_344 : vector<16xf32>
        %min3A = arith.constant 1.000000e+00 : f32
        %min3A_348 = vector.broadcast %min3A : f32 to vector<16xf32>
        %min3A_349 = arith.minimumf %mul3A_347, %min3A_348 : vector<16xf32>
        %mul3A_350 = arith.mulf %get3A_282, %min3A_349 : vector<16xf32>
        %swap3A = arith.index_cast %scan3A_280 : i32 to index
        %swap3A_351 = arith.constant 0 : index
        %swap3A_352 = tpu.vector_load %arg6[%swap3A, %swap3A_351] {strides = array<i32>} : memref<128x128xf32, #tpu.memory_space<vmem>>, vector<16xf32>,
        tpu.vector_store %arg6[%swap3A, %swap3A_351], %mul3A_350 {strides = array<i32>} : memref<128x128xf32, #tpu.memory_space<vmem>>, vector<16xf32>,
        %mul3A_353 = arith.mulf %get3A_285, %min3A_349 : vector<16xf32>
        %swap3A_354 = arith.index_cast %scan3A_280 : i32 to index
        %swap3A_355 = arith.constant 16 : index
        %swap3A_356 = tpu.vector_load %arg6[%swap3A_354, %swap3A_355] {strides = array<i32>} : memref<128x128xf32, #tpu.memory_space<vmem>>, vector<16xf32>,
        tpu.vector_store %arg6[%swap3A_354, %swap3A_355], %mul3A_353 {strides = array<i32>} : memref<128x128xf32, #tpu.memory_space<vmem>>, vector<16xf32>,
        %mul3A_357 = arith.mulf %get3A_288, %min3A_349 : vector<16xf32>
        %swap3A_358 = arith.index_cast %scan3A_280 : i32 to index
        %swap3A_359 = arith.constant 32 : index
        %swap3A_360 = tpu.vector_load %arg6[%swap3A_358, %swap3A_359] {strides = array<i32>} : memref<128x128xf32, #tpu.memory_space<vmem>>, vector<16xf32>,
        tpu.vector_store %arg6[%swap3A_358, %swap3A_359], %mul3A_357 {strides = array<i32>} : memref<128x128xf32, #tpu.memory_space<vmem>>, vector<16xf32>,
        %mul3A_361 = arith.mulf %get3A_291, %min3A_349 : vector<16xf32>
        %swap3A_362 = arith.index_cast %scan3A_280 : i32 to index
        %swap3A_363 = arith.constant 48 : index
        %swap3A_364 = tpu.vector_load %arg6[%swap3A_362, %swap3A_363] {strides = array<i32>} : memref<128x128xf32, #tpu.memory_space<vmem>>, vector<16xf32>,
        tpu.vector_store %arg6[%swap3A_362, %swap3A_363], %mul3A_361 {strides = array<i32>} : memref<128x128xf32, #tpu.memory_space<vmem>>, vector<16xf32>,
        %mul3A_365 = arith.mulf %get3A_294, %min3A_349 : vector<16xf32>
        %swap3A_366 = arith.index_cast %scan3A_280 : i32 to index
        %swap3A_367 = arith.constant 64 : index
        %swap3A_368 = tpu.vector_load %arg6[%swap3A_366, %swap3A_367] {strides = array<i32>} : memref<128x128xf32, #tpu.memory_space<vmem>>, vector<16xf32>,
        tpu.vector_store %arg6[%swap3A_366, %swap3A_367], %mul3A_365 {strides = array<i32>} : memref<128x128xf32, #tpu.memory_space<vmem>>, vector<16xf32>,
        %mul3A_369 = arith.mulf %get3A_297, %min3A_349 : vector<16xf32>
        %swap3A_370 = arith.index_cast %scan3A_280 : i32 to index
        %swap3A_371 = arith.constant 80 : index
        %swap3A_372 = tpu.vector_load %arg6[%swap3A_370, %swap3A_371] {strides = array<i32>} : memref<128x128xf32, #tpu.memory_space<vmem>>, vector<16xf32>,
        tpu.vector_store %arg6[%swap3A_370, %swap3A_371], %mul3A_369 {strides = array<i32>} : memref<128x128xf32, #tpu.memory_space<vmem>>, vector<16xf32>,
        %mul3A_373 = arith.mulf %get3A_300, %min3A_349 : vector<16xf32>
        %swap3A_374 = arith.index_cast %scan3A_280 : i32 to index
        %swap3A_375 = arith.constant 96 : index
        %swap3A_376 = tpu.vector_load %arg6[%swap3A_374, %swap3A_375] {strides = array<i32>} : memref<128x128xf32, #tpu.memory_space<vmem>>, vector<16xf32>,
        tpu.vector_store %arg6[%swap3A_374, %swap3A_375], %mul3A_373 {strides = array<i32>} : memref<128x128xf32, #tpu.memory_space<vmem>>, vector<16xf32>,
        %mul3A_377 = arith.mulf %get3A_303, %min3A_349 : vector<16xf32>
        %swap3A_378 = arith.index_cast %scan3A_280 : i32 to index
        %swap3A_379 = arith.constant 112 : index
        %swap3A_380 = tpu.vector_load %arg6[%swap3A_378, %swap3A_379] {strides = array<i32>} : memref<128x128xf32, #tpu.memory_space<vmem>>, vector<16xf32>,
        tpu.vector_store %arg6[%swap3A_378, %swap3A_379], %mul3A_377 {strides = array<i32>} : memref<128x128xf32, #tpu.memory_space<vmem>>, vector<16xf32>,
        %scan3A_381 = arith.constant 1 : i32
        %scan3A_382 = arith.addi %scan3A_280, %scan3A_381 : i32
        %get3A_383 = arith.index_cast %scan3A_382 : i32 to index
        %get3A_384 = arith.constant 0 : index
        %get3A_385 = tpu.vector_load %arg6[%get3A_383, %get3A_384] {strides = array<i32>} : memref<128x128xf32, #tpu.memory_space<vmem>>, vector<16xf32>,
        %get3A_386 = arith.index_cast %scan3A_382 : i32 to index
        %get3A_387 = arith.constant 16 : index
        %get3A_388 = tpu.vector_load %arg6[%get3A_386, %get3A_387] {strides = array<i32>} : memref<128x128xf32, #tpu.memory_space<vmem>>, vector<16xf32>,
        %get3A_389 = arith.index_cast %scan3A_382 : i32 to index
        %get3A_390 = arith.constant 32 : index
        %get3A_391 = tpu.vector_load %arg6[%get3A_389, %get3A_390] {strides = array<i32>} : memref<128x128xf32, #tpu.memory_space<vmem>>, vector<16xf32>,
        %get3A_392 = arith.index_cast %scan3A_382 : i32 to index
        %get3A_393 = arith.constant 48 : index
        %get3A_394 = tpu.vector_load %arg6[%get3A_392, %get3A_393] {strides = array<i32>} : memref<128x128xf32, #tpu.memory_space<vmem>>, vector<16xf32>,
        %get3A_395 = arith.index_cast %scan3A_382 : i32 to index
        %get3A_396 = arith.constant 64 : index
        %get3A_397 = tpu.vector_load %arg6[%get3A_395, %get3A_396] {strides = array<i32>} : memref<128x128xf32, #tpu.memory_space<vmem>>, vector<16xf32>,
        %get3A_398 = arith.index_cast %scan3A_382 : i32 to index
        %get3A_399 = arith.constant 80 : index
        %get3A_400 = tpu.vector_load %arg6[%get3A_398, %get3A_399] {strides = array<i32>} : memref<128x128xf32, #tpu.memory_space<vmem>>, vector<16xf32>,
        %get3A_401 = arith.index_cast %scan3A_382 : i32 to index
        %get3A_402 = arith.constant 96 : index
        %get3A_403 = tpu.vector_load %arg6[%get3A_401, %get3A_402] {strides = array<i32>} : memref<128x128xf32, #tpu.memory_space<vmem>>, vector<16xf32>,
        %get3A_404 = arith.index_cast %scan3A_382 : i32 to index
        %get3A_405 = arith.constant 112 : index
        %get3A_406 = tpu.vector_load %arg6[%get3A_404, %get3A_405] {strides = array<i32>} : memref<128x128xf32, #tpu.memory_space<vmem>>, vector<16xf32>,
        %mul3A_407 = arith.mulf %get3A_385, %get3A_385 : vector<16xf32>
        %mul3A_408 = arith.mulf %get3A_388, %get3A_388 : vector<16xf32>
        %add3A_409 = arith.addf %mul3A_407, %mul3A_408 : vector<16xf32>
        %mul3A_410 = arith.mulf %get3A_391, %get3A_391 : vector<16xf32>
        %add3A_411 = arith.addf %add3A_409, %mul3A_410 : vector<16xf32>
        %mul3A_412 = arith.mulf %get3A_394, %get3A_394 : vector<16xf32>
        %add3A_413 = arith.addf %add3A_411, %mul3A_412 : vector<16xf32>
        %mul3A_414 = arith.mulf %get3A_397, %get3A_397 : vector<16xf32>
        %add3A_415 = arith.addf %add3A_413, %mul3A_414 : vector<16xf32>
        %mul3A_416 = arith.mulf %get3A_400, %get3A_400 : vector<16xf32>
        %add3A_417 = arith.addf %add3A_415, %mul3A_416 : vector<16xf32>
        %mul3A_418 = arith.mulf %get3A_403, %get3A_403 : vector<16xf32>
        %add3A_419 = arith.addf %add3A_417, %mul3A_418 : vector<16xf32>
        %mul3A_420 = arith.mulf %get3A_406, %get3A_406 : vector<16xf32>
        %add3A_421 = arith.addf %add3A_419, %mul3A_420 : vector<16xf32>
        %reduce_sum3A_422 = arith.constant true
        %reduce_sum3A_423 = vector.broadcast %reduce_sum3A_422 : i1 to vector<16xi1>
        %reduce_sum3A_424 = tpu.scan <sum>, %add3A_421 masked %reduce_sum3A_423 : vector<16xf32>, vector<16xi1> -> vector<16xf32>
        %reduce_sum3A_425 = vector.extract %reduce_sum3A_424[15] : f32 from vector<16xf32>
        %broadcast_in_dim3A_426 = vector.broadcast %reduce_sum3A_425 : f32 to vector<16xf32>
        %max3A_427 = arith.constant 1.000000e-18 : f32
        %max3A_428 = vector.broadcast %max3A_427 : f32 to vector<16xf32>
        %max3A_429 = arith.maximumf %broadcast_in_dim3A_426, %max3A_428 : vector<16xf32>
        %bitcast3A_430 = vector.bitcast %max3A_429 : vector<16xf32> to vector<16xi32>
        %shift_right_arithmetic3A_431 = arith.constant 1 : i32
        %shift_right_arithmetic3A_432 = vector.broadcast %shift_right_arithmetic3A_431 : i32 to vector<16xi32>
        %shift_right_arithmetic3A_433 = arith.shrsi %bitcast3A_430, %shift_right_arithmetic3A_432 : vector<16xi32>
        %sub3A_434 = arith.constant 1597463007 : i32
        %sub3A_435 = vector.broadcast %sub3A_434 : i32 to vector<16xi32>
        %sub3A_436 = arith.subi %sub3A_435, %shift_right_arithmetic3A_433 : vector<16xi32>
        %bitcast3A_437 = vector.bitcast %sub3A_436 : vector<16xi32> to vector<16xf32>
        %mul3A_438 = arith.constant 5.000000e-01 : f32
        %mul3A_439 = vector.broadcast %mul3A_438 : f32 to vector<16xf32>
        %mul3A_440 = arith.mulf %mul3A_439, %max3A_429 : vector<16xf32>
        %mul3A_441 = arith.mulf %mul3A_440, %bitcast3A_437 : vector<16xf32>
        %mul3A_442 = arith.mulf %mul3A_441, %bitcast3A_437 : vector<16xf32>
        %sub3A_443 = arith.constant 1.500000e+00 : f32
        %sub3A_444 = vector.broadcast %sub3A_443 : f32 to vector<16xf32>
        %sub3A_445 = arith.subf %sub3A_444, %mul3A_442 : vector<16xf32>
        %mul3A_446 = arith.mulf %bitcast3A_437, %sub3A_445 : vector<16xf32>
        %mul3A_447 = arith.mulf %mul3A_440, %mul3A_446 : vector<16xf32>
        %mul3A_448 = arith.mulf %mul3A_447, %mul3A_446 : vector<16xf32>
        %sub3A_449 = arith.constant 1.500000e+00 : f32
        %sub3A_450 = vector.broadcast %sub3A_449 : f32 to vector<16xf32>
        %sub3A_451 = arith.subf %sub3A_450, %mul3A_448 : vector<16xf32>
        %mul3A_452 = arith.mulf %mul3A_446, %sub3A_451 : vector<16xf32>
        %mul3A_453 = arith.constant 0.949999988 : f32
        %mul3A_454 = vector.broadcast %mul3A_453 : f32 to vector<16xf32>
        %mul3A_455 = arith.mulf %mul3A_454, %mul3A_452 : vector<16xf32>
        %min3A_456 = arith.constant 1.000000e+00 : f32
        %min3A_457 = vector.broadcast %min3A_456 : f32 to vector<16xf32>
        %min3A_458 = arith.minimumf %mul3A_455, %min3A_457 : vector<16xf32>
        %mul3A_459 = arith.mulf %get3A_385, %min3A_458 : vector<16xf32>
        %swap3A_460 = arith.index_cast %scan3A_382 : i32 to index
        %swap3A_461 = arith.constant 0 : index
        %swap3A_462 = tpu.vector_load %arg6[%swap3A_460, %swap3A_461] {strides = array<i32>} : memref<128x128xf32, #tpu.memory_space<vmem>>, vector<16xf32>,
        tpu.vector_store %arg6[%swap3A_460, %swap3A_461], %mul3A_459 {strides = array<i32>} : memref<128x128xf32, #tpu.memory_space<vmem>>, vector<16xf32>,
        %mul3A_463 = arith.mulf %get3A_388, %min3A_458 : vector<16xf32>
        %swap3A_464 = arith.index_cast %scan3A_382 : i32 to index
        %swap3A_465 = arith.constant 16 : index
        %swap3A_466 = tpu.vector_load %arg6[%swap3A_464, %swap3A_465] {strides = array<i32>} : memref<128x128xf32, #tpu.memory_space<vmem>>, vector<16xf32>,
        tpu.vector_store %arg6[%swap3A_464, %swap3A_465], %mul3A_463 {strides = array<i32>} : memref<128x128xf32, #tpu.memory_space<vmem>>, vector<16xf32>,
        %mul3A_467 = arith.mulf %get3A_391, %min3A_458 : vector<16xf32>
        %swap3A_468 = arith.index_cast %scan3A_382 : i32 to index
        %swap3A_469 = arith.constant 32 : index
        %swap3A_470 = tpu.vector_load %arg6[%swap3A_468, %swap3A_469] {strides = array<i32>} : memref<128x128xf32, #tpu.memory_space<vmem>>, vector<16xf32>,
        tpu.vector_store %arg6[%swap3A_468, %swap3A_469], %mul3A_467 {strides = array<i32>} : memref<128x128xf32, #tpu.memory_space<vmem>>, vector<16xf32>,
        %mul3A_471 = arith.mulf %get3A_394, %min3A_458 : vector<16xf32>
        %swap3A_472 = arith.index_cast %scan3A_382 : i32 to index
        %swap3A_473 = arith.constant 48 : index
        %swap3A_474 = tpu.vector_load %arg6[%swap3A_472, %swap3A_473] {strides = array<i32>} : memref<128x128xf32, #tpu.memory_space<vmem>>, vector<16xf32>,
        tpu.vector_store %arg6[%swap3A_472, %swap3A_473], %mul3A_471 {strides = array<i32>} : memref<128x128xf32, #tpu.memory_space<vmem>>, vector<16xf32>,
        %mul3A_475 = arith.mulf %get3A_397, %min3A_458 : vector<16xf32>
        %swap3A_476 = arith.index_cast %scan3A_382 : i32 to index
        %swap3A_477 = arith.constant 64 : index
        %swap3A_478 = tpu.vector_load %arg6[%swap3A_476, %swap3A_477] {strides = array<i32>} : memref<128x128xf32, #tpu.memory_space<vmem>>, vector<16xf32>,
        tpu.vector_store %arg6[%swap3A_476, %swap3A_477], %mul3A_475 {strides = array<i32>} : memref<128x128xf32, #tpu.memory_space<vmem>>, vector<16xf32>,
        %mul3A_479 = arith.mulf %get3A_400, %min3A_458 : vector<16xf32>
        %swap3A_480 = arith.index_cast %scan3A_382 : i32 to index
        %swap3A_481 = arith.constant 80 : index
        %swap3A_482 = tpu.vector_load %arg6[%swap3A_480, %swap3A_481] {strides = array<i32>} : memref<128x128xf32, #tpu.memory_space<vmem>>, vector<16xf32>,
        tpu.vector_store %arg6[%swap3A_480, %swap3A_481], %mul3A_479 {strides = array<i32>} : memref<128x128xf32, #tpu.memory_space<vmem>>, vector<16xf32>,
        %mul3A_483 = arith.mulf %get3A_403, %min3A_458 : vector<16xf32>
        %swap3A_484 = arith.index_cast %scan3A_382 : i32 to index
        %swap3A_485 = arith.constant 96 : index
        %swap3A_486 = tpu.vector_load %arg6[%swap3A_484, %swap3A_485] {strides = array<i32>} : memref<128x128xf32, #tpu.memory_space<vmem>>, vector<16xf32>,
        tpu.vector_store %arg6[%swap3A_484, %swap3A_485], %mul3A_483 {strides = array<i32>} : memref<128x128xf32, #tpu.memory_space<vmem>>, vector<16xf32>,
        %mul3A_487 = arith.mulf %get3A_406, %min3A_458 : vector<16xf32>
        %swap3A_488 = arith.index_cast %scan3A_382 : i32 to index
        %swap3A_489 = arith.constant 112 : index
        %swap3A_490 = tpu.vector_load %arg6[%swap3A_488, %swap3A_489] {strides = array<i32>} : memref<128x128xf32, #tpu.memory_space<vmem>>, vector<16xf32>,
        tpu.vector_store %arg6[%swap3A_488, %swap3A_489], %mul3A_487 {strides = array<i32>} : memref<128x128xf32, #tpu.memory_space<vmem>>, vector<16xf32>,
        %scan3A_491 = arith.constant 2 : i32
        %scan3A_492 = arith.addi %scan3A_280, %scan3A_491 : i32
        %get3A_493 = arith.index_cast %scan3A_492 : i32 to index
        %get3A_494 = arith.constant 0 : index
        %get3A_495 = tpu.vector_load %arg6[%get3A_493, %get3A_494] {strides = array<i32>} : memref<128x128xf32, #tpu.memory_space<vmem>>, vector<16xf32>,
        %get3A_496 = arith.index_cast %scan3A_492 : i32 to index
        %get3A_497 = arith.constant 16 : index
        %get3A_498 = tpu.vector_load %arg6[%get3A_496, %get3A_497] {strides = array<i32>} : memref<128x128xf32, #tpu.memory_space<vmem>>, vector<16xf32>,
        %get3A_499 = arith.index_cast %scan3A_492 : i32 to index
        %get3A_500 = arith.constant 32 : index
        %get3A_501 = tpu.vector_load %arg6[%get3A_499, %get3A_500] {strides = array<i32>} : memref<128x128xf32, #tpu.memory_space<vmem>>, vector<16xf32>,
        %get3A_502 = arith.index_cast %scan3A_492 : i32 to index
        %get3A_503 = arith.constant 48 : index
        %get3A_504 = tpu.vector_load %arg6[%get3A_502, %get3A_503] {strides = array<i32>} : memref<128x128xf32, #tpu.memory_space<vmem>>, vector<16xf32>,
        %get3A_505 = arith.index_cast %scan3A_492 : i32 to index
        %get3A_506 = arith.constant 64 : index
        %get3A_507 = tpu.vector_load %arg6[%get3A_505, %get3A_506] {strides = array<i32>} : memref<128x128xf32, #tpu.memory_space<vmem>>, vector<16xf32>,
        %get3A_508 = arith.index_cast %scan3A_492 : i32 to index
        %get3A_509 = arith.constant 80 : index
        %get3A_510 = tpu.vector_load %arg6[%get3A_508, %get3A_509] {strides = array<i32>} : memref<128x128xf32, #tpu.memory_space<vmem>>, vector<16xf32>,
        %get3A_511 = arith.index_cast %scan3A_492 : i32 to index
        %get3A_512 = arith.constant 96 : index
        %get3A_513 = tpu.vector_load %arg6[%get3A_511, %get3A_512] {strides = array<i32>} : memref<128x128xf32, #tpu.memory_space<vmem>>, vector<16xf32>,
        %get3A_514 = arith.index_cast %scan3A_492 : i32 to index
        %get3A_515 = arith.constant 112 : index
        %get3A_516 = tpu.vector_load %arg6[%get3A_514, %get3A_515] {strides = array<i32>} : memref<128x128xf32, #tpu.memory_space<vmem>>, vector<16xf32>,
        %mul3A_517 = arith.mulf %get3A_495, %get3A_495 : vector<16xf32>
        %mul3A_518 = arith.mulf %get3A_498, %get3A_498 : vector<16xf32>
        %add3A_519 = arith.addf %mul3A_517, %mul3A_518 : vector<16xf32>
        %mul3A_520 = arith.mulf %get3A_501, %get3A_501 : vector<16xf32>
        %add3A_521 = arith.addf %add3A_519, %mul3A_520 : vector<16xf32>
        %mul3A_522 = arith.mulf %get3A_504, %get3A_504 : vector<16xf32>
        %add3A_523 = arith.addf %add3A_521, %mul3A_522 : vector<16xf32>
        %mul3A_524 = arith.mulf %get3A_507, %get3A_507 : vector<16xf32>
        %add3A_525 = arith.addf %add3A_523, %mul3A_524 : vector<16xf32>
        %mul3A_526 = arith.mulf %get3A_510, %get3A_510 : vector<16xf32>
        %add3A_527 = arith.addf %add3A_525, %mul3A_526 : vector<16xf32>
        %mul3A_528 = arith.mulf %get3A_513, %get3A_513 : vector<16xf32>
        %add3A_529 = arith.addf %add3A_527, %mul3A_528 : vector<16xf32>
        %mul3A_530 = arith.mulf %get3A_516, %get3A_516 : vector<16xf32>
        %add3A_531 = arith.addf %add3A_529, %mul3A_530 : vector<16xf32>
        %reduce_sum3A_532 = arith.constant true
        %reduce_sum3A_533 = vector.broadcast %reduce_sum3A_532 : i1 to vector<16xi1>
        %reduce_sum3A_534 = tpu.scan <sum>, %add3A_531 masked %reduce_sum3A_533 : vector<16xf32>, vector<16xi1> -> vector<16xf32>
        %reduce_sum3A_535 = vector.extract %reduce_sum3A_534[15] : f32 from vector<16xf32>
        %broadcast_in_dim3A_536 = vector.broadcast %reduce_sum3A_535 : f32 to vector<16xf32>
        %max3A_537 = arith.constant 1.000000e-18 : f32
        %max3A_538 = vector.broadcast %max3A_537 : f32 to vector<16xf32>
        %max3A_539 = arith.maximumf %broadcast_in_dim3A_536, %max3A_538 : vector<16xf32>
        %bitcast3A_540 = vector.bitcast %max3A_539 : vector<16xf32> to vector<16xi32>
        %shift_right_arithmetic3A_541 = arith.constant 1 : i32
        %shift_right_arithmetic3A_542 = vector.broadcast %shift_right_arithmetic3A_541 : i32 to vector<16xi32>
        %shift_right_arithmetic3A_543 = arith.shrsi %bitcast3A_540, %shift_right_arithmetic3A_542 : vector<16xi32>
        %sub3A_544 = arith.constant 1597463007 : i32
        %sub3A_545 = vector.broadcast %sub3A_544 : i32 to vector<16xi32>
        %sub3A_546 = arith.subi %sub3A_545, %shift_right_arithmetic3A_543 : vector<16xi32>
        %bitcast3A_547 = vector.bitcast %sub3A_546 : vector<16xi32> to vector<16xf32>
        %mul3A_548 = arith.constant 5.000000e-01 : f32
        %mul3A_549 = vector.broadcast %mul3A_548 : f32 to vector<16xf32>
        %mul3A_550 = arith.mulf %mul3A_549, %max3A_539 : vector<16xf32>
        %mul3A_551 = arith.mulf %mul3A_550, %bitcast3A_547 : vector<16xf32>
        %mul3A_552 = arith.mulf %mul3A_551, %bitcast3A_547 : vector<16xf32>
        %sub3A_553 = arith.constant 1.500000e+00 : f32
        %sub3A_554 = vector.broadcast %sub3A_553 : f32 to vector<16xf32>
        %sub3A_555 = arith.subf %sub3A_554, %mul3A_552 : vector<16xf32>
        %mul3A_556 = arith.mulf %bitcast3A_547, %sub3A_555 : vector<16xf32>
        %mul3A_557 = arith.mulf %mul3A_550, %mul3A_556 : vector<16xf32>
        %mul3A_558 = arith.mulf %mul3A_557, %mul3A_556 : vector<16xf32>
        %sub3A_559 = arith.constant 1.500000e+00 : f32
        %sub3A_560 = vector.broadcast %sub3A_559 : f32 to vector<16xf32>
        %sub3A_561 = arith.subf %sub3A_560, %mul3A_558 : vector<16xf32>
        %mul3A_562 = arith.mulf %mul3A_556, %sub3A_561 : vector<16xf32>
        %mul3A_563 = arith.constant 0.949999988 : f32
        %mul3A_564 = vector.broadcast %mul3A_563 : f32 to vector<16xf32>
        %mul3A_565 = arith.mulf %mul3A_564, %mul3A_562 : vector<16xf32>
        %min3A_566 = arith.constant 1.000000e+00 : f32
        %min3A_567 = vector.broadcast %min3A_566 : f32 to vector<16xf32>
        %min3A_568 = arith.minimumf %mul3A_565, %min3A_567 : vector<16xf32>
        %mul3A_569 = arith.mulf %get3A_495, %min3A_568 : vector<16xf32>
        %swap3A_570 = arith.index_cast %scan3A_492 : i32 to index
        %swap3A_571 = arith.constant 0 : index
        %swap3A_572 = tpu.vector_load %arg6[%swap3A_570, %swap3A_571] {strides = array<i32>} : memref<128x128xf32, #tpu.memory_space<vmem>>, vector<16xf32>,
        tpu.vector_store %arg6[%swap3A_570, %swap3A_571], %mul3A_569 {strides = array<i32>} : memref<128x128xf32, #tpu.memory_space<vmem>>, vector<16xf32>,
        %mul3A_573 = arith.mulf %get3A_498, %min3A_568 : vector<16xf32>
        %swap3A_574 = arith.index_cast %scan3A_492 : i32 to index
        %swap3A_575 = arith.constant 16 : index
        %swap3A_576 = tpu.vector_load %arg6[%swap3A_574, %swap3A_575] {strides = array<i32>} : memref<128x128xf32, #tpu.memory_space<vmem>>, vector<16xf32>,
        tpu.vector_store %arg6[%swap3A_574, %swap3A_575], %mul3A_573 {strides = array<i32>} : memref<128x128xf32, #tpu.memory_space<vmem>>, vector<16xf32>,
        %mul3A_577 = arith.mulf %get3A_501, %min3A_568 : vector<16xf32>
        %swap3A_578 = arith.index_cast %scan3A_492 : i32 to index
        %swap3A_579 = arith.constant 32 : index
        %swap3A_580 = tpu.vector_load %arg6[%swap3A_578, %swap3A_579] {strides = array<i32>} : memref<128x128xf32, #tpu.memory_space<vmem>>, vector<16xf32>,
        tpu.vector_store %arg6[%swap3A_578, %swap3A_579], %mul3A_577 {strides = array<i32>} : memref<128x128xf32, #tpu.memory_space<vmem>>, vector<16xf32>,
        %mul3A_581 = arith.mulf %get3A_504, %min3A_568 : vector<16xf32>
        %swap3A_582 = arith.index_cast %scan3A_492 : i32 to index
        %swap3A_583 = arith.constant 48 : index
        %swap3A_584 = tpu.vector_load %arg6[%swap3A_582, %swap3A_583] {strides = array<i32>} : memref<128x128xf32, #tpu.memory_space<vmem>>, vector<16xf32>,
        tpu.vector_store %arg6[%swap3A_582, %swap3A_583], %mul3A_581 {strides = array<i32>} : memref<128x128xf32, #tpu.memory_space<vmem>>, vector<16xf32>,
        %mul3A_585 = arith.mulf %get3A_507, %min3A_568 : vector<16xf32>
        %swap3A_586 = arith.index_cast %scan3A_492 : i32 to index
        %swap3A_587 = arith.constant 64 : index
        %swap3A_588 = tpu.vector_load %arg6[%swap3A_586, %swap3A_587] {strides = array<i32>} : memref<128x128xf32, #tpu.memory_space<vmem>>, vector<16xf32>,
        tpu.vector_store %arg6[%swap3A_586, %swap3A_587], %mul3A_585 {strides = array<i32>} : memref<128x128xf32, #tpu.memory_space<vmem>>, vector<16xf32>,
        %mul3A_589 = arith.mulf %get3A_510, %min3A_568 : vector<16xf32>
        %swap3A_590 = arith.index_cast %scan3A_492 : i32 to index
        %swap3A_591 = arith.constant 80 : index
        %swap3A_592 = tpu.vector_load %arg6[%swap3A_590, %swap3A_591] {strides = array<i32>} : memref<128x128xf32, #tpu.memory_space<vmem>>, vector<16xf32>,
        tpu.vector_store %arg6[%swap3A_590, %swap3A_591], %mul3A_589 {strides = array<i32>} : memref<128x128xf32, #tpu.memory_space<vmem>>, vector<16xf32>,
        %mul3A_593 = arith.mulf %get3A_513, %min3A_568 : vector<16xf32>
        %swap3A_594 = arith.index_cast %scan3A_492 : i32 to index
        %swap3A_595 = arith.constant 96 : index
        %swap3A_596 = tpu.vector_load %arg6[%swap3A_594, %swap3A_595] {strides = array<i32>} : memref<128x128xf32, #tpu.memory_space<vmem>>, vector<16xf32>,
        tpu.vector_store %arg6[%swap3A_594, %swap3A_595], %mul3A_593 {strides = array<i32>} : memref<128x128xf32, #tpu.memory_space<vmem>>, vector<16xf32>,
        %mul3A_597 = arith.mulf %get3A_516, %min3A_568 : vector<16xf32>
        %swap3A_598 = arith.index_cast %scan3A_492 : i32 to index
        %swap3A_599 = arith.constant 112 : index
        %swap3A_600 = tpu.vector_load %arg6[%swap3A_598, %swap3A_599] {strides = array<i32>} : memref<128x128xf32, #tpu.memory_space<vmem>>, vector<16xf32>,
        tpu.vector_store %arg6[%swap3A_598, %swap3A_599], %mul3A_597 {strides = array<i32>} : memref<128x128xf32, #tpu.memory_space<vmem>>, vector<16xf32>,
        %scan3A_601 = arith.constant 3 : i32
        %scan3A_602 = arith.addi %scan3A_280, %scan3A_601 : i32
        %get3A_603 = arith.index_cast %scan3A_602 : i32 to index
        %get3A_604 = arith.constant 0 : index
        %get3A_605 = tpu.vector_load %arg6[%get3A_603, %get3A_604] {strides = array<i32>} : memref<128x128xf32, #tpu.memory_space<vmem>>, vector<16xf32>,
        %get3A_606 = arith.index_cast %scan3A_602 : i32 to index
        %get3A_607 = arith.constant 16 : index
        %get3A_608 = tpu.vector_load %arg6[%get3A_606, %get3A_607] {strides = array<i32>} : memref<128x128xf32, #tpu.memory_space<vmem>>, vector<16xf32>,
        %get3A_609 = arith.index_cast %scan3A_602 : i32 to index
        %get3A_610 = arith.constant 32 : index
        %get3A_611 = tpu.vector_load %arg6[%get3A_609, %get3A_610] {strides = array<i32>} : memref<128x128xf32, #tpu.memory_space<vmem>>, vector<16xf32>,
        %get3A_612 = arith.index_cast %scan3A_602 : i32 to index
        %get3A_613 = arith.constant 48 : index
        %get3A_614 = tpu.vector_load %arg6[%get3A_612, %get3A_613] {strides = array<i32>} : memref<128x128xf32, #tpu.memory_space<vmem>>, vector<16xf32>,
        %get3A_615 = arith.index_cast %scan3A_602 : i32 to index
        %get3A_616 = arith.constant 64 : index
        %get3A_617 = tpu.vector_load %arg6[%get3A_615, %get3A_616] {strides = array<i32>} : memref<128x128xf32, #tpu.memory_space<vmem>>, vector<16xf32>,
        %get3A_618 = arith.index_cast %scan3A_602 : i32 to index
        %get3A_619 = arith.constant 80 : index
        %get3A_620 = tpu.vector_load %arg6[%get3A_618, %get3A_619] {strides = array<i32>} : memref<128x128xf32, #tpu.memory_space<vmem>>, vector<16xf32>,
        %get3A_621 = arith.index_cast %scan3A_602 : i32 to index
        %get3A_622 = arith.constant 96 : index
        %get3A_623 = tpu.vector_load %arg6[%get3A_621, %get3A_622] {strides = array<i32>} : memref<128x128xf32, #tpu.memory_space<vmem>>, vector<16xf32>,
        %get3A_624 = arith.index_cast %scan3A_602 : i32 to index
        %get3A_625 = arith.constant 112 : index
        %get3A_626 = tpu.vector_load %arg6[%get3A_624, %get3A_625] {strides = array<i32>} : memref<128x128xf32, #tpu.memory_space<vmem>>, vector<16xf32>,
        %mul3A_627 = arith.mulf %get3A_605, %get3A_605 : vector<16xf32>
        %mul3A_628 = arith.mulf %get3A_608, %get3A_608 : vector<16xf32>
        %add3A_629 = arith.addf %mul3A_627, %mul3A_628 : vector<16xf32>
        %mul3A_630 = arith.mulf %get3A_611, %get3A_611 : vector<16xf32>
        %add3A_631 = arith.addf %add3A_629, %mul3A_630 : vector<16xf32>
        %mul3A_632 = arith.mulf %get3A_614, %get3A_614 : vector<16xf32>
        %add3A_633 = arith.addf %add3A_631, %mul3A_632 : vector<16xf32>
        %mul3A_634 = arith.mulf %get3A_617, %get3A_617 : vector<16xf32>
        %add3A_635 = arith.addf %add3A_633, %mul3A_634 : vector<16xf32>
        %mul3A_636 = arith.mulf %get3A_620, %get3A_620 : vector<16xf32>
        %add3A_637 = arith.addf %add3A_635, %mul3A_636 : vector<16xf32>
        %mul3A_638 = arith.mulf %get3A_623, %get3A_623 : vector<16xf32>
        %add3A_639 = arith.addf %add3A_637, %mul3A_638 : vector<16xf32>
        %mul3A_640 = arith.mulf %get3A_626, %get3A_626 : vector<16xf32>
        %add3A_641 = arith.addf %add3A_639, %mul3A_640 : vector<16xf32>
        %reduce_sum3A_642 = arith.constant true
        %reduce_sum3A_643 = vector.broadcast %reduce_sum3A_642 : i1 to vector<16xi1>
        %reduce_sum3A_644 = tpu.scan <sum>, %add3A_641 masked %reduce_sum3A_643 : vector<16xf32>, vector<16xi1> -> vector<16xf32>
        %reduce_sum3A_645 = vector.extract %reduce_sum3A_644[15] : f32 from vector<16xf32>
        %broadcast_in_dim3A_646 = vector.broadcast %reduce_sum3A_645 : f32 to vector<16xf32>
        %max3A_647 = arith.constant 1.000000e-18 : f32
        %max3A_648 = vector.broadcast %max3A_647 : f32 to vector<16xf32>
        %max3A_649 = arith.maximumf %broadcast_in_dim3A_646, %max3A_648 : vector<16xf32>
        %bitcast3A_650 = vector.bitcast %max3A_649 : vector<16xf32> to vector<16xi32>
        %shift_right_arithmetic3A_651 = arith.constant 1 : i32
        %shift_right_arithmetic3A_652 = vector.broadcast %shift_right_arithmetic3A_651 : i32 to vector<16xi32>
        %shift_right_arithmetic3A_653 = arith.shrsi %bitcast3A_650, %shift_right_arithmetic3A_652 : vector<16xi32>
        %sub3A_654 = arith.constant 1597463007 : i32
        %sub3A_655 = vector.broadcast %sub3A_654 : i32 to vector<16xi32>
        %sub3A_656 = arith.subi %sub3A_655, %shift_right_arithmetic3A_653 : vector<16xi32>
        %bitcast3A_657 = vector.bitcast %sub3A_656 : vector<16xi32> to vector<16xf32>
        %mul3A_658 = arith.constant 5.000000e-01 : f32
        %mul3A_659 = vector.broadcast %mul3A_658 : f32 to vector<16xf32>
        %mul3A_660 = arith.mulf %mul3A_659, %max3A_649 : vector<16xf32>
        %mul3A_661 = arith.mulf %mul3A_660, %bitcast3A_657 : vector<16xf32>
        %mul3A_662 = arith.mulf %mul3A_661, %bitcast3A_657 : vector<16xf32>
        %sub3A_663 = arith.constant 1.500000e+00 : f32
        %sub3A_664 = vector.broadcast %sub3A_663 : f32 to vector<16xf32>
        %sub3A_665 = arith.subf %sub3A_664, %mul3A_662 : vector<16xf32>
        %mul3A_666 = arith.mulf %bitcast3A_657, %sub3A_665 : vector<16xf32>
        %mul3A_667 = arith.mulf %mul3A_660, %mul3A_666 : vector<16xf32>
        %mul3A_668 = arith.mulf %mul3A_667, %mul3A_666 : vector<16xf32>
        %sub3A_669 = arith.constant 1.500000e+00 : f32
        %sub3A_670 = vector.broadcast %sub3A_669 : f32 to vector<16xf32>
        %sub3A_671 = arith.subf %sub3A_670, %mul3A_668 : vector<16xf32>
        %mul3A_672 = arith.mulf %mul3A_666, %sub3A_671 : vector<16xf32>
        %mul3A_673 = arith.constant 0.949999988 : f32
        %mul3A_674 = vector.broadcast %mul3A_673 : f32 to vector<16xf32>
        %mul3A_675 = arith.mulf %mul3A_674, %mul3A_672 : vector<16xf32>
        %min3A_676 = arith.constant 1.000000e+00 : f32
        %min3A_677 = vector.broadcast %min3A_676 : f32 to vector<16xf32>
        %min3A_678 = arith.minimumf %mul3A_675, %min3A_677 : vector<16xf32>
        %mul3A_679 = arith.mulf %get3A_605, %min3A_678 : vector<16xf32>
        %swap3A_680 = arith.index_cast %scan3A_602 : i32 to index
        %swap3A_681 = arith.constant 0 : index
        %swap3A_682 = tpu.vector_load %arg6[%swap3A_680, %swap3A_681] {strides = array<i32>} : memref<128x128xf32, #tpu.memory_space<vmem>>, vector<16xf32>,
        tpu.vector_store %arg6[%swap3A_680, %swap3A_681], %mul3A_679 {strides = array<i32>} : memref<128x128xf32, #tpu.memory_space<vmem>>, vector<16xf32>,
        %mul3A_683 = arith.mulf %get3A_608, %min3A_678 : vector<16xf32>
        %swap3A_684 = arith.index_cast %scan3A_602 : i32 to index
        %swap3A_685 = arith.constant 16 : index
        %swap3A_686 = tpu.vector_load %arg6[%swap3A_684, %swap3A_685] {strides = array<i32>} : memref<128x128xf32, #tpu.memory_space<vmem>>, vector<16xf32>,
        tpu.vector_store %arg6[%swap3A_684, %swap3A_685], %mul3A_683 {strides = array<i32>} : memref<128x128xf32, #tpu.memory_space<vmem>>, vector<16xf32>,
        %mul3A_687 = arith.mulf %get3A_611, %min3A_678 : vector<16xf32>
        %swap3A_688 = arith.index_cast %scan3A_602 : i32 to index
        %swap3A_689 = arith.constant 32 : index
        %swap3A_690 = tpu.vector_load %arg6[%swap3A_688, %swap3A_689] {strides = array<i32>} : memref<128x128xf32, #tpu.memory_space<vmem>>, vector<16xf32>,
        tpu.vector_store %arg6[%swap3A_688, %swap3A_689], %mul3A_687 {strides = array<i32>} : memref<128x128xf32, #tpu.memory_space<vmem>>, vector<16xf32>,
        %mul3A_691 = arith.mulf %get3A_614, %min3A_678 : vector<16xf32>
        %swap3A_692 = arith.index_cast %scan3A_602 : i32 to index
        %swap3A_693 = arith.constant 48 : index
        %swap3A_694 = tpu.vector_load %arg6[%swap3A_692, %swap3A_693] {strides = array<i32>} : memref<128x128xf32, #tpu.memory_space<vmem>>, vector<16xf32>,
        tpu.vector_store %arg6[%swap3A_692, %swap3A_693], %mul3A_691 {strides = array<i32>} : memref<128x128xf32, #tpu.memory_space<vmem>>, vector<16xf32>,
        %mul3A_695 = arith.mulf %get3A_617, %min3A_678 : vector<16xf32>
        %swap3A_696 = arith.index_cast %scan3A_602 : i32 to index
        %swap3A_697 = arith.constant 64 : index
        %swap3A_698 = tpu.vector_load %arg6[%swap3A_696, %swap3A_697] {strides = array<i32>} : memref<128x128xf32, #tpu.memory_space<vmem>>, vector<16xf32>,
        tpu.vector_store %arg6[%swap3A_696, %swap3A_697], %mul3A_695 {strides = array<i32>} : memref<128x128xf32, #tpu.memory_space<vmem>>, vector<16xf32>,
        %mul3A_699 = arith.mulf %get3A_620, %min3A_678 : vector<16xf32>
        %swap3A_700 = arith.index_cast %scan3A_602 : i32 to index
        %swap3A_701 = arith.constant 80 : index
        %swap3A_702 = tpu.vector_load %arg6[%swap3A_700, %swap3A_701] {strides = array<i32>} : memref<128x128xf32, #tpu.memory_space<vmem>>, vector<16xf32>,
        tpu.vector_store %arg6[%swap3A_700, %swap3A_701], %mul3A_699 {strides = array<i32>} : memref<128x128xf32, #tpu.memory_space<vmem>>, vector<16xf32>,
        %mul3A_703 = arith.mulf %get3A_623, %min3A_678 : vector<16xf32>
        %swap3A_704 = arith.index_cast %scan3A_602 : i32 to index
        %swap3A_705 = arith.constant 96 : index
        %swap3A_706 = tpu.vector_load %arg6[%swap3A_704, %swap3A_705] {strides = array<i32>} : memref<128x128xf32, #tpu.memory_space<vmem>>, vector<16xf32>,
        tpu.vector_store %arg6[%swap3A_704, %swap3A_705], %mul3A_703 {strides = array<i32>} : memref<128x128xf32, #tpu.memory_space<vmem>>, vector<16xf32>,
        %mul3A_707 = arith.mulf %get3A_626, %min3A_678 : vector<16xf32>
        %swap3A_708 = arith.index_cast %scan3A_602 : i32 to index
        %swap3A_709 = arith.constant 112 : index
        %swap3A_710 = tpu.vector_load %arg6[%swap3A_708, %swap3A_709] {strides = array<i32>} : memref<128x128xf32, #tpu.memory_space<vmem>>, vector<16xf32>,
        tpu.vector_store %arg6[%swap3A_708, %swap3A_709], %mul3A_707 {strides = array<i32>} : memref<128x128xf32, #tpu.memory_space<vmem>>, vector<16xf32>,
      }
      %scan3A_107 = arith.constant 128 : i32
      %mul3A_108 = arith.constant 128 : i32
      %mul3A_109 = arith.muli %add3A_95, %mul3A_108 : i32
      %add3A_110 = arith.addi %mul3A_2, %mul3A_109 : i32
      %dma_start3A_111 = arith.constant 0 : i32
      %dma_start3A_112 = tpu.memref_slice %arg4[%add3A_110, %dma_start3A_111] : memref<204800x128xf32, #tpu.memory_space<hbm>> -> memref<128x128xf32, #tpu.memory_space<hbm>>
      %dma_start3A_113 = arith.constant 0 : i32
      %dma_start3A_114 = tpu.memref_slice %arg4[%add3A_110, %dma_start3A_113] : memref<204800x128xf32, #tpu.memory_space<hbm>> -> memref<128x128xf32, #tpu.memory_space<hbm>>
      tpu.enqueue_dma source(%arg6 : memref<128x128xf32, #tpu.memory_space<vmem>>) target(%dma_start3A_114 : memref<128x128xf32, #tpu.memory_space<hbm>>) target_semaphore(%arg18 : memref<!tpu.dma_semaphore, #tpu.memory_space<semaphore_mem>>)
      %add3A_115 = arith.constant 3 : i32
      %add3A_116 = arith.addi %add3A_95, %add3A_115 : i32
      %sub3A = arith.constant 6 : i32
      %sub3A_117 = arith.subi %add3A_116, %sub3A : i32
      %lt3A = arith.constant 50 : i32
      %lt3A_118 = arith.cmpi slt, %add3A_116, %lt3A : i32
      %convert_element_type3A = arith.extui %lt3A_118 : i1 to i32
      %cond3A = arith.constant 0 : i32
      %cond3A_119 = arith.cmpi ne, %convert_element_type3A, %cond3A : i32
      scf.if %cond3A_119 {
        %ge3A = arith.constant 0 : i32
        %ge3A_280 = arith.cmpi sge, %sub3A_117, %ge3A : i32
        %convert_element_type3A_281 = arith.extui %ge3A_280 : i1 to i32
        %cond3A_282 = arith.constant 0 : i32
        %cond3A_283 = arith.cmpi ne, %convert_element_type3A_281, %cond3A_282 : i32
        scf.if %cond3A_283 {
          %mul3A_290 = arith.constant 128 : i32
          %mul3A_291 = arith.muli %sub3A_117, %mul3A_290 : i32
          %add3A_292 = arith.addi %mul3A_2, %mul3A_291 : i32
          %dma_wait3A_293 = arith.constant 0 : i32
          %dma_wait3A_294 = tpu.memref_slice %arg4[%add3A_292, %dma_wait3A_293] : memref<204800x128xf32, #tpu.memory_space<hbm>> -> memref<128x128xf32, #tpu.memory_space<hbm>>
          %dma_wait3A_295 = arith.constant 0 : i32
          %dma_wait3A_296 = tpu.memref_slice %arg4[%add3A_292, %dma_wait3A_295] : memref<204800x128xf32, #tpu.memory_space<hbm>> -> memref<128x128xf32, #tpu.memory_space<hbm>>
          tpu.wait_dma2 semaphore(%arg21 : memref<!tpu.dma_semaphore, #tpu.memory_space<semaphore_mem>>) src(%arg9 : memref<128x128xf32, #tpu.memory_space<vmem>>) dst(%dma_wait3A_296 : memref<128x128xf32, #tpu.memory_space<hbm>>)
        } else {
        }
        %mul3A_284 = arith.constant 128 : i32
        %mul3A_285 = arith.muli %add3A_116, %mul3A_284 : i32
        %dma_start3A_286 = tpu.memref_slice %arg5[%mul3A_285] : memref<6400xi32, #tpu.memory_space<vmem>> -> memref<128xi32, #tpu.memory_space<vmem>>
        %dma_start3A_287 = arith.constant 0 : i32
        %dma_start3A_288 = arith.constant 0 : i32
        %dma_start3A_289 = tpu.memref_slice %arg3[%dma_start3A_287, %dma_start3A_288] : memref<100000x128xf32, #tpu.memory_space<hbm>> -> memref<100000x128xf32, #tpu.memory_space<hbm>>
        tpu.enqueue_indirect_dma source(%dma_start3A_289 : memref<100000x128xf32, #tpu.memory_space<hbm>>) target(%arg9 : memref<128x128xf32, #tpu.memory_space<vmem>>) offsets(%dma_start3A_286 : memref<128xi32, #tpu.memory_space<vmem>>) semaphore(%arg15 : memref<!tpu.dma_semaphore, #tpu.memory_space<semaphore_mem>>)
      } else {
      }
      %mul3A_120 = arith.constant 6 : i32
      %mul3A_121 = arith.muli %mul3A_120, %scan3A_91 : i32
      %add3A_122 = arith.constant 1 : i32
      %add3A_123 = arith.addi %mul3A_121, %add3A_122 : i32
      %mul3A_124 = arith.constant 128 : i32
      %mul3A_125 = arith.muli %add3A_123, %mul3A_124 : i32
      %dma_wait3A_126 = tpu.memref_slice %arg5[%mul3A_125] : memref<6400xi32, #tpu.memory_space<vmem>> -> memref<128xi32, #tpu.memory_space<vmem>>
      %dma_wait3A_127 = arith.constant 0 : i32
      %dma_wait3A_128 = arith.constant 0 : i32
      %dma_wait3A_129 = tpu.memref_slice %arg3[%dma_wait3A_127, %dma_wait3A_128] : memref<100000x128xf32, #tpu.memory_space<hbm>> -> memref<100000x128xf32, #tpu.memory_space<hbm>>
      tpu.wait_indirect_dma semaphore(%arg13 : memref<!tpu.dma_semaphore, #tpu.memory_space<semaphore_mem>>) src(%dma_wait3A_129 : memref<100000x128xf32, #tpu.memory_space<hbm>>) dst(%arg7 : memref<128x128xf32, #tpu.memory_space<vmem>>)
      %scan3A_130 = arith.constant 0 : i32
      %scan3A_131 = arith.constant 0 : i32
      %scan3A_132 = arith.constant 128 : i32
      %scan3A_133 = arith.addi %scan3A_131, %scan3A_132 : i32
      %scan3A_134 = arith.constant 4 : i32
      scf.for %scan3A_280 = %scan3A_131 to %scan3A_133 step %scan3A_134  : i32 {
        %get3A = arith.index_cast %scan3A_280 : i32 to index
        %get3A_281 = arith.constant 0 : index
        %get3A_282 = tpu.vector_load %arg7[%get3A, %get3A_281] {strides = array<i32>} : memref<128x128xf32, #tpu.memory_space<vmem>>, vector<16xf32>,
        %get3A_283 = arith.index_cast %scan3A_280 : i32 to index
        %get3A_284 = arith.constant 16 : index
        %get3A_285 = tpu.vector_load %arg7[%get3A_283, %get3A_284] {strides = array<i32>} : memref<128x128xf32, #tpu.memory_space<vmem>>, vector<16xf32>,
        %get3A_286 = arith.index_cast %scan3A_280 : i32 to index
        %get3A_287 = arith.constant 32 : index
        %get3A_288 = tpu.vector_load %arg7[%get3A_286, %get3A_287] {strides = array<i32>} : memref<128x128xf32, #tpu.memory_space<vmem>>, vector<16xf32>,
        %get3A_289 = arith.index_cast %scan3A_280 : i32 to index
        %get3A_290 = arith.constant 48 : index
        %get3A_291 = tpu.vector_load %arg7[%get3A_289, %get3A_290] {strides = array<i32>} : memref<128x128xf32, #tpu.memory_space<vmem>>, vector<16xf32>,
        %get3A_292 = arith.index_cast %scan3A_280 : i32 to index
        %get3A_293 = arith.constant 64 : index
        %get3A_294 = tpu.vector_load %arg7[%get3A_292, %get3A_293] {strides = array<i32>} : memref<128x128xf32, #tpu.memory_space<vmem>>, vector<16xf32>,
        %get3A_295 = arith.index_cast %scan3A_280 : i32 to index
        %get3A_296 = arith.constant 80 : index
        %get3A_297 = tpu.vector_load %arg7[%get3A_295, %get3A_296] {strides = array<i32>} : memref<128x128xf32, #tpu.memory_space<vmem>>, vector<16xf32>,
        %get3A_298 = arith.index_cast %scan3A_280 : i32 to index
        %get3A_299 = arith.constant 96 : index
        %get3A_300 = tpu.vector_load %arg7[%get3A_298, %get3A_299] {strides = array<i32>} : memref<128x128xf32, #tpu.memory_space<vmem>>, vector<16xf32>,
        %get3A_301 = arith.index_cast %scan3A_280 : i32 to index
        %get3A_302 = arith.constant 112 : index
        %get3A_303 = tpu.vector_load %arg7[%get3A_301, %get3A_302] {strides = array<i32>} : memref<128x128xf32, #tpu.memory_space<vmem>>, vector<16xf32>,
        %mul3A_304 = arith.mulf %get3A_282, %get3A_282 : vector<16xf32>
        %mul3A_305 = arith.mulf %get3A_285, %get3A_285 : vector<16xf32>
        %add3A_306 = arith.addf %mul3A_304, %mul3A_305 : vector<16xf32>
        %mul3A_307 = arith.mulf %get3A_288, %get3A_288 : vector<16xf32>
        %add3A_308 = arith.addf %add3A_306, %mul3A_307 : vector<16xf32>
        %mul3A_309 = arith.mulf %get3A_291, %get3A_291 : vector<16xf32>
        %add3A_310 = arith.addf %add3A_308, %mul3A_309 : vector<16xf32>
        %mul3A_311 = arith.mulf %get3A_294, %get3A_294 : vector<16xf32>
        %add3A_312 = arith.addf %add3A_310, %mul3A_311 : vector<16xf32>
        %mul3A_313 = arith.mulf %get3A_297, %get3A_297 : vector<16xf32>
        %add3A_314 = arith.addf %add3A_312, %mul3A_313 : vector<16xf32>
        %mul3A_315 = arith.mulf %get3A_300, %get3A_300 : vector<16xf32>
        %add3A_316 = arith.addf %add3A_314, %mul3A_315 : vector<16xf32>
        %mul3A_317 = arith.mulf %get3A_303, %get3A_303 : vector<16xf32>
        %add3A_318 = arith.addf %add3A_316, %mul3A_317 : vector<16xf32>
        %reduce_sum3A = arith.constant true
        %reduce_sum3A_319 = vector.broadcast %reduce_sum3A : i1 to vector<16xi1>
        %reduce_sum3A_320 = tpu.scan <sum>, %add3A_318 masked %reduce_sum3A_319 : vector<16xf32>, vector<16xi1> -> vector<16xf32>
        %reduce_sum3A_321 = vector.extract %reduce_sum3A_320[15] : f32 from vector<16xf32>
        %broadcast_in_dim3A = vector.broadcast %reduce_sum3A_321 : f32 to vector<16xf32>
        %max3A = arith.constant 1.000000e-18 : f32
        %max3A_322 = vector.broadcast %max3A : f32 to vector<16xf32>
        %max3A_323 = arith.maximumf %broadcast_in_dim3A, %max3A_322 : vector<16xf32>
        %bitcast3A = vector.bitcast %max3A_323 : vector<16xf32> to vector<16xi32>
        %shift_right_arithmetic3A = arith.constant 1 : i32
        %shift_right_arithmetic3A_324 = vector.broadcast %shift_right_arithmetic3A : i32 to vector<16xi32>
        %shift_right_arithmetic3A_325 = arith.shrsi %bitcast3A, %shift_right_arithmetic3A_324 : vector<16xi32>
        %sub3A_326 = arith.constant 1597463007 : i32
        %sub3A_327 = vector.broadcast %sub3A_326 : i32 to vector<16xi32>
        %sub3A_328 = arith.subi %sub3A_327, %shift_right_arithmetic3A_325 : vector<16xi32>
        %bitcast3A_329 = vector.bitcast %sub3A_328 : vector<16xi32> to vector<16xf32>
        %mul3A_330 = arith.constant 5.000000e-01 : f32
        %mul3A_331 = vector.broadcast %mul3A_330 : f32 to vector<16xf32>
        %mul3A_332 = arith.mulf %mul3A_331, %max3A_323 : vector<16xf32>
        %mul3A_333 = arith.mulf %mul3A_332, %bitcast3A_329 : vector<16xf32>
        %mul3A_334 = arith.mulf %mul3A_333, %bitcast3A_329 : vector<16xf32>
        %sub3A_335 = arith.constant 1.500000e+00 : f32
        %sub3A_336 = vector.broadcast %sub3A_335 : f32 to vector<16xf32>
        %sub3A_337 = arith.subf %sub3A_336, %mul3A_334 : vector<16xf32>
        %mul3A_338 = arith.mulf %bitcast3A_329, %sub3A_337 : vector<16xf32>
        %mul3A_339 = arith.mulf %mul3A_332, %mul3A_338 : vector<16xf32>
        %mul3A_340 = arith.mulf %mul3A_339, %mul3A_338 : vector<16xf32>
        %sub3A_341 = arith.constant 1.500000e+00 : f32
        %sub3A_342 = vector.broadcast %sub3A_341 : f32 to vector<16xf32>
        %sub3A_343 = arith.subf %sub3A_342, %mul3A_340 : vector<16xf32>
        %mul3A_344 = arith.mulf %mul3A_338, %sub3A_343 : vector<16xf32>
        %mul3A_345 = arith.constant 0.949999988 : f32
        %mul3A_346 = vector.broadcast %mul3A_345 : f32 to vector<16xf32>
        %mul3A_347 = arith.mulf %mul3A_346, %mul3A_344 : vector<16xf32>
        %min3A = arith.constant 1.000000e+00 : f32
        %min3A_348 = vector.broadcast %min3A : f32 to vector<16xf32>
        %min3A_349 = arith.minimumf %mul3A_347, %min3A_348 : vector<16xf32>
        %mul3A_350 = arith.mulf %get3A_282, %min3A_349 : vector<16xf32>
        %swap3A = arith.index_cast %scan3A_280 : i32 to index
        %swap3A_351 = arith.constant 0 : index
        %swap3A_352 = tpu.vector_load %arg7[%swap3A, %swap3A_351] {strides = array<i32>} : memref<128x128xf32, #tpu.memory_space<vmem>>, vector<16xf32>,
        tpu.vector_store %arg7[%swap3A, %swap3A_351], %mul3A_350 {strides = array<i32>} : memref<128x128xf32, #tpu.memory_space<vmem>>, vector<16xf32>,
        %mul3A_353 = arith.mulf %get3A_285, %min3A_349 : vector<16xf32>
        %swap3A_354 = arith.index_cast %scan3A_280 : i32 to index
        %swap3A_355 = arith.constant 16 : index
        %swap3A_356 = tpu.vector_load %arg7[%swap3A_354, %swap3A_355] {strides = array<i32>} : memref<128x128xf32, #tpu.memory_space<vmem>>, vector<16xf32>,
        tpu.vector_store %arg7[%swap3A_354, %swap3A_355], %mul3A_353 {strides = array<i32>} : memref<128x128xf32, #tpu.memory_space<vmem>>, vector<16xf32>,
        %mul3A_357 = arith.mulf %get3A_288, %min3A_349 : vector<16xf32>
        %swap3A_358 = arith.index_cast %scan3A_280 : i32 to index
        %swap3A_359 = arith.constant 32 : index
        %swap3A_360 = tpu.vector_load %arg7[%swap3A_358, %swap3A_359] {strides = array<i32>} : memref<128x128xf32, #tpu.memory_space<vmem>>, vector<16xf32>,
        tpu.vector_store %arg7[%swap3A_358, %swap3A_359], %mul3A_357 {strides = array<i32>} : memref<128x128xf32, #tpu.memory_space<vmem>>, vector<16xf32>,
        %mul3A_361 = arith.mulf %get3A_291, %min3A_349 : vector<16xf32>
        %swap3A_362 = arith.index_cast %scan3A_280 : i32 to index
        %swap3A_363 = arith.constant 48 : index
        %swap3A_364 = tpu.vector_load %arg7[%swap3A_362, %swap3A_363] {strides = array<i32>} : memref<128x128xf32, #tpu.memory_space<vmem>>, vector<16xf32>,
        tpu.vector_store %arg7[%swap3A_362, %swap3A_363], %mul3A_361 {strides = array<i32>} : memref<128x128xf32, #tpu.memory_space<vmem>>, vector<16xf32>,
        %mul3A_365 = arith.mulf %get3A_294, %min3A_349 : vector<16xf32>
        %swap3A_366 = arith.index_cast %scan3A_280 : i32 to index
        %swap3A_367 = arith.constant 64 : index
        %swap3A_368 = tpu.vector_load %arg7[%swap3A_366, %swap3A_367] {strides = array<i32>} : memref<128x128xf32, #tpu.memory_space<vmem>>, vector<16xf32>,
        tpu.vector_store %arg7[%swap3A_366, %swap3A_367], %mul3A_365 {strides = array<i32>} : memref<128x128xf32, #tpu.memory_space<vmem>>, vector<16xf32>,
        %mul3A_369 = arith.mulf %get3A_297, %min3A_349 : vector<16xf32>
        %swap3A_370 = arith.index_cast %scan3A_280 : i32 to index
        %swap3A_371 = arith.constant 80 : index
        %swap3A_372 = tpu.vector_load %arg7[%swap3A_370, %swap3A_371] {strides = array<i32>} : memref<128x128xf32, #tpu.memory_space<vmem>>, vector<16xf32>,
        tpu.vector_store %arg7[%swap3A_370, %swap3A_371], %mul3A_369 {strides = array<i32>} : memref<128x128xf32, #tpu.memory_space<vmem>>, vector<16xf32>,
        %mul3A_373 = arith.mulf %get3A_300, %min3A_349 : vector<16xf32>
        %swap3A_374 = arith.index_cast %scan3A_280 : i32 to index
        %swap3A_375 = arith.constant 96 : index
        %swap3A_376 = tpu.vector_load %arg7[%swap3A_374, %swap3A_375] {strides = array<i32>} : memref<128x128xf32, #tpu.memory_space<vmem>>, vector<16xf32>,
        tpu.vector_store %arg7[%swap3A_374, %swap3A_375], %mul3A_373 {strides = array<i32>} : memref<128x128xf32, #tpu.memory_space<vmem>>, vector<16xf32>,
        %mul3A_377 = arith.mulf %get3A_303, %min3A_349 : vector<16xf32>
        %swap3A_378 = arith.index_cast %scan3A_280 : i32 to index
        %swap3A_379 = arith.constant 112 : index
        %swap3A_380 = tpu.vector_load %arg7[%swap3A_378, %swap3A_379] {strides = array<i32>} : memref<128x128xf32, #tpu.memory_space<vmem>>, vector<16xf32>,
        tpu.vector_store %arg7[%swap3A_378, %swap3A_379], %mul3A_377 {strides = array<i32>} : memref<128x128xf32, #tpu.memory_space<vmem>>, vector<16xf32>,
        %scan3A_381 = arith.constant 1 : i32
        %scan3A_382 = arith.addi %scan3A_280, %scan3A_381 : i32
        %get3A_383 = arith.index_cast %scan3A_382 : i32 to index
        %get3A_384 = arith.constant 0 : index
        %get3A_385 = tpu.vector_load %arg7[%get3A_383, %get3A_384] {strides = array<i32>} : memref<128x128xf32, #tpu.memory_space<vmem>>, vector<16xf32>,
        %get3A_386 = arith.index_cast %scan3A_382 : i32 to index
        %get3A_387 = arith.constant 16 : index
        %get3A_388 = tpu.vector_load %arg7[%get3A_386, %get3A_387] {strides = array<i32>} : memref<128x128xf32, #tpu.memory_space<vmem>>, vector<16xf32>,
        %get3A_389 = arith.index_cast %scan3A_382 : i32 to index
        %get3A_390 = arith.constant 32 : index
        %get3A_391 = tpu.vector_load %arg7[%get3A_389, %get3A_390] {strides = array<i32>} : memref<128x128xf32, #tpu.memory_space<vmem>>, vector<16xf32>,
        %get3A_392 = arith.index_cast %scan3A_382 : i32 to index
        %get3A_393 = arith.constant 48 : index
        %get3A_394 = tpu.vector_load %arg7[%get3A_392, %get3A_393] {strides = array<i32>} : memref<128x128xf32, #tpu.memory_space<vmem>>, vector<16xf32>,
        %get3A_395 = arith.index_cast %scan3A_382 : i32 to index
        %get3A_396 = arith.constant 64 : index
        %get3A_397 = tpu.vector_load %arg7[%get3A_395, %get3A_396] {strides = array<i32>} : memref<128x128xf32, #tpu.memory_space<vmem>>, vector<16xf32>,
        %get3A_398 = arith.index_cast %scan3A_382 : i32 to index
        %get3A_399 = arith.constant 80 : index
        %get3A_400 = tpu.vector_load %arg7[%get3A_398, %get3A_399] {strides = array<i32>} : memref<128x128xf32, #tpu.memory_space<vmem>>, vector<16xf32>,
        %get3A_401 = arith.index_cast %scan3A_382 : i32 to index
        %get3A_402 = arith.constant 96 : index
        %get3A_403 = tpu.vector_load %arg7[%get3A_401, %get3A_402] {strides = array<i32>} : memref<128x128xf32, #tpu.memory_space<vmem>>, vector<16xf32>,
        %get3A_404 = arith.index_cast %scan3A_382 : i32 to index
        %get3A_405 = arith.constant 112 : index
        %get3A_406 = tpu.vector_load %arg7[%get3A_404, %get3A_405] {strides = array<i32>} : memref<128x128xf32, #tpu.memory_space<vmem>>, vector<16xf32>,
        %mul3A_407 = arith.mulf %get3A_385, %get3A_385 : vector<16xf32>
        %mul3A_408 = arith.mulf %get3A_388, %get3A_388 : vector<16xf32>
        %add3A_409 = arith.addf %mul3A_407, %mul3A_408 : vector<16xf32>
        %mul3A_410 = arith.mulf %get3A_391, %get3A_391 : vector<16xf32>
        %add3A_411 = arith.addf %add3A_409, %mul3A_410 : vector<16xf32>
        %mul3A_412 = arith.mulf %get3A_394, %get3A_394 : vector<16xf32>
        %add3A_413 = arith.addf %add3A_411, %mul3A_412 : vector<16xf32>
        %mul3A_414 = arith.mulf %get3A_397, %get3A_397 : vector<16xf32>
        %add3A_415 = arith.addf %add3A_413, %mul3A_414 : vector<16xf32>
        %mul3A_416 = arith.mulf %get3A_400, %get3A_400 : vector<16xf32>
        %add3A_417 = arith.addf %add3A_415, %mul3A_416 : vector<16xf32>
        %mul3A_418 = arith.mulf %get3A_403, %get3A_403 : vector<16xf32>
        %add3A_419 = arith.addf %add3A_417, %mul3A_418 : vector<16xf32>
        %mul3A_420 = arith.mulf %get3A_406, %get3A_406 : vector<16xf32>
        %add3A_421 = arith.addf %add3A_419, %mul3A_420 : vector<16xf32>
        %reduce_sum3A_422 = arith.constant true
        %reduce_sum3A_423 = vector.broadcast %reduce_sum3A_422 : i1 to vector<16xi1>
        %reduce_sum3A_424 = tpu.scan <sum>, %add3A_421 masked %reduce_sum3A_423 : vector<16xf32>, vector<16xi1> -> vector<16xf32>
        %reduce_sum3A_425 = vector.extract %reduce_sum3A_424[15] : f32 from vector<16xf32>
        %broadcast_in_dim3A_426 = vector.broadcast %reduce_sum3A_425 : f32 to vector<16xf32>
        %max3A_427 = arith.constant 1.000000e-18 : f32
        %max3A_428 = vector.broadcast %max3A_427 : f32 to vector<16xf32>
        %max3A_429 = arith.maximumf %broadcast_in_dim3A_426, %max3A_428 : vector<16xf32>
        %bitcast3A_430 = vector.bitcast %max3A_429 : vector<16xf32> to vector<16xi32>
        %shift_right_arithmetic3A_431 = arith.constant 1 : i32
        %shift_right_arithmetic3A_432 = vector.broadcast %shift_right_arithmetic3A_431 : i32 to vector<16xi32>
        %shift_right_arithmetic3A_433 = arith.shrsi %bitcast3A_430, %shift_right_arithmetic3A_432 : vector<16xi32>
        %sub3A_434 = arith.constant 1597463007 : i32
        %sub3A_435 = vector.broadcast %sub3A_434 : i32 to vector<16xi32>
        %sub3A_436 = arith.subi %sub3A_435, %shift_right_arithmetic3A_433 : vector<16xi32>
        %bitcast3A_437 = vector.bitcast %sub3A_436 : vector<16xi32> to vector<16xf32>
        %mul3A_438 = arith.constant 5.000000e-01 : f32
        %mul3A_439 = vector.broadcast %mul3A_438 : f32 to vector<16xf32>
        %mul3A_440 = arith.mulf %mul3A_439, %max3A_429 : vector<16xf32>
        %mul3A_441 = arith.mulf %mul3A_440, %bitcast3A_437 : vector<16xf32>
        %mul3A_442 = arith.mulf %mul3A_441, %bitcast3A_437 : vector<16xf32>
        %sub3A_443 = arith.constant 1.500000e+00 : f32
        %sub3A_444 = vector.broadcast %sub3A_443 : f32 to vector<16xf32>
        %sub3A_445 = arith.subf %sub3A_444, %mul3A_442 : vector<16xf32>
        %mul3A_446 = arith.mulf %bitcast3A_437, %sub3A_445 : vector<16xf32>
        %mul3A_447 = arith.mulf %mul3A_440, %mul3A_446 : vector<16xf32>
        %mul3A_448 = arith.mulf %mul3A_447, %mul3A_446 : vector<16xf32>
        %sub3A_449 = arith.constant 1.500000e+00 : f32
        %sub3A_450 = vector.broadcast %sub3A_449 : f32 to vector<16xf32>
        %sub3A_451 = arith.subf %sub3A_450, %mul3A_448 : vector<16xf32>
        %mul3A_452 = arith.mulf %mul3A_446, %sub3A_451 : vector<16xf32>
        %mul3A_453 = arith.constant 0.949999988 : f32
        %mul3A_454 = vector.broadcast %mul3A_453 : f32 to vector<16xf32>
        %mul3A_455 = arith.mulf %mul3A_454, %mul3A_452 : vector<16xf32>
        %min3A_456 = arith.constant 1.000000e+00 : f32
        %min3A_457 = vector.broadcast %min3A_456 : f32 to vector<16xf32>
        %min3A_458 = arith.minimumf %mul3A_455, %min3A_457 : vector<16xf32>
        %mul3A_459 = arith.mulf %get3A_385, %min3A_458 : vector<16xf32>
        %swap3A_460 = arith.index_cast %scan3A_382 : i32 to index
        %swap3A_461 = arith.constant 0 : index
        %swap3A_462 = tpu.vector_load %arg7[%swap3A_460, %swap3A_461] {strides = array<i32>} : memref<128x128xf32, #tpu.memory_space<vmem>>, vector<16xf32>,
        tpu.vector_store %arg7[%swap3A_460, %swap3A_461], %mul3A_459 {strides = array<i32>} : memref<128x128xf32, #tpu.memory_space<vmem>>, vector<16xf32>,
        %mul3A_463 = arith.mulf %get3A_388, %min3A_458 : vector<16xf32>
        %swap3A_464 = arith.index_cast %scan3A_382 : i32 to index
        %swap3A_465 = arith.constant 16 : index
        %swap3A_466 = tpu.vector_load %arg7[%swap3A_464, %swap3A_465] {strides = array<i32>} : memref<128x128xf32, #tpu.memory_space<vmem>>, vector<16xf32>,
        tpu.vector_store %arg7[%swap3A_464, %swap3A_465], %mul3A_463 {strides = array<i32>} : memref<128x128xf32, #tpu.memory_space<vmem>>, vector<16xf32>,
        %mul3A_467 = arith.mulf %get3A_391, %min3A_458 : vector<16xf32>
        %swap3A_468 = arith.index_cast %scan3A_382 : i32 to index
        %swap3A_469 = arith.constant 32 : index
        %swap3A_470 = tpu.vector_load %arg7[%swap3A_468, %swap3A_469] {strides = array<i32>} : memref<128x128xf32, #tpu.memory_space<vmem>>, vector<16xf32>,
        tpu.vector_store %arg7[%swap3A_468, %swap3A_469], %mul3A_467 {strides = array<i32>} : memref<128x128xf32, #tpu.memory_space<vmem>>, vector<16xf32>,
        %mul3A_471 = arith.mulf %get3A_394, %min3A_458 : vector<16xf32>
        %swap3A_472 = arith.index_cast %scan3A_382 : i32 to index
        %swap3A_473 = arith.constant 48 : index
        %swap3A_474 = tpu.vector_load %arg7[%swap3A_472, %swap3A_473] {strides = array<i32>} : memref<128x128xf32, #tpu.memory_space<vmem>>, vector<16xf32>,
        tpu.vector_store %arg7[%swap3A_472, %swap3A_473], %mul3A_471 {strides = array<i32>} : memref<128x128xf32, #tpu.memory_space<vmem>>, vector<16xf32>,
        %mul3A_475 = arith.mulf %get3A_397, %min3A_458 : vector<16xf32>
        %swap3A_476 = arith.index_cast %scan3A_382 : i32 to index
        %swap3A_477 = arith.constant 64 : index
        %swap3A_478 = tpu.vector_load %arg7[%swap3A_476, %swap3A_477] {strides = array<i32>} : memref<128x128xf32, #tpu.memory_space<vmem>>, vector<16xf32>,
        tpu.vector_store %arg7[%swap3A_476, %swap3A_477], %mul3A_475 {strides = array<i32>} : memref<128x128xf32, #tpu.memory_space<vmem>>, vector<16xf32>,
        %mul3A_479 = arith.mulf %get3A_400, %min3A_458 : vector<16xf32>
        %swap3A_480 = arith.index_cast %scan3A_382 : i32 to index
        %swap3A_481 = arith.constant 80 : index
        %swap3A_482 = tpu.vector_load %arg7[%swap3A_480, %swap3A_481] {strides = array<i32>} : memref<128x128xf32, #tpu.memory_space<vmem>>, vector<16xf32>,
        tpu.vector_store %arg7[%swap3A_480, %swap3A_481], %mul3A_479 {strides = array<i32>} : memref<128x128xf32, #tpu.memory_space<vmem>>, vector<16xf32>,
        %mul3A_483 = arith.mulf %get3A_403, %min3A_458 : vector<16xf32>
        %swap3A_484 = arith.index_cast %scan3A_382 : i32 to index
        %swap3A_485 = arith.constant 96 : index
        %swap3A_486 = tpu.vector_load %arg7[%swap3A_484, %swap3A_485] {strides = array<i32>} : memref<128x128xf32, #tpu.memory_space<vmem>>, vector<16xf32>,
        tpu.vector_store %arg7[%swap3A_484, %swap3A_485], %mul3A_483 {strides = array<i32>} : memref<128x128xf32, #tpu.memory_space<vmem>>, vector<16xf32>,
        %mul3A_487 = arith.mulf %get3A_406, %min3A_458 : vector<16xf32>
        %swap3A_488 = arith.index_cast %scan3A_382 : i32 to index
        %swap3A_489 = arith.constant 112 : index
        %swap3A_490 = tpu.vector_load %arg7[%swap3A_488, %swap3A_489] {strides = array<i32>} : memref<128x128xf32, #tpu.memory_space<vmem>>, vector<16xf32>,
        tpu.vector_store %arg7[%swap3A_488, %swap3A_489], %mul3A_487 {strides = array<i32>} : memref<128x128xf32, #tpu.memory_space<vmem>>, vector<16xf32>,
        %scan3A_491 = arith.constant 2 : i32
        %scan3A_492 = arith.addi %scan3A_280, %scan3A_491 : i32
        %get3A_493 = arith.index_cast %scan3A_492 : i32 to index
        %get3A_494 = arith.constant 0 : index
        %get3A_495 = tpu.vector_load %arg7[%get3A_493, %get3A_494] {strides = array<i32>} : memref<128x128xf32, #tpu.memory_space<vmem>>, vector<16xf32>,
        %get3A_496 = arith.index_cast %scan3A_492 : i32 to index
        %get3A_497 = arith.constant 16 : index
        %get3A_498 = tpu.vector_load %arg7[%get3A_496, %get3A_497] {strides = array<i32>} : memref<128x128xf32, #tpu.memory_space<vmem>>, vector<16xf32>,
        %get3A_499 = arith.index_cast %scan3A_492 : i32 to index
        %get3A_500 = arith.constant 32 : index
        %get3A_501 = tpu.vector_load %arg7[%get3A_499, %get3A_500] {strides = array<i32>} : memref<128x128xf32, #tpu.memory_space<vmem>>, vector<16xf32>,
        %get3A_502 = arith.index_cast %scan3A_492 : i32 to index
        %get3A_503 = arith.constant 48 : index
        %get3A_504 = tpu.vector_load %arg7[%get3A_502, %get3A_503] {strides = array<i32>} : memref<128x128xf32, #tpu.memory_space<vmem>>, vector<16xf32>,
        %get3A_505 = arith.index_cast %scan3A_492 : i32 to index
        %get3A_506 = arith.constant 64 : index
        %get3A_507 = tpu.vector_load %arg7[%get3A_505, %get3A_506] {strides = array<i32>} : memref<128x128xf32, #tpu.memory_space<vmem>>, vector<16xf32>,
        %get3A_508 = arith.index_cast %scan3A_492 : i32 to index
        %get3A_509 = arith.constant 80 : index
        %get3A_510 = tpu.vector_load %arg7[%get3A_508, %get3A_509] {strides = array<i32>} : memref<128x128xf32, #tpu.memory_space<vmem>>, vector<16xf32>,
        %get3A_511 = arith.index_cast %scan3A_492 : i32 to index
        %get3A_512 = arith.constant 96 : index
        %get3A_513 = tpu.vector_load %arg7[%get3A_511, %get3A_512] {strides = array<i32>} : memref<128x128xf32, #tpu.memory_space<vmem>>, vector<16xf32>,
        %get3A_514 = arith.index_cast %scan3A_492 : i32 to index
        %get3A_515 = arith.constant 112 : index
        %get3A_516 = tpu.vector_load %arg7[%get3A_514, %get3A_515] {strides = array<i32>} : memref<128x128xf32, #tpu.memory_space<vmem>>, vector<16xf32>,
        %mul3A_517 = arith.mulf %get3A_495, %get3A_495 : vector<16xf32>
        %mul3A_518 = arith.mulf %get3A_498, %get3A_498 : vector<16xf32>
        %add3A_519 = arith.addf %mul3A_517, %mul3A_518 : vector<16xf32>
        %mul3A_520 = arith.mulf %get3A_501, %get3A_501 : vector<16xf32>
        %add3A_521 = arith.addf %add3A_519, %mul3A_520 : vector<16xf32>
        %mul3A_522 = arith.mulf %get3A_504, %get3A_504 : vector<16xf32>
        %add3A_523 = arith.addf %add3A_521, %mul3A_522 : vector<16xf32>
        %mul3A_524 = arith.mulf %get3A_507, %get3A_507 : vector<16xf32>
        %add3A_525 = arith.addf %add3A_523, %mul3A_524 : vector<16xf32>
        %mul3A_526 = arith.mulf %get3A_510, %get3A_510 : vector<16xf32>
        %add3A_527 = arith.addf %add3A_525, %mul3A_526 : vector<16xf32>
        %mul3A_528 = arith.mulf %get3A_513, %get3A_513 : vector<16xf32>
        %add3A_529 = arith.addf %add3A_527, %mul3A_528 : vector<16xf32>
        %mul3A_530 = arith.mulf %get3A_516, %get3A_516 : vector<16xf32>
        %add3A_531 = arith.addf %add3A_529, %mul3A_530 : vector<16xf32>
        %reduce_sum3A_532 = arith.constant true
        %reduce_sum3A_533 = vector.broadcast %reduce_sum3A_532 : i1 to vector<16xi1>
        %reduce_sum3A_534 = tpu.scan <sum>, %add3A_531 masked %reduce_sum3A_533 : vector<16xf32>, vector<16xi1> -> vector<16xf32>
        %reduce_sum3A_535 = vector.extract %reduce_sum3A_534[15] : f32 from vector<16xf32>
        %broadcast_in_dim3A_536 = vector.broadcast %reduce_sum3A_535 : f32 to vector<16xf32>
        %max3A_537 = arith.constant 1.000000e-18 : f32
        %max3A_538 = vector.broadcast %max3A_537 : f32 to vector<16xf32>
        %max3A_539 = arith.maximumf %broadcast_in_dim3A_536, %max3A_538 : vector<16xf32>
        %bitcast3A_540 = vector.bitcast %max3A_539 : vector<16xf32> to vector<16xi32>
        %shift_right_arithmetic3A_541 = arith.constant 1 : i32
        %shift_right_arithmetic3A_542 = vector.broadcast %shift_right_arithmetic3A_541 : i32 to vector<16xi32>
        %shift_right_arithmetic3A_543 = arith.shrsi %bitcast3A_540, %shift_right_arithmetic3A_542 : vector<16xi32>
        %sub3A_544 = arith.constant 1597463007 : i32
        %sub3A_545 = vector.broadcast %sub3A_544 : i32 to vector<16xi32>
        %sub3A_546 = arith.subi %sub3A_545, %shift_right_arithmetic3A_543 : vector<16xi32>
        %bitcast3A_547 = vector.bitcast %sub3A_546 : vector<16xi32> to vector<16xf32>
        %mul3A_548 = arith.constant 5.000000e-01 : f32
        %mul3A_549 = vector.broadcast %mul3A_548 : f32 to vector<16xf32>
        %mul3A_550 = arith.mulf %mul3A_549, %max3A_539 : vector<16xf32>
        %mul3A_551 = arith.mulf %mul3A_550, %bitcast3A_547 : vector<16xf32>
        %mul3A_552 = arith.mulf %mul3A_551, %bitcast3A_547 : vector<16xf32>
        %sub3A_553 = arith.constant 1.500000e+00 : f32
        %sub3A_554 = vector.broadcast %sub3A_553 : f32 to vector<16xf32>
        %sub3A_555 = arith.subf %sub3A_554, %mul3A_552 : vector<16xf32>
        %mul3A_556 = arith.mulf %bitcast3A_547, %sub3A_555 : vector<16xf32>
        %mul3A_557 = arith.mulf %mul3A_550, %mul3A_556 : vector<16xf32>
        %mul3A_558 = arith.mulf %mul3A_557, %mul3A_556 : vector<16xf32>
        %sub3A_559 = arith.constant 1.500000e+00 : f32
        %sub3A_560 = vector.broadcast %sub3A_559 : f32 to vector<16xf32>
        %sub3A_561 = arith.subf %sub3A_560, %mul3A_558 : vector<16xf32>
        %mul3A_562 = arith.mulf %mul3A_556, %sub3A_561 : vector<16xf32>
        %mul3A_563 = arith.constant 0.949999988 : f32
        %mul3A_564 = vector.broadcast %mul3A_563 : f32 to vector<16xf32>
        %mul3A_565 = arith.mulf %mul3A_564, %mul3A_562 : vector<16xf32>
        %min3A_566 = arith.constant 1.000000e+00 : f32
        %min3A_567 = vector.broadcast %min3A_566 : f32 to vector<16xf32>
        %min3A_568 = arith.minimumf %mul3A_565, %min3A_567 : vector<16xf32>
        %mul3A_569 = arith.mulf %get3A_495, %min3A_568 : vector<16xf32>
        %swap3A_570 = arith.index_cast %scan3A_492 : i32 to index
        %swap3A_571 = arith.constant 0 : index
        %swap3A_572 = tpu.vector_load %arg7[%swap3A_570, %swap3A_571] {strides = array<i32>} : memref<128x128xf32, #tpu.memory_space<vmem>>, vector<16xf32>,
        tpu.vector_store %arg7[%swap3A_570, %swap3A_571], %mul3A_569 {strides = array<i32>} : memref<128x128xf32, #tpu.memory_space<vmem>>, vector<16xf32>,
        %mul3A_573 = arith.mulf %get3A_498, %min3A_568 : vector<16xf32>
        %swap3A_574 = arith.index_cast %scan3A_492 : i32 to index
        %swap3A_575 = arith.constant 16 : index
        %swap3A_576 = tpu.vector_load %arg7[%swap3A_574, %swap3A_575] {strides = array<i32>} : memref<128x128xf32, #tpu.memory_space<vmem>>, vector<16xf32>,
        tpu.vector_store %arg7[%swap3A_574, %swap3A_575], %mul3A_573 {strides = array<i32>} : memref<128x128xf32, #tpu.memory_space<vmem>>, vector<16xf32>,
        %mul3A_577 = arith.mulf %get3A_501, %min3A_568 : vector<16xf32>
        %swap3A_578 = arith.index_cast %scan3A_492 : i32 to index
        %swap3A_579 = arith.constant 32 : index
        %swap3A_580 = tpu.vector_load %arg7[%swap3A_578, %swap3A_579] {strides = array<i32>} : memref<128x128xf32, #tpu.memory_space<vmem>>, vector<16xf32>,
        tpu.vector_store %arg7[%swap3A_578, %swap3A_579], %mul3A_577 {strides = array<i32>} : memref<128x128xf32, #tpu.memory_space<vmem>>, vector<16xf32>,
        %mul3A_581 = arith.mulf %get3A_504, %min3A_568 : vector<16xf32>
        %swap3A_582 = arith.index_cast %scan3A_492 : i32 to index
        %swap3A_583 = arith.constant 48 : index
        %swap3A_584 = tpu.vector_load %arg7[%swap3A_582, %swap3A_583] {strides = array<i32>} : memref<128x128xf32, #tpu.memory_space<vmem>>, vector<16xf32>,
        tpu.vector_store %arg7[%swap3A_582, %swap3A_583], %mul3A_581 {strides = array<i32>} : memref<128x128xf32, #tpu.memory_space<vmem>>, vector<16xf32>,
        %mul3A_585 = arith.mulf %get3A_507, %min3A_568 : vector<16xf32>
        %swap3A_586 = arith.index_cast %scan3A_492 : i32 to index
        %swap3A_587 = arith.constant 64 : index
        %swap3A_588 = tpu.vector_load %arg7[%swap3A_586, %swap3A_587] {strides = array<i32>} : memref<128x128xf32, #tpu.memory_space<vmem>>, vector<16xf32>,
        tpu.vector_store %arg7[%swap3A_586, %swap3A_587], %mul3A_585 {strides = array<i32>} : memref<128x128xf32, #tpu.memory_space<vmem>>, vector<16xf32>,
        %mul3A_589 = arith.mulf %get3A_510, %min3A_568 : vector<16xf32>
        %swap3A_590 = arith.index_cast %scan3A_492 : i32 to index
        %swap3A_591 = arith.constant 80 : index
        %swap3A_592 = tpu.vector_load %arg7[%swap3A_590, %swap3A_591] {strides = array<i32>} : memref<128x128xf32, #tpu.memory_space<vmem>>, vector<16xf32>,
        tpu.vector_store %arg7[%swap3A_590, %swap3A_591], %mul3A_589 {strides = array<i32>} : memref<128x128xf32, #tpu.memory_space<vmem>>, vector<16xf32>,
        %mul3A_593 = arith.mulf %get3A_513, %min3A_568 : vector<16xf32>
        %swap3A_594 = arith.index_cast %scan3A_492 : i32 to index
        %swap3A_595 = arith.constant 96 : index
        %swap3A_596 = tpu.vector_load %arg7[%swap3A_594, %swap3A_595] {strides = array<i32>} : memref<128x128xf32, #tpu.memory_space<vmem>>, vector<16xf32>,
        tpu.vector_store %arg7[%swap3A_594, %swap3A_595], %mul3A_593 {strides = array<i32>} : memref<128x128xf32, #tpu.memory_space<vmem>>, vector<16xf32>,
        %mul3A_597 = arith.mulf %get3A_516, %min3A_568 : vector<16xf32>
        %swap3A_598 = arith.index_cast %scan3A_492 : i32 to index
        %swap3A_599 = arith.constant 112 : index
        %swap3A_600 = tpu.vector_load %arg7[%swap3A_598, %swap3A_599] {strides = array<i32>} : memref<128x128xf32, #tpu.memory_space<vmem>>, vector<16xf32>,
        tpu.vector_store %arg7[%swap3A_598, %swap3A_599], %mul3A_597 {strides = array<i32>} : memref<128x128xf32, #tpu.memory_space<vmem>>, vector<16xf32>,
        %scan3A_601 = arith.constant 3 : i32
        %scan3A_602 = arith.addi %scan3A_280, %scan3A_601 : i32
        %get3A_603 = arith.index_cast %scan3A_602 : i32 to index
        %get3A_604 = arith.constant 0 : index
        %get3A_605 = tpu.vector_load %arg7[%get3A_603, %get3A_604] {strides = array<i32>} : memref<128x128xf32, #tpu.memory_space<vmem>>, vector<16xf32>,
        %get3A_606 = arith.index_cast %scan3A_602 : i32 to index
        %get3A_607 = arith.constant 16 : index
        %get3A_608 = tpu.vector_load %arg7[%get3A_606, %get3A_607] {strides = array<i32>} : memref<128x128xf32, #tpu.memory_space<vmem>>, vector<16xf32>,
        %get3A_609 = arith.index_cast %scan3A_602 : i32 to index
        %get3A_610 = arith.constant 32 : index
        %get3A_611 = tpu.vector_load %arg7[%get3A_609, %get3A_610] {strides = array<i32>} : memref<128x128xf32, #tpu.memory_space<vmem>>, vector<16xf32>,
        %get3A_612 = arith.index_cast %scan3A_602 : i32 to index
        %get3A_613 = arith.constant 48 : index
        %get3A_614 = tpu.vector_load %arg7[%get3A_612, %get3A_613] {strides = array<i32>} : memref<128x128xf32, #tpu.memory_space<vmem>>, vector<16xf32>,
        %get3A_615 = arith.index_cast %scan3A_602 : i32 to index
        %get3A_616 = arith.constant 64 : index
        %get3A_617 = tpu.vector_load %arg7[%get3A_615, %get3A_616] {strides = array<i32>} : memref<128x128xf32, #tpu.memory_space<vmem>>, vector<16xf32>,
        %get3A_618 = arith.index_cast %scan3A_602 : i32 to index
        %get3A_619 = arith.constant 80 : index
        %get3A_620 = tpu.vector_load %arg7[%get3A_618, %get3A_619] {strides = array<i32>} : memref<128x128xf32, #tpu.memory_space<vmem>>, vector<16xf32>,
        %get3A_621 = arith.index_cast %scan3A_602 : i32 to index
        %get3A_622 = arith.constant 96 : index
        %get3A_623 = tpu.vector_load %arg7[%get3A_621, %get3A_622] {strides = array<i32>} : memref<128x128xf32, #tpu.memory_space<vmem>>, vector<16xf32>,
        %get3A_624 = arith.index_cast %scan3A_602 : i32 to index
        %get3A_625 = arith.constant 112 : index
        %get3A_626 = tpu.vector_load %arg7[%get3A_624, %get3A_625] {strides = array<i32>} : memref<128x128xf32, #tpu.memory_space<vmem>>, vector<16xf32>,
        %mul3A_627 = arith.mulf %get3A_605, %get3A_605 : vector<16xf32>
        %mul3A_628 = arith.mulf %get3A_608, %get3A_608 : vector<16xf32>
        %add3A_629 = arith.addf %mul3A_627, %mul3A_628 : vector<16xf32>
        %mul3A_630 = arith.mulf %get3A_611, %get3A_611 : vector<16xf32>
        %add3A_631 = arith.addf %add3A_629, %mul3A_630 : vector<16xf32>
        %mul3A_632 = arith.mulf %get3A_614, %get3A_614 : vector<16xf32>
        %add3A_633 = arith.addf %add3A_631, %mul3A_632 : vector<16xf32>
        %mul3A_634 = arith.mulf %get3A_617, %get3A_617 : vector<16xf32>
        %add3A_635 = arith.addf %add3A_633, %mul3A_634 : vector<16xf32>
        %mul3A_636 = arith.mulf %get3A_620, %get3A_620 : vector<16xf32>
        %add3A_637 = arith.addf %add3A_635, %mul3A_636 : vector<16xf32>
        %mul3A_638 = arith.mulf %get3A_623, %get3A_623 : vector<16xf32>
        %add3A_639 = arith.addf %add3A_637, %mul3A_638 : vector<16xf32>
        %mul3A_640 = arith.mulf %get3A_626, %get3A_626 : vector<16xf32>
        %add3A_641 = arith.addf %add3A_639, %mul3A_640 : vector<16xf32>
        %reduce_sum3A_642 = arith.constant true
        %reduce_sum3A_643 = vector.broadcast %reduce_sum3A_642 : i1 to vector<16xi1>
        %reduce_sum3A_644 = tpu.scan <sum>, %add3A_641 masked %reduce_sum3A_643 : vector<16xf32>, vector<16xi1> -> vector<16xf32>
        %reduce_sum3A_645 = vector.extract %reduce_sum3A_644[15] : f32 from vector<16xf32>
        %broadcast_in_dim3A_646 = vector.broadcast %reduce_sum3A_645 : f32 to vector<16xf32>
        %max3A_647 = arith.constant 1.000000e-18 : f32
        %max3A_648 = vector.broadcast %max3A_647 : f32 to vector<16xf32>
        %max3A_649 = arith.maximumf %broadcast_in_dim3A_646, %max3A_648 : vector<16xf32>
        %bitcast3A_650 = vector.bitcast %max3A_649 : vector<16xf32> to vector<16xi32>
        %shift_right_arithmetic3A_651 = arith.constant 1 : i32
        %shift_right_arithmetic3A_652 = vector.broadcast %shift_right_arithmetic3A_651 : i32 to vector<16xi32>
        %shift_right_arithmetic3A_653 = arith.shrsi %bitcast3A_650, %shift_right_arithmetic3A_652 : vector<16xi32>
        %sub3A_654 = arith.constant 1597463007 : i32
        %sub3A_655 = vector.broadcast %sub3A_654 : i32 to vector<16xi32>
        %sub3A_656 = arith.subi %sub3A_655, %shift_right_arithmetic3A_653 : vector<16xi32>
        %bitcast3A_657 = vector.bitcast %sub3A_656 : vector<16xi32> to vector<16xf32>
        %mul3A_658 = arith.constant 5.000000e-01 : f32
        %mul3A_659 = vector.broadcast %mul3A_658 : f32 to vector<16xf32>
        %mul3A_660 = arith.mulf %mul3A_659, %max3A_649 : vector<16xf32>
        %mul3A_661 = arith.mulf %mul3A_660, %bitcast3A_657 : vector<16xf32>
        %mul3A_662 = arith.mulf %mul3A_661, %bitcast3A_657 : vector<16xf32>
        %sub3A_663 = arith.constant 1.500000e+00 : f32
        %sub3A_664 = vector.broadcast %sub3A_663 : f32 to vector<16xf32>
        %sub3A_665 = arith.subf %sub3A_664, %mul3A_662 : vector<16xf32>
        %mul3A_666 = arith.mulf %bitcast3A_657, %sub3A_665 : vector<16xf32>
        %mul3A_667 = arith.mulf %mul3A_660, %mul3A_666 : vector<16xf32>
        %mul3A_668 = arith.mulf %mul3A_667, %mul3A_666 : vector<16xf32>
        %sub3A_669 = arith.constant 1.500000e+00 : f32
        %sub3A_670 = vector.broadcast %sub3A_669 : f32 to vector<16xf32>
        %sub3A_671 = arith.subf %sub3A_670, %mul3A_668 : vector<16xf32>
        %mul3A_672 = arith.mulf %mul3A_666, %sub3A_671 : vector<16xf32>
        %mul3A_673 = arith.constant 0.949999988 : f32
        %mul3A_674 = vector.broadcast %mul3A_673 : f32 to vector<16xf32>
        %mul3A_675 = arith.mulf %mul3A_674, %mul3A_672 : vector<16xf32>
        %min3A_676 = arith.constant 1.000000e+00 : f32
        %min3A_677 = vector.broadcast %min3A_676 : f32 to vector<16xf32>
        %min3A_678 = arith.minimumf %mul3A_675, %min3A_677 : vector<16xf32>
        %mul3A_679 = arith.mulf %get3A_605, %min3A_678 : vector<16xf32>
        %swap3A_680 = arith.index_cast %scan3A_602 : i32 to index
        %swap3A_681 = arith.constant 0 : index
        %swap3A_682 = tpu.vector_load %arg7[%swap3A_680, %swap3A_681] {strides = array<i32>} : memref<128x128xf32, #tpu.memory_space<vmem>>, vector<16xf32>,
        tpu.vector_store %arg7[%swap3A_680, %swap3A_681], %mul3A_679 {strides = array<i32>} : memref<128x128xf32, #tpu.memory_space<vmem>>, vector<16xf32>,
        %mul3A_683 = arith.mulf %get3A_608, %min3A_678 : vector<16xf32>
        %swap3A_684 = arith.index_cast %scan3A_602 : i32 to index
        %swap3A_685 = arith.constant 16 : index
        %swap3A_686 = tpu.vector_load %arg7[%swap3A_684, %swap3A_685] {strides = array<i32>} : memref<128x128xf32, #tpu.memory_space<vmem>>, vector<16xf32>,
        tpu.vector_store %arg7[%swap3A_684, %swap3A_685], %mul3A_683 {strides = array<i32>} : memref<128x128xf32, #tpu.memory_space<vmem>>, vector<16xf32>,
        %mul3A_687 = arith.mulf %get3A_611, %min3A_678 : vector<16xf32>
        %swap3A_688 = arith.index_cast %scan3A_602 : i32 to index
        %swap3A_689 = arith.constant 32 : index
        %swap3A_690 = tpu.vector_load %arg7[%swap3A_688, %swap3A_689] {strides = array<i32>} : memref<128x128xf32, #tpu.memory_space<vmem>>, vector<16xf32>,
        tpu.vector_store %arg7[%swap3A_688, %swap3A_689], %mul3A_687 {strides = array<i32>} : memref<128x128xf32, #tpu.memory_space<vmem>>, vector<16xf32>,
        %mul3A_691 = arith.mulf %get3A_614, %min3A_678 : vector<16xf32>
        %swap3A_692 = arith.index_cast %scan3A_602 : i32 to index
        %swap3A_693 = arith.constant 48 : index
        %swap3A_694 = tpu.vector_load %arg7[%swap3A_692, %swap3A_693] {strides = array<i32>} : memref<128x128xf32, #tpu.memory_space<vmem>>, vector<16xf32>,
        tpu.vector_store %arg7[%swap3A_692, %swap3A_693], %mul3A_691 {strides = array<i32>} : memref<128x128xf32, #tpu.memory_space<vmem>>, vector<16xf32>,
        %mul3A_695 = arith.mulf %get3A_617, %min3A_678 : vector<16xf32>
        %swap3A_696 = arith.index_cast %scan3A_602 : i32 to index
        %swap3A_697 = arith.constant 64 : index
        %swap3A_698 = tpu.vector_load %arg7[%swap3A_696, %swap3A_697] {strides = array<i32>} : memref<128x128xf32, #tpu.memory_space<vmem>>, vector<16xf32>,
        tpu.vector_store %arg7[%swap3A_696, %swap3A_697], %mul3A_695 {strides = array<i32>} : memref<128x128xf32, #tpu.memory_space<vmem>>, vector<16xf32>,
        %mul3A_699 = arith.mulf %get3A_620, %min3A_678 : vector<16xf32>
        %swap3A_700 = arith.index_cast %scan3A_602 : i32 to index
        %swap3A_701 = arith.constant 80 : index
        %swap3A_702 = tpu.vector_load %arg7[%swap3A_700, %swap3A_701] {strides = array<i32>} : memref<128x128xf32, #tpu.memory_space<vmem>>, vector<16xf32>,
        tpu.vector_store %arg7[%swap3A_700, %swap3A_701], %mul3A_699 {strides = array<i32>} : memref<128x128xf32, #tpu.memory_space<vmem>>, vector<16xf32>,
        %mul3A_703 = arith.mulf %get3A_623, %min3A_678 : vector<16xf32>
        %swap3A_704 = arith.index_cast %scan3A_602 : i32 to index
        %swap3A_705 = arith.constant 96 : index
        %swap3A_706 = tpu.vector_load %arg7[%swap3A_704, %swap3A_705] {strides = array<i32>} : memref<128x128xf32, #tpu.memory_space<vmem>>, vector<16xf32>,
        tpu.vector_store %arg7[%swap3A_704, %swap3A_705], %mul3A_703 {strides = array<i32>} : memref<128x128xf32, #tpu.memory_space<vmem>>, vector<16xf32>,
        %mul3A_707 = arith.mulf %get3A_626, %min3A_678 : vector<16xf32>
        %swap3A_708 = arith.index_cast %scan3A_602 : i32 to index
        %swap3A_709 = arith.constant 112 : index
        %swap3A_710 = tpu.vector_load %arg7[%swap3A_708, %swap3A_709] {strides = array<i32>} : memref<128x128xf32, #tpu.memory_space<vmem>>, vector<16xf32>,
        tpu.vector_store %arg7[%swap3A_708, %swap3A_709], %mul3A_707 {strides = array<i32>} : memref<128x128xf32, #tpu.memory_space<vmem>>, vector<16xf32>,
      }
      %scan3A_135 = arith.constant 128 : i32
      %mul3A_136 = arith.constant 128 : i32
      %mul3A_137 = arith.muli %add3A_123, %mul3A_136 : i32
      %add3A_138 = arith.addi %mul3A_2, %mul3A_137 : i32
      %dma_start3A_139 = arith.constant 0 : i32
      %dma_start3A_140 = tpu.memref_slice %arg4[%add3A_138, %dma_start3A_139] : memref<204800x128xf32, #tpu.memory_space<hbm>> -> memref<128x128xf32, #tpu.memory_space<hbm>>
      %dma_start3A_141 = arith.constant 0 : i32
      %dma_start3A_142 = tpu.memref_slice %arg4[%add3A_138, %dma_start3A_141] : memref<204800x128xf32, #tpu.memory_space<hbm>> -> memref<128x128xf32, #tpu.memory_space<hbm>>
      tpu.enqueue_dma source(%arg7 : memref<128x128xf32, #tpu.memory_space<vmem>>) target(%dma_start3A_142 : memref<128x128xf32, #tpu.memory_space<hbm>>) target_semaphore(%arg19 : memref<!tpu.dma_semaphore, #tpu.memory_space<semaphore_mem>>)
      %add3A_143 = arith.constant 3 : i32
      %add3A_144 = arith.addi %add3A_123, %add3A_143 : i32
      %sub3A_145 = arith.constant 6 : i32
      %sub3A_146 = arith.subi %add3A_144, %sub3A_145 : i32
      %lt3A_147 = arith.constant 50 : i32
      %lt3A_148 = arith.cmpi slt, %add3A_144, %lt3A_147 : i32
      %convert_element_type3A_149 = arith.extui %lt3A_148 : i1 to i32
      %cond3A_150 = arith.constant 0 : i32
      %cond3A_151 = arith.cmpi ne, %convert_element_type3A_149, %cond3A_150 : i32
      scf.if %cond3A_151 {
        %ge3A = arith.constant 0 : i32
        %ge3A_280 = arith.cmpi sge, %sub3A_146, %ge3A : i32
        %convert_element_type3A_281 = arith.extui %ge3A_280 : i1 to i32
        %cond3A_282 = arith.constant 0 : i32
        %cond3A_283 = arith.cmpi ne, %convert_element_type3A_281, %cond3A_282 : i32
        scf.if %cond3A_283 {
          %mul3A_290 = arith.constant 128 : i32
          %mul3A_291 = arith.muli %sub3A_146, %mul3A_290 : i32
          %add3A_292 = arith.addi %mul3A_2, %mul3A_291 : i32
          %dma_wait3A_293 = arith.constant 0 : i32
          %dma_wait3A_294 = tpu.memref_slice %arg4[%add3A_292, %dma_wait3A_293] : memref<204800x128xf32, #tpu.memory_space<hbm>> -> memref<128x128xf32, #tpu.memory_space<hbm>>
          %dma_wait3A_295 = arith.constant 0 : i32
          %dma_wait3A_296 = tpu.memref_slice %arg4[%add3A_292, %dma_wait3A_295] : memref<204800x128xf32, #tpu.memory_space<hbm>> -> memref<128x128xf32, #tpu.memory_space<hbm>>
          tpu.wait_dma2 semaphore(%arg22 : memref<!tpu.dma_semaphore, #tpu.memory_space<semaphore_mem>>) src(%arg10 : memref<128x128xf32, #tpu.memory_space<vmem>>) dst(%dma_wait3A_296 : memref<128x128xf32, #tpu.memory_space<hbm>>)
        } else {
        }
        %mul3A_284 = arith.constant 128 : i32
        %mul3A_285 = arith.muli %add3A_144, %mul3A_284 : i32
        %dma_start3A_286 = tpu.memref_slice %arg5[%mul3A_285] : memref<6400xi32, #tpu.memory_space<vmem>> -> memref<128xi32, #tpu.memory_space<vmem>>
        %dma_start3A_287 = arith.constant 0 : i32
        %dma_start3A_288 = arith.constant 0 : i32
        %dma_start3A_289 = tpu.memref_slice %arg3[%dma_start3A_287, %dma_start3A_288] : memref<100000x128xf32, #tpu.memory_space<hbm>> -> memref<100000x128xf32, #tpu.memory_space<hbm>>
        tpu.enqueue_indirect_dma source(%dma_start3A_289 : memref<100000x128xf32, #tpu.memory_space<hbm>>) target(%arg10 : memref<128x128xf32, #tpu.memory_space<vmem>>) offsets(%dma_start3A_286 : memref<128xi32, #tpu.memory_space<vmem>>) semaphore(%arg16 : memref<!tpu.dma_semaphore, #tpu.memory_space<semaphore_mem>>)
      } else {
      }
      %mul3A_152 = arith.constant 6 : i32
      %mul3A_153 = arith.muli %mul3A_152, %scan3A_91 : i32
      %add3A_154 = arith.constant 2 : i32
      %add3A_155 = arith.addi %mul3A_153, %add3A_154 : i32
      %mul3A_156 = arith.constant 128 : i32
      %mul3A_157 = arith.muli %add3A_155, %mul3A_156 : i32
      %dma_wait3A_158 = tpu.memref_slice %arg5[%mul3A_157] : memref<6400xi32, #tpu.memory_space<vmem>> -> memref<128xi32, #tpu.memory_space<vmem>>
      %dma_wait3A_159 = arith.constant 0 : i32
      %dma_wait3A_160 = arith.constant 0 : i32
      %dma_wait3A_161 = tpu.memref_slice %arg3[%dma_wait3A_159, %dma_wait3A_160] : memref<100000x128xf32, #tpu.memory_space<hbm>> -> memref<100000x128xf32, #tpu.memory_space<hbm>>
      tpu.wait_indirect_dma semaphore(%arg14 : memref<!tpu.dma_semaphore, #tpu.memory_space<semaphore_mem>>) src(%dma_wait3A_161 : memref<100000x128xf32, #tpu.memory_space<hbm>>) dst(%arg8 : memref<128x128xf32, #tpu.memory_space<vmem>>)
      %scan3A_162 = arith.constant 0 : i32
      %scan3A_163 = arith.constant 0 : i32
      %scan3A_164 = arith.constant 128 : i32
      %scan3A_165 = arith.addi %scan3A_163, %scan3A_164 : i32
      %scan3A_166 = arith.constant 4 : i32
      scf.for %scan3A_280 = %scan3A_163 to %scan3A_165 step %scan3A_166  : i32 {
        %get3A = arith.index_cast %scan3A_280 : i32 to index
        %get3A_281 = arith.constant 0 : index
        %get3A_282 = tpu.vector_load %arg8[%get3A, %get3A_281] {strides = array<i32>} : memref<128x128xf32, #tpu.memory_space<vmem>>, vector<16xf32>,
        %get3A_283 = arith.index_cast %scan3A_280 : i32 to index
        %get3A_284 = arith.constant 16 : index
        %get3A_285 = tpu.vector_load %arg8[%get3A_283, %get3A_284] {strides = array<i32>} : memref<128x128xf32, #tpu.memory_space<vmem>>, vector<16xf32>,
        %get3A_286 = arith.index_cast %scan3A_280 : i32 to index
        %get3A_287 = arith.constant 32 : index
        %get3A_288 = tpu.vector_load %arg8[%get3A_286, %get3A_287] {strides = array<i32>} : memref<128x128xf32, #tpu.memory_space<vmem>>, vector<16xf32>,
        %get3A_289 = arith.index_cast %scan3A_280 : i32 to index
        %get3A_290 = arith.constant 48 : index
        %get3A_291 = tpu.vector_load %arg8[%get3A_289, %get3A_290] {strides = array<i32>} : memref<128x128xf32, #tpu.memory_space<vmem>>, vector<16xf32>,
        %get3A_292 = arith.index_cast %scan3A_280 : i32 to index
        %get3A_293 = arith.constant 64 : index
        %get3A_294 = tpu.vector_load %arg8[%get3A_292, %get3A_293] {strides = array<i32>} : memref<128x128xf32, #tpu.memory_space<vmem>>, vector<16xf32>,
        %get3A_295 = arith.index_cast %scan3A_280 : i32 to index
        %get3A_296 = arith.constant 80 : index
        %get3A_297 = tpu.vector_load %arg8[%get3A_295, %get3A_296] {strides = array<i32>} : memref<128x128xf32, #tpu.memory_space<vmem>>, vector<16xf32>,
        %get3A_298 = arith.index_cast %scan3A_280 : i32 to index
        %get3A_299 = arith.constant 96 : index
        %get3A_300 = tpu.vector_load %arg8[%get3A_298, %get3A_299] {strides = array<i32>} : memref<128x128xf32, #tpu.memory_space<vmem>>, vector<16xf32>,
        %get3A_301 = arith.index_cast %scan3A_280 : i32 to index
        %get3A_302 = arith.constant 112 : index
        %get3A_303 = tpu.vector_load %arg8[%get3A_301, %get3A_302] {strides = array<i32>} : memref<128x128xf32, #tpu.memory_space<vmem>>, vector<16xf32>,
        %mul3A_304 = arith.mulf %get3A_282, %get3A_282 : vector<16xf32>
        %mul3A_305 = arith.mulf %get3A_285, %get3A_285 : vector<16xf32>
        %add3A_306 = arith.addf %mul3A_304, %mul3A_305 : vector<16xf32>
        %mul3A_307 = arith.mulf %get3A_288, %get3A_288 : vector<16xf32>
        %add3A_308 = arith.addf %add3A_306, %mul3A_307 : vector<16xf32>
        %mul3A_309 = arith.mulf %get3A_291, %get3A_291 : vector<16xf32>
        %add3A_310 = arith.addf %add3A_308, %mul3A_309 : vector<16xf32>
        %mul3A_311 = arith.mulf %get3A_294, %get3A_294 : vector<16xf32>
        %add3A_312 = arith.addf %add3A_310, %mul3A_311 : vector<16xf32>
        %mul3A_313 = arith.mulf %get3A_297, %get3A_297 : vector<16xf32>
        %add3A_314 = arith.addf %add3A_312, %mul3A_313 : vector<16xf32>
        %mul3A_315 = arith.mulf %get3A_300, %get3A_300 : vector<16xf32>
        %add3A_316 = arith.addf %add3A_314, %mul3A_315 : vector<16xf32>
        %mul3A_317 = arith.mulf %get3A_303, %get3A_303 : vector<16xf32>
        %add3A_318 = arith.addf %add3A_316, %mul3A_317 : vector<16xf32>
        %reduce_sum3A = arith.constant true
        %reduce_sum3A_319 = vector.broadcast %reduce_sum3A : i1 to vector<16xi1>
        %reduce_sum3A_320 = tpu.scan <sum>, %add3A_318 masked %reduce_sum3A_319 : vector<16xf32>, vector<16xi1> -> vector<16xf32>
        %reduce_sum3A_321 = vector.extract %reduce_sum3A_320[15] : f32 from vector<16xf32>
        %broadcast_in_dim3A = vector.broadcast %reduce_sum3A_321 : f32 to vector<16xf32>
        %max3A = arith.constant 1.000000e-18 : f32
        %max3A_322 = vector.broadcast %max3A : f32 to vector<16xf32>
        %max3A_323 = arith.maximumf %broadcast_in_dim3A, %max3A_322 : vector<16xf32>
        %bitcast3A = vector.bitcast %max3A_323 : vector<16xf32> to vector<16xi32>
        %shift_right_arithmetic3A = arith.constant 1 : i32
        %shift_right_arithmetic3A_324 = vector.broadcast %shift_right_arithmetic3A : i32 to vector<16xi32>
        %shift_right_arithmetic3A_325 = arith.shrsi %bitcast3A, %shift_right_arithmetic3A_324 : vector<16xi32>
        %sub3A_326 = arith.constant 1597463007 : i32
        %sub3A_327 = vector.broadcast %sub3A_326 : i32 to vector<16xi32>
        %sub3A_328 = arith.subi %sub3A_327, %shift_right_arithmetic3A_325 : vector<16xi32>
        %bitcast3A_329 = vector.bitcast %sub3A_328 : vector<16xi32> to vector<16xf32>
        %mul3A_330 = arith.constant 5.000000e-01 : f32
        %mul3A_331 = vector.broadcast %mul3A_330 : f32 to vector<16xf32>
        %mul3A_332 = arith.mulf %mul3A_331, %max3A_323 : vector<16xf32>
        %mul3A_333 = arith.mulf %mul3A_332, %bitcast3A_329 : vector<16xf32>
        %mul3A_334 = arith.mulf %mul3A_333, %bitcast3A_329 : vector<16xf32>
        %sub3A_335 = arith.constant 1.500000e+00 : f32
        %sub3A_336 = vector.broadcast %sub3A_335 : f32 to vector<16xf32>
        %sub3A_337 = arith.subf %sub3A_336, %mul3A_334 : vector<16xf32>
        %mul3A_338 = arith.mulf %bitcast3A_329, %sub3A_337 : vector<16xf32>
        %mul3A_339 = arith.mulf %mul3A_332, %mul3A_338 : vector<16xf32>
        %mul3A_340 = arith.mulf %mul3A_339, %mul3A_338 : vector<16xf32>
        %sub3A_341 = arith.constant 1.500000e+00 : f32
        %sub3A_342 = vector.broadcast %sub3A_341 : f32 to vector<16xf32>
        %sub3A_343 = arith.subf %sub3A_342, %mul3A_340 : vector<16xf32>
        %mul3A_344 = arith.mulf %mul3A_338, %sub3A_343 : vector<16xf32>
        %mul3A_345 = arith.constant 0.949999988 : f32
        %mul3A_346 = vector.broadcast %mul3A_345 : f32 to vector<16xf32>
        %mul3A_347 = arith.mulf %mul3A_346, %mul3A_344 : vector<16xf32>
        %min3A = arith.constant 1.000000e+00 : f32
        %min3A_348 = vector.broadcast %min3A : f32 to vector<16xf32>
        %min3A_349 = arith.minimumf %mul3A_347, %min3A_348 : vector<16xf32>
        %mul3A_350 = arith.mulf %get3A_282, %min3A_349 : vector<16xf32>
        %swap3A = arith.index_cast %scan3A_280 : i32 to index
        %swap3A_351 = arith.constant 0 : index
        %swap3A_352 = tpu.vector_load %arg8[%swap3A, %swap3A_351] {strides = array<i32>} : memref<128x128xf32, #tpu.memory_space<vmem>>, vector<16xf32>,
        tpu.vector_store %arg8[%swap3A, %swap3A_351], %mul3A_350 {strides = array<i32>} : memref<128x128xf32, #tpu.memory_space<vmem>>, vector<16xf32>,
        %mul3A_353 = arith.mulf %get3A_285, %min3A_349 : vector<16xf32>
        %swap3A_354 = arith.index_cast %scan3A_280 : i32 to index
        %swap3A_355 = arith.constant 16 : index
        %swap3A_356 = tpu.vector_load %arg8[%swap3A_354, %swap3A_355] {strides = array<i32>} : memref<128x128xf32, #tpu.memory_space<vmem>>, vector<16xf32>,
        tpu.vector_store %arg8[%swap3A_354, %swap3A_355], %mul3A_353 {strides = array<i32>} : memref<128x128xf32, #tpu.memory_space<vmem>>, vector<16xf32>,
        %mul3A_357 = arith.mulf %get3A_288, %min3A_349 : vector<16xf32>
        %swap3A_358 = arith.index_cast %scan3A_280 : i32 to index
        %swap3A_359 = arith.constant 32 : index
        %swap3A_360 = tpu.vector_load %arg8[%swap3A_358, %swap3A_359] {strides = array<i32>} : memref<128x128xf32, #tpu.memory_space<vmem>>, vector<16xf32>,
        tpu.vector_store %arg8[%swap3A_358, %swap3A_359], %mul3A_357 {strides = array<i32>} : memref<128x128xf32, #tpu.memory_space<vmem>>, vector<16xf32>,
        %mul3A_361 = arith.mulf %get3A_291, %min3A_349 : vector<16xf32>
        %swap3A_362 = arith.index_cast %scan3A_280 : i32 to index
        %swap3A_363 = arith.constant 48 : index
        %swap3A_364 = tpu.vector_load %arg8[%swap3A_362, %swap3A_363] {strides = array<i32>} : memref<128x128xf32, #tpu.memory_space<vmem>>, vector<16xf32>,
        tpu.vector_store %arg8[%swap3A_362, %swap3A_363], %mul3A_361 {strides = array<i32>} : memref<128x128xf32, #tpu.memory_space<vmem>>, vector<16xf32>,
        %mul3A_365 = arith.mulf %get3A_294, %min3A_349 : vector<16xf32>
        %swap3A_366 = arith.index_cast %scan3A_280 : i32 to index
        %swap3A_367 = arith.constant 64 : index
        %swap3A_368 = tpu.vector_load %arg8[%swap3A_366, %swap3A_367] {strides = array<i32>} : memref<128x128xf32, #tpu.memory_space<vmem>>, vector<16xf32>,
        tpu.vector_store %arg8[%swap3A_366, %swap3A_367], %mul3A_365 {strides = array<i32>} : memref<128x128xf32, #tpu.memory_space<vmem>>, vector<16xf32>,
        %mul3A_369 = arith.mulf %get3A_297, %min3A_349 : vector<16xf32>
        %swap3A_370 = arith.index_cast %scan3A_280 : i32 to index
        %swap3A_371 = arith.constant 80 : index
        %swap3A_372 = tpu.vector_load %arg8[%swap3A_370, %swap3A_371] {strides = array<i32>} : memref<128x128xf32, #tpu.memory_space<vmem>>, vector<16xf32>,
        tpu.vector_store %arg8[%swap3A_370, %swap3A_371], %mul3A_369 {strides = array<i32>} : memref<128x128xf32, #tpu.memory_space<vmem>>, vector<16xf32>,
        %mul3A_373 = arith.mulf %get3A_300, %min3A_349 : vector<16xf32>
        %swap3A_374 = arith.index_cast %scan3A_280 : i32 to index
        %swap3A_375 = arith.constant 96 : index
        %swap3A_376 = tpu.vector_load %arg8[%swap3A_374, %swap3A_375] {strides = array<i32>} : memref<128x128xf32, #tpu.memory_space<vmem>>, vector<16xf32>,
        tpu.vector_store %arg8[%swap3A_374, %swap3A_375], %mul3A_373 {strides = array<i32>} : memref<128x128xf32, #tpu.memory_space<vmem>>, vector<16xf32>,
        %mul3A_377 = arith.mulf %get3A_303, %min3A_349 : vector<16xf32>
        %swap3A_378 = arith.index_cast %scan3A_280 : i32 to index
        %swap3A_379 = arith.constant 112 : index
        %swap3A_380 = tpu.vector_load %arg8[%swap3A_378, %swap3A_379] {strides = array<i32>} : memref<128x128xf32, #tpu.memory_space<vmem>>, vector<16xf32>,
        tpu.vector_store %arg8[%swap3A_378, %swap3A_379], %mul3A_377 {strides = array<i32>} : memref<128x128xf32, #tpu.memory_space<vmem>>, vector<16xf32>,
        %scan3A_381 = arith.constant 1 : i32
        %scan3A_382 = arith.addi %scan3A_280, %scan3A_381 : i32
        %get3A_383 = arith.index_cast %scan3A_382 : i32 to index
        %get3A_384 = arith.constant 0 : index
        %get3A_385 = tpu.vector_load %arg8[%get3A_383, %get3A_384] {strides = array<i32>} : memref<128x128xf32, #tpu.memory_space<vmem>>, vector<16xf32>,
        %get3A_386 = arith.index_cast %scan3A_382 : i32 to index
        %get3A_387 = arith.constant 16 : index
        %get3A_388 = tpu.vector_load %arg8[%get3A_386, %get3A_387] {strides = array<i32>} : memref<128x128xf32, #tpu.memory_space<vmem>>, vector<16xf32>,
        %get3A_389 = arith.index_cast %scan3A_382 : i32 to index
        %get3A_390 = arith.constant 32 : index
        %get3A_391 = tpu.vector_load %arg8[%get3A_389, %get3A_390] {strides = array<i32>} : memref<128x128xf32, #tpu.memory_space<vmem>>, vector<16xf32>,
        %get3A_392 = arith.index_cast %scan3A_382 : i32 to index
        %get3A_393 = arith.constant 48 : index
        %get3A_394 = tpu.vector_load %arg8[%get3A_392, %get3A_393] {strides = array<i32>} : memref<128x128xf32, #tpu.memory_space<vmem>>, vector<16xf32>,
        %get3A_395 = arith.index_cast %scan3A_382 : i32 to index
        %get3A_396 = arith.constant 64 : index
        %get3A_397 = tpu.vector_load %arg8[%get3A_395, %get3A_396] {strides = array<i32>} : memref<128x128xf32, #tpu.memory_space<vmem>>, vector<16xf32>,
        %get3A_398 = arith.index_cast %scan3A_382 : i32 to index
        %get3A_399 = arith.constant 80 : index
        %get3A_400 = tpu.vector_load %arg8[%get3A_398, %get3A_399] {strides = array<i32>} : memref<128x128xf32, #tpu.memory_space<vmem>>, vector<16xf32>,
        %get3A_401 = arith.index_cast %scan3A_382 : i32 to index
        %get3A_402 = arith.constant 96 : index
        %get3A_403 = tpu.vector_load %arg8[%get3A_401, %get3A_402] {strides = array<i32>} : memref<128x128xf32, #tpu.memory_space<vmem>>, vector<16xf32>,
        %get3A_404 = arith.index_cast %scan3A_382 : i32 to index
        %get3A_405 = arith.constant 112 : index
        %get3A_406 = tpu.vector_load %arg8[%get3A_404, %get3A_405] {strides = array<i32>} : memref<128x128xf32, #tpu.memory_space<vmem>>, vector<16xf32>,
        %mul3A_407 = arith.mulf %get3A_385, %get3A_385 : vector<16xf32>
        %mul3A_408 = arith.mulf %get3A_388, %get3A_388 : vector<16xf32>
        %add3A_409 = arith.addf %mul3A_407, %mul3A_408 : vector<16xf32>
        %mul3A_410 = arith.mulf %get3A_391, %get3A_391 : vector<16xf32>
        %add3A_411 = arith.addf %add3A_409, %mul3A_410 : vector<16xf32>
        %mul3A_412 = arith.mulf %get3A_394, %get3A_394 : vector<16xf32>
        %add3A_413 = arith.addf %add3A_411, %mul3A_412 : vector<16xf32>
        %mul3A_414 = arith.mulf %get3A_397, %get3A_397 : vector<16xf32>
        %add3A_415 = arith.addf %add3A_413, %mul3A_414 : vector<16xf32>
        %mul3A_416 = arith.mulf %get3A_400, %get3A_400 : vector<16xf32>
        %add3A_417 = arith.addf %add3A_415, %mul3A_416 : vector<16xf32>
        %mul3A_418 = arith.mulf %get3A_403, %get3A_403 : vector<16xf32>
        %add3A_419 = arith.addf %add3A_417, %mul3A_418 : vector<16xf32>
        %mul3A_420 = arith.mulf %get3A_406, %get3A_406 : vector<16xf32>
        %add3A_421 = arith.addf %add3A_419, %mul3A_420 : vector<16xf32>
        %reduce_sum3A_422 = arith.constant true
        %reduce_sum3A_423 = vector.broadcast %reduce_sum3A_422 : i1 to vector<16xi1>
        %reduce_sum3A_424 = tpu.scan <sum>, %add3A_421 masked %reduce_sum3A_423 : vector<16xf32>, vector<16xi1> -> vector<16xf32>
        %reduce_sum3A_425 = vector.extract %reduce_sum3A_424[15] : f32 from vector<16xf32>
        %broadcast_in_dim3A_426 = vector.broadcast %reduce_sum3A_425 : f32 to vector<16xf32>
        %max3A_427 = arith.constant 1.000000e-18 : f32
        %max3A_428 = vector.broadcast %max3A_427 : f32 to vector<16xf32>
        %max3A_429 = arith.maximumf %broadcast_in_dim3A_426, %max3A_428 : vector<16xf32>
        %bitcast3A_430 = vector.bitcast %max3A_429 : vector<16xf32> to vector<16xi32>
        %shift_right_arithmetic3A_431 = arith.constant 1 : i32
        %shift_right_arithmetic3A_432 = vector.broadcast %shift_right_arithmetic3A_431 : i32 to vector<16xi32>
        %shift_right_arithmetic3A_433 = arith.shrsi %bitcast3A_430, %shift_right_arithmetic3A_432 : vector<16xi32>
        %sub3A_434 = arith.constant 1597463007 : i32
        %sub3A_435 = vector.broadcast %sub3A_434 : i32 to vector<16xi32>
        %sub3A_436 = arith.subi %sub3A_435, %shift_right_arithmetic3A_433 : vector<16xi32>
        %bitcast3A_437 = vector.bitcast %sub3A_436 : vector<16xi32> to vector<16xf32>
        %mul3A_438 = arith.constant 5.000000e-01 : f32
        %mul3A_439 = vector.broadcast %mul3A_438 : f32 to vector<16xf32>
        %mul3A_440 = arith.mulf %mul3A_439, %max3A_429 : vector<16xf32>
        %mul3A_441 = arith.mulf %mul3A_440, %bitcast3A_437 : vector<16xf32>
        %mul3A_442 = arith.mulf %mul3A_441, %bitcast3A_437 : vector<16xf32>
        %sub3A_443 = arith.constant 1.500000e+00 : f32
        %sub3A_444 = vector.broadcast %sub3A_443 : f32 to vector<16xf32>
        %sub3A_445 = arith.subf %sub3A_444, %mul3A_442 : vector<16xf32>
        %mul3A_446 = arith.mulf %bitcast3A_437, %sub3A_445 : vector<16xf32>
        %mul3A_447 = arith.mulf %mul3A_440, %mul3A_446 : vector<16xf32>
        %mul3A_448 = arith.mulf %mul3A_447, %mul3A_446 : vector<16xf32>
        %sub3A_449 = arith.constant 1.500000e+00 : f32
        %sub3A_450 = vector.broadcast %sub3A_449 : f32 to vector<16xf32>
        %sub3A_451 = arith.subf %sub3A_450, %mul3A_448 : vector<16xf32>
        %mul3A_452 = arith.mulf %mul3A_446, %sub3A_451 : vector<16xf32>
        %mul3A_453 = arith.constant 0.949999988 : f32
        %mul3A_454 = vector.broadcast %mul3A_453 : f32 to vector<16xf32>
        %mul3A_455 = arith.mulf %mul3A_454, %mul3A_452 : vector<16xf32>
        %min3A_456 = arith.constant 1.000000e+00 : f32
        %min3A_457 = vector.broadcast %min3A_456 : f32 to vector<16xf32>
        %min3A_458 = arith.minimumf %mul3A_455, %min3A_457 : vector<16xf32>
        %mul3A_459 = arith.mulf %get3A_385, %min3A_458 : vector<16xf32>
        %swap3A_460 = arith.index_cast %scan3A_382 : i32 to index
        %swap3A_461 = arith.constant 0 : index
        %swap3A_462 = tpu.vector_load %arg8[%swap3A_460, %swap3A_461] {strides = array<i32>} : memref<128x128xf32, #tpu.memory_space<vmem>>, vector<16xf32>,
        tpu.vector_store %arg8[%swap3A_460, %swap3A_461], %mul3A_459 {strides = array<i32>} : memref<128x128xf32, #tpu.memory_space<vmem>>, vector<16xf32>,
        %mul3A_463 = arith.mulf %get3A_388, %min3A_458 : vector<16xf32>
        %swap3A_464 = arith.index_cast %scan3A_382 : i32 to index
        %swap3A_465 = arith.constant 16 : index
        %swap3A_466 = tpu.vector_load %arg8[%swap3A_464, %swap3A_465] {strides = array<i32>} : memref<128x128xf32, #tpu.memory_space<vmem>>, vector<16xf32>,
        tpu.vector_store %arg8[%swap3A_464, %swap3A_465], %mul3A_463 {strides = array<i32>} : memref<128x128xf32, #tpu.memory_space<vmem>>, vector<16xf32>,
        %mul3A_467 = arith.mulf %get3A_391, %min3A_458 : vector<16xf32>
        %swap3A_468 = arith.index_cast %scan3A_382 : i32 to index
        %swap3A_469 = arith.constant 32 : index
        %swap3A_470 = tpu.vector_load %arg8[%swap3A_468, %swap3A_469] {strides = array<i32>} : memref<128x128xf32, #tpu.memory_space<vmem>>, vector<16xf32>,
        tpu.vector_store %arg8[%swap3A_468, %swap3A_469], %mul3A_467 {strides = array<i32>} : memref<128x128xf32, #tpu.memory_space<vmem>>, vector<16xf32>,
        %mul3A_471 = arith.mulf %get3A_394, %min3A_458 : vector<16xf32>
        %swap3A_472 = arith.index_cast %scan3A_382 : i32 to index
        %swap3A_473 = arith.constant 48 : index
        %swap3A_474 = tpu.vector_load %arg8[%swap3A_472, %swap3A_473] {strides = array<i32>} : memref<128x128xf32, #tpu.memory_space<vmem>>, vector<16xf32>,
        tpu.vector_store %arg8[%swap3A_472, %swap3A_473], %mul3A_471 {strides = array<i32>} : memref<128x128xf32, #tpu.memory_space<vmem>>, vector<16xf32>,
        %mul3A_475 = arith.mulf %get3A_397, %min3A_458 : vector<16xf32>
        %swap3A_476 = arith.index_cast %scan3A_382 : i32 to index
        %swap3A_477 = arith.constant 64 : index
        %swap3A_478 = tpu.vector_load %arg8[%swap3A_476, %swap3A_477] {strides = array<i32>} : memref<128x128xf32, #tpu.memory_space<vmem>>, vector<16xf32>,
        tpu.vector_store %arg8[%swap3A_476, %swap3A_477], %mul3A_475 {strides = array<i32>} : memref<128x128xf32, #tpu.memory_space<vmem>>, vector<16xf32>,
        %mul3A_479 = arith.mulf %get3A_400, %min3A_458 : vector<16xf32>
        %swap3A_480 = arith.index_cast %scan3A_382 : i32 to index
        %swap3A_481 = arith.constant 80 : index
        %swap3A_482 = tpu.vector_load %arg8[%swap3A_480, %swap3A_481] {strides = array<i32>} : memref<128x128xf32, #tpu.memory_space<vmem>>, vector<16xf32>,
        tpu.vector_store %arg8[%swap3A_480, %swap3A_481], %mul3A_479 {strides = array<i32>} : memref<128x128xf32, #tpu.memory_space<vmem>>, vector<16xf32>,
        %mul3A_483 = arith.mulf %get3A_403, %min3A_458 : vector<16xf32>
        %swap3A_484 = arith.index_cast %scan3A_382 : i32 to index
        %swap3A_485 = arith.constant 96 : index
        %swap3A_486 = tpu.vector_load %arg8[%swap3A_484, %swap3A_485] {strides = array<i32>} : memref<128x128xf32, #tpu.memory_space<vmem>>, vector<16xf32>,
        tpu.vector_store %arg8[%swap3A_484, %swap3A_485], %mul3A_483 {strides = array<i32>} : memref<128x128xf32, #tpu.memory_space<vmem>>, vector<16xf32>,
        %mul3A_487 = arith.mulf %get3A_406, %min3A_458 : vector<16xf32>
        %swap3A_488 = arith.index_cast %scan3A_382 : i32 to index
        %swap3A_489 = arith.constant 112 : index
        %swap3A_490 = tpu.vector_load %arg8[%swap3A_488, %swap3A_489] {strides = array<i32>} : memref<128x128xf32, #tpu.memory_space<vmem>>, vector<16xf32>,
        tpu.vector_store %arg8[%swap3A_488, %swap3A_489], %mul3A_487 {strides = array<i32>} : memref<128x128xf32, #tpu.memory_space<vmem>>, vector<16xf32>,
        %scan3A_491 = arith.constant 2 : i32
        %scan3A_492 = arith.addi %scan3A_280, %scan3A_491 : i32
        %get3A_493 = arith.index_cast %scan3A_492 : i32 to index
        %get3A_494 = arith.constant 0 : index
        %get3A_495 = tpu.vector_load %arg8[%get3A_493, %get3A_494] {strides = array<i32>} : memref<128x128xf32, #tpu.memory_space<vmem>>, vector<16xf32>,
        %get3A_496 = arith.index_cast %scan3A_492 : i32 to index
        %get3A_497 = arith.constant 16 : index
        %get3A_498 = tpu.vector_load %arg8[%get3A_496, %get3A_497] {strides = array<i32>} : memref<128x128xf32, #tpu.memory_space<vmem>>, vector<16xf32>,
        %get3A_499 = arith.index_cast %scan3A_492 : i32 to index
        %get3A_500 = arith.constant 32 : index
        %get3A_501 = tpu.vector_load %arg8[%get3A_499, %get3A_500] {strides = array<i32>} : memref<128x128xf32, #tpu.memory_space<vmem>>, vector<16xf32>,
        %get3A_502 = arith.index_cast %scan3A_492 : i32 to index
        %get3A_503 = arith.constant 48 : index
        %get3A_504 = tpu.vector_load %arg8[%get3A_502, %get3A_503] {strides = array<i32>} : memref<128x128xf32, #tpu.memory_space<vmem>>, vector<16xf32>,
        %get3A_505 = arith.index_cast %scan3A_492 : i32 to index
        %get3A_506 = arith.constant 64 : index
        %get3A_507 = tpu.vector_load %arg8[%get3A_505, %get3A_506] {strides = array<i32>} : memref<128x128xf32, #tpu.memory_space<vmem>>, vector<16xf32>,
        %get3A_508 = arith.index_cast %scan3A_492 : i32 to index
        %get3A_509 = arith.constant 80 : index
        %get3A_510 = tpu.vector_load %arg8[%get3A_508, %get3A_509] {strides = array<i32>} : memref<128x128xf32, #tpu.memory_space<vmem>>, vector<16xf32>,
        %get3A_511 = arith.index_cast %scan3A_492 : i32 to index
        %get3A_512 = arith.constant 96 : index
        %get3A_513 = tpu.vector_load %arg8[%get3A_511, %get3A_512] {strides = array<i32>} : memref<128x128xf32, #tpu.memory_space<vmem>>, vector<16xf32>,
        %get3A_514 = arith.index_cast %scan3A_492 : i32 to index
        %get3A_515 = arith.constant 112 : index
        %get3A_516 = tpu.vector_load %arg8[%get3A_514, %get3A_515] {strides = array<i32>} : memref<128x128xf32, #tpu.memory_space<vmem>>, vector<16xf32>,
        %mul3A_517 = arith.mulf %get3A_495, %get3A_495 : vector<16xf32>
        %mul3A_518 = arith.mulf %get3A_498, %get3A_498 : vector<16xf32>
        %add3A_519 = arith.addf %mul3A_517, %mul3A_518 : vector<16xf32>
        %mul3A_520 = arith.mulf %get3A_501, %get3A_501 : vector<16xf32>
        %add3A_521 = arith.addf %add3A_519, %mul3A_520 : vector<16xf32>
        %mul3A_522 = arith.mulf %get3A_504, %get3A_504 : vector<16xf32>
        %add3A_523 = arith.addf %add3A_521, %mul3A_522 : vector<16xf32>
        %mul3A_524 = arith.mulf %get3A_507, %get3A_507 : vector<16xf32>
        %add3A_525 = arith.addf %add3A_523, %mul3A_524 : vector<16xf32>
        %mul3A_526 = arith.mulf %get3A_510, %get3A_510 : vector<16xf32>
        %add3A_527 = arith.addf %add3A_525, %mul3A_526 : vector<16xf32>
        %mul3A_528 = arith.mulf %get3A_513, %get3A_513 : vector<16xf32>
        %add3A_529 = arith.addf %add3A_527, %mul3A_528 : vector<16xf32>
        %mul3A_530 = arith.mulf %get3A_516, %get3A_516 : vector<16xf32>
        %add3A_531 = arith.addf %add3A_529, %mul3A_530 : vector<16xf32>
        %reduce_sum3A_532 = arith.constant true
        %reduce_sum3A_533 = vector.broadcast %reduce_sum3A_532 : i1 to vector<16xi1>
        %reduce_sum3A_534 = tpu.scan <sum>, %add3A_531 masked %reduce_sum3A_533 : vector<16xf32>, vector<16xi1> -> vector<16xf32>
        %reduce_sum3A_535 = vector.extract %reduce_sum3A_534[15] : f32 from vector<16xf32>
        %broadcast_in_dim3A_536 = vector.broadcast %reduce_sum3A_535 : f32 to vector<16xf32>
        %max3A_537 = arith.constant 1.000000e-18 : f32
        %max3A_538 = vector.broadcast %max3A_537 : f32 to vector<16xf32>
        %max3A_539 = arith.maximumf %broadcast_in_dim3A_536, %max3A_538 : vector<16xf32>
        %bitcast3A_540 = vector.bitcast %max3A_539 : vector<16xf32> to vector<16xi32>
        %shift_right_arithmetic3A_541 = arith.constant 1 : i32
        %shift_right_arithmetic3A_542 = vector.broadcast %shift_right_arithmetic3A_541 : i32 to vector<16xi32>
        %shift_right_arithmetic3A_543 = arith.shrsi %bitcast3A_540, %shift_right_arithmetic3A_542 : vector<16xi32>
        %sub3A_544 = arith.constant 1597463007 : i32
        %sub3A_545 = vector.broadcast %sub3A_544 : i32 to vector<16xi32>
        %sub3A_546 = arith.subi %sub3A_545, %shift_right_arithmetic3A_543 : vector<16xi32>
        %bitcast3A_547 = vector.bitcast %sub3A_546 : vector<16xi32> to vector<16xf32>
        %mul3A_548 = arith.constant 5.000000e-01 : f32
        %mul3A_549 = vector.broadcast %mul3A_548 : f32 to vector<16xf32>
        %mul3A_550 = arith.mulf %mul3A_549, %max3A_539 : vector<16xf32>
        %mul3A_551 = arith.mulf %mul3A_550, %bitcast3A_547 : vector<16xf32>
        %mul3A_552 = arith.mulf %mul3A_551, %bitcast3A_547 : vector<16xf32>
        %sub3A_553 = arith.constant 1.500000e+00 : f32
        %sub3A_554 = vector.broadcast %sub3A_553 : f32 to vector<16xf32>
        %sub3A_555 = arith.subf %sub3A_554, %mul3A_552 : vector<16xf32>
        %mul3A_556 = arith.mulf %bitcast3A_547, %sub3A_555 : vector<16xf32>
        %mul3A_557 = arith.mulf %mul3A_550, %mul3A_556 : vector<16xf32>
        %mul3A_558 = arith.mulf %mul3A_557, %mul3A_556 : vector<16xf32>
        %sub3A_559 = arith.constant 1.500000e+00 : f32
        %sub3A_560 = vector.broadcast %sub3A_559 : f32 to vector<16xf32>
        %sub3A_561 = arith.subf %sub3A_560, %mul3A_558 : vector<16xf32>
        %mul3A_562 = arith.mulf %mul3A_556, %sub3A_561 : vector<16xf32>
        %mul3A_563 = arith.constant 0.949999988 : f32
        %mul3A_564 = vector.broadcast %mul3A_563 : f32 to vector<16xf32>
        %mul3A_565 = arith.mulf %mul3A_564, %mul3A_562 : vector<16xf32>
        %min3A_566 = arith.constant 1.000000e+00 : f32
        %min3A_567 = vector.broadcast %min3A_566 : f32 to vector<16xf32>
        %min3A_568 = arith.minimumf %mul3A_565, %min3A_567 : vector<16xf32>
        %mul3A_569 = arith.mulf %get3A_495, %min3A_568 : vector<16xf32>
        %swap3A_570 = arith.index_cast %scan3A_492 : i32 to index
        %swap3A_571 = arith.constant 0 : index
        %swap3A_572 = tpu.vector_load %arg8[%swap3A_570, %swap3A_571] {strides = array<i32>} : memref<128x128xf32, #tpu.memory_space<vmem>>, vector<16xf32>,
        tpu.vector_store %arg8[%swap3A_570, %swap3A_571], %mul3A_569 {strides = array<i32>} : memref<128x128xf32, #tpu.memory_space<vmem>>, vector<16xf32>,
        %mul3A_573 = arith.mulf %get3A_498, %min3A_568 : vector<16xf32>
        %swap3A_574 = arith.index_cast %scan3A_492 : i32 to index
        %swap3A_575 = arith.constant 16 : index
        %swap3A_576 = tpu.vector_load %arg8[%swap3A_574, %swap3A_575] {strides = array<i32>} : memref<128x128xf32, #tpu.memory_space<vmem>>, vector<16xf32>,
        tpu.vector_store %arg8[%swap3A_574, %swap3A_575], %mul3A_573 {strides = array<i32>} : memref<128x128xf32, #tpu.memory_space<vmem>>, vector<16xf32>,
        %mul3A_577 = arith.mulf %get3A_501, %min3A_568 : vector<16xf32>
        %swap3A_578 = arith.index_cast %scan3A_492 : i32 to index
        %swap3A_579 = arith.constant 32 : index
        %swap3A_580 = tpu.vector_load %arg8[%swap3A_578, %swap3A_579] {strides = array<i32>} : memref<128x128xf32, #tpu.memory_space<vmem>>, vector<16xf32>,
        tpu.vector_store %arg8[%swap3A_578, %swap3A_579], %mul3A_577 {strides = array<i32>} : memref<128x128xf32, #tpu.memory_space<vmem>>, vector<16xf32>,
        %mul3A_581 = arith.mulf %get3A_504, %min3A_568 : vector<16xf32>
        %swap3A_582 = arith.index_cast %scan3A_492 : i32 to index
        %swap3A_583 = arith.constant 48 : index
        %swap3A_584 = tpu.vector_load %arg8[%swap3A_582, %swap3A_583] {strides = array<i32>} : memref<128x128xf32, #tpu.memory_space<vmem>>, vector<16xf32>,
        tpu.vector_store %arg8[%swap3A_582, %swap3A_583], %mul3A_581 {strides = array<i32>} : memref<128x128xf32, #tpu.memory_space<vmem>>, vector<16xf32>,
        %mul3A_585 = arith.mulf %get3A_507, %min3A_568 : vector<16xf32>
        %swap3A_586 = arith.index_cast %scan3A_492 : i32 to index
        %swap3A_587 = arith.constant 64 : index
        %swap3A_588 = tpu.vector_load %arg8[%swap3A_586, %swap3A_587] {strides = array<i32>} : memref<128x128xf32, #tpu.memory_space<vmem>>, vector<16xf32>,
        tpu.vector_store %arg8[%swap3A_586, %swap3A_587], %mul3A_585 {strides = array<i32>} : memref<128x128xf32, #tpu.memory_space<vmem>>, vector<16xf32>,
        %mul3A_589 = arith.mulf %get3A_510, %min3A_568 : vector<16xf32>
        %swap3A_590 = arith.index_cast %scan3A_492 : i32 to index
        %swap3A_591 = arith.constant 80 : index
        %swap3A_592 = tpu.vector_load %arg8[%swap3A_590, %swap3A_591] {strides = array<i32>} : memref<128x128xf32, #tpu.memory_space<vmem>>, vector<16xf32>,
        tpu.vector_store %arg8[%swap3A_590, %swap3A_591], %mul3A_589 {strides = array<i32>} : memref<128x128xf32, #tpu.memory_space<vmem>>, vector<16xf32>,
        %mul3A_593 = arith.mulf %get3A_513, %min3A_568 : vector<16xf32>
        %swap3A_594 = arith.index_cast %scan3A_492 : i32 to index
        %swap3A_595 = arith.constant 96 : index
        %swap3A_596 = tpu.vector_load %arg8[%swap3A_594, %swap3A_595] {strides = array<i32>} : memref<128x128xf32, #tpu.memory_space<vmem>>, vector<16xf32>,
        tpu.vector_store %arg8[%swap3A_594, %swap3A_595], %mul3A_593 {strides = array<i32>} : memref<128x128xf32, #tpu.memory_space<vmem>>, vector<16xf32>,
        %mul3A_597 = arith.mulf %get3A_516, %min3A_568 : vector<16xf32>
        %swap3A_598 = arith.index_cast %scan3A_492 : i32 to index
        %swap3A_599 = arith.constant 112 : index
        %swap3A_600 = tpu.vector_load %arg8[%swap3A_598, %swap3A_599] {strides = array<i32>} : memref<128x128xf32, #tpu.memory_space<vmem>>, vector<16xf32>,
        tpu.vector_store %arg8[%swap3A_598, %swap3A_599], %mul3A_597 {strides = array<i32>} : memref<128x128xf32, #tpu.memory_space<vmem>>, vector<16xf32>,
        %scan3A_601 = arith.constant 3 : i32
        %scan3A_602 = arith.addi %scan3A_280, %scan3A_601 : i32
        %get3A_603 = arith.index_cast %scan3A_602 : i32 to index
        %get3A_604 = arith.constant 0 : index
        %get3A_605 = tpu.vector_load %arg8[%get3A_603, %get3A_604] {strides = array<i32>} : memref<128x128xf32, #tpu.memory_space<vmem>>, vector<16xf32>,
        %get3A_606 = arith.index_cast %scan3A_602 : i32 to index
        %get3A_607 = arith.constant 16 : index
        %get3A_608 = tpu.vector_load %arg8[%get3A_606, %get3A_607] {strides = array<i32>} : memref<128x128xf32, #tpu.memory_space<vmem>>, vector<16xf32>,
        %get3A_609 = arith.index_cast %scan3A_602 : i32 to index
        %get3A_610 = arith.constant 32 : index
        %get3A_611 = tpu.vector_load %arg8[%get3A_609, %get3A_610] {strides = array<i32>} : memref<128x128xf32, #tpu.memory_space<vmem>>, vector<16xf32>,
        %get3A_612 = arith.index_cast %scan3A_602 : i32 to index
        %get3A_613 = arith.constant 48 : index
        %get3A_614 = tpu.vector_load %arg8[%get3A_612, %get3A_613] {strides = array<i32>} : memref<128x128xf32, #tpu.memory_space<vmem>>, vector<16xf32>,
        %get3A_615 = arith.index_cast %scan3A_602 : i32 to index
        %get3A_616 = arith.constant 64 : index
        %get3A_617 = tpu.vector_load %arg8[%get3A_615, %get3A_616] {strides = array<i32>} : memref<128x128xf32, #tpu.memory_space<vmem>>, vector<16xf32>,
        %get3A_618 = arith.index_cast %scan3A_602 : i32 to index
        %get3A_619 = arith.constant 80 : index
        %get3A_620 = tpu.vector_load %arg8[%get3A_618, %get3A_619] {strides = array<i32>} : memref<128x128xf32, #tpu.memory_space<vmem>>, vector<16xf32>,
        %get3A_621 = arith.index_cast %scan3A_602 : i32 to index
        %get3A_622 = arith.constant 96 : index
        %get3A_623 = tpu.vector_load %arg8[%get3A_621, %get3A_622] {strides = array<i32>} : memref<128x128xf32, #tpu.memory_space<vmem>>, vector<16xf32>,
        %get3A_624 = arith.index_cast %scan3A_602 : i32 to index
        %get3A_625 = arith.constant 112 : index
        %get3A_626 = tpu.vector_load %arg8[%get3A_624, %get3A_625] {strides = array<i32>} : memref<128x128xf32, #tpu.memory_space<vmem>>, vector<16xf32>,
        %mul3A_627 = arith.mulf %get3A_605, %get3A_605 : vector<16xf32>
        %mul3A_628 = arith.mulf %get3A_608, %get3A_608 : vector<16xf32>
        %add3A_629 = arith.addf %mul3A_627, %mul3A_628 : vector<16xf32>
        %mul3A_630 = arith.mulf %get3A_611, %get3A_611 : vector<16xf32>
        %add3A_631 = arith.addf %add3A_629, %mul3A_630 : vector<16xf32>
        %mul3A_632 = arith.mulf %get3A_614, %get3A_614 : vector<16xf32>
        %add3A_633 = arith.addf %add3A_631, %mul3A_632 : vector<16xf32>
        %mul3A_634 = arith.mulf %get3A_617, %get3A_617 : vector<16xf32>
        %add3A_635 = arith.addf %add3A_633, %mul3A_634 : vector<16xf32>
        %mul3A_636 = arith.mulf %get3A_620, %get3A_620 : vector<16xf32>
        %add3A_637 = arith.addf %add3A_635, %mul3A_636 : vector<16xf32>
        %mul3A_638 = arith.mulf %get3A_623, %get3A_623 : vector<16xf32>
        %add3A_639 = arith.addf %add3A_637, %mul3A_638 : vector<16xf32>
        %mul3A_640 = arith.mulf %get3A_626, %get3A_626 : vector<16xf32>
        %add3A_641 = arith.addf %add3A_639, %mul3A_640 : vector<16xf32>
        %reduce_sum3A_642 = arith.constant true
        %reduce_sum3A_643 = vector.broadcast %reduce_sum3A_642 : i1 to vector<16xi1>
        %reduce_sum3A_644 = tpu.scan <sum>, %add3A_641 masked %reduce_sum3A_643 : vector<16xf32>, vector<16xi1> -> vector<16xf32>
        %reduce_sum3A_645 = vector.extract %reduce_sum3A_644[15] : f32 from vector<16xf32>
        %broadcast_in_dim3A_646 = vector.broadcast %reduce_sum3A_645 : f32 to vector<16xf32>
        %max3A_647 = arith.constant 1.000000e-18 : f32
        %max3A_648 = vector.broadcast %max3A_647 : f32 to vector<16xf32>
        %max3A_649 = arith.maximumf %broadcast_in_dim3A_646, %max3A_648 : vector<16xf32>
        %bitcast3A_650 = vector.bitcast %max3A_649 : vector<16xf32> to vector<16xi32>
        %shift_right_arithmetic3A_651 = arith.constant 1 : i32
        %shift_right_arithmetic3A_652 = vector.broadcast %shift_right_arithmetic3A_651 : i32 to vector<16xi32>
        %shift_right_arithmetic3A_653 = arith.shrsi %bitcast3A_650, %shift_right_arithmetic3A_652 : vector<16xi32>
        %sub3A_654 = arith.constant 1597463007 : i32
        %sub3A_655 = vector.broadcast %sub3A_654 : i32 to vector<16xi32>
        %sub3A_656 = arith.subi %sub3A_655, %shift_right_arithmetic3A_653 : vector<16xi32>
        %bitcast3A_657 = vector.bitcast %sub3A_656 : vector<16xi32> to vector<16xf32>
        %mul3A_658 = arith.constant 5.000000e-01 : f32
        %mul3A_659 = vector.broadcast %mul3A_658 : f32 to vector<16xf32>
        %mul3A_660 = arith.mulf %mul3A_659, %max3A_649 : vector<16xf32>
        %mul3A_661 = arith.mulf %mul3A_660, %bitcast3A_657 : vector<16xf32>
        %mul3A_662 = arith.mulf %mul3A_661, %bitcast3A_657 : vector<16xf32>
        %sub3A_663 = arith.constant 1.500000e+00 : f32
        %sub3A_664 = vector.broadcast %sub3A_663 : f32 to vector<16xf32>
        %sub3A_665 = arith.subf %sub3A_664, %mul3A_662 : vector<16xf32>
        %mul3A_666 = arith.mulf %bitcast3A_657, %sub3A_665 : vector<16xf32>
        %mul3A_667 = arith.mulf %mul3A_660, %mul3A_666 : vector<16xf32>
        %mul3A_668 = arith.mulf %mul3A_667, %mul3A_666 : vector<16xf32>
        %sub3A_669 = arith.constant 1.500000e+00 : f32
        %sub3A_670 = vector.broadcast %sub3A_669 : f32 to vector<16xf32>
        %sub3A_671 = arith.subf %sub3A_670, %mul3A_668 : vector<16xf32>
        %mul3A_672 = arith.mulf %mul3A_666, %sub3A_671 : vector<16xf32>
        %mul3A_673 = arith.constant 0.949999988 : f32
        %mul3A_674 = vector.broadcast %mul3A_673 : f32 to vector<16xf32>
        %mul3A_675 = arith.mulf %mul3A_674, %mul3A_672 : vector<16xf32>
        %min3A_676 = arith.constant 1.000000e+00 : f32
        %min3A_677 = vector.broadcast %min3A_676 : f32 to vector<16xf32>
        %min3A_678 = arith.minimumf %mul3A_675, %min3A_677 : vector<16xf32>
        %mul3A_679 = arith.mulf %get3A_605, %min3A_678 : vector<16xf32>
        %swap3A_680 = arith.index_cast %scan3A_602 : i32 to index
        %swap3A_681 = arith.constant 0 : index
        %swap3A_682 = tpu.vector_load %arg8[%swap3A_680, %swap3A_681] {strides = array<i32>} : memref<128x128xf32, #tpu.memory_space<vmem>>, vector<16xf32>,
        tpu.vector_store %arg8[%swap3A_680, %swap3A_681], %mul3A_679 {strides = array<i32>} : memref<128x128xf32, #tpu.memory_space<vmem>>, vector<16xf32>,
        %mul3A_683 = arith.mulf %get3A_608, %min3A_678 : vector<16xf32>
        %swap3A_684 = arith.index_cast %scan3A_602 : i32 to index
        %swap3A_685 = arith.constant 16 : index
        %swap3A_686 = tpu.vector_load %arg8[%swap3A_684, %swap3A_685] {strides = array<i32>} : memref<128x128xf32, #tpu.memory_space<vmem>>, vector<16xf32>,
        tpu.vector_store %arg8[%swap3A_684, %swap3A_685], %mul3A_683 {strides = array<i32>} : memref<128x128xf32, #tpu.memory_space<vmem>>, vector<16xf32>,
        %mul3A_687 = arith.mulf %get3A_611, %min3A_678 : vector<16xf32>
        %swap3A_688 = arith.index_cast %scan3A_602 : i32 to index
        %swap3A_689 = arith.constant 32 : index
        %swap3A_690 = tpu.vector_load %arg8[%swap3A_688, %swap3A_689] {strides = array<i32>} : memref<128x128xf32, #tpu.memory_space<vmem>>, vector<16xf32>,
        tpu.vector_store %arg8[%swap3A_688, %swap3A_689], %mul3A_687 {strides = array<i32>} : memref<128x128xf32, #tpu.memory_space<vmem>>, vector<16xf32>,
        %mul3A_691 = arith.mulf %get3A_614, %min3A_678 : vector<16xf32>
        %swap3A_692 = arith.index_cast %scan3A_602 : i32 to index
        %swap3A_693 = arith.constant 48 : index
        %swap3A_694 = tpu.vector_load %arg8[%swap3A_692, %swap3A_693] {strides = array<i32>} : memref<128x128xf32, #tpu.memory_space<vmem>>, vector<16xf32>,
        tpu.vector_store %arg8[%swap3A_692, %swap3A_693], %mul3A_691 {strides = array<i32>} : memref<128x128xf32, #tpu.memory_space<vmem>>, vector<16xf32>,
        %mul3A_695 = arith.mulf %get3A_617, %min3A_678 : vector<16xf32>
        %swap3A_696 = arith.index_cast %scan3A_602 : i32 to index
        %swap3A_697 = arith.constant 64 : index
        %swap3A_698 = tpu.vector_load %arg8[%swap3A_696, %swap3A_697] {strides = array<i32>} : memref<128x128xf32, #tpu.memory_space<vmem>>, vector<16xf32>,
        tpu.vector_store %arg8[%swap3A_696, %swap3A_697], %mul3A_695 {strides = array<i32>} : memref<128x128xf32, #tpu.memory_space<vmem>>, vector<16xf32>,
        %mul3A_699 = arith.mulf %get3A_620, %min3A_678 : vector<16xf32>
        %swap3A_700 = arith.index_cast %scan3A_602 : i32 to index
        %swap3A_701 = arith.constant 80 : index
        %swap3A_702 = tpu.vector_load %arg8[%swap3A_700, %swap3A_701] {strides = array<i32>} : memref<128x128xf32, #tpu.memory_space<vmem>>, vector<16xf32>,
        tpu.vector_store %arg8[%swap3A_700, %swap3A_701], %mul3A_699 {strides = array<i32>} : memref<128x128xf32, #tpu.memory_space<vmem>>, vector<16xf32>,
        %mul3A_703 = arith.mulf %get3A_623, %min3A_678 : vector<16xf32>
        %swap3A_704 = arith.index_cast %scan3A_602 : i32 to index
        %swap3A_705 = arith.constant 96 : index
        %swap3A_706 = tpu.vector_load %arg8[%swap3A_704, %swap3A_705] {strides = array<i32>} : memref<128x128xf32, #tpu.memory_space<vmem>>, vector<16xf32>,
        tpu.vector_store %arg8[%swap3A_704, %swap3A_705], %mul3A_703 {strides = array<i32>} : memref<128x128xf32, #tpu.memory_space<vmem>>, vector<16xf32>,
        %mul3A_707 = arith.mulf %get3A_626, %min3A_678 : vector<16xf32>
        %swap3A_708 = arith.index_cast %scan3A_602 : i32 to index
        %swap3A_709 = arith.constant 112 : index
        %swap3A_710 = tpu.vector_load %arg8[%swap3A_708, %swap3A_709] {strides = array<i32>} : memref<128x128xf32, #tpu.memory_space<vmem>>, vector<16xf32>,
        tpu.vector_store %arg8[%swap3A_708, %swap3A_709], %mul3A_707 {strides = array<i32>} : memref<128x128xf32, #tpu.memory_space<vmem>>, vector<16xf32>,
      }
      %scan3A_167 = arith.constant 128 : i32
      %mul3A_168 = arith.constant 128 : i32
      %mul3A_169 = arith.muli %add3A_155, %mul3A_168 : i32
      %add3A_170 = arith.addi %mul3A_2, %mul3A_169 : i32
      %dma_start3A_171 = arith.constant 0 : i32
      %dma_start3A_172 = tpu.memref_slice %arg4[%add3A_170, %dma_start3A_171] : memref<204800x128xf32, #tpu.memory_space<hbm>> -> memref<128x128xf32, #tpu.memory_space<hbm>>
      %dma_start3A_173 = arith.constant 0 : i32
      %dma_start3A_174 = tpu.memref_slice %arg4[%add3A_170, %dma_start3A_173] : memref<204800x128xf32, #tpu.memory_space<hbm>> -> memref<128x128xf32, #tpu.memory_space<hbm>>
      tpu.enqueue_dma source(%arg8 : memref<128x128xf32, #tpu.memory_space<vmem>>) target(%dma_start3A_174 : memref<128x128xf32, #tpu.memory_space<hbm>>) target_semaphore(%arg20 : memref<!tpu.dma_semaphore, #tpu.memory_space<semaphore_mem>>)
      %add3A_175 = arith.constant 3 : i32
      %add3A_176 = arith.addi %add3A_155, %add3A_175 : i32
      %sub3A_177 = arith.constant 6 : i32
      %sub3A_178 = arith.subi %add3A_176, %sub3A_177 : i32
      %lt3A_179 = arith.constant 50 : i32
      %lt3A_180 = arith.cmpi slt, %add3A_176, %lt3A_179 : i32
      %convert_element_type3A_181 = arith.extui %lt3A_180 : i1 to i32
      %cond3A_182 = arith.constant 0 : i32
      %cond3A_183 = arith.cmpi ne, %convert_element_type3A_181, %cond3A_182 : i32
      scf.if %cond3A_183 {
        %ge3A = arith.constant 0 : i32
        %ge3A_280 = arith.cmpi sge, %sub3A_178, %ge3A : i32
        %convert_element_type3A_281 = arith.extui %ge3A_280 : i1 to i32
        %cond3A_282 = arith.constant 0 : i32
        %cond3A_283 = arith.cmpi ne, %convert_element_type3A_281, %cond3A_282 : i32
        scf.if %cond3A_283 {
          %mul3A_290 = arith.constant 128 : i32
          %mul3A_291 = arith.muli %sub3A_178, %mul3A_290 : i32
          %add3A_292 = arith.addi %mul3A_2, %mul3A_291 : i32
          %dma_wait3A_293 = arith.constant 0 : i32
          %dma_wait3A_294 = tpu.memref_slice %arg4[%add3A_292, %dma_wait3A_293] : memref<204800x128xf32, #tpu.memory_space<hbm>> -> memref<128x128xf32, #tpu.memory_space<hbm>>
          %dma_wait3A_295 = arith.constant 0 : i32
          %dma_wait3A_296 = tpu.memref_slice %arg4[%add3A_292, %dma_wait3A_295] : memref<204800x128xf32, #tpu.memory_space<hbm>> -> memref<128x128xf32, #tpu.memory_space<hbm>>
          tpu.wait_dma2 semaphore(%arg23 : memref<!tpu.dma_semaphore, #tpu.memory_space<semaphore_mem>>) src(%arg11 : memref<128x128xf32, #tpu.memory_space<vmem>>) dst(%dma_wait3A_296 : memref<128x128xf32, #tpu.memory_space<hbm>>)
        } else {
        }
        %mul3A_284 = arith.constant 128 : i32
        %mul3A_285 = arith.muli %add3A_176, %mul3A_284 : i32
        %dma_start3A_286 = tpu.memref_slice %arg5[%mul3A_285] : memref<6400xi32, #tpu.memory_space<vmem>> -> memref<128xi32, #tpu.memory_space<vmem>>
        %dma_start3A_287 = arith.constant 0 : i32
        %dma_start3A_288 = arith.constant 0 : i32
        %dma_start3A_289 = tpu.memref_slice %arg3[%dma_start3A_287, %dma_start3A_288] : memref<100000x128xf32, #tpu.memory_space<hbm>> -> memref<100000x128xf32, #tpu.memory_space<hbm>>
        tpu.enqueue_indirect_dma source(%dma_start3A_289 : memref<100000x128xf32, #tpu.memory_space<hbm>>) target(%arg11 : memref<128x128xf32, #tpu.memory_space<vmem>>) offsets(%dma_start3A_286 : memref<128xi32, #tpu.memory_space<vmem>>) semaphore(%arg17 : memref<!tpu.dma_semaphore, #tpu.memory_space<semaphore_mem>>)
      } else {
      }
      %mul3A_184 = arith.constant 6 : i32
      %mul3A_185 = arith.muli %mul3A_184, %scan3A_91 : i32
      %add3A_186 = arith.constant 3 : i32
      %add3A_187 = arith.addi %mul3A_185, %add3A_186 : i32
      %mul3A_188 = arith.constant 128 : i32
      %mul3A_189 = arith.muli %add3A_187, %mul3A_188 : i32
      %dma_wait3A_190 = tpu.memref_slice %arg5[%mul3A_189] : memref<6400xi32, #tpu.memory_space<vmem>> -> memref<128xi32, #tpu.memory_space<vmem>>
      %dma_wait3A_191 = arith.constant 0 : i32
      %dma_wait3A_192 = arith.constant 0 : i32
      %dma_wait3A_193 = tpu.memref_slice %arg3[%dma_wait3A_191, %dma_wait3A_192] : memref<100000x128xf32, #tpu.memory_space<hbm>> -> memref<100000x128xf32, #tpu.memory_space<hbm>>
      tpu.wait_indirect_dma semaphore(%arg15 : memref<!tpu.dma_semaphore, #tpu.memory_space<semaphore_mem>>) src(%dma_wait3A_193 : memref<100000x128xf32, #tpu.memory_space<hbm>>) dst(%arg9 : memref<128x128xf32, #tpu.memory_space<vmem>>)
      %scan3A_194 = arith.constant 0 : i32
      %scan3A_195 = arith.constant 0 : i32
      %scan3A_196 = arith.constant 128 : i32
      %scan3A_197 = arith.addi %scan3A_195, %scan3A_196 : i32
      %scan3A_198 = arith.constant 4 : i32
      scf.for %scan3A_280 = %scan3A_195 to %scan3A_197 step %scan3A_198  : i32 {
        %get3A = arith.index_cast %scan3A_280 : i32 to index
        %get3A_281 = arith.constant 0 : index
        %get3A_282 = tpu.vector_load %arg9[%get3A, %get3A_281] {strides = array<i32>} : memref<128x128xf32, #tpu.memory_space<vmem>>, vector<16xf32>,
        %get3A_283 = arith.index_cast %scan3A_280 : i32 to index
        %get3A_284 = arith.constant 16 : index
        %get3A_285 = tpu.vector_load %arg9[%get3A_283, %get3A_284] {strides = array<i32>} : memref<128x128xf32, #tpu.memory_space<vmem>>, vector<16xf32>,
        %get3A_286 = arith.index_cast %scan3A_280 : i32 to index
        %get3A_287 = arith.constant 32 : index
        %get3A_288 = tpu.vector_load %arg9[%get3A_286, %get3A_287] {strides = array<i32>} : memref<128x128xf32, #tpu.memory_space<vmem>>, vector<16xf32>,
        %get3A_289 = arith.index_cast %scan3A_280 : i32 to index
        %get3A_290 = arith.constant 48 : index
        %get3A_291 = tpu.vector_load %arg9[%get3A_289, %get3A_290] {strides = array<i32>} : memref<128x128xf32, #tpu.memory_space<vmem>>, vector<16xf32>,
        %get3A_292 = arith.index_cast %scan3A_280 : i32 to index
        %get3A_293 = arith.constant 64 : index
        %get3A_294 = tpu.vector_load %arg9[%get3A_292, %get3A_293] {strides = array<i32>} : memref<128x128xf32, #tpu.memory_space<vmem>>, vector<16xf32>,
        %get3A_295 = arith.index_cast %scan3A_280 : i32 to index
        %get3A_296 = arith.constant 80 : index
        %get3A_297 = tpu.vector_load %arg9[%get3A_295, %get3A_296] {strides = array<i32>} : memref<128x128xf32, #tpu.memory_space<vmem>>, vector<16xf32>,
        %get3A_298 = arith.index_cast %scan3A_280 : i32 to index
        %get3A_299 = arith.constant 96 : index
        %get3A_300 = tpu.vector_load %arg9[%get3A_298, %get3A_299] {strides = array<i32>} : memref<128x128xf32, #tpu.memory_space<vmem>>, vector<16xf32>,
        %get3A_301 = arith.index_cast %scan3A_280 : i32 to index
        %get3A_302 = arith.constant 112 : index
        %get3A_303 = tpu.vector_load %arg9[%get3A_301, %get3A_302] {strides = array<i32>} : memref<128x128xf32, #tpu.memory_space<vmem>>, vector<16xf32>,
        %mul3A_304 = arith.mulf %get3A_282, %get3A_282 : vector<16xf32>
        %mul3A_305 = arith.mulf %get3A_285, %get3A_285 : vector<16xf32>
        %add3A_306 = arith.addf %mul3A_304, %mul3A_305 : vector<16xf32>
        %mul3A_307 = arith.mulf %get3A_288, %get3A_288 : vector<16xf32>
        %add3A_308 = arith.addf %add3A_306, %mul3A_307 : vector<16xf32>
        %mul3A_309 = arith.mulf %get3A_291, %get3A_291 : vector<16xf32>
        %add3A_310 = arith.addf %add3A_308, %mul3A_309 : vector<16xf32>
        %mul3A_311 = arith.mulf %get3A_294, %get3A_294 : vector<16xf32>
        %add3A_312 = arith.addf %add3A_310, %mul3A_311 : vector<16xf32>
        %mul3A_313 = arith.mulf %get3A_297, %get3A_297 : vector<16xf32>
        %add3A_314 = arith.addf %add3A_312, %mul3A_313 : vector<16xf32>
        %mul3A_315 = arith.mulf %get3A_300, %get3A_300 : vector<16xf32>
        %add3A_316 = arith.addf %add3A_314, %mul3A_315 : vector<16xf32>
        %mul3A_317 = arith.mulf %get3A_303, %get3A_303 : vector<16xf32>
        %add3A_318 = arith.addf %add3A_316, %mul3A_317 : vector<16xf32>
        %reduce_sum3A = arith.constant true
        %reduce_sum3A_319 = vector.broadcast %reduce_sum3A : i1 to vector<16xi1>
        %reduce_sum3A_320 = tpu.scan <sum>, %add3A_318 masked %reduce_sum3A_319 : vector<16xf32>, vector<16xi1> -> vector<16xf32>
        %reduce_sum3A_321 = vector.extract %reduce_sum3A_320[15] : f32 from vector<16xf32>
        %broadcast_in_dim3A = vector.broadcast %reduce_sum3A_321 : f32 to vector<16xf32>
        %max3A = arith.constant 1.000000e-18 : f32
        %max3A_322 = vector.broadcast %max3A : f32 to vector<16xf32>
        %max3A_323 = arith.maximumf %broadcast_in_dim3A, %max3A_322 : vector<16xf32>
        %bitcast3A = vector.bitcast %max3A_323 : vector<16xf32> to vector<16xi32>
        %shift_right_arithmetic3A = arith.constant 1 : i32
        %shift_right_arithmetic3A_324 = vector.broadcast %shift_right_arithmetic3A : i32 to vector<16xi32>
        %shift_right_arithmetic3A_325 = arith.shrsi %bitcast3A, %shift_right_arithmetic3A_324 : vector<16xi32>
        %sub3A_326 = arith.constant 1597463007 : i32
        %sub3A_327 = vector.broadcast %sub3A_326 : i32 to vector<16xi32>
        %sub3A_328 = arith.subi %sub3A_327, %shift_right_arithmetic3A_325 : vector<16xi32>
        %bitcast3A_329 = vector.bitcast %sub3A_328 : vector<16xi32> to vector<16xf32>
        %mul3A_330 = arith.constant 5.000000e-01 : f32
        %mul3A_331 = vector.broadcast %mul3A_330 : f32 to vector<16xf32>
        %mul3A_332 = arith.mulf %mul3A_331, %max3A_323 : vector<16xf32>
        %mul3A_333 = arith.mulf %mul3A_332, %bitcast3A_329 : vector<16xf32>
        %mul3A_334 = arith.mulf %mul3A_333, %bitcast3A_329 : vector<16xf32>
        %sub3A_335 = arith.constant 1.500000e+00 : f32
        %sub3A_336 = vector.broadcast %sub3A_335 : f32 to vector<16xf32>
        %sub3A_337 = arith.subf %sub3A_336, %mul3A_334 : vector<16xf32>
        %mul3A_338 = arith.mulf %bitcast3A_329, %sub3A_337 : vector<16xf32>
        %mul3A_339 = arith.mulf %mul3A_332, %mul3A_338 : vector<16xf32>
        %mul3A_340 = arith.mulf %mul3A_339, %mul3A_338 : vector<16xf32>
        %sub3A_341 = arith.constant 1.500000e+00 : f32
        %sub3A_342 = vector.broadcast %sub3A_341 : f32 to vector<16xf32>
        %sub3A_343 = arith.subf %sub3A_342, %mul3A_340 : vector<16xf32>
        %mul3A_344 = arith.mulf %mul3A_338, %sub3A_343 : vector<16xf32>
        %mul3A_345 = arith.constant 0.949999988 : f32
        %mul3A_346 = vector.broadcast %mul3A_345 : f32 to vector<16xf32>
        %mul3A_347 = arith.mulf %mul3A_346, %mul3A_344 : vector<16xf32>
        %min3A = arith.constant 1.000000e+00 : f32
        %min3A_348 = vector.broadcast %min3A : f32 to vector<16xf32>
        %min3A_349 = arith.minimumf %mul3A_347, %min3A_348 : vector<16xf32>
        %mul3A_350 = arith.mulf %get3A_282, %min3A_349 : vector<16xf32>
        %swap3A = arith.index_cast %scan3A_280 : i32 to index
        %swap3A_351 = arith.constant 0 : index
        %swap3A_352 = tpu.vector_load %arg9[%swap3A, %swap3A_351] {strides = array<i32>} : memref<128x128xf32, #tpu.memory_space<vmem>>, vector<16xf32>,
        tpu.vector_store %arg9[%swap3A, %swap3A_351], %mul3A_350 {strides = array<i32>} : memref<128x128xf32, #tpu.memory_space<vmem>>, vector<16xf32>,
        %mul3A_353 = arith.mulf %get3A_285, %min3A_349 : vector<16xf32>
        %swap3A_354 = arith.index_cast %scan3A_280 : i32 to index
        %swap3A_355 = arith.constant 16 : index
        %swap3A_356 = tpu.vector_load %arg9[%swap3A_354, %swap3A_355] {strides = array<i32>} : memref<128x128xf32, #tpu.memory_space<vmem>>, vector<16xf32>,
        tpu.vector_store %arg9[%swap3A_354, %swap3A_355], %mul3A_353 {strides = array<i32>} : memref<128x128xf32, #tpu.memory_space<vmem>>, vector<16xf32>,
        %mul3A_357 = arith.mulf %get3A_288, %min3A_349 : vector<16xf32>
        %swap3A_358 = arith.index_cast %scan3A_280 : i32 to index
        %swap3A_359 = arith.constant 32 : index
        %swap3A_360 = tpu.vector_load %arg9[%swap3A_358, %swap3A_359] {strides = array<i32>} : memref<128x128xf32, #tpu.memory_space<vmem>>, vector<16xf32>,
        tpu.vector_store %arg9[%swap3A_358, %swap3A_359], %mul3A_357 {strides = array<i32>} : memref<128x128xf32, #tpu.memory_space<vmem>>, vector<16xf32>,
        %mul3A_361 = arith.mulf %get3A_291, %min3A_349 : vector<16xf32>
        %swap3A_362 = arith.index_cast %scan3A_280 : i32 to index
        %swap3A_363 = arith.constant 48 : index
        %swap3A_364 = tpu.vector_load %arg9[%swap3A_362, %swap3A_363] {strides = array<i32>} : memref<128x128xf32, #tpu.memory_space<vmem>>, vector<16xf32>,
        tpu.vector_store %arg9[%swap3A_362, %swap3A_363], %mul3A_361 {strides = array<i32>} : memref<128x128xf32, #tpu.memory_space<vmem>>, vector<16xf32>,
        %mul3A_365 = arith.mulf %get3A_294, %min3A_349 : vector<16xf32>
        %swap3A_366 = arith.index_cast %scan3A_280 : i32 to index
        %swap3A_367 = arith.constant 64 : index
        %swap3A_368 = tpu.vector_load %arg9[%swap3A_366, %swap3A_367] {strides = array<i32>} : memref<128x128xf32, #tpu.memory_space<vmem>>, vector<16xf32>,
        tpu.vector_store %arg9[%swap3A_366, %swap3A_367], %mul3A_365 {strides = array<i32>} : memref<128x128xf32, #tpu.memory_space<vmem>>, vector<16xf32>,
        %mul3A_369 = arith.mulf %get3A_297, %min3A_349 : vector<16xf32>
        %swap3A_370 = arith.index_cast %scan3A_280 : i32 to index
        %swap3A_371 = arith.constant 80 : index
        %swap3A_372 = tpu.vector_load %arg9[%swap3A_370, %swap3A_371] {strides = array<i32>} : memref<128x128xf32, #tpu.memory_space<vmem>>, vector<16xf32>,
        tpu.vector_store %arg9[%swap3A_370, %swap3A_371], %mul3A_369 {strides = array<i32>} : memref<128x128xf32, #tpu.memory_space<vmem>>, vector<16xf32>,
        %mul3A_373 = arith.mulf %get3A_300, %min3A_349 : vector<16xf32>
        %swap3A_374 = arith.index_cast %scan3A_280 : i32 to index
        %swap3A_375 = arith.constant 96 : index
        %swap3A_376 = tpu.vector_load %arg9[%swap3A_374, %swap3A_375] {strides = array<i32>} : memref<128x128xf32, #tpu.memory_space<vmem>>, vector<16xf32>,
        tpu.vector_store %arg9[%swap3A_374, %swap3A_375], %mul3A_373 {strides = array<i32>} : memref<128x128xf32, #tpu.memory_space<vmem>>, vector<16xf32>,
        %mul3A_377 = arith.mulf %get3A_303, %min3A_349 : vector<16xf32>
        %swap3A_378 = arith.index_cast %scan3A_280 : i32 to index
        %swap3A_379 = arith.constant 112 : index
        %swap3A_380 = tpu.vector_load %arg9[%swap3A_378, %swap3A_379] {strides = array<i32>} : memref<128x128xf32, #tpu.memory_space<vmem>>, vector<16xf32>,
        tpu.vector_store %arg9[%swap3A_378, %swap3A_379], %mul3A_377 {strides = array<i32>} : memref<128x128xf32, #tpu.memory_space<vmem>>, vector<16xf32>,
        %scan3A_381 = arith.constant 1 : i32
        %scan3A_382 = arith.addi %scan3A_280, %scan3A_381 : i32
        %get3A_383 = arith.index_cast %scan3A_382 : i32 to index
        %get3A_384 = arith.constant 0 : index
        %get3A_385 = tpu.vector_load %arg9[%get3A_383, %get3A_384] {strides = array<i32>} : memref<128x128xf32, #tpu.memory_space<vmem>>, vector<16xf32>,
        %get3A_386 = arith.index_cast %scan3A_382 : i32 to index
        %get3A_387 = arith.constant 16 : index
        %get3A_388 = tpu.vector_load %arg9[%get3A_386, %get3A_387] {strides = array<i32>} : memref<128x128xf32, #tpu.memory_space<vmem>>, vector<16xf32>,
        %get3A_389 = arith.index_cast %scan3A_382 : i32 to index
        %get3A_390 = arith.constant 32 : index
        %get3A_391 = tpu.vector_load %arg9[%get3A_389, %get3A_390] {strides = array<i32>} : memref<128x128xf32, #tpu.memory_space<vmem>>, vector<16xf32>,
        %get3A_392 = arith.index_cast %scan3A_382 : i32 to index
        %get3A_393 = arith.constant 48 : index
        %get3A_394 = tpu.vector_load %arg9[%get3A_392, %get3A_393] {strides = array<i32>} : memref<128x128xf32, #tpu.memory_space<vmem>>, vector<16xf32>,
        %get3A_395 = arith.index_cast %scan3A_382 : i32 to index
        %get3A_396 = arith.constant 64 : index
        %get3A_397 = tpu.vector_load %arg9[%get3A_395, %get3A_396] {strides = array<i32>} : memref<128x128xf32, #tpu.memory_space<vmem>>, vector<16xf32>,
        %get3A_398 = arith.index_cast %scan3A_382 : i32 to index
        %get3A_399 = arith.constant 80 : index
        %get3A_400 = tpu.vector_load %arg9[%get3A_398, %get3A_399] {strides = array<i32>} : memref<128x128xf32, #tpu.memory_space<vmem>>, vector<16xf32>,
        %get3A_401 = arith.index_cast %scan3A_382 : i32 to index
        %get3A_402 = arith.constant 96 : index
        %get3A_403 = tpu.vector_load %arg9[%get3A_401, %get3A_402] {strides = array<i32>} : memref<128x128xf32, #tpu.memory_space<vmem>>, vector<16xf32>,
        %get3A_404 = arith.index_cast %scan3A_382 : i32 to index
        %get3A_405 = arith.constant 112 : index
        %get3A_406 = tpu.vector_load %arg9[%get3A_404, %get3A_405] {strides = array<i32>} : memref<128x128xf32, #tpu.memory_space<vmem>>, vector<16xf32>,
        %mul3A_407 = arith.mulf %get3A_385, %get3A_385 : vector<16xf32>
        %mul3A_408 = arith.mulf %get3A_388, %get3A_388 : vector<16xf32>
        %add3A_409 = arith.addf %mul3A_407, %mul3A_408 : vector<16xf32>
        %mul3A_410 = arith.mulf %get3A_391, %get3A_391 : vector<16xf32>
        %add3A_411 = arith.addf %add3A_409, %mul3A_410 : vector<16xf32>
        %mul3A_412 = arith.mulf %get3A_394, %get3A_394 : vector<16xf32>
        %add3A_413 = arith.addf %add3A_411, %mul3A_412 : vector<16xf32>
        %mul3A_414 = arith.mulf %get3A_397, %get3A_397 : vector<16xf32>
        %add3A_415 = arith.addf %add3A_413, %mul3A_414 : vector<16xf32>
        %mul3A_416 = arith.mulf %get3A_400, %get3A_400 : vector<16xf32>
        %add3A_417 = arith.addf %add3A_415, %mul3A_416 : vector<16xf32>
        %mul3A_418 = arith.mulf %get3A_403, %get3A_403 : vector<16xf32>
        %add3A_419 = arith.addf %add3A_417, %mul3A_418 : vector<16xf32>
        %mul3A_420 = arith.mulf %get3A_406, %get3A_406 : vector<16xf32>
        %add3A_421 = arith.addf %add3A_419, %mul3A_420 : vector<16xf32>
        %reduce_sum3A_422 = arith.constant true
        %reduce_sum3A_423 = vector.broadcast %reduce_sum3A_422 : i1 to vector<16xi1>
        %reduce_sum3A_424 = tpu.scan <sum>, %add3A_421 masked %reduce_sum3A_423 : vector<16xf32>, vector<16xi1> -> vector<16xf32>
        %reduce_sum3A_425 = vector.extract %reduce_sum3A_424[15] : f32 from vector<16xf32>
        %broadcast_in_dim3A_426 = vector.broadcast %reduce_sum3A_425 : f32 to vector<16xf32>
        %max3A_427 = arith.constant 1.000000e-18 : f32
        %max3A_428 = vector.broadcast %max3A_427 : f32 to vector<16xf32>
        %max3A_429 = arith.maximumf %broadcast_in_dim3A_426, %max3A_428 : vector<16xf32>
        %bitcast3A_430 = vector.bitcast %max3A_429 : vector<16xf32> to vector<16xi32>
        %shift_right_arithmetic3A_431 = arith.constant 1 : i32
        %shift_right_arithmetic3A_432 = vector.broadcast %shift_right_arithmetic3A_431 : i32 to vector<16xi32>
        %shift_right_arithmetic3A_433 = arith.shrsi %bitcast3A_430, %shift_right_arithmetic3A_432 : vector<16xi32>
        %sub3A_434 = arith.constant 1597463007 : i32
        %sub3A_435 = vector.broadcast %sub3A_434 : i32 to vector<16xi32>
        %sub3A_436 = arith.subi %sub3A_435, %shift_right_arithmetic3A_433 : vector<16xi32>
        %bitcast3A_437 = vector.bitcast %sub3A_436 : vector<16xi32> to vector<16xf32>
        %mul3A_438 = arith.constant 5.000000e-01 : f32
        %mul3A_439 = vector.broadcast %mul3A_438 : f32 to vector<16xf32>
        %mul3A_440 = arith.mulf %mul3A_439, %max3A_429 : vector<16xf32>
        %mul3A_441 = arith.mulf %mul3A_440, %bitcast3A_437 : vector<16xf32>
        %mul3A_442 = arith.mulf %mul3A_441, %bitcast3A_437 : vector<16xf32>
        %sub3A_443 = arith.constant 1.500000e+00 : f32
        %sub3A_444 = vector.broadcast %sub3A_443 : f32 to vector<16xf32>
        %sub3A_445 = arith.subf %sub3A_444, %mul3A_442 : vector<16xf32>
        %mul3A_446 = arith.mulf %bitcast3A_437, %sub3A_445 : vector<16xf32>
        %mul3A_447 = arith.mulf %mul3A_440, %mul3A_446 : vector<16xf32>
        %mul3A_448 = arith.mulf %mul3A_447, %mul3A_446 : vector<16xf32>
        %sub3A_449 = arith.constant 1.500000e+00 : f32
        %sub3A_450 = vector.broadcast %sub3A_449 : f32 to vector<16xf32>
        %sub3A_451 = arith.subf %sub3A_450, %mul3A_448 : vector<16xf32>
        %mul3A_452 = arith.mulf %mul3A_446, %sub3A_451 : vector<16xf32>
        %mul3A_453 = arith.constant 0.949999988 : f32
        %mul3A_454 = vector.broadcast %mul3A_453 : f32 to vector<16xf32>
        %mul3A_455 = arith.mulf %mul3A_454, %mul3A_452 : vector<16xf32>
        %min3A_456 = arith.constant 1.000000e+00 : f32
        %min3A_457 = vector.broadcast %min3A_456 : f32 to vector<16xf32>
        %min3A_458 = arith.minimumf %mul3A_455, %min3A_457 : vector<16xf32>
        %mul3A_459 = arith.mulf %get3A_385, %min3A_458 : vector<16xf32>
        %swap3A_460 = arith.index_cast %scan3A_382 : i32 to index
        %swap3A_461 = arith.constant 0 : index
        %swap3A_462 = tpu.vector_load %arg9[%swap3A_460, %swap3A_461] {strides = array<i32>} : memref<128x128xf32, #tpu.memory_space<vmem>>, vector<16xf32>,
        tpu.vector_store %arg9[%swap3A_460, %swap3A_461], %mul3A_459 {strides = array<i32>} : memref<128x128xf32, #tpu.memory_space<vmem>>, vector<16xf32>,
        %mul3A_463 = arith.mulf %get3A_388, %min3A_458 : vector<16xf32>
        %swap3A_464 = arith.index_cast %scan3A_382 : i32 to index
        %swap3A_465 = arith.constant 16 : index
        %swap3A_466 = tpu.vector_load %arg9[%swap3A_464, %swap3A_465] {strides = array<i32>} : memref<128x128xf32, #tpu.memory_space<vmem>>, vector<16xf32>,
        tpu.vector_store %arg9[%swap3A_464, %swap3A_465], %mul3A_463 {strides = array<i32>} : memref<128x128xf32, #tpu.memory_space<vmem>>, vector<16xf32>,
        %mul3A_467 = arith.mulf %get3A_391, %min3A_458 : vector<16xf32>
        %swap3A_468 = arith.index_cast %scan3A_382 : i32 to index
        %swap3A_469 = arith.constant 32 : index
        %swap3A_470 = tpu.vector_load %arg9[%swap3A_468, %swap3A_469] {strides = array<i32>} : memref<128x128xf32, #tpu.memory_space<vmem>>, vector<16xf32>,
        tpu.vector_store %arg9[%swap3A_468, %swap3A_469], %mul3A_467 {strides = array<i32>} : memref<128x128xf32, #tpu.memory_space<vmem>>, vector<16xf32>,
        %mul3A_471 = arith.mulf %get3A_394, %min3A_458 : vector<16xf32>
        %swap3A_472 = arith.index_cast %scan3A_382 : i32 to index
        %swap3A_473 = arith.constant 48 : index
        %swap3A_474 = tpu.vector_load %arg9[%swap3A_472, %swap3A_473] {strides = array<i32>} : memref<128x128xf32, #tpu.memory_space<vmem>>, vector<16xf32>,
        tpu.vector_store %arg9[%swap3A_472, %swap3A_473], %mul3A_471 {strides = array<i32>} : memref<128x128xf32, #tpu.memory_space<vmem>>, vector<16xf32>,
        %mul3A_475 = arith.mulf %get3A_397, %min3A_458 : vector<16xf32>
        %swap3A_476 = arith.index_cast %scan3A_382 : i32 to index
        %swap3A_477 = arith.constant 64 : index
        %swap3A_478 = tpu.vector_load %arg9[%swap3A_476, %swap3A_477] {strides = array<i32>} : memref<128x128xf32, #tpu.memory_space<vmem>>, vector<16xf32>,
        tpu.vector_store %arg9[%swap3A_476, %swap3A_477], %mul3A_475 {strides = array<i32>} : memref<128x128xf32, #tpu.memory_space<vmem>>, vector<16xf32>,
        %mul3A_479 = arith.mulf %get3A_400, %min3A_458 : vector<16xf32>
        %swap3A_480 = arith.index_cast %scan3A_382 : i32 to index
        %swap3A_481 = arith.constant 80 : index
        %swap3A_482 = tpu.vector_load %arg9[%swap3A_480, %swap3A_481] {strides = array<i32>} : memref<128x128xf32, #tpu.memory_space<vmem>>, vector<16xf32>,
        tpu.vector_store %arg9[%swap3A_480, %swap3A_481], %mul3A_479 {strides = array<i32>} : memref<128x128xf32, #tpu.memory_space<vmem>>, vector<16xf32>,
        %mul3A_483 = arith.mulf %get3A_403, %min3A_458 : vector<16xf32>
        %swap3A_484 = arith.index_cast %scan3A_382 : i32 to index
        %swap3A_485 = arith.constant 96 : index
        %swap3A_486 = tpu.vector_load %arg9[%swap3A_484, %swap3A_485] {strides = array<i32>} : memref<128x128xf32, #tpu.memory_space<vmem>>, vector<16xf32>,
        tpu.vector_store %arg9[%swap3A_484, %swap3A_485], %mul3A_483 {strides = array<i32>} : memref<128x128xf32, #tpu.memory_space<vmem>>, vector<16xf32>,
        %mul3A_487 = arith.mulf %get3A_406, %min3A_458 : vector<16xf32>
        %swap3A_488 = arith.index_cast %scan3A_382 : i32 to index
        %swap3A_489 = arith.constant 112 : index
        %swap3A_490 = tpu.vector_load %arg9[%swap3A_488, %swap3A_489] {strides = array<i32>} : memref<128x128xf32, #tpu.memory_space<vmem>>, vector<16xf32>,
        tpu.vector_store %arg9[%swap3A_488, %swap3A_489], %mul3A_487 {strides = array<i32>} : memref<128x128xf32, #tpu.memory_space<vmem>>, vector<16xf32>,
        %scan3A_491 = arith.constant 2 : i32
        %scan3A_492 = arith.addi %scan3A_280, %scan3A_491 : i32
        %get3A_493 = arith.index_cast %scan3A_492 : i32 to index
        %get3A_494 = arith.constant 0 : index
        %get3A_495 = tpu.vector_load %arg9[%get3A_493, %get3A_494] {strides = array<i32>} : memref<128x128xf32, #tpu.memory_space<vmem>>, vector<16xf32>,
        %get3A_496 = arith.index_cast %scan3A_492 : i32 to index
        %get3A_497 = arith.constant 16 : index
        %get3A_498 = tpu.vector_load %arg9[%get3A_496, %get3A_497] {strides = array<i32>} : memref<128x128xf32, #tpu.memory_space<vmem>>, vector<16xf32>,
        %get3A_499 = arith.index_cast %scan3A_492 : i32 to index
        %get3A_500 = arith.constant 32 : index
        %get3A_501 = tpu.vector_load %arg9[%get3A_499, %get3A_500] {strides = array<i32>} : memref<128x128xf32, #tpu.memory_space<vmem>>, vector<16xf32>,
        %get3A_502 = arith.index_cast %scan3A_492 : i32 to index
        %get3A_503 = arith.constant 48 : index
        %get3A_504 = tpu.vector_load %arg9[%get3A_502, %get3A_503] {strides = array<i32>} : memref<128x128xf32, #tpu.memory_space<vmem>>, vector<16xf32>,
        %get3A_505 = arith.index_cast %scan3A_492 : i32 to index
        %get3A_506 = arith.constant 64 : index
        %get3A_507 = tpu.vector_load %arg9[%get3A_505, %get3A_506] {strides = array<i32>} : memref<128x128xf32, #tpu.memory_space<vmem>>, vector<16xf32>,
        %get3A_508 = arith.index_cast %scan3A_492 : i32 to index
        %get3A_509 = arith.constant 80 : index
        %get3A_510 = tpu.vector_load %arg9[%get3A_508, %get3A_509] {strides = array<i32>} : memref<128x128xf32, #tpu.memory_space<vmem>>, vector<16xf32>,
        %get3A_511 = arith.index_cast %scan3A_492 : i32 to index
        %get3A_512 = arith.constant 96 : index
        %get3A_513 = tpu.vector_load %arg9[%get3A_511, %get3A_512] {strides = array<i32>} : memref<128x128xf32, #tpu.memory_space<vmem>>, vector<16xf32>,
        %get3A_514 = arith.index_cast %scan3A_492 : i32 to index
        %get3A_515 = arith.constant 112 : index
        %get3A_516 = tpu.vector_load %arg9[%get3A_514, %get3A_515] {strides = array<i32>} : memref<128x128xf32, #tpu.memory_space<vmem>>, vector<16xf32>,
        %mul3A_517 = arith.mulf %get3A_495, %get3A_495 : vector<16xf32>
        %mul3A_518 = arith.mulf %get3A_498, %get3A_498 : vector<16xf32>
        %add3A_519 = arith.addf %mul3A_517, %mul3A_518 : vector<16xf32>
        %mul3A_520 = arith.mulf %get3A_501, %get3A_501 : vector<16xf32>
        %add3A_521 = arith.addf %add3A_519, %mul3A_520 : vector<16xf32>
        %mul3A_522 = arith.mulf %get3A_504, %get3A_504 : vector<16xf32>
        %add3A_523 = arith.addf %add3A_521, %mul3A_522 : vector<16xf32>
        %mul3A_524 = arith.mulf %get3A_507, %get3A_507 : vector<16xf32>
        %add3A_525 = arith.addf %add3A_523, %mul3A_524 : vector<16xf32>
        %mul3A_526 = arith.mulf %get3A_510, %get3A_510 : vector<16xf32>
        %add3A_527 = arith.addf %add3A_525, %mul3A_526 : vector<16xf32>
        %mul3A_528 = arith.mulf %get3A_513, %get3A_513 : vector<16xf32>
        %add3A_529 = arith.addf %add3A_527, %mul3A_528 : vector<16xf32>
        %mul3A_530 = arith.mulf %get3A_516, %get3A_516 : vector<16xf32>
        %add3A_531 = arith.addf %add3A_529, %mul3A_530 : vector<16xf32>
        %reduce_sum3A_532 = arith.constant true
        %reduce_sum3A_533 = vector.broadcast %reduce_sum3A_532 : i1 to vector<16xi1>
        %reduce_sum3A_534 = tpu.scan <sum>, %add3A_531 masked %reduce_sum3A_533 : vector<16xf32>, vector<16xi1> -> vector<16xf32>
        %reduce_sum3A_535 = vector.extract %reduce_sum3A_534[15] : f32 from vector<16xf32>
        %broadcast_in_dim3A_536 = vector.broadcast %reduce_sum3A_535 : f32 to vector<16xf32>
        %max3A_537 = arith.constant 1.000000e-18 : f32
        %max3A_538 = vector.broadcast %max3A_537 : f32 to vector<16xf32>
        %max3A_539 = arith.maximumf %broadcast_in_dim3A_536, %max3A_538 : vector<16xf32>
        %bitcast3A_540 = vector.bitcast %max3A_539 : vector<16xf32> to vector<16xi32>
        %shift_right_arithmetic3A_541 = arith.constant 1 : i32
        %shift_right_arithmetic3A_542 = vector.broadcast %shift_right_arithmetic3A_541 : i32 to vector<16xi32>
        %shift_right_arithmetic3A_543 = arith.shrsi %bitcast3A_540, %shift_right_arithmetic3A_542 : vector<16xi32>
        %sub3A_544 = arith.constant 1597463007 : i32
        %sub3A_545 = vector.broadcast %sub3A_544 : i32 to vector<16xi32>
        %sub3A_546 = arith.subi %sub3A_545, %shift_right_arithmetic3A_543 : vector<16xi32>
        %bitcast3A_547 = vector.bitcast %sub3A_546 : vector<16xi32> to vector<16xf32>
        %mul3A_548 = arith.constant 5.000000e-01 : f32
        %mul3A_549 = vector.broadcast %mul3A_548 : f32 to vector<16xf32>
        %mul3A_550 = arith.mulf %mul3A_549, %max3A_539 : vector<16xf32>
        %mul3A_551 = arith.mulf %mul3A_550, %bitcast3A_547 : vector<16xf32>
        %mul3A_552 = arith.mulf %mul3A_551, %bitcast3A_547 : vector<16xf32>
        %sub3A_553 = arith.constant 1.500000e+00 : f32
        %sub3A_554 = vector.broadcast %sub3A_553 : f32 to vector<16xf32>
        %sub3A_555 = arith.subf %sub3A_554, %mul3A_552 : vector<16xf32>
        %mul3A_556 = arith.mulf %bitcast3A_547, %sub3A_555 : vector<16xf32>
        %mul3A_557 = arith.mulf %mul3A_550, %mul3A_556 : vector<16xf32>
        %mul3A_558 = arith.mulf %mul3A_557, %mul3A_556 : vector<16xf32>
        %sub3A_559 = arith.constant 1.500000e+00 : f32
        %sub3A_560 = vector.broadcast %sub3A_559 : f32 to vector<16xf32>
        %sub3A_561 = arith.subf %sub3A_560, %mul3A_558 : vector<16xf32>
        %mul3A_562 = arith.mulf %mul3A_556, %sub3A_561 : vector<16xf32>
        %mul3A_563 = arith.constant 0.949999988 : f32
        %mul3A_564 = vector.broadcast %mul3A_563 : f32 to vector<16xf32>
        %mul3A_565 = arith.mulf %mul3A_564, %mul3A_562 : vector<16xf32>
        %min3A_566 = arith.constant 1.000000e+00 : f32
        %min3A_567 = vector.broadcast %min3A_566 : f32 to vector<16xf32>
        %min3A_568 = arith.minimumf %mul3A_565, %min3A_567 : vector<16xf32>
        %mul3A_569 = arith.mulf %get3A_495, %min3A_568 : vector<16xf32>
        %swap3A_570 = arith.index_cast %scan3A_492 : i32 to index
        %swap3A_571 = arith.constant 0 : index
        %swap3A_572 = tpu.vector_load %arg9[%swap3A_570, %swap3A_571] {strides = array<i32>} : memref<128x128xf32, #tpu.memory_space<vmem>>, vector<16xf32>,
        tpu.vector_store %arg9[%swap3A_570, %swap3A_571], %mul3A_569 {strides = array<i32>} : memref<128x128xf32, #tpu.memory_space<vmem>>, vector<16xf32>,
        %mul3A_573 = arith.mulf %get3A_498, %min3A_568 : vector<16xf32>
        %swap3A_574 = arith.index_cast %scan3A_492 : i32 to index
        %swap3A_575 = arith.constant 16 : index
        %swap3A_576 = tpu.vector_load %arg9[%swap3A_574, %swap3A_575] {strides = array<i32>} : memref<128x128xf32, #tpu.memory_space<vmem>>, vector<16xf32>,
        tpu.vector_store %arg9[%swap3A_574, %swap3A_575], %mul3A_573 {strides = array<i32>} : memref<128x128xf32, #tpu.memory_space<vmem>>, vector<16xf32>,
        %mul3A_577 = arith.mulf %get3A_501, %min3A_568 : vector<16xf32>
        %swap3A_578 = arith.index_cast %scan3A_492 : i32 to index
        %swap3A_579 = arith.constant 32 : index
        %swap3A_580 = tpu.vector_load %arg9[%swap3A_578, %swap3A_579] {strides = array<i32>} : memref<128x128xf32, #tpu.memory_space<vmem>>, vector<16xf32>,
        tpu.vector_store %arg9[%swap3A_578, %swap3A_579], %mul3A_577 {strides = array<i32>} : memref<128x128xf32, #tpu.memory_space<vmem>>, vector<16xf32>,
        %mul3A_581 = arith.mulf %get3A_504, %min3A_568 : vector<16xf32>
        %swap3A_582 = arith.index_cast %scan3A_492 : i32 to index
        %swap3A_583 = arith.constant 48 : index
        %swap3A_584 = tpu.vector_load %arg9[%swap3A_582, %swap3A_583] {strides = array<i32>} : memref<128x128xf32, #tpu.memory_space<vmem>>, vector<16xf32>,
        tpu.vector_store %arg9[%swap3A_582, %swap3A_583], %mul3A_581 {strides = array<i32>} : memref<128x128xf32, #tpu.memory_space<vmem>>, vector<16xf32>,
        %mul3A_585 = arith.mulf %get3A_507, %min3A_568 : vector<16xf32>
        %swap3A_586 = arith.index_cast %scan3A_492 : i32 to index
        %swap3A_587 = arith.constant 64 : index
        %swap3A_588 = tpu.vector_load %arg9[%swap3A_586, %swap3A_587] {strides = array<i32>} : memref<128x128xf32, #tpu.memory_space<vmem>>, vector<16xf32>,
        tpu.vector_store %arg9[%swap3A_586, %swap3A_587], %mul3A_585 {strides = array<i32>} : memref<128x128xf32, #tpu.memory_space<vmem>>, vector<16xf32>,
        %mul3A_589 = arith.mulf %get3A_510, %min3A_568 : vector<16xf32>
        %swap3A_590 = arith.index_cast %scan3A_492 : i32 to index
        %swap3A_591 = arith.constant 80 : index
        %swap3A_592 = tpu.vector_load %arg9[%swap3A_590, %swap3A_591] {strides = array<i32>} : memref<128x128xf32, #tpu.memory_space<vmem>>, vector<16xf32>,
        tpu.vector_store %arg9[%swap3A_590, %swap3A_591], %mul3A_589 {strides = array<i32>} : memref<128x128xf32, #tpu.memory_space<vmem>>, vector<16xf32>,
        %mul3A_593 = arith.mulf %get3A_513, %min3A_568 : vector<16xf32>
        %swap3A_594 = arith.index_cast %scan3A_492 : i32 to index
        %swap3A_595 = arith.constant 96 : index
        %swap3A_596 = tpu.vector_load %arg9[%swap3A_594, %swap3A_595] {strides = array<i32>} : memref<128x128xf32, #tpu.memory_space<vmem>>, vector<16xf32>,
        tpu.vector_store %arg9[%swap3A_594, %swap3A_595], %mul3A_593 {strides = array<i32>} : memref<128x128xf32, #tpu.memory_space<vmem>>, vector<16xf32>,
        %mul3A_597 = arith.mulf %get3A_516, %min3A_568 : vector<16xf32>
        %swap3A_598 = arith.index_cast %scan3A_492 : i32 to index
        %swap3A_599 = arith.constant 112 : index
        %swap3A_600 = tpu.vector_load %arg9[%swap3A_598, %swap3A_599] {strides = array<i32>} : memref<128x128xf32, #tpu.memory_space<vmem>>, vector<16xf32>,
        tpu.vector_store %arg9[%swap3A_598, %swap3A_599], %mul3A_597 {strides = array<i32>} : memref<128x128xf32, #tpu.memory_space<vmem>>, vector<16xf32>,
        %scan3A_601 = arith.constant 3 : i32
        %scan3A_602 = arith.addi %scan3A_280, %scan3A_601 : i32
        %get3A_603 = arith.index_cast %scan3A_602 : i32 to index
        %get3A_604 = arith.constant 0 : index
        %get3A_605 = tpu.vector_load %arg9[%get3A_603, %get3A_604] {strides = array<i32>} : memref<128x128xf32, #tpu.memory_space<vmem>>, vector<16xf32>,
        %get3A_606 = arith.index_cast %scan3A_602 : i32 to index
        %get3A_607 = arith.constant 16 : index
        %get3A_608 = tpu.vector_load %arg9[%get3A_606, %get3A_607] {strides = array<i32>} : memref<128x128xf32, #tpu.memory_space<vmem>>, vector<16xf32>,
        %get3A_609 = arith.index_cast %scan3A_602 : i32 to index
        %get3A_610 = arith.constant 32 : index
        %get3A_611 = tpu.vector_load %arg9[%get3A_609, %get3A_610] {strides = array<i32>} : memref<128x128xf32, #tpu.memory_space<vmem>>, vector<16xf32>,
        %get3A_612 = arith.index_cast %scan3A_602 : i32 to index
        %get3A_613 = arith.constant 48 : index
        %get3A_614 = tpu.vector_load %arg9[%get3A_612, %get3A_613] {strides = array<i32>} : memref<128x128xf32, #tpu.memory_space<vmem>>, vector<16xf32>,
        %get3A_615 = arith.index_cast %scan3A_602 : i32 to index
        %get3A_616 = arith.constant 64 : index
        %get3A_617 = tpu.vector_load %arg9[%get3A_615, %get3A_616] {strides = array<i32>} : memref<128x128xf32, #tpu.memory_space<vmem>>, vector<16xf32>,
        %get3A_618 = arith.index_cast %scan3A_602 : i32 to index
        %get3A_619 = arith.constant 80 : index
        %get3A_620 = tpu.vector_load %arg9[%get3A_618, %get3A_619] {strides = array<i32>} : memref<128x128xf32, #tpu.memory_space<vmem>>, vector<16xf32>,
        %get3A_621 = arith.index_cast %scan3A_602 : i32 to index
        %get3A_622 = arith.constant 96 : index
        %get3A_623 = tpu.vector_load %arg9[%get3A_621, %get3A_622] {strides = array<i32>} : memref<128x128xf32, #tpu.memory_space<vmem>>, vector<16xf32>,
        %get3A_624 = arith.index_cast %scan3A_602 : i32 to index
        %get3A_625 = arith.constant 112 : index
        %get3A_626 = tpu.vector_load %arg9[%get3A_624, %get3A_625] {strides = array<i32>} : memref<128x128xf32, #tpu.memory_space<vmem>>, vector<16xf32>,
        %mul3A_627 = arith.mulf %get3A_605, %get3A_605 : vector<16xf32>
        %mul3A_628 = arith.mulf %get3A_608, %get3A_608 : vector<16xf32>
        %add3A_629 = arith.addf %mul3A_627, %mul3A_628 : vector<16xf32>
        %mul3A_630 = arith.mulf %get3A_611, %get3A_611 : vector<16xf32>
        %add3A_631 = arith.addf %add3A_629, %mul3A_630 : vector<16xf32>
        %mul3A_632 = arith.mulf %get3A_614, %get3A_614 : vector<16xf32>
        %add3A_633 = arith.addf %add3A_631, %mul3A_632 : vector<16xf32>
        %mul3A_634 = arith.mulf %get3A_617, %get3A_617 : vector<16xf32>
        %add3A_635 = arith.addf %add3A_633, %mul3A_634 : vector<16xf32>
        %mul3A_636 = arith.mulf %get3A_620, %get3A_620 : vector<16xf32>
        %add3A_637 = arith.addf %add3A_635, %mul3A_636 : vector<16xf32>
        %mul3A_638 = arith.mulf %get3A_623, %get3A_623 : vector<16xf32>
        %add3A_639 = arith.addf %add3A_637, %mul3A_638 : vector<16xf32>
        %mul3A_640 = arith.mulf %get3A_626, %get3A_626 : vector<16xf32>
        %add3A_641 = arith.addf %add3A_639, %mul3A_640 : vector<16xf32>
        %reduce_sum3A_642 = arith.constant true
        %reduce_sum3A_643 = vector.broadcast %reduce_sum3A_642 : i1 to vector<16xi1>
        %reduce_sum3A_644 = tpu.scan <sum>, %add3A_641 masked %reduce_sum3A_643 : vector<16xf32>, vector<16xi1> -> vector<16xf32>
        %reduce_sum3A_645 = vector.extract %reduce_sum3A_644[15] : f32 from vector<16xf32>
        %broadcast_in_dim3A_646 = vector.broadcast %reduce_sum3A_645 : f32 to vector<16xf32>
        %max3A_647 = arith.constant 1.000000e-18 : f32
        %max3A_648 = vector.broadcast %max3A_647 : f32 to vector<16xf32>
        %max3A_649 = arith.maximumf %broadcast_in_dim3A_646, %max3A_648 : vector<16xf32>
        %bitcast3A_650 = vector.bitcast %max3A_649 : vector<16xf32> to vector<16xi32>
        %shift_right_arithmetic3A_651 = arith.constant 1 : i32
        %shift_right_arithmetic3A_652 = vector.broadcast %shift_right_arithmetic3A_651 : i32 to vector<16xi32>
        %shift_right_arithmetic3A_653 = arith.shrsi %bitcast3A_650, %shift_right_arithmetic3A_652 : vector<16xi32>
        %sub3A_654 = arith.constant 1597463007 : i32
        %sub3A_655 = vector.broadcast %sub3A_654 : i32 to vector<16xi32>
        %sub3A_656 = arith.subi %sub3A_655, %shift_right_arithmetic3A_653 : vector<16xi32>
        %bitcast3A_657 = vector.bitcast %sub3A_656 : vector<16xi32> to vector<16xf32>
        %mul3A_658 = arith.constant 5.000000e-01 : f32
        %mul3A_659 = vector.broadcast %mul3A_658 : f32 to vector<16xf32>
        %mul3A_660 = arith.mulf %mul3A_659, %max3A_649 : vector<16xf32>
        %mul3A_661 = arith.mulf %mul3A_660, %bitcast3A_657 : vector<16xf32>
        %mul3A_662 = arith.mulf %mul3A_661, %bitcast3A_657 : vector<16xf32>
        %sub3A_663 = arith.constant 1.500000e+00 : f32
        %sub3A_664 = vector.broadcast %sub3A_663 : f32 to vector<16xf32>
        %sub3A_665 = arith.subf %sub3A_664, %mul3A_662 : vector<16xf32>
        %mul3A_666 = arith.mulf %bitcast3A_657, %sub3A_665 : vector<16xf32>
        %mul3A_667 = arith.mulf %mul3A_660, %mul3A_666 : vector<16xf32>
        %mul3A_668 = arith.mulf %mul3A_667, %mul3A_666 : vector<16xf32>
        %sub3A_669 = arith.constant 1.500000e+00 : f32
        %sub3A_670 = vector.broadcast %sub3A_669 : f32 to vector<16xf32>
        %sub3A_671 = arith.subf %sub3A_670, %mul3A_668 : vector<16xf32>
        %mul3A_672 = arith.mulf %mul3A_666, %sub3A_671 : vector<16xf32>
        %mul3A_673 = arith.constant 0.949999988 : f32
        %mul3A_674 = vector.broadcast %mul3A_673 : f32 to vector<16xf32>
        %mul3A_675 = arith.mulf %mul3A_674, %mul3A_672 : vector<16xf32>
        %min3A_676 = arith.constant 1.000000e+00 : f32
        %min3A_677 = vector.broadcast %min3A_676 : f32 to vector<16xf32>
        %min3A_678 = arith.minimumf %mul3A_675, %min3A_677 : vector<16xf32>
        %mul3A_679 = arith.mulf %get3A_605, %min3A_678 : vector<16xf32>
        %swap3A_680 = arith.index_cast %scan3A_602 : i32 to index
        %swap3A_681 = arith.constant 0 : index
        %swap3A_682 = tpu.vector_load %arg9[%swap3A_680, %swap3A_681] {strides = array<i32>} : memref<128x128xf32, #tpu.memory_space<vmem>>, vector<16xf32>,
        tpu.vector_store %arg9[%swap3A_680, %swap3A_681], %mul3A_679 {strides = array<i32>} : memref<128x128xf32, #tpu.memory_space<vmem>>, vector<16xf32>,
        %mul3A_683 = arith.mulf %get3A_608, %min3A_678 : vector<16xf32>
        %swap3A_684 = arith.index_cast %scan3A_602 : i32 to index
        %swap3A_685 = arith.constant 16 : index
        %swap3A_686 = tpu.vector_load %arg9[%swap3A_684, %swap3A_685] {strides = array<i32>} : memref<128x128xf32, #tpu.memory_space<vmem>>, vector<16xf32>,
        tpu.vector_store %arg9[%swap3A_684, %swap3A_685], %mul3A_683 {strides = array<i32>} : memref<128x128xf32, #tpu.memory_space<vmem>>, vector<16xf32>,
        %mul3A_687 = arith.mulf %get3A_611, %min3A_678 : vector<16xf32>
        %swap3A_688 = arith.index_cast %scan3A_602 : i32 to index
        %swap3A_689 = arith.constant 32 : index
        %swap3A_690 = tpu.vector_load %arg9[%swap3A_688, %swap3A_689] {strides = array<i32>} : memref<128x128xf32, #tpu.memory_space<vmem>>, vector<16xf32>,
        tpu.vector_store %arg9[%swap3A_688, %swap3A_689], %mul3A_687 {strides = array<i32>} : memref<128x128xf32, #tpu.memory_space<vmem>>, vector<16xf32>,
        %mul3A_691 = arith.mulf %get3A_614, %min3A_678 : vector<16xf32>
        %swap3A_692 = arith.index_cast %scan3A_602 : i32 to index
        %swap3A_693 = arith.constant 48 : index
        %swap3A_694 = tpu.vector_load %arg9[%swap3A_692, %swap3A_693] {strides = array<i32>} : memref<128x128xf32, #tpu.memory_space<vmem>>, vector<16xf32>,
        tpu.vector_store %arg9[%swap3A_692, %swap3A_693], %mul3A_691 {strides = array<i32>} : memref<128x128xf32, #tpu.memory_space<vmem>>, vector<16xf32>,
        %mul3A_695 = arith.mulf %get3A_617, %min3A_678 : vector<16xf32>
        %swap3A_696 = arith.index_cast %scan3A_602 : i32 to index
        %swap3A_697 = arith.constant 64 : index
        %swap3A_698 = tpu.vector_load %arg9[%swap3A_696, %swap3A_697] {strides = array<i32>} : memref<128x128xf32, #tpu.memory_space<vmem>>, vector<16xf32>,
        tpu.vector_store %arg9[%swap3A_696, %swap3A_697], %mul3A_695 {strides = array<i32>} : memref<128x128xf32, #tpu.memory_space<vmem>>, vector<16xf32>,
        %mul3A_699 = arith.mulf %get3A_620, %min3A_678 : vector<16xf32>
        %swap3A_700 = arith.index_cast %scan3A_602 : i32 to index
        %swap3A_701 = arith.constant 80 : index
        %swap3A_702 = tpu.vector_load %arg9[%swap3A_700, %swap3A_701] {strides = array<i32>} : memref<128x128xf32, #tpu.memory_space<vmem>>, vector<16xf32>,
        tpu.vector_store %arg9[%swap3A_700, %swap3A_701], %mul3A_699 {strides = array<i32>} : memref<128x128xf32, #tpu.memory_space<vmem>>, vector<16xf32>,
        %mul3A_703 = arith.mulf %get3A_623, %min3A_678 : vector<16xf32>
        %swap3A_704 = arith.index_cast %scan3A_602 : i32 to index
        %swap3A_705 = arith.constant 96 : index
        %swap3A_706 = tpu.vector_load %arg9[%swap3A_704, %swap3A_705] {strides = array<i32>} : memref<128x128xf32, #tpu.memory_space<vmem>>, vector<16xf32>,
        tpu.vector_store %arg9[%swap3A_704, %swap3A_705], %mul3A_703 {strides = array<i32>} : memref<128x128xf32, #tpu.memory_space<vmem>>, vector<16xf32>,
        %mul3A_707 = arith.mulf %get3A_626, %min3A_678 : vector<16xf32>
        %swap3A_708 = arith.index_cast %scan3A_602 : i32 to index
        %swap3A_709 = arith.constant 112 : index
        %swap3A_710 = tpu.vector_load %arg9[%swap3A_708, %swap3A_709] {strides = array<i32>} : memref<128x128xf32, #tpu.memory_space<vmem>>, vector<16xf32>,
        tpu.vector_store %arg9[%swap3A_708, %swap3A_709], %mul3A_707 {strides = array<i32>} : memref<128x128xf32, #tpu.memory_space<vmem>>, vector<16xf32>,
      }
      %scan3A_199 = arith.constant 128 : i32
      %mul3A_200 = arith.constant 128 : i32
      %mul3A_201 = arith.muli %add3A_187, %mul3A_200 : i32
      %add3A_202 = arith.addi %mul3A_2, %mul3A_201 : i32
      %dma_start3A_203 = arith.constant 0 : i32
      %dma_start3A_204 = tpu.memref_slice %arg4[%add3A_202, %dma_start3A_203] : memref<204800x128xf32, #tpu.memory_space<hbm>> -> memref<128x128xf32, #tpu.memory_space<hbm>>
      %dma_start3A_205 = arith.constant 0 : i32
      %dma_start3A_206 = tpu.memref_slice %arg4[%add3A_202, %dma_start3A_205] : memref<204800x128xf32, #tpu.memory_space<hbm>> -> memref<128x128xf32, #tpu.memory_space<hbm>>
      tpu.enqueue_dma source(%arg9 : memref<128x128xf32, #tpu.memory_space<vmem>>) target(%dma_start3A_206 : memref<128x128xf32, #tpu.memory_space<hbm>>) target_semaphore(%arg21 : memref<!tpu.dma_semaphore, #tpu.memory_space<semaphore_mem>>)
      %add3A_207 = arith.constant 3 : i32
      %add3A_208 = arith.addi %add3A_187, %add3A_207 : i32
      %sub3A_209 = arith.constant 6 : i32
      %sub3A_210 = arith.subi %add3A_208, %sub3A_209 : i32
      %lt3A_211 = arith.constant 50 : i32
      %lt3A_212 = arith.cmpi slt, %add3A_208, %lt3A_211 : i32
      %convert_element_type3A_213 = arith.extui %lt3A_212 : i1 to i32
      %cond3A_214 = arith.constant 0 : i32
      %cond3A_215 = arith.cmpi ne, %convert_element_type3A_213, %cond3A_214 : i32
      scf.if %cond3A_215 {
        %ge3A = arith.constant 0 : i32
        %ge3A_280 = arith.cmpi sge, %sub3A_210, %ge3A : i32
        %convert_element_type3A_281 = arith.extui %ge3A_280 : i1 to i32
        %cond3A_282 = arith.constant 0 : i32
        %cond3A_283 = arith.cmpi ne, %convert_element_type3A_281, %cond3A_282 : i32
        scf.if %cond3A_283 {
          %mul3A_290 = arith.constant 128 : i32
          %mul3A_291 = arith.muli %sub3A_210, %mul3A_290 : i32
          %add3A_292 = arith.addi %mul3A_2, %mul3A_291 : i32
          %dma_wait3A_293 = arith.constant 0 : i32
          %dma_wait3A_294 = tpu.memref_slice %arg4[%add3A_292, %dma_wait3A_293] : memref<204800x128xf32, #tpu.memory_space<hbm>> -> memref<128x128xf32, #tpu.memory_space<hbm>>
          %dma_wait3A_295 = arith.constant 0 : i32
          %dma_wait3A_296 = tpu.memref_slice %arg4[%add3A_292, %dma_wait3A_295] : memref<204800x128xf32, #tpu.memory_space<hbm>> -> memref<128x128xf32, #tpu.memory_space<hbm>>
          tpu.wait_dma2 semaphore(%arg18 : memref<!tpu.dma_semaphore, #tpu.memory_space<semaphore_mem>>) src(%arg6 : memref<128x128xf32, #tpu.memory_space<vmem>>) dst(%dma_wait3A_296 : memref<128x128xf32, #tpu.memory_space<hbm>>)
        } else {
        }
        %mul3A_284 = arith.constant 128 : i32
        %mul3A_285 = arith.muli %add3A_208, %mul3A_284 : i32
        %dma_start3A_286 = tpu.memref_slice %arg5[%mul3A_285] : memref<6400xi32, #tpu.memory_space<vmem>> -> memref<128xi32, #tpu.memory_space<vmem>>
        %dma_start3A_287 = arith.constant 0 : i32
        %dma_start3A_288 = arith.constant 0 : i32
        %dma_start3A_289 = tpu.memref_slice %arg3[%dma_start3A_287, %dma_start3A_288] : memref<100000x128xf32, #tpu.memory_space<hbm>> -> memref<100000x128xf32, #tpu.memory_space<hbm>>
        tpu.enqueue_indirect_dma source(%dma_start3A_289 : memref<100000x128xf32, #tpu.memory_space<hbm>>) target(%arg6 : memref<128x128xf32, #tpu.memory_space<vmem>>) offsets(%dma_start3A_286 : memref<128xi32, #tpu.memory_space<vmem>>) semaphore(%arg12 : memref<!tpu.dma_semaphore, #tpu.memory_space<semaphore_mem>>)
      } else {
      }
      %mul3A_216 = arith.constant 6 : i32
      %mul3A_217 = arith.muli %mul3A_216, %scan3A_91 : i32
      %add3A_218 = arith.constant 4 : i32
      %add3A_219 = arith.addi %mul3A_217, %add3A_218 : i32
      %mul3A_220 = arith.constant 128 : i32
      %mul3A_221 = arith.muli %add3A_219, %mul3A_220 : i32
      %dma_wait3A_222 = tpu.memref_slice %arg5[%mul3A_221] : memref<6400xi32, #tpu.memory_space<vmem>> -> memref<128xi32, #tpu.memory_space<vmem>>
      %dma_wait3A_223 = arith.constant 0 : i32
      %dma_wait3A_224 = arith.constant 0 : i32
      %dma_wait3A_225 = tpu.memref_slice %arg3[%dma_wait3A_223, %dma_wait3A_224] : memref<100000x128xf32, #tpu.memory_space<hbm>> -> memref<100000x128xf32, #tpu.memory_space<hbm>>
      tpu.wait_indirect_dma semaphore(%arg16 : memref<!tpu.dma_semaphore, #tpu.memory_space<semaphore_mem>>) src(%dma_wait3A_225 : memref<100000x128xf32, #tpu.memory_space<hbm>>) dst(%arg10 : memref<128x128xf32, #tpu.memory_space<vmem>>)
      %scan3A_226 = arith.constant 0 : i32
      %scan3A_227 = arith.constant 0 : i32
      %scan3A_228 = arith.constant 128 : i32
      %scan3A_229 = arith.addi %scan3A_227, %scan3A_228 : i32
      %scan3A_230 = arith.constant 4 : i32
      scf.for %scan3A_280 = %scan3A_227 to %scan3A_229 step %scan3A_230  : i32 {
        %get3A = arith.index_cast %scan3A_280 : i32 to index
        %get3A_281 = arith.constant 0 : index
        %get3A_282 = tpu.vector_load %arg10[%get3A, %get3A_281] {strides = array<i32>} : memref<128x128xf32, #tpu.memory_space<vmem>>, vector<16xf32>,
        %get3A_283 = arith.index_cast %scan3A_280 : i32 to index
        %get3A_284 = arith.constant 16 : index
        %get3A_285 = tpu.vector_load %arg10[%get3A_283, %get3A_284] {strides = array<i32>} : memref<128x128xf32, #tpu.memory_space<vmem>>, vector<16xf32>,
        %get3A_286 = arith.index_cast %scan3A_280 : i32 to index
        %get3A_287 = arith.constant 32 : index
        %get3A_288 = tpu.vector_load %arg10[%get3A_286, %get3A_287] {strides = array<i32>} : memref<128x128xf32, #tpu.memory_space<vmem>>, vector<16xf32>,
        %get3A_289 = arith.index_cast %scan3A_280 : i32 to index
        %get3A_290 = arith.constant 48 : index
        %get3A_291 = tpu.vector_load %arg10[%get3A_289, %get3A_290] {strides = array<i32>} : memref<128x128xf32, #tpu.memory_space<vmem>>, vector<16xf32>,
        %get3A_292 = arith.index_cast %scan3A_280 : i32 to index
        %get3A_293 = arith.constant 64 : index
        %get3A_294 = tpu.vector_load %arg10[%get3A_292, %get3A_293] {strides = array<i32>} : memref<128x128xf32, #tpu.memory_space<vmem>>, vector<16xf32>,
        %get3A_295 = arith.index_cast %scan3A_280 : i32 to index
        %get3A_296 = arith.constant 80 : index
        %get3A_297 = tpu.vector_load %arg10[%get3A_295, %get3A_296] {strides = array<i32>} : memref<128x128xf32, #tpu.memory_space<vmem>>, vector<16xf32>,
        %get3A_298 = arith.index_cast %scan3A_280 : i32 to index
        %get3A_299 = arith.constant 96 : index
        %get3A_300 = tpu.vector_load %arg10[%get3A_298, %get3A_299] {strides = array<i32>} : memref<128x128xf32, #tpu.memory_space<vmem>>, vector<16xf32>,
        %get3A_301 = arith.index_cast %scan3A_280 : i32 to index
        %get3A_302 = arith.constant 112 : index
        %get3A_303 = tpu.vector_load %arg10[%get3A_301, %get3A_302] {strides = array<i32>} : memref<128x128xf32, #tpu.memory_space<vmem>>, vector<16xf32>,
        %mul3A_304 = arith.mulf %get3A_282, %get3A_282 : vector<16xf32>
        %mul3A_305 = arith.mulf %get3A_285, %get3A_285 : vector<16xf32>
        %add3A_306 = arith.addf %mul3A_304, %mul3A_305 : vector<16xf32>
        %mul3A_307 = arith.mulf %get3A_288, %get3A_288 : vector<16xf32>
        %add3A_308 = arith.addf %add3A_306, %mul3A_307 : vector<16xf32>
        %mul3A_309 = arith.mulf %get3A_291, %get3A_291 : vector<16xf32>
        %add3A_310 = arith.addf %add3A_308, %mul3A_309 : vector<16xf32>
        %mul3A_311 = arith.mulf %get3A_294, %get3A_294 : vector<16xf32>
        %add3A_312 = arith.addf %add3A_310, %mul3A_311 : vector<16xf32>
        %mul3A_313 = arith.mulf %get3A_297, %get3A_297 : vector<16xf32>
        %add3A_314 = arith.addf %add3A_312, %mul3A_313 : vector<16xf32>
        %mul3A_315 = arith.mulf %get3A_300, %get3A_300 : vector<16xf32>
        %add3A_316 = arith.addf %add3A_314, %mul3A_315 : vector<16xf32>
        %mul3A_317 = arith.mulf %get3A_303, %get3A_303 : vector<16xf32>
        %add3A_318 = arith.addf %add3A_316, %mul3A_317 : vector<16xf32>
        %reduce_sum3A = arith.constant true
        %reduce_sum3A_319 = vector.broadcast %reduce_sum3A : i1 to vector<16xi1>
        %reduce_sum3A_320 = tpu.scan <sum>, %add3A_318 masked %reduce_sum3A_319 : vector<16xf32>, vector<16xi1> -> vector<16xf32>
        %reduce_sum3A_321 = vector.extract %reduce_sum3A_320[15] : f32 from vector<16xf32>
        %broadcast_in_dim3A = vector.broadcast %reduce_sum3A_321 : f32 to vector<16xf32>
        %max3A = arith.constant 1.000000e-18 : f32
        %max3A_322 = vector.broadcast %max3A : f32 to vector<16xf32>
        %max3A_323 = arith.maximumf %broadcast_in_dim3A, %max3A_322 : vector<16xf32>
        %bitcast3A = vector.bitcast %max3A_323 : vector<16xf32> to vector<16xi32>
        %shift_right_arithmetic3A = arith.constant 1 : i32
        %shift_right_arithmetic3A_324 = vector.broadcast %shift_right_arithmetic3A : i32 to vector<16xi32>
        %shift_right_arithmetic3A_325 = arith.shrsi %bitcast3A, %shift_right_arithmetic3A_324 : vector<16xi32>
        %sub3A_326 = arith.constant 1597463007 : i32
        %sub3A_327 = vector.broadcast %sub3A_326 : i32 to vector<16xi32>
        %sub3A_328 = arith.subi %sub3A_327, %shift_right_arithmetic3A_325 : vector<16xi32>
        %bitcast3A_329 = vector.bitcast %sub3A_328 : vector<16xi32> to vector<16xf32>
        %mul3A_330 = arith.constant 5.000000e-01 : f32
        %mul3A_331 = vector.broadcast %mul3A_330 : f32 to vector<16xf32>
        %mul3A_332 = arith.mulf %mul3A_331, %max3A_323 : vector<16xf32>
        %mul3A_333 = arith.mulf %mul3A_332, %bitcast3A_329 : vector<16xf32>
        %mul3A_334 = arith.mulf %mul3A_333, %bitcast3A_329 : vector<16xf32>
        %sub3A_335 = arith.constant 1.500000e+00 : f32
        %sub3A_336 = vector.broadcast %sub3A_335 : f32 to vector<16xf32>
        %sub3A_337 = arith.subf %sub3A_336, %mul3A_334 : vector<16xf32>
        %mul3A_338 = arith.mulf %bitcast3A_329, %sub3A_337 : vector<16xf32>
        %mul3A_339 = arith.mulf %mul3A_332, %mul3A_338 : vector<16xf32>
        %mul3A_340 = arith.mulf %mul3A_339, %mul3A_338 : vector<16xf32>
        %sub3A_341 = arith.constant 1.500000e+00 : f32
        %sub3A_342 = vector.broadcast %sub3A_341 : f32 to vector<16xf32>
        %sub3A_343 = arith.subf %sub3A_342, %mul3A_340 : vector<16xf32>
        %mul3A_344 = arith.mulf %mul3A_338, %sub3A_343 : vector<16xf32>
        %mul3A_345 = arith.constant 0.949999988 : f32
        %mul3A_346 = vector.broadcast %mul3A_345 : f32 to vector<16xf32>
        %mul3A_347 = arith.mulf %mul3A_346, %mul3A_344 : vector<16xf32>
        %min3A = arith.constant 1.000000e+00 : f32
        %min3A_348 = vector.broadcast %min3A : f32 to vector<16xf32>
        %min3A_349 = arith.minimumf %mul3A_347, %min3A_348 : vector<16xf32>
        %mul3A_350 = arith.mulf %get3A_282, %min3A_349 : vector<16xf32>
        %swap3A = arith.index_cast %scan3A_280 : i32 to index
        %swap3A_351 = arith.constant 0 : index
        %swap3A_352 = tpu.vector_load %arg10[%swap3A, %swap3A_351] {strides = array<i32>} : memref<128x128xf32, #tpu.memory_space<vmem>>, vector<16xf32>,
        tpu.vector_store %arg10[%swap3A, %swap3A_351], %mul3A_350 {strides = array<i32>} : memref<128x128xf32, #tpu.memory_space<vmem>>, vector<16xf32>,
        %mul3A_353 = arith.mulf %get3A_285, %min3A_349 : vector<16xf32>
        %swap3A_354 = arith.index_cast %scan3A_280 : i32 to index
        %swap3A_355 = arith.constant 16 : index
        %swap3A_356 = tpu.vector_load %arg10[%swap3A_354, %swap3A_355] {strides = array<i32>} : memref<128x128xf32, #tpu.memory_space<vmem>>, vector<16xf32>,
        tpu.vector_store %arg10[%swap3A_354, %swap3A_355], %mul3A_353 {strides = array<i32>} : memref<128x128xf32, #tpu.memory_space<vmem>>, vector<16xf32>,
        %mul3A_357 = arith.mulf %get3A_288, %min3A_349 : vector<16xf32>
        %swap3A_358 = arith.index_cast %scan3A_280 : i32 to index
        %swap3A_359 = arith.constant 32 : index
        %swap3A_360 = tpu.vector_load %arg10[%swap3A_358, %swap3A_359] {strides = array<i32>} : memref<128x128xf32, #tpu.memory_space<vmem>>, vector<16xf32>,
        tpu.vector_store %arg10[%swap3A_358, %swap3A_359], %mul3A_357 {strides = array<i32>} : memref<128x128xf32, #tpu.memory_space<vmem>>, vector<16xf32>,
        %mul3A_361 = arith.mulf %get3A_291, %min3A_349 : vector<16xf32>
        %swap3A_362 = arith.index_cast %scan3A_280 : i32 to index
        %swap3A_363 = arith.constant 48 : index
        %swap3A_364 = tpu.vector_load %arg10[%swap3A_362, %swap3A_363] {strides = array<i32>} : memref<128x128xf32, #tpu.memory_space<vmem>>, vector<16xf32>,
        tpu.vector_store %arg10[%swap3A_362, %swap3A_363], %mul3A_361 {strides = array<i32>} : memref<128x128xf32, #tpu.memory_space<vmem>>, vector<16xf32>,
        %mul3A_365 = arith.mulf %get3A_294, %min3A_349 : vector<16xf32>
        %swap3A_366 = arith.index_cast %scan3A_280 : i32 to index
        %swap3A_367 = arith.constant 64 : index
        %swap3A_368 = tpu.vector_load %arg10[%swap3A_366, %swap3A_367] {strides = array<i32>} : memref<128x128xf32, #tpu.memory_space<vmem>>, vector<16xf32>,
        tpu.vector_store %arg10[%swap3A_366, %swap3A_367], %mul3A_365 {strides = array<i32>} : memref<128x128xf32, #tpu.memory_space<vmem>>, vector<16xf32>,
        %mul3A_369 = arith.mulf %get3A_297, %min3A_349 : vector<16xf32>
        %swap3A_370 = arith.index_cast %scan3A_280 : i32 to index
        %swap3A_371 = arith.constant 80 : index
        %swap3A_372 = tpu.vector_load %arg10[%swap3A_370, %swap3A_371] {strides = array<i32>} : memref<128x128xf32, #tpu.memory_space<vmem>>, vector<16xf32>,
        tpu.vector_store %arg10[%swap3A_370, %swap3A_371], %mul3A_369 {strides = array<i32>} : memref<128x128xf32, #tpu.memory_space<vmem>>, vector<16xf32>,
        %mul3A_373 = arith.mulf %get3A_300, %min3A_349 : vector<16xf32>
        %swap3A_374 = arith.index_cast %scan3A_280 : i32 to index
        %swap3A_375 = arith.constant 96 : index
        %swap3A_376 = tpu.vector_load %arg10[%swap3A_374, %swap3A_375] {strides = array<i32>} : memref<128x128xf32, #tpu.memory_space<vmem>>, vector<16xf32>,
        tpu.vector_store %arg10[%swap3A_374, %swap3A_375], %mul3A_373 {strides = array<i32>} : memref<128x128xf32, #tpu.memory_space<vmem>>, vector<16xf32>,
        %mul3A_377 = arith.mulf %get3A_303, %min3A_349 : vector<16xf32>
        %swap3A_378 = arith.index_cast %scan3A_280 : i32 to index
        %swap3A_379 = arith.constant 112 : index
        %swap3A_380 = tpu.vector_load %arg10[%swap3A_378, %swap3A_379] {strides = array<i32>} : memref<128x128xf32, #tpu.memory_space<vmem>>, vector<16xf32>,
        tpu.vector_store %arg10[%swap3A_378, %swap3A_379], %mul3A_377 {strides = array<i32>} : memref<128x128xf32, #tpu.memory_space<vmem>>, vector<16xf32>,
        %scan3A_381 = arith.constant 1 : i32
        %scan3A_382 = arith.addi %scan3A_280, %scan3A_381 : i32
        %get3A_383 = arith.index_cast %scan3A_382 : i32 to index
        %get3A_384 = arith.constant 0 : index
        %get3A_385 = tpu.vector_load %arg10[%get3A_383, %get3A_384] {strides = array<i32>} : memref<128x128xf32, #tpu.memory_space<vmem>>, vector<16xf32>,
        %get3A_386 = arith.index_cast %scan3A_382 : i32 to index
        %get3A_387 = arith.constant 16 : index
        %get3A_388 = tpu.vector_load %arg10[%get3A_386, %get3A_387] {strides = array<i32>} : memref<128x128xf32, #tpu.memory_space<vmem>>, vector<16xf32>,
        %get3A_389 = arith.index_cast %scan3A_382 : i32 to index
        %get3A_390 = arith.constant 32 : index
        %get3A_391 = tpu.vector_load %arg10[%get3A_389, %get3A_390] {strides = array<i32>} : memref<128x128xf32, #tpu.memory_space<vmem>>, vector<16xf32>,
        %get3A_392 = arith.index_cast %scan3A_382 : i32 to index
        %get3A_393 = arith.constant 48 : index
        %get3A_394 = tpu.vector_load %arg10[%get3A_392, %get3A_393] {strides = array<i32>} : memref<128x128xf32, #tpu.memory_space<vmem>>, vector<16xf32>,
        %get3A_395 = arith.index_cast %scan3A_382 : i32 to index
        %get3A_396 = arith.constant 64 : index
        %get3A_397 = tpu.vector_load %arg10[%get3A_395, %get3A_396] {strides = array<i32>} : memref<128x128xf32, #tpu.memory_space<vmem>>, vector<16xf32>,
        %get3A_398 = arith.index_cast %scan3A_382 : i32 to index
        %get3A_399 = arith.constant 80 : index
        %get3A_400 = tpu.vector_load %arg10[%get3A_398, %get3A_399] {strides = array<i32>} : memref<128x128xf32, #tpu.memory_space<vmem>>, vector<16xf32>,
        %get3A_401 = arith.index_cast %scan3A_382 : i32 to index
        %get3A_402 = arith.constant 96 : index
        %get3A_403 = tpu.vector_load %arg10[%get3A_401, %get3A_402] {strides = array<i32>} : memref<128x128xf32, #tpu.memory_space<vmem>>, vector<16xf32>,
        %get3A_404 = arith.index_cast %scan3A_382 : i32 to index
        %get3A_405 = arith.constant 112 : index
        %get3A_406 = tpu.vector_load %arg10[%get3A_404, %get3A_405] {strides = array<i32>} : memref<128x128xf32, #tpu.memory_space<vmem>>, vector<16xf32>,
        %mul3A_407 = arith.mulf %get3A_385, %get3A_385 : vector<16xf32>
        %mul3A_408 = arith.mulf %get3A_388, %get3A_388 : vector<16xf32>
        %add3A_409 = arith.addf %mul3A_407, %mul3A_408 : vector<16xf32>
        %mul3A_410 = arith.mulf %get3A_391, %get3A_391 : vector<16xf32>
        %add3A_411 = arith.addf %add3A_409, %mul3A_410 : vector<16xf32>
        %mul3A_412 = arith.mulf %get3A_394, %get3A_394 : vector<16xf32>
        %add3A_413 = arith.addf %add3A_411, %mul3A_412 : vector<16xf32>
        %mul3A_414 = arith.mulf %get3A_397, %get3A_397 : vector<16xf32>
        %add3A_415 = arith.addf %add3A_413, %mul3A_414 : vector<16xf32>
        %mul3A_416 = arith.mulf %get3A_400, %get3A_400 : vector<16xf32>
        %add3A_417 = arith.addf %add3A_415, %mul3A_416 : vector<16xf32>
        %mul3A_418 = arith.mulf %get3A_403, %get3A_403 : vector<16xf32>
        %add3A_419 = arith.addf %add3A_417, %mul3A_418 : vector<16xf32>
        %mul3A_420 = arith.mulf %get3A_406, %get3A_406 : vector<16xf32>
        %add3A_421 = arith.addf %add3A_419, %mul3A_420 : vector<16xf32>
        %reduce_sum3A_422 = arith.constant true
        %reduce_sum3A_423 = vector.broadcast %reduce_sum3A_422 : i1 to vector<16xi1>
        %reduce_sum3A_424 = tpu.scan <sum>, %add3A_421 masked %reduce_sum3A_423 : vector<16xf32>, vector<16xi1> -> vector<16xf32>
        %reduce_sum3A_425 = vector.extract %reduce_sum3A_424[15] : f32 from vector<16xf32>
        %broadcast_in_dim3A_426 = vector.broadcast %reduce_sum3A_425 : f32 to vector<16xf32>
        %max3A_427 = arith.constant 1.000000e-18 : f32
        %max3A_428 = vector.broadcast %max3A_427 : f32 to vector<16xf32>
        %max3A_429 = arith.maximumf %broadcast_in_dim3A_426, %max3A_428 : vector<16xf32>
        %bitcast3A_430 = vector.bitcast %max3A_429 : vector<16xf32> to vector<16xi32>
        %shift_right_arithmetic3A_431 = arith.constant 1 : i32
        %shift_right_arithmetic3A_432 = vector.broadcast %shift_right_arithmetic3A_431 : i32 to vector<16xi32>
        %shift_right_arithmetic3A_433 = arith.shrsi %bitcast3A_430, %shift_right_arithmetic3A_432 : vector<16xi32>
        %sub3A_434 = arith.constant 1597463007 : i32
        %sub3A_435 = vector.broadcast %sub3A_434 : i32 to vector<16xi32>
        %sub3A_436 = arith.subi %sub3A_435, %shift_right_arithmetic3A_433 : vector<16xi32>
        %bitcast3A_437 = vector.bitcast %sub3A_436 : vector<16xi32> to vector<16xf32>
        %mul3A_438 = arith.constant 5.000000e-01 : f32
        %mul3A_439 = vector.broadcast %mul3A_438 : f32 to vector<16xf32>
        %mul3A_440 = arith.mulf %mul3A_439, %max3A_429 : vector<16xf32>
        %mul3A_441 = arith.mulf %mul3A_440, %bitcast3A_437 : vector<16xf32>
        %mul3A_442 = arith.mulf %mul3A_441, %bitcast3A_437 : vector<16xf32>
        %sub3A_443 = arith.constant 1.500000e+00 : f32
        %sub3A_444 = vector.broadcast %sub3A_443 : f32 to vector<16xf32>
        %sub3A_445 = arith.subf %sub3A_444, %mul3A_442 : vector<16xf32>
        %mul3A_446 = arith.mulf %bitcast3A_437, %sub3A_445 : vector<16xf32>
        %mul3A_447 = arith.mulf %mul3A_440, %mul3A_446 : vector<16xf32>
        %mul3A_448 = arith.mulf %mul3A_447, %mul3A_446 : vector<16xf32>
        %sub3A_449 = arith.constant 1.500000e+00 : f32
        %sub3A_450 = vector.broadcast %sub3A_449 : f32 to vector<16xf32>
        %sub3A_451 = arith.subf %sub3A_450, %mul3A_448 : vector<16xf32>
        %mul3A_452 = arith.mulf %mul3A_446, %sub3A_451 : vector<16xf32>
        %mul3A_453 = arith.constant 0.949999988 : f32
        %mul3A_454 = vector.broadcast %mul3A_453 : f32 to vector<16xf32>
        %mul3A_455 = arith.mulf %mul3A_454, %mul3A_452 : vector<16xf32>
        %min3A_456 = arith.constant 1.000000e+00 : f32
        %min3A_457 = vector.broadcast %min3A_456 : f32 to vector<16xf32>
        %min3A_458 = arith.minimumf %mul3A_455, %min3A_457 : vector<16xf32>
        %mul3A_459 = arith.mulf %get3A_385, %min3A_458 : vector<16xf32>
        %swap3A_460 = arith.index_cast %scan3A_382 : i32 to index
        %swap3A_461 = arith.constant 0 : index
        %swap3A_462 = tpu.vector_load %arg10[%swap3A_460, %swap3A_461] {strides = array<i32>} : memref<128x128xf32, #tpu.memory_space<vmem>>, vector<16xf32>,
        tpu.vector_store %arg10[%swap3A_460, %swap3A_461], %mul3A_459 {strides = array<i32>} : memref<128x128xf32, #tpu.memory_space<vmem>>, vector<16xf32>,
        %mul3A_463 = arith.mulf %get3A_388, %min3A_458 : vector<16xf32>
        %swap3A_464 = arith.index_cast %scan3A_382 : i32 to index
        %swap3A_465 = arith.constant 16 : index
        %swap3A_466 = tpu.vector_load %arg10[%swap3A_464, %swap3A_465] {strides = array<i32>} : memref<128x128xf32, #tpu.memory_space<vmem>>, vector<16xf32>,
        tpu.vector_store %arg10[%swap3A_464, %swap3A_465], %mul3A_463 {strides = array<i32>} : memref<128x128xf32, #tpu.memory_space<vmem>>, vector<16xf32>,
        %mul3A_467 = arith.mulf %get3A_391, %min3A_458 : vector<16xf32>
        %swap3A_468 = arith.index_cast %scan3A_382 : i32 to index
        %swap3A_469 = arith.constant 32 : index
        %swap3A_470 = tpu.vector_load %arg10[%swap3A_468, %swap3A_469] {strides = array<i32>} : memref<128x128xf32, #tpu.memory_space<vmem>>, vector<16xf32>,
        tpu.vector_store %arg10[%swap3A_468, %swap3A_469], %mul3A_467 {strides = array<i32>} : memref<128x128xf32, #tpu.memory_space<vmem>>, vector<16xf32>,
        %mul3A_471 = arith.mulf %get3A_394, %min3A_458 : vector<16xf32>
        %swap3A_472 = arith.index_cast %scan3A_382 : i32 to index
        %swap3A_473 = arith.constant 48 : index
        %swap3A_474 = tpu.vector_load %arg10[%swap3A_472, %swap3A_473] {strides = array<i32>} : memref<128x128xf32, #tpu.memory_space<vmem>>, vector<16xf32>,
        tpu.vector_store %arg10[%swap3A_472, %swap3A_473], %mul3A_471 {strides = array<i32>} : memref<128x128xf32, #tpu.memory_space<vmem>>, vector<16xf32>,
        %mul3A_475 = arith.mulf %get3A_397, %min3A_458 : vector<16xf32>
        %swap3A_476 = arith.index_cast %scan3A_382 : i32 to index
        %swap3A_477 = arith.constant 64 : index
        %swap3A_478 = tpu.vector_load %arg10[%swap3A_476, %swap3A_477] {strides = array<i32>} : memref<128x128xf32, #tpu.memory_space<vmem>>, vector<16xf32>,
        tpu.vector_store %arg10[%swap3A_476, %swap3A_477], %mul3A_475 {strides = array<i32>} : memref<128x128xf32, #tpu.memory_space<vmem>>, vector<16xf32>,
        %mul3A_479 = arith.mulf %get3A_400, %min3A_458 : vector<16xf32>
        %swap3A_480 = arith.index_cast %scan3A_382 : i32 to index
        %swap3A_481 = arith.constant 80 : index
        %swap3A_482 = tpu.vector_load %arg10[%swap3A_480, %swap3A_481] {strides = array<i32>} : memref<128x128xf32, #tpu.memory_space<vmem>>, vector<16xf32>,
        tpu.vector_store %arg10[%swap3A_480, %swap3A_481], %mul3A_479 {strides = array<i32>} : memref<128x128xf32, #tpu.memory_space<vmem>>, vector<16xf32>,
        %mul3A_483 = arith.mulf %get3A_403, %min3A_458 : vector<16xf32>
        %swap3A_484 = arith.index_cast %scan3A_382 : i32 to index
        %swap3A_485 = arith.constant 96 : index
        %swap3A_486 = tpu.vector_load %arg10[%swap3A_484, %swap3A_485] {strides = array<i32>} : memref<128x128xf32, #tpu.memory_space<vmem>>, vector<16xf32>,
        tpu.vector_store %arg10[%swap3A_484, %swap3A_485], %mul3A_483 {strides = array<i32>} : memref<128x128xf32, #tpu.memory_space<vmem>>, vector<16xf32>,
        %mul3A_487 = arith.mulf %get3A_406, %min3A_458 : vector<16xf32>
        %swap3A_488 = arith.index_cast %scan3A_382 : i32 to index
        %swap3A_489 = arith.constant 112 : index
        %swap3A_490 = tpu.vector_load %arg10[%swap3A_488, %swap3A_489] {strides = array<i32>} : memref<128x128xf32, #tpu.memory_space<vmem>>, vector<16xf32>,
        tpu.vector_store %arg10[%swap3A_488, %swap3A_489], %mul3A_487 {strides = array<i32>} : memref<128x128xf32, #tpu.memory_space<vmem>>, vector<16xf32>,
        %scan3A_491 = arith.constant 2 : i32
        %scan3A_492 = arith.addi %scan3A_280, %scan3A_491 : i32
        %get3A_493 = arith.index_cast %scan3A_492 : i32 to index
        %get3A_494 = arith.constant 0 : index
        %get3A_495 = tpu.vector_load %arg10[%get3A_493, %get3A_494] {strides = array<i32>} : memref<128x128xf32, #tpu.memory_space<vmem>>, vector<16xf32>,
        %get3A_496 = arith.index_cast %scan3A_492 : i32 to index
        %get3A_497 = arith.constant 16 : index
        %get3A_498 = tpu.vector_load %arg10[%get3A_496, %get3A_497] {strides = array<i32>} : memref<128x128xf32, #tpu.memory_space<vmem>>, vector<16xf32>,
        %get3A_499 = arith.index_cast %scan3A_492 : i32 to index
        %get3A_500 = arith.constant 32 : index
        %get3A_501 = tpu.vector_load %arg10[%get3A_499, %get3A_500] {strides = array<i32>} : memref<128x128xf32, #tpu.memory_space<vmem>>, vector<16xf32>,
        %get3A_502 = arith.index_cast %scan3A_492 : i32 to index
        %get3A_503 = arith.constant 48 : index
        %get3A_504 = tpu.vector_load %arg10[%get3A_502, %get3A_503] {strides = array<i32>} : memref<128x128xf32, #tpu.memory_space<vmem>>, vector<16xf32>,
        %get3A_505 = arith.index_cast %scan3A_492 : i32 to index
        %get3A_506 = arith.constant 64 : index
        %get3A_507 = tpu.vector_load %arg10[%get3A_505, %get3A_506] {strides = array<i32>} : memref<128x128xf32, #tpu.memory_space<vmem>>, vector<16xf32>,
        %get3A_508 = arith.index_cast %scan3A_492 : i32 to index
        %get3A_509 = arith.constant 80 : index
        %get3A_510 = tpu.vector_load %arg10[%get3A_508, %get3A_509] {strides = array<i32>} : memref<128x128xf32, #tpu.memory_space<vmem>>, vector<16xf32>,
        %get3A_511 = arith.index_cast %scan3A_492 : i32 to index
        %get3A_512 = arith.constant 96 : index
        %get3A_513 = tpu.vector_load %arg10[%get3A_511, %get3A_512] {strides = array<i32>} : memref<128x128xf32, #tpu.memory_space<vmem>>, vector<16xf32>,
        %get3A_514 = arith.index_cast %scan3A_492 : i32 to index
        %get3A_515 = arith.constant 112 : index
        %get3A_516 = tpu.vector_load %arg10[%get3A_514, %get3A_515] {strides = array<i32>} : memref<128x128xf32, #tpu.memory_space<vmem>>, vector<16xf32>,
        %mul3A_517 = arith.mulf %get3A_495, %get3A_495 : vector<16xf32>
        %mul3A_518 = arith.mulf %get3A_498, %get3A_498 : vector<16xf32>
        %add3A_519 = arith.addf %mul3A_517, %mul3A_518 : vector<16xf32>
        %mul3A_520 = arith.mulf %get3A_501, %get3A_501 : vector<16xf32>
        %add3A_521 = arith.addf %add3A_519, %mul3A_520 : vector<16xf32>
        %mul3A_522 = arith.mulf %get3A_504, %get3A_504 : vector<16xf32>
        %add3A_523 = arith.addf %add3A_521, %mul3A_522 : vector<16xf32>
        %mul3A_524 = arith.mulf %get3A_507, %get3A_507 : vector<16xf32>
        %add3A_525 = arith.addf %add3A_523, %mul3A_524 : vector<16xf32>
        %mul3A_526 = arith.mulf %get3A_510, %get3A_510 : vector<16xf32>
        %add3A_527 = arith.addf %add3A_525, %mul3A_526 : vector<16xf32>
        %mul3A_528 = arith.mulf %get3A_513, %get3A_513 : vector<16xf32>
        %add3A_529 = arith.addf %add3A_527, %mul3A_528 : vector<16xf32>
        %mul3A_530 = arith.mulf %get3A_516, %get3A_516 : vector<16xf32>
        %add3A_531 = arith.addf %add3A_529, %mul3A_530 : vector<16xf32>
        %reduce_sum3A_532 = arith.constant true
        %reduce_sum3A_533 = vector.broadcast %reduce_sum3A_532 : i1 to vector<16xi1>
        %reduce_sum3A_534 = tpu.scan <sum>, %add3A_531 masked %reduce_sum3A_533 : vector<16xf32>, vector<16xi1> -> vector<16xf32>
        %reduce_sum3A_535 = vector.extract %reduce_sum3A_534[15] : f32 from vector<16xf32>
        %broadcast_in_dim3A_536 = vector.broadcast %reduce_sum3A_535 : f32 to vector<16xf32>
        %max3A_537 = arith.constant 1.000000e-18 : f32
        %max3A_538 = vector.broadcast %max3A_537 : f32 to vector<16xf32>
        %max3A_539 = arith.maximumf %broadcast_in_dim3A_536, %max3A_538 : vector<16xf32>
        %bitcast3A_540 = vector.bitcast %max3A_539 : vector<16xf32> to vector<16xi32>
        %shift_right_arithmetic3A_541 = arith.constant 1 : i32
        %shift_right_arithmetic3A_542 = vector.broadcast %shift_right_arithmetic3A_541 : i32 to vector<16xi32>
        %shift_right_arithmetic3A_543 = arith.shrsi %bitcast3A_540, %shift_right_arithmetic3A_542 : vector<16xi32>
        %sub3A_544 = arith.constant 1597463007 : i32
        %sub3A_545 = vector.broadcast %sub3A_544 : i32 to vector<16xi32>
        %sub3A_546 = arith.subi %sub3A_545, %shift_right_arithmetic3A_543 : vector<16xi32>
        %bitcast3A_547 = vector.bitcast %sub3A_546 : vector<16xi32> to vector<16xf32>
        %mul3A_548 = arith.constant 5.000000e-01 : f32
        %mul3A_549 = vector.broadcast %mul3A_548 : f32 to vector<16xf32>
        %mul3A_550 = arith.mulf %mul3A_549, %max3A_539 : vector<16xf32>
        %mul3A_551 = arith.mulf %mul3A_550, %bitcast3A_547 : vector<16xf32>
        %mul3A_552 = arith.mulf %mul3A_551, %bitcast3A_547 : vector<16xf32>
        %sub3A_553 = arith.constant 1.500000e+00 : f32
        %sub3A_554 = vector.broadcast %sub3A_553 : f32 to vector<16xf32>
        %sub3A_555 = arith.subf %sub3A_554, %mul3A_552 : vector<16xf32>
        %mul3A_556 = arith.mulf %bitcast3A_547, %sub3A_555 : vector<16xf32>
        %mul3A_557 = arith.mulf %mul3A_550, %mul3A_556 : vector<16xf32>
        %mul3A_558 = arith.mulf %mul3A_557, %mul3A_556 : vector<16xf32>
        %sub3A_559 = arith.constant 1.500000e+00 : f32
        %sub3A_560 = vector.broadcast %sub3A_559 : f32 to vector<16xf32>
        %sub3A_561 = arith.subf %sub3A_560, %mul3A_558 : vector<16xf32>
        %mul3A_562 = arith.mulf %mul3A_556, %sub3A_561 : vector<16xf32>
        %mul3A_563 = arith.constant 0.949999988 : f32
        %mul3A_564 = vector.broadcast %mul3A_563 : f32 to vector<16xf32>
        %mul3A_565 = arith.mulf %mul3A_564, %mul3A_562 : vector<16xf32>
        %min3A_566 = arith.constant 1.000000e+00 : f32
        %min3A_567 = vector.broadcast %min3A_566 : f32 to vector<16xf32>
        %min3A_568 = arith.minimumf %mul3A_565, %min3A_567 : vector<16xf32>
        %mul3A_569 = arith.mulf %get3A_495, %min3A_568 : vector<16xf32>
        %swap3A_570 = arith.index_cast %scan3A_492 : i32 to index
        %swap3A_571 = arith.constant 0 : index
        %swap3A_572 = tpu.vector_load %arg10[%swap3A_570, %swap3A_571] {strides = array<i32>} : memref<128x128xf32, #tpu.memory_space<vmem>>, vector<16xf32>,
        tpu.vector_store %arg10[%swap3A_570, %swap3A_571], %mul3A_569 {strides = array<i32>} : memref<128x128xf32, #tpu.memory_space<vmem>>, vector<16xf32>,
        %mul3A_573 = arith.mulf %get3A_498, %min3A_568 : vector<16xf32>
        %swap3A_574 = arith.index_cast %scan3A_492 : i32 to index
        %swap3A_575 = arith.constant 16 : index
        %swap3A_576 = tpu.vector_load %arg10[%swap3A_574, %swap3A_575] {strides = array<i32>} : memref<128x128xf32, #tpu.memory_space<vmem>>, vector<16xf32>,
        tpu.vector_store %arg10[%swap3A_574, %swap3A_575], %mul3A_573 {strides = array<i32>} : memref<128x128xf32, #tpu.memory_space<vmem>>, vector<16xf32>,
        %mul3A_577 = arith.mulf %get3A_501, %min3A_568 : vector<16xf32>
        %swap3A_578 = arith.index_cast %scan3A_492 : i32 to index
        %swap3A_579 = arith.constant 32 : index
        %swap3A_580 = tpu.vector_load %arg10[%swap3A_578, %swap3A_579] {strides = array<i32>} : memref<128x128xf32, #tpu.memory_space<vmem>>, vector<16xf32>,
        tpu.vector_store %arg10[%swap3A_578, %swap3A_579], %mul3A_577 {strides = array<i32>} : memref<128x128xf32, #tpu.memory_space<vmem>>, vector<16xf32>,
        %mul3A_581 = arith.mulf %get3A_504, %min3A_568 : vector<16xf32>
        %swap3A_582 = arith.index_cast %scan3A_492 : i32 to index
        %swap3A_583 = arith.constant 48 : index
        %swap3A_584 = tpu.vector_load %arg10[%swap3A_582, %swap3A_583] {strides = array<i32>} : memref<128x128xf32, #tpu.memory_space<vmem>>, vector<16xf32>,
        tpu.vector_store %arg10[%swap3A_582, %swap3A_583], %mul3A_581 {strides = array<i32>} : memref<128x128xf32, #tpu.memory_space<vmem>>, vector<16xf32>,
        %mul3A_585 = arith.mulf %get3A_507, %min3A_568 : vector<16xf32>
        %swap3A_586 = arith.index_cast %scan3A_492 : i32 to index
        %swap3A_587 = arith.constant 64 : index
        %swap3A_588 = tpu.vector_load %arg10[%swap3A_586, %swap3A_587] {strides = array<i32>} : memref<128x128xf32, #tpu.memory_space<vmem>>, vector<16xf32>,
        tpu.vector_store %arg10[%swap3A_586, %swap3A_587], %mul3A_585 {strides = array<i32>} : memref<128x128xf32, #tpu.memory_space<vmem>>, vector<16xf32>,
        %mul3A_589 = arith.mulf %get3A_510, %min3A_568 : vector<16xf32>
        %swap3A_590 = arith.index_cast %scan3A_492 : i32 to index
        %swap3A_591 = arith.constant 80 : index
        %swap3A_592 = tpu.vector_load %arg10[%swap3A_590, %swap3A_591] {strides = array<i32>} : memref<128x128xf32, #tpu.memory_space<vmem>>, vector<16xf32>,
        tpu.vector_store %arg10[%swap3A_590, %swap3A_591], %mul3A_589 {strides = array<i32>} : memref<128x128xf32, #tpu.memory_space<vmem>>, vector<16xf32>,
        %mul3A_593 = arith.mulf %get3A_513, %min3A_568 : vector<16xf32>
        %swap3A_594 = arith.index_cast %scan3A_492 : i32 to index
        %swap3A_595 = arith.constant 96 : index
        %swap3A_596 = tpu.vector_load %arg10[%swap3A_594, %swap3A_595] {strides = array<i32>} : memref<128x128xf32, #tpu.memory_space<vmem>>, vector<16xf32>,
        tpu.vector_store %arg10[%swap3A_594, %swap3A_595], %mul3A_593 {strides = array<i32>} : memref<128x128xf32, #tpu.memory_space<vmem>>, vector<16xf32>,
        %mul3A_597 = arith.mulf %get3A_516, %min3A_568 : vector<16xf32>
        %swap3A_598 = arith.index_cast %scan3A_492 : i32 to index
        %swap3A_599 = arith.constant 112 : index
        %swap3A_600 = tpu.vector_load %arg10[%swap3A_598, %swap3A_599] {strides = array<i32>} : memref<128x128xf32, #tpu.memory_space<vmem>>, vector<16xf32>,
        tpu.vector_store %arg10[%swap3A_598, %swap3A_599], %mul3A_597 {strides = array<i32>} : memref<128x128xf32, #tpu.memory_space<vmem>>, vector<16xf32>,
        %scan3A_601 = arith.constant 3 : i32
        %scan3A_602 = arith.addi %scan3A_280, %scan3A_601 : i32
        %get3A_603 = arith.index_cast %scan3A_602 : i32 to index
        %get3A_604 = arith.constant 0 : index
        %get3A_605 = tpu.vector_load %arg10[%get3A_603, %get3A_604] {strides = array<i32>} : memref<128x128xf32, #tpu.memory_space<vmem>>, vector<16xf32>,
        %get3A_606 = arith.index_cast %scan3A_602 : i32 to index
        %get3A_607 = arith.constant 16 : index
        %get3A_608 = tpu.vector_load %arg10[%get3A_606, %get3A_607] {strides = array<i32>} : memref<128x128xf32, #tpu.memory_space<vmem>>, vector<16xf32>,
        %get3A_609 = arith.index_cast %scan3A_602 : i32 to index
        %get3A_610 = arith.constant 32 : index
        %get3A_611 = tpu.vector_load %arg10[%get3A_609, %get3A_610] {strides = array<i32>} : memref<128x128xf32, #tpu.memory_space<vmem>>, vector<16xf32>,
        %get3A_612 = arith.index_cast %scan3A_602 : i32 to index
        %get3A_613 = arith.constant 48 : index
        %get3A_614 = tpu.vector_load %arg10[%get3A_612, %get3A_613] {strides = array<i32>} : memref<128x128xf32, #tpu.memory_space<vmem>>, vector<16xf32>,
        %get3A_615 = arith.index_cast %scan3A_602 : i32 to index
        %get3A_616 = arith.constant 64 : index
        %get3A_617 = tpu.vector_load %arg10[%get3A_615, %get3A_616] {strides = array<i32>} : memref<128x128xf32, #tpu.memory_space<vmem>>, vector<16xf32>,
        %get3A_618 = arith.index_cast %scan3A_602 : i32 to index
        %get3A_619 = arith.constant 80 : index
        %get3A_620 = tpu.vector_load %arg10[%get3A_618, %get3A_619] {strides = array<i32>} : memref<128x128xf32, #tpu.memory_space<vmem>>, vector<16xf32>,
        %get3A_621 = arith.index_cast %scan3A_602 : i32 to index
        %get3A_622 = arith.constant 96 : index
        %get3A_623 = tpu.vector_load %arg10[%get3A_621, %get3A_622] {strides = array<i32>} : memref<128x128xf32, #tpu.memory_space<vmem>>, vector<16xf32>,
        %get3A_624 = arith.index_cast %scan3A_602 : i32 to index
        %get3A_625 = arith.constant 112 : index
        %get3A_626 = tpu.vector_load %arg10[%get3A_624, %get3A_625] {strides = array<i32>} : memref<128x128xf32, #tpu.memory_space<vmem>>, vector<16xf32>,
        %mul3A_627 = arith.mulf %get3A_605, %get3A_605 : vector<16xf32>
        %mul3A_628 = arith.mulf %get3A_608, %get3A_608 : vector<16xf32>
        %add3A_629 = arith.addf %mul3A_627, %mul3A_628 : vector<16xf32>
        %mul3A_630 = arith.mulf %get3A_611, %get3A_611 : vector<16xf32>
        %add3A_631 = arith.addf %add3A_629, %mul3A_630 : vector<16xf32>
        %mul3A_632 = arith.mulf %get3A_614, %get3A_614 : vector<16xf32>
        %add3A_633 = arith.addf %add3A_631, %mul3A_632 : vector<16xf32>
        %mul3A_634 = arith.mulf %get3A_617, %get3A_617 : vector<16xf32>
        %add3A_635 = arith.addf %add3A_633, %mul3A_634 : vector<16xf32>
        %mul3A_636 = arith.mulf %get3A_620, %get3A_620 : vector<16xf32>
        %add3A_637 = arith.addf %add3A_635, %mul3A_636 : vector<16xf32>
        %mul3A_638 = arith.mulf %get3A_623, %get3A_623 : vector<16xf32>
        %add3A_639 = arith.addf %add3A_637, %mul3A_638 : vector<16xf32>
        %mul3A_640 = arith.mulf %get3A_626, %get3A_626 : vector<16xf32>
        %add3A_641 = arith.addf %add3A_639, %mul3A_640 : vector<16xf32>
        %reduce_sum3A_642 = arith.constant true
        %reduce_sum3A_643 = vector.broadcast %reduce_sum3A_642 : i1 to vector<16xi1>
        %reduce_sum3A_644 = tpu.scan <sum>, %add3A_641 masked %reduce_sum3A_643 : vector<16xf32>, vector<16xi1> -> vector<16xf32>
        %reduce_sum3A_645 = vector.extract %reduce_sum3A_644[15] : f32 from vector<16xf32>
        %broadcast_in_dim3A_646 = vector.broadcast %reduce_sum3A_645 : f32 to vector<16xf32>
        %max3A_647 = arith.constant 1.000000e-18 : f32
        %max3A_648 = vector.broadcast %max3A_647 : f32 to vector<16xf32>
        %max3A_649 = arith.maximumf %broadcast_in_dim3A_646, %max3A_648 : vector<16xf32>
        %bitcast3A_650 = vector.bitcast %max3A_649 : vector<16xf32> to vector<16xi32>
        %shift_right_arithmetic3A_651 = arith.constant 1 : i32
        %shift_right_arithmetic3A_652 = vector.broadcast %shift_right_arithmetic3A_651 : i32 to vector<16xi32>
        %shift_right_arithmetic3A_653 = arith.shrsi %bitcast3A_650, %shift_right_arithmetic3A_652 : vector<16xi32>
        %sub3A_654 = arith.constant 1597463007 : i32
        %sub3A_655 = vector.broadcast %sub3A_654 : i32 to vector<16xi32>
        %sub3A_656 = arith.subi %sub3A_655, %shift_right_arithmetic3A_653 : vector<16xi32>
        %bitcast3A_657 = vector.bitcast %sub3A_656 : vector<16xi32> to vector<16xf32>
        %mul3A_658 = arith.constant 5.000000e-01 : f32
        %mul3A_659 = vector.broadcast %mul3A_658 : f32 to vector<16xf32>
        %mul3A_660 = arith.mulf %mul3A_659, %max3A_649 : vector<16xf32>
        %mul3A_661 = arith.mulf %mul3A_660, %bitcast3A_657 : vector<16xf32>
        %mul3A_662 = arith.mulf %mul3A_661, %bitcast3A_657 : vector<16xf32>
        %sub3A_663 = arith.constant 1.500000e+00 : f32
        %sub3A_664 = vector.broadcast %sub3A_663 : f32 to vector<16xf32>
        %sub3A_665 = arith.subf %sub3A_664, %mul3A_662 : vector<16xf32>
        %mul3A_666 = arith.mulf %bitcast3A_657, %sub3A_665 : vector<16xf32>
        %mul3A_667 = arith.mulf %mul3A_660, %mul3A_666 : vector<16xf32>
        %mul3A_668 = arith.mulf %mul3A_667, %mul3A_666 : vector<16xf32>
        %sub3A_669 = arith.constant 1.500000e+00 : f32
        %sub3A_670 = vector.broadcast %sub3A_669 : f32 to vector<16xf32>
        %sub3A_671 = arith.subf %sub3A_670, %mul3A_668 : vector<16xf32>
        %mul3A_672 = arith.mulf %mul3A_666, %sub3A_671 : vector<16xf32>
        %mul3A_673 = arith.constant 0.949999988 : f32
        %mul3A_674 = vector.broadcast %mul3A_673 : f32 to vector<16xf32>
        %mul3A_675 = arith.mulf %mul3A_674, %mul3A_672 : vector<16xf32>
        %min3A_676 = arith.constant 1.000000e+00 : f32
        %min3A_677 = vector.broadcast %min3A_676 : f32 to vector<16xf32>
        %min3A_678 = arith.minimumf %mul3A_675, %min3A_677 : vector<16xf32>
        %mul3A_679 = arith.mulf %get3A_605, %min3A_678 : vector<16xf32>
        %swap3A_680 = arith.index_cast %scan3A_602 : i32 to index
        %swap3A_681 = arith.constant 0 : index
        %swap3A_682 = tpu.vector_load %arg10[%swap3A_680, %swap3A_681] {strides = array<i32>} : memref<128x128xf32, #tpu.memory_space<vmem>>, vector<16xf32>,
        tpu.vector_store %arg10[%swap3A_680, %swap3A_681], %mul3A_679 {strides = array<i32>} : memref<128x128xf32, #tpu.memory_space<vmem>>, vector<16xf32>,
        %mul3A_683 = arith.mulf %get3A_608, %min3A_678 : vector<16xf32>
        %swap3A_684 = arith.index_cast %scan3A_602 : i32 to index
        %swap3A_685 = arith.constant 16 : index
        %swap3A_686 = tpu.vector_load %arg10[%swap3A_684, %swap3A_685] {strides = array<i32>} : memref<128x128xf32, #tpu.memory_space<vmem>>, vector<16xf32>,
        tpu.vector_store %arg10[%swap3A_684, %swap3A_685], %mul3A_683 {strides = array<i32>} : memref<128x128xf32, #tpu.memory_space<vmem>>, vector<16xf32>,
        %mul3A_687 = arith.mulf %get3A_611, %min3A_678 : vector<16xf32>
        %swap3A_688 = arith.index_cast %scan3A_602 : i32 to index
        %swap3A_689 = arith.constant 32 : index
        %swap3A_690 = tpu.vector_load %arg10[%swap3A_688, %swap3A_689] {strides = array<i32>} : memref<128x128xf32, #tpu.memory_space<vmem>>, vector<16xf32>,
        tpu.vector_store %arg10[%swap3A_688, %swap3A_689], %mul3A_687 {strides = array<i32>} : memref<128x128xf32, #tpu.memory_space<vmem>>, vector<16xf32>,
        %mul3A_691 = arith.mulf %get3A_614, %min3A_678 : vector<16xf32>
        %swap3A_692 = arith.index_cast %scan3A_602 : i32 to index
        %swap3A_693 = arith.constant 48 : index
        %swap3A_694 = tpu.vector_load %arg10[%swap3A_692, %swap3A_693] {strides = array<i32>} : memref<128x128xf32, #tpu.memory_space<vmem>>, vector<16xf32>,
        tpu.vector_store %arg10[%swap3A_692, %swap3A_693], %mul3A_691 {strides = array<i32>} : memref<128x128xf32, #tpu.memory_space<vmem>>, vector<16xf32>,
        %mul3A_695 = arith.mulf %get3A_617, %min3A_678 : vector<16xf32>
        %swap3A_696 = arith.index_cast %scan3A_602 : i32 to index
        %swap3A_697 = arith.constant 64 : index
        %swap3A_698 = tpu.vector_load %arg10[%swap3A_696, %swap3A_697] {strides = array<i32>} : memref<128x128xf32, #tpu.memory_space<vmem>>, vector<16xf32>,
        tpu.vector_store %arg10[%swap3A_696, %swap3A_697], %mul3A_695 {strides = array<i32>} : memref<128x128xf32, #tpu.memory_space<vmem>>, vector<16xf32>,
        %mul3A_699 = arith.mulf %get3A_620, %min3A_678 : vector<16xf32>
        %swap3A_700 = arith.index_cast %scan3A_602 : i32 to index
        %swap3A_701 = arith.constant 80 : index
        %swap3A_702 = tpu.vector_load %arg10[%swap3A_700, %swap3A_701] {strides = array<i32>} : memref<128x128xf32, #tpu.memory_space<vmem>>, vector<16xf32>,
        tpu.vector_store %arg10[%swap3A_700, %swap3A_701], %mul3A_699 {strides = array<i32>} : memref<128x128xf32, #tpu.memory_space<vmem>>, vector<16xf32>,
        %mul3A_703 = arith.mulf %get3A_623, %min3A_678 : vector<16xf32>
        %swap3A_704 = arith.index_cast %scan3A_602 : i32 to index
        %swap3A_705 = arith.constant 96 : index
        %swap3A_706 = tpu.vector_load %arg10[%swap3A_704, %swap3A_705] {strides = array<i32>} : memref<128x128xf32, #tpu.memory_space<vmem>>, vector<16xf32>,
        tpu.vector_store %arg10[%swap3A_704, %swap3A_705], %mul3A_703 {strides = array<i32>} : memref<128x128xf32, #tpu.memory_space<vmem>>, vector<16xf32>,
        %mul3A_707 = arith.mulf %get3A_626, %min3A_678 : vector<16xf32>
        %swap3A_708 = arith.index_cast %scan3A_602 : i32 to index
        %swap3A_709 = arith.constant 112 : index
        %swap3A_710 = tpu.vector_load %arg10[%swap3A_708, %swap3A_709] {strides = array<i32>} : memref<128x128xf32, #tpu.memory_space<vmem>>, vector<16xf32>,
        tpu.vector_store %arg10[%swap3A_708, %swap3A_709], %mul3A_707 {strides = array<i32>} : memref<128x128xf32, #tpu.memory_space<vmem>>, vector<16xf32>,
      }
      %scan3A_231 = arith.constant 128 : i32
      %mul3A_232 = arith.constant 128 : i32
      %mul3A_233 = arith.muli %add3A_219, %mul3A_232 : i32
      %add3A_234 = arith.addi %mul3A_2, %mul3A_233 : i32
      %dma_start3A_235 = arith.constant 0 : i32
      %dma_start3A_236 = tpu.memref_slice %arg4[%add3A_234, %dma_start3A_235] : memref<204800x128xf32, #tpu.memory_space<hbm>> -> memref<128x128xf32, #tpu.memory_space<hbm>>
      %dma_start3A_237 = arith.constant 0 : i32
      %dma_start3A_238 = tpu.memref_slice %arg4[%add3A_234, %dma_start3A_237] : memref<204800x128xf32, #tpu.memory_space<hbm>> -> memref<128x128xf32, #tpu.memory_space<hbm>>
      tpu.enqueue_dma source(%arg10 : memref<128x128xf32, #tpu.memory_space<vmem>>) target(%dma_start3A_238 : memref<128x128xf32, #tpu.memory_space<hbm>>) target_semaphore(%arg22 : memref<!tpu.dma_semaphore, #tpu.memory_space<semaphore_mem>>)
      %add3A_239 = arith.constant 3 : i32
      %add3A_240 = arith.addi %add3A_219, %add3A_239 : i32
      %sub3A_241 = arith.constant 6 : i32
      %sub3A_242 = arith.subi %add3A_240, %sub3A_241 : i32
      %lt3A_243 = arith.constant 50 : i32
      %lt3A_244 = arith.cmpi slt, %add3A_240, %lt3A_243 : i32
      %convert_element_type3A_245 = arith.extui %lt3A_244 : i1 to i32
      %cond3A_246 = arith.constant 0 : i32
      %cond3A_247 = arith.cmpi ne, %convert_element_type3A_245, %cond3A_246 : i32
      scf.if %cond3A_247 {
        %ge3A = arith.constant 0 : i32
        %ge3A_280 = arith.cmpi sge, %sub3A_242, %ge3A : i32
        %convert_element_type3A_281 = arith.extui %ge3A_280 : i1 to i32
        %cond3A_282 = arith.constant 0 : i32
        %cond3A_283 = arith.cmpi ne, %convert_element_type3A_281, %cond3A_282 : i32
        scf.if %cond3A_283 {
          %mul3A_290 = arith.constant 128 : i32
          %mul3A_291 = arith.muli %sub3A_242, %mul3A_290 : i32
          %add3A_292 = arith.addi %mul3A_2, %mul3A_291 : i32
          %dma_wait3A_293 = arith.constant 0 : i32
          %dma_wait3A_294 = tpu.memref_slice %arg4[%add3A_292, %dma_wait3A_293] : memref<204800x128xf32, #tpu.memory_space<hbm>> -> memref<128x128xf32, #tpu.memory_space<hbm>>
          %dma_wait3A_295 = arith.constant 0 : i32
          %dma_wait3A_296 = tpu.memref_slice %arg4[%add3A_292, %dma_wait3A_295] : memref<204800x128xf32, #tpu.memory_space<hbm>> -> memref<128x128xf32, #tpu.memory_space<hbm>>
          tpu.wait_dma2 semaphore(%arg19 : memref<!tpu.dma_semaphore, #tpu.memory_space<semaphore_mem>>) src(%arg7 : memref<128x128xf32, #tpu.memory_space<vmem>>) dst(%dma_wait3A_296 : memref<128x128xf32, #tpu.memory_space<hbm>>)
        } else {
        }
        %mul3A_284 = arith.constant 128 : i32
        %mul3A_285 = arith.muli %add3A_240, %mul3A_284 : i32
        %dma_start3A_286 = tpu.memref_slice %arg5[%mul3A_285] : memref<6400xi32, #tpu.memory_space<vmem>> -> memref<128xi32, #tpu.memory_space<vmem>>
        %dma_start3A_287 = arith.constant 0 : i32
        %dma_start3A_288 = arith.constant 0 : i32
        %dma_start3A_289 = tpu.memref_slice %arg3[%dma_start3A_287, %dma_start3A_288] : memref<100000x128xf32, #tpu.memory_space<hbm>> -> memref<100000x128xf32, #tpu.memory_space<hbm>>
        tpu.enqueue_indirect_dma source(%dma_start3A_289 : memref<100000x128xf32, #tpu.memory_space<hbm>>) target(%arg7 : memref<128x128xf32, #tpu.memory_space<vmem>>) offsets(%dma_start3A_286 : memref<128xi32, #tpu.memory_space<vmem>>) semaphore(%arg13 : memref<!tpu.dma_semaphore, #tpu.memory_space<semaphore_mem>>)
      } else {
      }
      %mul3A_248 = arith.constant 6 : i32
      %mul3A_249 = arith.muli %mul3A_248, %scan3A_91 : i32
      %add3A_250 = arith.constant 5 : i32
      %add3A_251 = arith.addi %mul3A_249, %add3A_250 : i32
      %mul3A_252 = arith.constant 128 : i32
      %mul3A_253 = arith.muli %add3A_251, %mul3A_252 : i32
      %dma_wait3A_254 = tpu.memref_slice %arg5[%mul3A_253] : memref<6400xi32, #tpu.memory_space<vmem>> -> memref<128xi32, #tpu.memory_space<vmem>>
      %dma_wait3A_255 = arith.constant 0 : i32
      %dma_wait3A_256 = arith.constant 0 : i32
      %dma_wait3A_257 = tpu.memref_slice %arg3[%dma_wait3A_255, %dma_wait3A_256] : memref<100000x128xf32, #tpu.memory_space<hbm>> -> memref<100000x128xf32, #tpu.memory_space<hbm>>
      tpu.wait_indirect_dma semaphore(%arg17 : memref<!tpu.dma_semaphore, #tpu.memory_space<semaphore_mem>>) src(%dma_wait3A_257 : memref<100000x128xf32, #tpu.memory_space<hbm>>) dst(%arg11 : memref<128x128xf32, #tpu.memory_space<vmem>>)
      %scan3A_258 = arith.constant 0 : i32
      %scan3A_259 = arith.constant 0 : i32
      %scan3A_260 = arith.constant 128 : i32
      %scan3A_261 = arith.addi %scan3A_259, %scan3A_260 : i32
      %scan3A_262 = arith.constant 4 : i32
      scf.for %scan3A_280 = %scan3A_259 to %scan3A_261 step %scan3A_262  : i32 {
        %get3A = arith.index_cast %scan3A_280 : i32 to index
        %get3A_281 = arith.constant 0 : index
        %get3A_282 = tpu.vector_load %arg11[%get3A, %get3A_281] {strides = array<i32>} : memref<128x128xf32, #tpu.memory_space<vmem>>, vector<16xf32>,
        %get3A_283 = arith.index_cast %scan3A_280 : i32 to index
        %get3A_284 = arith.constant 16 : index
        %get3A_285 = tpu.vector_load %arg11[%get3A_283, %get3A_284] {strides = array<i32>} : memref<128x128xf32, #tpu.memory_space<vmem>>, vector<16xf32>,
        %get3A_286 = arith.index_cast %scan3A_280 : i32 to index
        %get3A_287 = arith.constant 32 : index
        %get3A_288 = tpu.vector_load %arg11[%get3A_286, %get3A_287] {strides = array<i32>} : memref<128x128xf32, #tpu.memory_space<vmem>>, vector<16xf32>,
        %get3A_289 = arith.index_cast %scan3A_280 : i32 to index
        %get3A_290 = arith.constant 48 : index
        %get3A_291 = tpu.vector_load %arg11[%get3A_289, %get3A_290] {strides = array<i32>} : memref<128x128xf32, #tpu.memory_space<vmem>>, vector<16xf32>,
        %get3A_292 = arith.index_cast %scan3A_280 : i32 to index
        %get3A_293 = arith.constant 64 : index
        %get3A_294 = tpu.vector_load %arg11[%get3A_292, %get3A_293] {strides = array<i32>} : memref<128x128xf32, #tpu.memory_space<vmem>>, vector<16xf32>,
        %get3A_295 = arith.index_cast %scan3A_280 : i32 to index
        %get3A_296 = arith.constant 80 : index
        %get3A_297 = tpu.vector_load %arg11[%get3A_295, %get3A_296] {strides = array<i32>} : memref<128x128xf32, #tpu.memory_space<vmem>>, vector<16xf32>,
        %get3A_298 = arith.index_cast %scan3A_280 : i32 to index
        %get3A_299 = arith.constant 96 : index
        %get3A_300 = tpu.vector_load %arg11[%get3A_298, %get3A_299] {strides = array<i32>} : memref<128x128xf32, #tpu.memory_space<vmem>>, vector<16xf32>,
        %get3A_301 = arith.index_cast %scan3A_280 : i32 to index
        %get3A_302 = arith.constant 112 : index
        %get3A_303 = tpu.vector_load %arg11[%get3A_301, %get3A_302] {strides = array<i32>} : memref<128x128xf32, #tpu.memory_space<vmem>>, vector<16xf32>,
        %mul3A_304 = arith.mulf %get3A_282, %get3A_282 : vector<16xf32>
        %mul3A_305 = arith.mulf %get3A_285, %get3A_285 : vector<16xf32>
        %add3A_306 = arith.addf %mul3A_304, %mul3A_305 : vector<16xf32>
        %mul3A_307 = arith.mulf %get3A_288, %get3A_288 : vector<16xf32>
        %add3A_308 = arith.addf %add3A_306, %mul3A_307 : vector<16xf32>
        %mul3A_309 = arith.mulf %get3A_291, %get3A_291 : vector<16xf32>
        %add3A_310 = arith.addf %add3A_308, %mul3A_309 : vector<16xf32>
        %mul3A_311 = arith.mulf %get3A_294, %get3A_294 : vector<16xf32>
        %add3A_312 = arith.addf %add3A_310, %mul3A_311 : vector<16xf32>
        %mul3A_313 = arith.mulf %get3A_297, %get3A_297 : vector<16xf32>
        %add3A_314 = arith.addf %add3A_312, %mul3A_313 : vector<16xf32>
        %mul3A_315 = arith.mulf %get3A_300, %get3A_300 : vector<16xf32>
        %add3A_316 = arith.addf %add3A_314, %mul3A_315 : vector<16xf32>
        %mul3A_317 = arith.mulf %get3A_303, %get3A_303 : vector<16xf32>
        %add3A_318 = arith.addf %add3A_316, %mul3A_317 : vector<16xf32>
        %reduce_sum3A = arith.constant true
        %reduce_sum3A_319 = vector.broadcast %reduce_sum3A : i1 to vector<16xi1>
        %reduce_sum3A_320 = tpu.scan <sum>, %add3A_318 masked %reduce_sum3A_319 : vector<16xf32>, vector<16xi1> -> vector<16xf32>
        %reduce_sum3A_321 = vector.extract %reduce_sum3A_320[15] : f32 from vector<16xf32>
        %broadcast_in_dim3A = vector.broadcast %reduce_sum3A_321 : f32 to vector<16xf32>
        %max3A = arith.constant 1.000000e-18 : f32
        %max3A_322 = vector.broadcast %max3A : f32 to vector<16xf32>
        %max3A_323 = arith.maximumf %broadcast_in_dim3A, %max3A_322 : vector<16xf32>
        %bitcast3A = vector.bitcast %max3A_323 : vector<16xf32> to vector<16xi32>
        %shift_right_arithmetic3A = arith.constant 1 : i32
        %shift_right_arithmetic3A_324 = vector.broadcast %shift_right_arithmetic3A : i32 to vector<16xi32>
        %shift_right_arithmetic3A_325 = arith.shrsi %bitcast3A, %shift_right_arithmetic3A_324 : vector<16xi32>
        %sub3A_326 = arith.constant 1597463007 : i32
        %sub3A_327 = vector.broadcast %sub3A_326 : i32 to vector<16xi32>
        %sub3A_328 = arith.subi %sub3A_327, %shift_right_arithmetic3A_325 : vector<16xi32>
        %bitcast3A_329 = vector.bitcast %sub3A_328 : vector<16xi32> to vector<16xf32>
        %mul3A_330 = arith.constant 5.000000e-01 : f32
        %mul3A_331 = vector.broadcast %mul3A_330 : f32 to vector<16xf32>
        %mul3A_332 = arith.mulf %mul3A_331, %max3A_323 : vector<16xf32>
        %mul3A_333 = arith.mulf %mul3A_332, %bitcast3A_329 : vector<16xf32>
        %mul3A_334 = arith.mulf %mul3A_333, %bitcast3A_329 : vector<16xf32>
        %sub3A_335 = arith.constant 1.500000e+00 : f32
        %sub3A_336 = vector.broadcast %sub3A_335 : f32 to vector<16xf32>
        %sub3A_337 = arith.subf %sub3A_336, %mul3A_334 : vector<16xf32>
        %mul3A_338 = arith.mulf %bitcast3A_329, %sub3A_337 : vector<16xf32>
        %mul3A_339 = arith.mulf %mul3A_332, %mul3A_338 : vector<16xf32>
        %mul3A_340 = arith.mulf %mul3A_339, %mul3A_338 : vector<16xf32>
        %sub3A_341 = arith.constant 1.500000e+00 : f32
        %sub3A_342 = vector.broadcast %sub3A_341 : f32 to vector<16xf32>
        %sub3A_343 = arith.subf %sub3A_342, %mul3A_340 : vector<16xf32>
        %mul3A_344 = arith.mulf %mul3A_338, %sub3A_343 : vector<16xf32>
        %mul3A_345 = arith.constant 0.949999988 : f32
        %mul3A_346 = vector.broadcast %mul3A_345 : f32 to vector<16xf32>
        %mul3A_347 = arith.mulf %mul3A_346, %mul3A_344 : vector<16xf32>
        %min3A = arith.constant 1.000000e+00 : f32
        %min3A_348 = vector.broadcast %min3A : f32 to vector<16xf32>
        %min3A_349 = arith.minimumf %mul3A_347, %min3A_348 : vector<16xf32>
        %mul3A_350 = arith.mulf %get3A_282, %min3A_349 : vector<16xf32>
        %swap3A = arith.index_cast %scan3A_280 : i32 to index
        %swap3A_351 = arith.constant 0 : index
        %swap3A_352 = tpu.vector_load %arg11[%swap3A, %swap3A_351] {strides = array<i32>} : memref<128x128xf32, #tpu.memory_space<vmem>>, vector<16xf32>,
        tpu.vector_store %arg11[%swap3A, %swap3A_351], %mul3A_350 {strides = array<i32>} : memref<128x128xf32, #tpu.memory_space<vmem>>, vector<16xf32>,
        %mul3A_353 = arith.mulf %get3A_285, %min3A_349 : vector<16xf32>
        %swap3A_354 = arith.index_cast %scan3A_280 : i32 to index
        %swap3A_355 = arith.constant 16 : index
        %swap3A_356 = tpu.vector_load %arg11[%swap3A_354, %swap3A_355] {strides = array<i32>} : memref<128x128xf32, #tpu.memory_space<vmem>>, vector<16xf32>,
        tpu.vector_store %arg11[%swap3A_354, %swap3A_355], %mul3A_353 {strides = array<i32>} : memref<128x128xf32, #tpu.memory_space<vmem>>, vector<16xf32>,
        %mul3A_357 = arith.mulf %get3A_288, %min3A_349 : vector<16xf32>
        %swap3A_358 = arith.index_cast %scan3A_280 : i32 to index
        %swap3A_359 = arith.constant 32 : index
        %swap3A_360 = tpu.vector_load %arg11[%swap3A_358, %swap3A_359] {strides = array<i32>} : memref<128x128xf32, #tpu.memory_space<vmem>>, vector<16xf32>,
        tpu.vector_store %arg11[%swap3A_358, %swap3A_359], %mul3A_357 {strides = array<i32>} : memref<128x128xf32, #tpu.memory_space<vmem>>, vector<16xf32>,
        %mul3A_361 = arith.mulf %get3A_291, %min3A_349 : vector<16xf32>
        %swap3A_362 = arith.index_cast %scan3A_280 : i32 to index
        %swap3A_363 = arith.constant 48 : index
        %swap3A_364 = tpu.vector_load %arg11[%swap3A_362, %swap3A_363] {strides = array<i32>} : memref<128x128xf32, #tpu.memory_space<vmem>>, vector<16xf32>,
        tpu.vector_store %arg11[%swap3A_362, %swap3A_363], %mul3A_361 {strides = array<i32>} : memref<128x128xf32, #tpu.memory_space<vmem>>, vector<16xf32>,
        %mul3A_365 = arith.mulf %get3A_294, %min3A_349 : vector<16xf32>
        %swap3A_366 = arith.index_cast %scan3A_280 : i32 to index
        %swap3A_367 = arith.constant 64 : index
        %swap3A_368 = tpu.vector_load %arg11[%swap3A_366, %swap3A_367] {strides = array<i32>} : memref<128x128xf32, #tpu.memory_space<vmem>>, vector<16xf32>,
        tpu.vector_store %arg11[%swap3A_366, %swap3A_367], %mul3A_365 {strides = array<i32>} : memref<128x128xf32, #tpu.memory_space<vmem>>, vector<16xf32>,
        %mul3A_369 = arith.mulf %get3A_297, %min3A_349 : vector<16xf32>
        %swap3A_370 = arith.index_cast %scan3A_280 : i32 to index
        %swap3A_371 = arith.constant 80 : index
        %swap3A_372 = tpu.vector_load %arg11[%swap3A_370, %swap3A_371] {strides = array<i32>} : memref<128x128xf32, #tpu.memory_space<vmem>>, vector<16xf32>,
        tpu.vector_store %arg11[%swap3A_370, %swap3A_371], %mul3A_369 {strides = array<i32>} : memref<128x128xf32, #tpu.memory_space<vmem>>, vector<16xf32>,
        %mul3A_373 = arith.mulf %get3A_300, %min3A_349 : vector<16xf32>
        %swap3A_374 = arith.index_cast %scan3A_280 : i32 to index
        %swap3A_375 = arith.constant 96 : index
        %swap3A_376 = tpu.vector_load %arg11[%swap3A_374, %swap3A_375] {strides = array<i32>} : memref<128x128xf32, #tpu.memory_space<vmem>>, vector<16xf32>,
        tpu.vector_store %arg11[%swap3A_374, %swap3A_375], %mul3A_373 {strides = array<i32>} : memref<128x128xf32, #tpu.memory_space<vmem>>, vector<16xf32>,
        %mul3A_377 = arith.mulf %get3A_303, %min3A_349 : vector<16xf32>
        %swap3A_378 = arith.index_cast %scan3A_280 : i32 to index
        %swap3A_379 = arith.constant 112 : index
        %swap3A_380 = tpu.vector_load %arg11[%swap3A_378, %swap3A_379] {strides = array<i32>} : memref<128x128xf32, #tpu.memory_space<vmem>>, vector<16xf32>,
        tpu.vector_store %arg11[%swap3A_378, %swap3A_379], %mul3A_377 {strides = array<i32>} : memref<128x128xf32, #tpu.memory_space<vmem>>, vector<16xf32>,
        %scan3A_381 = arith.constant 1 : i32
        %scan3A_382 = arith.addi %scan3A_280, %scan3A_381 : i32
        %get3A_383 = arith.index_cast %scan3A_382 : i32 to index
        %get3A_384 = arith.constant 0 : index
        %get3A_385 = tpu.vector_load %arg11[%get3A_383, %get3A_384] {strides = array<i32>} : memref<128x128xf32, #tpu.memory_space<vmem>>, vector<16xf32>,
        %get3A_386 = arith.index_cast %scan3A_382 : i32 to index
        %get3A_387 = arith.constant 16 : index
        %get3A_388 = tpu.vector_load %arg11[%get3A_386, %get3A_387] {strides = array<i32>} : memref<128x128xf32, #tpu.memory_space<vmem>>, vector<16xf32>,
        %get3A_389 = arith.index_cast %scan3A_382 : i32 to index
        %get3A_390 = arith.constant 32 : index
        %get3A_391 = tpu.vector_load %arg11[%get3A_389, %get3A_390] {strides = array<i32>} : memref<128x128xf32, #tpu.memory_space<vmem>>, vector<16xf32>,
        %get3A_392 = arith.index_cast %scan3A_382 : i32 to index
        %get3A_393 = arith.constant 48 : index
        %get3A_394 = tpu.vector_load %arg11[%get3A_392, %get3A_393] {strides = array<i32>} : memref<128x128xf32, #tpu.memory_space<vmem>>, vector<16xf32>,
        %get3A_395 = arith.index_cast %scan3A_382 : i32 to index
        %get3A_396 = arith.constant 64 : index
        %get3A_397 = tpu.vector_load %arg11[%get3A_395, %get3A_396] {strides = array<i32>} : memref<128x128xf32, #tpu.memory_space<vmem>>, vector<16xf32>,
        %get3A_398 = arith.index_cast %scan3A_382 : i32 to index
        %get3A_399 = arith.constant 80 : index
        %get3A_400 = tpu.vector_load %arg11[%get3A_398, %get3A_399] {strides = array<i32>} : memref<128x128xf32, #tpu.memory_space<vmem>>, vector<16xf32>,
        %get3A_401 = arith.index_cast %scan3A_382 : i32 to index
        %get3A_402 = arith.constant 96 : index
        %get3A_403 = tpu.vector_load %arg11[%get3A_401, %get3A_402] {strides = array<i32>} : memref<128x128xf32, #tpu.memory_space<vmem>>, vector<16xf32>,
        %get3A_404 = arith.index_cast %scan3A_382 : i32 to index
        %get3A_405 = arith.constant 112 : index
        %get3A_406 = tpu.vector_load %arg11[%get3A_404, %get3A_405] {strides = array<i32>} : memref<128x128xf32, #tpu.memory_space<vmem>>, vector<16xf32>,
        %mul3A_407 = arith.mulf %get3A_385, %get3A_385 : vector<16xf32>
        %mul3A_408 = arith.mulf %get3A_388, %get3A_388 : vector<16xf32>
        %add3A_409 = arith.addf %mul3A_407, %mul3A_408 : vector<16xf32>
        %mul3A_410 = arith.mulf %get3A_391, %get3A_391 : vector<16xf32>
        %add3A_411 = arith.addf %add3A_409, %mul3A_410 : vector<16xf32>
        %mul3A_412 = arith.mulf %get3A_394, %get3A_394 : vector<16xf32>
        %add3A_413 = arith.addf %add3A_411, %mul3A_412 : vector<16xf32>
        %mul3A_414 = arith.mulf %get3A_397, %get3A_397 : vector<16xf32>
        %add3A_415 = arith.addf %add3A_413, %mul3A_414 : vector<16xf32>
        %mul3A_416 = arith.mulf %get3A_400, %get3A_400 : vector<16xf32>
        %add3A_417 = arith.addf %add3A_415, %mul3A_416 : vector<16xf32>
        %mul3A_418 = arith.mulf %get3A_403, %get3A_403 : vector<16xf32>
        %add3A_419 = arith.addf %add3A_417, %mul3A_418 : vector<16xf32>
        %mul3A_420 = arith.mulf %get3A_406, %get3A_406 : vector<16xf32>
        %add3A_421 = arith.addf %add3A_419, %mul3A_420 : vector<16xf32>
        %reduce_sum3A_422 = arith.constant true
        %reduce_sum3A_423 = vector.broadcast %reduce_sum3A_422 : i1 to vector<16xi1>
        %reduce_sum3A_424 = tpu.scan <sum>, %add3A_421 masked %reduce_sum3A_423 : vector<16xf32>, vector<16xi1> -> vector<16xf32>
        %reduce_sum3A_425 = vector.extract %reduce_sum3A_424[15] : f32 from vector<16xf32>
        %broadcast_in_dim3A_426 = vector.broadcast %reduce_sum3A_425 : f32 to vector<16xf32>
        %max3A_427 = arith.constant 1.000000e-18 : f32
        %max3A_428 = vector.broadcast %max3A_427 : f32 to vector<16xf32>
        %max3A_429 = arith.maximumf %broadcast_in_dim3A_426, %max3A_428 : vector<16xf32>
        %bitcast3A_430 = vector.bitcast %max3A_429 : vector<16xf32> to vector<16xi32>
        %shift_right_arithmetic3A_431 = arith.constant 1 : i32
        %shift_right_arithmetic3A_432 = vector.broadcast %shift_right_arithmetic3A_431 : i32 to vector<16xi32>
        %shift_right_arithmetic3A_433 = arith.shrsi %bitcast3A_430, %shift_right_arithmetic3A_432 : vector<16xi32>
        %sub3A_434 = arith.constant 1597463007 : i32
        %sub3A_435 = vector.broadcast %sub3A_434 : i32 to vector<16xi32>
        %sub3A_436 = arith.subi %sub3A_435, %shift_right_arithmetic3A_433 : vector<16xi32>
        %bitcast3A_437 = vector.bitcast %sub3A_436 : vector<16xi32> to vector<16xf32>
        %mul3A_438 = arith.constant 5.000000e-01 : f32
        %mul3A_439 = vector.broadcast %mul3A_438 : f32 to vector<16xf32>
        %mul3A_440 = arith.mulf %mul3A_439, %max3A_429 : vector<16xf32>
        %mul3A_441 = arith.mulf %mul3A_440, %bitcast3A_437 : vector<16xf32>
        %mul3A_442 = arith.mulf %mul3A_441, %bitcast3A_437 : vector<16xf32>
        %sub3A_443 = arith.constant 1.500000e+00 : f32
        %sub3A_444 = vector.broadcast %sub3A_443 : f32 to vector<16xf32>
        %sub3A_445 = arith.subf %sub3A_444, %mul3A_442 : vector<16xf32>
        %mul3A_446 = arith.mulf %bitcast3A_437, %sub3A_445 : vector<16xf32>
        %mul3A_447 = arith.mulf %mul3A_440, %mul3A_446 : vector<16xf32>
        %mul3A_448 = arith.mulf %mul3A_447, %mul3A_446 : vector<16xf32>
        %sub3A_449 = arith.constant 1.500000e+00 : f32
        %sub3A_450 = vector.broadcast %sub3A_449 : f32 to vector<16xf32>
        %sub3A_451 = arith.subf %sub3A_450, %mul3A_448 : vector<16xf32>
        %mul3A_452 = arith.mulf %mul3A_446, %sub3A_451 : vector<16xf32>
        %mul3A_453 = arith.constant 0.949999988 : f32
        %mul3A_454 = vector.broadcast %mul3A_453 : f32 to vector<16xf32>
        %mul3A_455 = arith.mulf %mul3A_454, %mul3A_452 : vector<16xf32>
        %min3A_456 = arith.constant 1.000000e+00 : f32
        %min3A_457 = vector.broadcast %min3A_456 : f32 to vector<16xf32>
        %min3A_458 = arith.minimumf %mul3A_455, %min3A_457 : vector<16xf32>
        %mul3A_459 = arith.mulf %get3A_385, %min3A_458 : vector<16xf32>
        %swap3A_460 = arith.index_cast %scan3A_382 : i32 to index
        %swap3A_461 = arith.constant 0 : index
        %swap3A_462 = tpu.vector_load %arg11[%swap3A_460, %swap3A_461] {strides = array<i32>} : memref<128x128xf32, #tpu.memory_space<vmem>>, vector<16xf32>,
        tpu.vector_store %arg11[%swap3A_460, %swap3A_461], %mul3A_459 {strides = array<i32>} : memref<128x128xf32, #tpu.memory_space<vmem>>, vector<16xf32>,
        %mul3A_463 = arith.mulf %get3A_388, %min3A_458 : vector<16xf32>
        %swap3A_464 = arith.index_cast %scan3A_382 : i32 to index
        %swap3A_465 = arith.constant 16 : index
        %swap3A_466 = tpu.vector_load %arg11[%swap3A_464, %swap3A_465] {strides = array<i32>} : memref<128x128xf32, #tpu.memory_space<vmem>>, vector<16xf32>,
        tpu.vector_store %arg11[%swap3A_464, %swap3A_465], %mul3A_463 {strides = array<i32>} : memref<128x128xf32, #tpu.memory_space<vmem>>, vector<16xf32>,
        %mul3A_467 = arith.mulf %get3A_391, %min3A_458 : vector<16xf32>
        %swap3A_468 = arith.index_cast %scan3A_382 : i32 to index
        %swap3A_469 = arith.constant 32 : index
        %swap3A_470 = tpu.vector_load %arg11[%swap3A_468, %swap3A_469] {strides = array<i32>} : memref<128x128xf32, #tpu.memory_space<vmem>>, vector<16xf32>,
        tpu.vector_store %arg11[%swap3A_468, %swap3A_469], %mul3A_467 {strides = array<i32>} : memref<128x128xf32, #tpu.memory_space<vmem>>, vector<16xf32>,
        %mul3A_471 = arith.mulf %get3A_394, %min3A_458 : vector<16xf32>
        %swap3A_472 = arith.index_cast %scan3A_382 : i32 to index
        %swap3A_473 = arith.constant 48 : index
        %swap3A_474 = tpu.vector_load %arg11[%swap3A_472, %swap3A_473] {strides = array<i32>} : memref<128x128xf32, #tpu.memory_space<vmem>>, vector<16xf32>,
        tpu.vector_store %arg11[%swap3A_472, %swap3A_473], %mul3A_471 {strides = array<i32>} : memref<128x128xf32, #tpu.memory_space<vmem>>, vector<16xf32>,
        %mul3A_475 = arith.mulf %get3A_397, %min3A_458 : vector<16xf32>
        %swap3A_476 = arith.index_cast %scan3A_382 : i32 to index
        %swap3A_477 = arith.constant 64 : index
        %swap3A_478 = tpu.vector_load %arg11[%swap3A_476, %swap3A_477] {strides = array<i32>} : memref<128x128xf32, #tpu.memory_space<vmem>>, vector<16xf32>,
        tpu.vector_store %arg11[%swap3A_476, %swap3A_477], %mul3A_475 {strides = array<i32>} : memref<128x128xf32, #tpu.memory_space<vmem>>, vector<16xf32>,
        %mul3A_479 = arith.mulf %get3A_400, %min3A_458 : vector<16xf32>
        %swap3A_480 = arith.index_cast %scan3A_382 : i32 to index
        %swap3A_481 = arith.constant 80 : index
        %swap3A_482 = tpu.vector_load %arg11[%swap3A_480, %swap3A_481] {strides = array<i32>} : memref<128x128xf32, #tpu.memory_space<vmem>>, vector<16xf32>,
        tpu.vector_store %arg11[%swap3A_480, %swap3A_481], %mul3A_479 {strides = array<i32>} : memref<128x128xf32, #tpu.memory_space<vmem>>, vector<16xf32>,
        %mul3A_483 = arith.mulf %get3A_403, %min3A_458 : vector<16xf32>
        %swap3A_484 = arith.index_cast %scan3A_382 : i32 to index
        %swap3A_485 = arith.constant 96 : index
        %swap3A_486 = tpu.vector_load %arg11[%swap3A_484, %swap3A_485] {strides = array<i32>} : memref<128x128xf32, #tpu.memory_space<vmem>>, vector<16xf32>,
        tpu.vector_store %arg11[%swap3A_484, %swap3A_485], %mul3A_483 {strides = array<i32>} : memref<128x128xf32, #tpu.memory_space<vmem>>, vector<16xf32>,
        %mul3A_487 = arith.mulf %get3A_406, %min3A_458 : vector<16xf32>
        %swap3A_488 = arith.index_cast %scan3A_382 : i32 to index
        %swap3A_489 = arith.constant 112 : index
        %swap3A_490 = tpu.vector_load %arg11[%swap3A_488, %swap3A_489] {strides = array<i32>} : memref<128x128xf32, #tpu.memory_space<vmem>>, vector<16xf32>,
        tpu.vector_store %arg11[%swap3A_488, %swap3A_489], %mul3A_487 {strides = array<i32>} : memref<128x128xf32, #tpu.memory_space<vmem>>, vector<16xf32>,
        %scan3A_491 = arith.constant 2 : i32
        %scan3A_492 = arith.addi %scan3A_280, %scan3A_491 : i32
        %get3A_493 = arith.index_cast %scan3A_492 : i32 to index
        %get3A_494 = arith.constant 0 : index
        %get3A_495 = tpu.vector_load %arg11[%get3A_493, %get3A_494] {strides = array<i32>} : memref<128x128xf32, #tpu.memory_space<vmem>>, vector<16xf32>,
        %get3A_496 = arith.index_cast %scan3A_492 : i32 to index
        %get3A_497 = arith.constant 16 : index
        %get3A_498 = tpu.vector_load %arg11[%get3A_496, %get3A_497] {strides = array<i32>} : memref<128x128xf32, #tpu.memory_space<vmem>>, vector<16xf32>,
        %get3A_499 = arith.index_cast %scan3A_492 : i32 to index
        %get3A_500 = arith.constant 32 : index
        %get3A_501 = tpu.vector_load %arg11[%get3A_499, %get3A_500] {strides = array<i32>} : memref<128x128xf32, #tpu.memory_space<vmem>>, vector<16xf32>,
        %get3A_502 = arith.index_cast %scan3A_492 : i32 to index
        %get3A_503 = arith.constant 48 : index
        %get3A_504 = tpu.vector_load %arg11[%get3A_502, %get3A_503] {strides = array<i32>} : memref<128x128xf32, #tpu.memory_space<vmem>>, vector<16xf32>,
        %get3A_505 = arith.index_cast %scan3A_492 : i32 to index
        %get3A_506 = arith.constant 64 : index
        %get3A_507 = tpu.vector_load %arg11[%get3A_505, %get3A_506] {strides = array<i32>} : memref<128x128xf32, #tpu.memory_space<vmem>>, vector<16xf32>,
        %get3A_508 = arith.index_cast %scan3A_492 : i32 to index
        %get3A_509 = arith.constant 80 : index
        %get3A_510 = tpu.vector_load %arg11[%get3A_508, %get3A_509] {strides = array<i32>} : memref<128x128xf32, #tpu.memory_space<vmem>>, vector<16xf32>,
        %get3A_511 = arith.index_cast %scan3A_492 : i32 to index
        %get3A_512 = arith.constant 96 : index
        %get3A_513 = tpu.vector_load %arg11[%get3A_511, %get3A_512] {strides = array<i32>} : memref<128x128xf32, #tpu.memory_space<vmem>>, vector<16xf32>,
        %get3A_514 = arith.index_cast %scan3A_492 : i32 to index
        %get3A_515 = arith.constant 112 : index
        %get3A_516 = tpu.vector_load %arg11[%get3A_514, %get3A_515] {strides = array<i32>} : memref<128x128xf32, #tpu.memory_space<vmem>>, vector<16xf32>,
        %mul3A_517 = arith.mulf %get3A_495, %get3A_495 : vector<16xf32>
        %mul3A_518 = arith.mulf %get3A_498, %get3A_498 : vector<16xf32>
        %add3A_519 = arith.addf %mul3A_517, %mul3A_518 : vector<16xf32>
        %mul3A_520 = arith.mulf %get3A_501, %get3A_501 : vector<16xf32>
        %add3A_521 = arith.addf %add3A_519, %mul3A_520 : vector<16xf32>
        %mul3A_522 = arith.mulf %get3A_504, %get3A_504 : vector<16xf32>
        %add3A_523 = arith.addf %add3A_521, %mul3A_522 : vector<16xf32>
        %mul3A_524 = arith.mulf %get3A_507, %get3A_507 : vector<16xf32>
        %add3A_525 = arith.addf %add3A_523, %mul3A_524 : vector<16xf32>
        %mul3A_526 = arith.mulf %get3A_510, %get3A_510 : vector<16xf32>
        %add3A_527 = arith.addf %add3A_525, %mul3A_526 : vector<16xf32>
        %mul3A_528 = arith.mulf %get3A_513, %get3A_513 : vector<16xf32>
        %add3A_529 = arith.addf %add3A_527, %mul3A_528 : vector<16xf32>
        %mul3A_530 = arith.mulf %get3A_516, %get3A_516 : vector<16xf32>
        %add3A_531 = arith.addf %add3A_529, %mul3A_530 : vector<16xf32>
        %reduce_sum3A_532 = arith.constant true
        %reduce_sum3A_533 = vector.broadcast %reduce_sum3A_532 : i1 to vector<16xi1>
        %reduce_sum3A_534 = tpu.scan <sum>, %add3A_531 masked %reduce_sum3A_533 : vector<16xf32>, vector<16xi1> -> vector<16xf32>
        %reduce_sum3A_535 = vector.extract %reduce_sum3A_534[15] : f32 from vector<16xf32>
        %broadcast_in_dim3A_536 = vector.broadcast %reduce_sum3A_535 : f32 to vector<16xf32>
        %max3A_537 = arith.constant 1.000000e-18 : f32
        %max3A_538 = vector.broadcast %max3A_537 : f32 to vector<16xf32>
        %max3A_539 = arith.maximumf %broadcast_in_dim3A_536, %max3A_538 : vector<16xf32>
        %bitcast3A_540 = vector.bitcast %max3A_539 : vector<16xf32> to vector<16xi32>
        %shift_right_arithmetic3A_541 = arith.constant 1 : i32
        %shift_right_arithmetic3A_542 = vector.broadcast %shift_right_arithmetic3A_541 : i32 to vector<16xi32>
        %shift_right_arithmetic3A_543 = arith.shrsi %bitcast3A_540, %shift_right_arithmetic3A_542 : vector<16xi32>
        %sub3A_544 = arith.constant 1597463007 : i32
        %sub3A_545 = vector.broadcast %sub3A_544 : i32 to vector<16xi32>
        %sub3A_546 = arith.subi %sub3A_545, %shift_right_arithmetic3A_543 : vector<16xi32>
        %bitcast3A_547 = vector.bitcast %sub3A_546 : vector<16xi32> to vector<16xf32>
        %mul3A_548 = arith.constant 5.000000e-01 : f32
        %mul3A_549 = vector.broadcast %mul3A_548 : f32 to vector<16xf32>
        %mul3A_550 = arith.mulf %mul3A_549, %max3A_539 : vector<16xf32>
        %mul3A_551 = arith.mulf %mul3A_550, %bitcast3A_547 : vector<16xf32>
        %mul3A_552 = arith.mulf %mul3A_551, %bitcast3A_547 : vector<16xf32>
        %sub3A_553 = arith.constant 1.500000e+00 : f32
        %sub3A_554 = vector.broadcast %sub3A_553 : f32 to vector<16xf32>
        %sub3A_555 = arith.subf %sub3A_554, %mul3A_552 : vector<16xf32>
        %mul3A_556 = arith.mulf %bitcast3A_547, %sub3A_555 : vector<16xf32>
        %mul3A_557 = arith.mulf %mul3A_550, %mul3A_556 : vector<16xf32>
        %mul3A_558 = arith.mulf %mul3A_557, %mul3A_556 : vector<16xf32>
        %sub3A_559 = arith.constant 1.500000e+00 : f32
        %sub3A_560 = vector.broadcast %sub3A_559 : f32 to vector<16xf32>
        %sub3A_561 = arith.subf %sub3A_560, %mul3A_558 : vector<16xf32>
        %mul3A_562 = arith.mulf %mul3A_556, %sub3A_561 : vector<16xf32>
        %mul3A_563 = arith.constant 0.949999988 : f32
        %mul3A_564 = vector.broadcast %mul3A_563 : f32 to vector<16xf32>
        %mul3A_565 = arith.mulf %mul3A_564, %mul3A_562 : vector<16xf32>
        %min3A_566 = arith.constant 1.000000e+00 : f32
        %min3A_567 = vector.broadcast %min3A_566 : f32 to vector<16xf32>
        %min3A_568 = arith.minimumf %mul3A_565, %min3A_567 : vector<16xf32>
        %mul3A_569 = arith.mulf %get3A_495, %min3A_568 : vector<16xf32>
        %swap3A_570 = arith.index_cast %scan3A_492 : i32 to index
        %swap3A_571 = arith.constant 0 : index
        %swap3A_572 = tpu.vector_load %arg11[%swap3A_570, %swap3A_571] {strides = array<i32>} : memref<128x128xf32, #tpu.memory_space<vmem>>, vector<16xf32>,
        tpu.vector_store %arg11[%swap3A_570, %swap3A_571], %mul3A_569 {strides = array<i32>} : memref<128x128xf32, #tpu.memory_space<vmem>>, vector<16xf32>,
        %mul3A_573 = arith.mulf %get3A_498, %min3A_568 : vector<16xf32>
        %swap3A_574 = arith.index_cast %scan3A_492 : i32 to index
        %swap3A_575 = arith.constant 16 : index
        %swap3A_576 = tpu.vector_load %arg11[%swap3A_574, %swap3A_575] {strides = array<i32>} : memref<128x128xf32, #tpu.memory_space<vmem>>, vector<16xf32>,
        tpu.vector_store %arg11[%swap3A_574, %swap3A_575], %mul3A_573 {strides = array<i32>} : memref<128x128xf32, #tpu.memory_space<vmem>>, vector<16xf32>,
        %mul3A_577 = arith.mulf %get3A_501, %min3A_568 : vector<16xf32>
        %swap3A_578 = arith.index_cast %scan3A_492 : i32 to index
        %swap3A_579 = arith.constant 32 : index
        %swap3A_580 = tpu.vector_load %arg11[%swap3A_578, %swap3A_579] {strides = array<i32>} : memref<128x128xf32, #tpu.memory_space<vmem>>, vector<16xf32>,
        tpu.vector_store %arg11[%swap3A_578, %swap3A_579], %mul3A_577 {strides = array<i32>} : memref<128x128xf32, #tpu.memory_space<vmem>>, vector<16xf32>,
        %mul3A_581 = arith.mulf %get3A_504, %min3A_568 : vector<16xf32>
        %swap3A_582 = arith.index_cast %scan3A_492 : i32 to index
        %swap3A_583 = arith.constant 48 : index
        %swap3A_584 = tpu.vector_load %arg11[%swap3A_582, %swap3A_583] {strides = array<i32>} : memref<128x128xf32, #tpu.memory_space<vmem>>, vector<16xf32>,
        tpu.vector_store %arg11[%swap3A_582, %swap3A_583], %mul3A_581 {strides = array<i32>} : memref<128x128xf32, #tpu.memory_space<vmem>>, vector<16xf32>,
        %mul3A_585 = arith.mulf %get3A_507, %min3A_568 : vector<16xf32>
        %swap3A_586 = arith.index_cast %scan3A_492 : i32 to index
        %swap3A_587 = arith.constant 64 : index
        %swap3A_588 = tpu.vector_load %arg11[%swap3A_586, %swap3A_587] {strides = array<i32>} : memref<128x128xf32, #tpu.memory_space<vmem>>, vector<16xf32>,
        tpu.vector_store %arg11[%swap3A_586, %swap3A_587], %mul3A_585 {strides = array<i32>} : memref<128x128xf32, #tpu.memory_space<vmem>>, vector<16xf32>,
        %mul3A_589 = arith.mulf %get3A_510, %min3A_568 : vector<16xf32>
        %swap3A_590 = arith.index_cast %scan3A_492 : i32 to index
        %swap3A_591 = arith.constant 80 : index
        %swap3A_592 = tpu.vector_load %arg11[%swap3A_590, %swap3A_591] {strides = array<i32>} : memref<128x128xf32, #tpu.memory_space<vmem>>, vector<16xf32>,
        tpu.vector_store %arg11[%swap3A_590, %swap3A_591], %mul3A_589 {strides = array<i32>} : memref<128x128xf32, #tpu.memory_space<vmem>>, vector<16xf32>,
        %mul3A_593 = arith.mulf %get3A_513, %min3A_568 : vector<16xf32>
        %swap3A_594 = arith.index_cast %scan3A_492 : i32 to index
        %swap3A_595 = arith.constant 96 : index
        %swap3A_596 = tpu.vector_load %arg11[%swap3A_594, %swap3A_595] {strides = array<i32>} : memref<128x128xf32, #tpu.memory_space<vmem>>, vector<16xf32>,
        tpu.vector_store %arg11[%swap3A_594, %swap3A_595], %mul3A_593 {strides = array<i32>} : memref<128x128xf32, #tpu.memory_space<vmem>>, vector<16xf32>,
        %mul3A_597 = arith.mulf %get3A_516, %min3A_568 : vector<16xf32>
        %swap3A_598 = arith.index_cast %scan3A_492 : i32 to index
        %swap3A_599 = arith.constant 112 : index
        %swap3A_600 = tpu.vector_load %arg11[%swap3A_598, %swap3A_599] {strides = array<i32>} : memref<128x128xf32, #tpu.memory_space<vmem>>, vector<16xf32>,
        tpu.vector_store %arg11[%swap3A_598, %swap3A_599], %mul3A_597 {strides = array<i32>} : memref<128x128xf32, #tpu.memory_space<vmem>>, vector<16xf32>,
        %scan3A_601 = arith.constant 3 : i32
        %scan3A_602 = arith.addi %scan3A_280, %scan3A_601 : i32
        %get3A_603 = arith.index_cast %scan3A_602 : i32 to index
        %get3A_604 = arith.constant 0 : index
        %get3A_605 = tpu.vector_load %arg11[%get3A_603, %get3A_604] {strides = array<i32>} : memref<128x128xf32, #tpu.memory_space<vmem>>, vector<16xf32>,
        %get3A_606 = arith.index_cast %scan3A_602 : i32 to index
        %get3A_607 = arith.constant 16 : index
        %get3A_608 = tpu.vector_load %arg11[%get3A_606, %get3A_607] {strides = array<i32>} : memref<128x128xf32, #tpu.memory_space<vmem>>, vector<16xf32>,
        %get3A_609 = arith.index_cast %scan3A_602 : i32 to index
        %get3A_610 = arith.constant 32 : index
        %get3A_611 = tpu.vector_load %arg11[%get3A_609, %get3A_610] {strides = array<i32>} : memref<128x128xf32, #tpu.memory_space<vmem>>, vector<16xf32>,
        %get3A_612 = arith.index_cast %scan3A_602 : i32 to index
        %get3A_613 = arith.constant 48 : index
        %get3A_614 = tpu.vector_load %arg11[%get3A_612, %get3A_613] {strides = array<i32>} : memref<128x128xf32, #tpu.memory_space<vmem>>, vector<16xf32>,
        %get3A_615 = arith.index_cast %scan3A_602 : i32 to index
        %get3A_616 = arith.constant 64 : index
        %get3A_617 = tpu.vector_load %arg11[%get3A_615, %get3A_616] {strides = array<i32>} : memref<128x128xf32, #tpu.memory_space<vmem>>, vector<16xf32>,
        %get3A_618 = arith.index_cast %scan3A_602 : i32 to index
        %get3A_619 = arith.constant 80 : index
        %get3A_620 = tpu.vector_load %arg11[%get3A_618, %get3A_619] {strides = array<i32>} : memref<128x128xf32, #tpu.memory_space<vmem>>, vector<16xf32>,
        %get3A_621 = arith.index_cast %scan3A_602 : i32 to index
        %get3A_622 = arith.constant 96 : index
        %get3A_623 = tpu.vector_load %arg11[%get3A_621, %get3A_622] {strides = array<i32>} : memref<128x128xf32, #tpu.memory_space<vmem>>, vector<16xf32>,
        %get3A_624 = arith.index_cast %scan3A_602 : i32 to index
        %get3A_625 = arith.constant 112 : index
        %get3A_626 = tpu.vector_load %arg11[%get3A_624, %get3A_625] {strides = array<i32>} : memref<128x128xf32, #tpu.memory_space<vmem>>, vector<16xf32>,
        %mul3A_627 = arith.mulf %get3A_605, %get3A_605 : vector<16xf32>
        %mul3A_628 = arith.mulf %get3A_608, %get3A_608 : vector<16xf32>
        %add3A_629 = arith.addf %mul3A_627, %mul3A_628 : vector<16xf32>
        %mul3A_630 = arith.mulf %get3A_611, %get3A_611 : vector<16xf32>
        %add3A_631 = arith.addf %add3A_629, %mul3A_630 : vector<16xf32>
        %mul3A_632 = arith.mulf %get3A_614, %get3A_614 : vector<16xf32>
        %add3A_633 = arith.addf %add3A_631, %mul3A_632 : vector<16xf32>
        %mul3A_634 = arith.mulf %get3A_617, %get3A_617 : vector<16xf32>
        %add3A_635 = arith.addf %add3A_633, %mul3A_634 : vector<16xf32>
        %mul3A_636 = arith.mulf %get3A_620, %get3A_620 : vector<16xf32>
        %add3A_637 = arith.addf %add3A_635, %mul3A_636 : vector<16xf32>
        %mul3A_638 = arith.mulf %get3A_623, %get3A_623 : vector<16xf32>
        %add3A_639 = arith.addf %add3A_637, %mul3A_638 : vector<16xf32>
        %mul3A_640 = arith.mulf %get3A_626, %get3A_626 : vector<16xf32>
        %add3A_641 = arith.addf %add3A_639, %mul3A_640 : vector<16xf32>
        %reduce_sum3A_642 = arith.constant true
        %reduce_sum3A_643 = vector.broadcast %reduce_sum3A_642 : i1 to vector<16xi1>
        %reduce_sum3A_644 = tpu.scan <sum>, %add3A_641 masked %reduce_sum3A_643 : vector<16xf32>, vector<16xi1> -> vector<16xf32>
        %reduce_sum3A_645 = vector.extract %reduce_sum3A_644[15] : f32 from vector<16xf32>
        %broadcast_in_dim3A_646 = vector.broadcast %reduce_sum3A_645 : f32 to vector<16xf32>
        %max3A_647 = arith.constant 1.000000e-18 : f32
        %max3A_648 = vector.broadcast %max3A_647 : f32 to vector<16xf32>
        %max3A_649 = arith.maximumf %broadcast_in_dim3A_646, %max3A_648 : vector<16xf32>
        %bitcast3A_650 = vector.bitcast %max3A_649 : vector<16xf32> to vector<16xi32>
        %shift_right_arithmetic3A_651 = arith.constant 1 : i32
        %shift_right_arithmetic3A_652 = vector.broadcast %shift_right_arithmetic3A_651 : i32 to vector<16xi32>
        %shift_right_arithmetic3A_653 = arith.shrsi %bitcast3A_650, %shift_right_arithmetic3A_652 : vector<16xi32>
        %sub3A_654 = arith.constant 1597463007 : i32
        %sub3A_655 = vector.broadcast %sub3A_654 : i32 to vector<16xi32>
        %sub3A_656 = arith.subi %sub3A_655, %shift_right_arithmetic3A_653 : vector<16xi32>
        %bitcast3A_657 = vector.bitcast %sub3A_656 : vector<16xi32> to vector<16xf32>
        %mul3A_658 = arith.constant 5.000000e-01 : f32
        %mul3A_659 = vector.broadcast %mul3A_658 : f32 to vector<16xf32>
        %mul3A_660 = arith.mulf %mul3A_659, %max3A_649 : vector<16xf32>
        %mul3A_661 = arith.mulf %mul3A_660, %bitcast3A_657 : vector<16xf32>
        %mul3A_662 = arith.mulf %mul3A_661, %bitcast3A_657 : vector<16xf32>
        %sub3A_663 = arith.constant 1.500000e+00 : f32
        %sub3A_664 = vector.broadcast %sub3A_663 : f32 to vector<16xf32>
        %sub3A_665 = arith.subf %sub3A_664, %mul3A_662 : vector<16xf32>
        %mul3A_666 = arith.mulf %bitcast3A_657, %sub3A_665 : vector<16xf32>
        %mul3A_667 = arith.mulf %mul3A_660, %mul3A_666 : vector<16xf32>
        %mul3A_668 = arith.mulf %mul3A_667, %mul3A_666 : vector<16xf32>
        %sub3A_669 = arith.constant 1.500000e+00 : f32
        %sub3A_670 = vector.broadcast %sub3A_669 : f32 to vector<16xf32>
        %sub3A_671 = arith.subf %sub3A_670, %mul3A_668 : vector<16xf32>
        %mul3A_672 = arith.mulf %mul3A_666, %sub3A_671 : vector<16xf32>
        %mul3A_673 = arith.constant 0.949999988 : f32
        %mul3A_674 = vector.broadcast %mul3A_673 : f32 to vector<16xf32>
        %mul3A_675 = arith.mulf %mul3A_674, %mul3A_672 : vector<16xf32>
        %min3A_676 = arith.constant 1.000000e+00 : f32
        %min3A_677 = vector.broadcast %min3A_676 : f32 to vector<16xf32>
        %min3A_678 = arith.minimumf %mul3A_675, %min3A_677 : vector<16xf32>
        %mul3A_679 = arith.mulf %get3A_605, %min3A_678 : vector<16xf32>
        %swap3A_680 = arith.index_cast %scan3A_602 : i32 to index
        %swap3A_681 = arith.constant 0 : index
        %swap3A_682 = tpu.vector_load %arg11[%swap3A_680, %swap3A_681] {strides = array<i32>} : memref<128x128xf32, #tpu.memory_space<vmem>>, vector<16xf32>,
        tpu.vector_store %arg11[%swap3A_680, %swap3A_681], %mul3A_679 {strides = array<i32>} : memref<128x128xf32, #tpu.memory_space<vmem>>, vector<16xf32>,
        %mul3A_683 = arith.mulf %get3A_608, %min3A_678 : vector<16xf32>
        %swap3A_684 = arith.index_cast %scan3A_602 : i32 to index
        %swap3A_685 = arith.constant 16 : index
        %swap3A_686 = tpu.vector_load %arg11[%swap3A_684, %swap3A_685] {strides = array<i32>} : memref<128x128xf32, #tpu.memory_space<vmem>>, vector<16xf32>,
        tpu.vector_store %arg11[%swap3A_684, %swap3A_685], %mul3A_683 {strides = array<i32>} : memref<128x128xf32, #tpu.memory_space<vmem>>, vector<16xf32>,
        %mul3A_687 = arith.mulf %get3A_611, %min3A_678 : vector<16xf32>
        %swap3A_688 = arith.index_cast %scan3A_602 : i32 to index
        %swap3A_689 = arith.constant 32 : index
        %swap3A_690 = tpu.vector_load %arg11[%swap3A_688, %swap3A_689] {strides = array<i32>} : memref<128x128xf32, #tpu.memory_space<vmem>>, vector<16xf32>,
        tpu.vector_store %arg11[%swap3A_688, %swap3A_689], %mul3A_687 {strides = array<i32>} : memref<128x128xf32, #tpu.memory_space<vmem>>, vector<16xf32>,
        %mul3A_691 = arith.mulf %get3A_614, %min3A_678 : vector<16xf32>
        %swap3A_692 = arith.index_cast %scan3A_602 : i32 to index
        %swap3A_693 = arith.constant 48 : index
        %swap3A_694 = tpu.vector_load %arg11[%swap3A_692, %swap3A_693] {strides = array<i32>} : memref<128x128xf32, #tpu.memory_space<vmem>>, vector<16xf32>,
        tpu.vector_store %arg11[%swap3A_692, %swap3A_693], %mul3A_691 {strides = array<i32>} : memref<128x128xf32, #tpu.memory_space<vmem>>, vector<16xf32>,
        %mul3A_695 = arith.mulf %get3A_617, %min3A_678 : vector<16xf32>
        %swap3A_696 = arith.index_cast %scan3A_602 : i32 to index
        %swap3A_697 = arith.constant 64 : index
        %swap3A_698 = tpu.vector_load %arg11[%swap3A_696, %swap3A_697] {strides = array<i32>} : memref<128x128xf32, #tpu.memory_space<vmem>>, vector<16xf32>,
        tpu.vector_store %arg11[%swap3A_696, %swap3A_697], %mul3A_695 {strides = array<i32>} : memref<128x128xf32, #tpu.memory_space<vmem>>, vector<16xf32>,
        %mul3A_699 = arith.mulf %get3A_620, %min3A_678 : vector<16xf32>
        %swap3A_700 = arith.index_cast %scan3A_602 : i32 to index
        %swap3A_701 = arith.constant 80 : index
        %swap3A_702 = tpu.vector_load %arg11[%swap3A_700, %swap3A_701] {strides = array<i32>} : memref<128x128xf32, #tpu.memory_space<vmem>>, vector<16xf32>,
        tpu.vector_store %arg11[%swap3A_700, %swap3A_701], %mul3A_699 {strides = array<i32>} : memref<128x128xf32, #tpu.memory_space<vmem>>, vector<16xf32>,
        %mul3A_703 = arith.mulf %get3A_623, %min3A_678 : vector<16xf32>
        %swap3A_704 = arith.index_cast %scan3A_602 : i32 to index
        %swap3A_705 = arith.constant 96 : index
        %swap3A_706 = tpu.vector_load %arg11[%swap3A_704, %swap3A_705] {strides = array<i32>} : memref<128x128xf32, #tpu.memory_space<vmem>>, vector<16xf32>,
        tpu.vector_store %arg11[%swap3A_704, %swap3A_705], %mul3A_703 {strides = array<i32>} : memref<128x128xf32, #tpu.memory_space<vmem>>, vector<16xf32>,
        %mul3A_707 = arith.mulf %get3A_626, %min3A_678 : vector<16xf32>
        %swap3A_708 = arith.index_cast %scan3A_602 : i32 to index
        %swap3A_709 = arith.constant 112 : index
        %swap3A_710 = tpu.vector_load %arg11[%swap3A_708, %swap3A_709] {strides = array<i32>} : memref<128x128xf32, #tpu.memory_space<vmem>>, vector<16xf32>,
        tpu.vector_store %arg11[%swap3A_708, %swap3A_709], %mul3A_707 {strides = array<i32>} : memref<128x128xf32, #tpu.memory_space<vmem>>, vector<16xf32>,
      }
      %scan3A_263 = arith.constant 128 : i32
      %mul3A_264 = arith.constant 128 : i32
      %mul3A_265 = arith.muli %add3A_251, %mul3A_264 : i32
      %add3A_266 = arith.addi %mul3A_2, %mul3A_265 : i32
      %dma_start3A_267 = arith.constant 0 : i32
      %dma_start3A_268 = tpu.memref_slice %arg4[%add3A_266, %dma_start3A_267] : memref<204800x128xf32, #tpu.memory_space<hbm>> -> memref<128x128xf32, #tpu.memory_space<hbm>>
      %dma_start3A_269 = arith.constant 0 : i32
      %dma_start3A_270 = tpu.memref_slice %arg4[%add3A_266, %dma_start3A_269] : memref<204800x128xf32, #tpu.memory_space<hbm>> -> memref<128x128xf32, #tpu.memory_space<hbm>>
      tpu.enqueue_dma source(%arg11 : memref<128x128xf32, #tpu.memory_space<vmem>>) target(%dma_start3A_270 : memref<128x128xf32, #tpu.memory_space<hbm>>) target_semaphore(%arg23 : memref<!tpu.dma_semaphore, #tpu.memory_space<semaphore_mem>>)
      %add3A_271 = arith.constant 3 : i32
      %add3A_272 = arith.addi %add3A_251, %add3A_271 : i32
      %sub3A_273 = arith.constant 6 : i32
      %sub3A_274 = arith.subi %add3A_272, %sub3A_273 : i32
      %lt3A_275 = arith.constant 50 : i32
      %lt3A_276 = arith.cmpi slt, %add3A_272, %lt3A_275 : i32
      %convert_element_type3A_277 = arith.extui %lt3A_276 : i1 to i32
      %cond3A_278 = arith.constant 0 : i32
      %cond3A_279 = arith.cmpi ne, %convert_element_type3A_277, %cond3A_278 : i32
      scf.if %cond3A_279 {
        %ge3A = arith.constant 0 : i32
        %ge3A_280 = arith.cmpi sge, %sub3A_274, %ge3A : i32
        %convert_element_type3A_281 = arith.extui %ge3A_280 : i1 to i32
        %cond3A_282 = arith.constant 0 : i32
        %cond3A_283 = arith.cmpi ne, %convert_element_type3A_281, %cond3A_282 : i32
        scf.if %cond3A_283 {
          %mul3A_290 = arith.constant 128 : i32
          %mul3A_291 = arith.muli %sub3A_274, %mul3A_290 : i32
          %add3A_292 = arith.addi %mul3A_2, %mul3A_291 : i32
          %dma_wait3A_293 = arith.constant 0 : i32
          %dma_wait3A_294 = tpu.memref_slice %arg4[%add3A_292, %dma_wait3A_293] : memref<204800x128xf32, #tpu.memory_space<hbm>> -> memref<128x128xf32, #tpu.memory_space<hbm>>
          %dma_wait3A_295 = arith.constant 0 : i32
          %dma_wait3A_296 = tpu.memref_slice %arg4[%add3A_292, %dma_wait3A_295] : memref<204800x128xf32, #tpu.memory_space<hbm>> -> memref<128x128xf32, #tpu.memory_space<hbm>>
          tpu.wait_dma2 semaphore(%arg20 : memref<!tpu.dma_semaphore, #tpu.memory_space<semaphore_mem>>) src(%arg8 : memref<128x128xf32, #tpu.memory_space<vmem>>) dst(%dma_wait3A_296 : memref<128x128xf32, #tpu.memory_space<hbm>>)
        } else {
        }
        %mul3A_284 = arith.constant 128 : i32
        %mul3A_285 = arith.muli %add3A_272, %mul3A_284 : i32
        %dma_start3A_286 = tpu.memref_slice %arg5[%mul3A_285] : memref<6400xi32, #tpu.memory_space<vmem>> -> memref<128xi32, #tpu.memory_space<vmem>>
        %dma_start3A_287 = arith.constant 0 : i32
        %dma_start3A_288 = arith.constant 0 : i32
        %dma_start3A_289 = tpu.memref_slice %arg3[%dma_start3A_287, %dma_start3A_288] : memref<100000x128xf32, #tpu.memory_space<hbm>> -> memref<100000x128xf32, #tpu.memory_space<hbm>>
        tpu.enqueue_indirect_dma source(%dma_start3A_289 : memref<100000x128xf32, #tpu.memory_space<hbm>>) target(%arg8 : memref<128x128xf32, #tpu.memory_space<vmem>>) offsets(%dma_start3A_286 : memref<128xi32, #tpu.memory_space<vmem>>) semaphore(%arg14 : memref<!tpu.dma_semaphore, #tpu.memory_space<semaphore_mem>>)
      } else {
      }
    }
    %scan3A_21 = arith.constant 8 : i32
    %dma_wait3A = arith.constant 6144 : i32
    %dma_wait3A_22 = tpu.memref_slice %arg5[%dma_wait3A] : memref<6400xi32, #tpu.memory_space<vmem>> -> memref<128xi32, #tpu.memory_space<vmem>>
    %dma_wait3A_23 = arith.constant 0 : i32
    %dma_wait3A_24 = arith.constant 0 : i32
    %dma_wait3A_25 = tpu.memref_slice %arg3[%dma_wait3A_23, %dma_wait3A_24] : memref<100000x128xf32, #tpu.memory_space<hbm>> -> memref<100000x128xf32, #tpu.memory_space<hbm>>
    tpu.wait_indirect_dma semaphore(%arg12 : memref<!tpu.dma_semaphore, #tpu.memory_space<semaphore_mem>>) src(%dma_wait3A_25 : memref<100000x128xf32, #tpu.memory_space<hbm>>) dst(%arg6 : memref<128x128xf32, #tpu.memory_space<vmem>>)
    %scan3A_26 = arith.constant 0 : i32
    %scan3A_27 = arith.constant 0 : i32
    %scan3A_28 = arith.constant 128 : i32
    %scan3A_29 = arith.addi %scan3A_27, %scan3A_28 : i32
    %scan3A_30 = arith.constant 4 : i32
    scf.for %scan3A_91 = %scan3A_27 to %scan3A_29 step %scan3A_30  : i32 {
      %get3A = arith.index_cast %scan3A_91 : i32 to index
      %get3A_92 = arith.constant 0 : index
      %get3A_93 = tpu.vector_load %arg6[%get3A, %get3A_92] {strides = array<i32>} : memref<128x128xf32, #tpu.memory_space<vmem>>, vector<16xf32>,
      %get3A_94 = arith.index_cast %scan3A_91 : i32 to index
      %get3A_95 = arith.constant 16 : index
      %get3A_96 = tpu.vector_load %arg6[%get3A_94, %get3A_95] {strides = array<i32>} : memref<128x128xf32, #tpu.memory_space<vmem>>, vector<16xf32>,
      %get3A_97 = arith.index_cast %scan3A_91 : i32 to index
      %get3A_98 = arith.constant 32 : index
      %get3A_99 = tpu.vector_load %arg6[%get3A_97, %get3A_98] {strides = array<i32>} : memref<128x128xf32, #tpu.memory_space<vmem>>, vector<16xf32>,
      %get3A_100 = arith.index_cast %scan3A_91 : i32 to index
      %get3A_101 = arith.constant 48 : index
      %get3A_102 = tpu.vector_load %arg6[%get3A_100, %get3A_101] {strides = array<i32>} : memref<128x128xf32, #tpu.memory_space<vmem>>, vector<16xf32>,
      %get3A_103 = arith.index_cast %scan3A_91 : i32 to index
      %get3A_104 = arith.constant 64 : index
      %get3A_105 = tpu.vector_load %arg6[%get3A_103, %get3A_104] {strides = array<i32>} : memref<128x128xf32, #tpu.memory_space<vmem>>, vector<16xf32>,
      %get3A_106 = arith.index_cast %scan3A_91 : i32 to index
      %get3A_107 = arith.constant 80 : index
      %get3A_108 = tpu.vector_load %arg6[%get3A_106, %get3A_107] {strides = array<i32>} : memref<128x128xf32, #tpu.memory_space<vmem>>, vector<16xf32>,
      %get3A_109 = arith.index_cast %scan3A_91 : i32 to index
      %get3A_110 = arith.constant 96 : index
      %get3A_111 = tpu.vector_load %arg6[%get3A_109, %get3A_110] {strides = array<i32>} : memref<128x128xf32, #tpu.memory_space<vmem>>, vector<16xf32>,
      %get3A_112 = arith.index_cast %scan3A_91 : i32 to index
      %get3A_113 = arith.constant 112 : index
      %get3A_114 = tpu.vector_load %arg6[%get3A_112, %get3A_113] {strides = array<i32>} : memref<128x128xf32, #tpu.memory_space<vmem>>, vector<16xf32>,
      %mul3A_115 = arith.mulf %get3A_93, %get3A_93 : vector<16xf32>
      %mul3A_116 = arith.mulf %get3A_96, %get3A_96 : vector<16xf32>
      %add3A_117 = arith.addf %mul3A_115, %mul3A_116 : vector<16xf32>
      %mul3A_118 = arith.mulf %get3A_99, %get3A_99 : vector<16xf32>
      %add3A_119 = arith.addf %add3A_117, %mul3A_118 : vector<16xf32>
      %mul3A_120 = arith.mulf %get3A_102, %get3A_102 : vector<16xf32>
      %add3A_121 = arith.addf %add3A_119, %mul3A_120 : vector<16xf32>
      %mul3A_122 = arith.mulf %get3A_105, %get3A_105 : vector<16xf32>
      %add3A_123 = arith.addf %add3A_121, %mul3A_122 : vector<16xf32>
      %mul3A_124 = arith.mulf %get3A_108, %get3A_108 : vector<16xf32>
      %add3A_125 = arith.addf %add3A_123, %mul3A_124 : vector<16xf32>
      %mul3A_126 = arith.mulf %get3A_111, %get3A_111 : vector<16xf32>
      %add3A_127 = arith.addf %add3A_125, %mul3A_126 : vector<16xf32>
      %mul3A_128 = arith.mulf %get3A_114, %get3A_114 : vector<16xf32>
      %add3A_129 = arith.addf %add3A_127, %mul3A_128 : vector<16xf32>
      %reduce_sum3A = arith.constant true
      %reduce_sum3A_130 = vector.broadcast %reduce_sum3A : i1 to vector<16xi1>
      %reduce_sum3A_131 = tpu.scan <sum>, %add3A_129 masked %reduce_sum3A_130 : vector<16xf32>, vector<16xi1> -> vector<16xf32>
      %reduce_sum3A_132 = vector.extract %reduce_sum3A_131[15] : f32 from vector<16xf32>
      %broadcast_in_dim3A = vector.broadcast %reduce_sum3A_132 : f32 to vector<16xf32>
      %max3A = arith.constant 1.000000e-18 : f32
      %max3A_133 = vector.broadcast %max3A : f32 to vector<16xf32>
      %max3A_134 = arith.maximumf %broadcast_in_dim3A, %max3A_133 : vector<16xf32>
      %bitcast3A = vector.bitcast %max3A_134 : vector<16xf32> to vector<16xi32>
      %shift_right_arithmetic3A = arith.constant 1 : i32
      %shift_right_arithmetic3A_135 = vector.broadcast %shift_right_arithmetic3A : i32 to vector<16xi32>
      %shift_right_arithmetic3A_136 = arith.shrsi %bitcast3A, %shift_right_arithmetic3A_135 : vector<16xi32>
      %sub3A = arith.constant 1597463007 : i32
      %sub3A_137 = vector.broadcast %sub3A : i32 to vector<16xi32>
      %sub3A_138 = arith.subi %sub3A_137, %shift_right_arithmetic3A_136 : vector<16xi32>
      %bitcast3A_139 = vector.bitcast %sub3A_138 : vector<16xi32> to vector<16xf32>
      %mul3A_140 = arith.constant 5.000000e-01 : f32
      %mul3A_141 = vector.broadcast %mul3A_140 : f32 to vector<16xf32>
      %mul3A_142 = arith.mulf %mul3A_141, %max3A_134 : vector<16xf32>
      %mul3A_143 = arith.mulf %mul3A_142, %bitcast3A_139 : vector<16xf32>
      %mul3A_144 = arith.mulf %mul3A_143, %bitcast3A_139 : vector<16xf32>
      %sub3A_145 = arith.constant 1.500000e+00 : f32
      %sub3A_146 = vector.broadcast %sub3A_145 : f32 to vector<16xf32>
      %sub3A_147 = arith.subf %sub3A_146, %mul3A_144 : vector<16xf32>
      %mul3A_148 = arith.mulf %bitcast3A_139, %sub3A_147 : vector<16xf32>
      %mul3A_149 = arith.mulf %mul3A_142, %mul3A_148 : vector<16xf32>
      %mul3A_150 = arith.mulf %mul3A_149, %mul3A_148 : vector<16xf32>
      %sub3A_151 = arith.constant 1.500000e+00 : f32
      %sub3A_152 = vector.broadcast %sub3A_151 : f32 to vector<16xf32>
      %sub3A_153 = arith.subf %sub3A_152, %mul3A_150 : vector<16xf32>
      %mul3A_154 = arith.mulf %mul3A_148, %sub3A_153 : vector<16xf32>
      %mul3A_155 = arith.constant 0.949999988 : f32
      %mul3A_156 = vector.broadcast %mul3A_155 : f32 to vector<16xf32>
      %mul3A_157 = arith.mulf %mul3A_156, %mul3A_154 : vector<16xf32>
      %min3A = arith.constant 1.000000e+00 : f32
      %min3A_158 = vector.broadcast %min3A : f32 to vector<16xf32>
      %min3A_159 = arith.minimumf %mul3A_157, %min3A_158 : vector<16xf32>
      %mul3A_160 = arith.mulf %get3A_93, %min3A_159 : vector<16xf32>
      %swap3A = arith.index_cast %scan3A_91 : i32 to index
      %swap3A_161 = arith.constant 0 : index
      %swap3A_162 = tpu.vector_load %arg6[%swap3A, %swap3A_161] {strides = array<i32>} : memref<128x128xf32, #tpu.memory_space<vmem>>, vector<16xf32>,
      tpu.vector_store %arg6[%swap3A, %swap3A_161], %mul3A_160 {strides = array<i32>} : memref<128x128xf32, #tpu.memory_space<vmem>>, vector<16xf32>,
      %mul3A_163 = arith.mulf %get3A_96, %min3A_159 : vector<16xf32>
      %swap3A_164 = arith.index_cast %scan3A_91 : i32 to index
      %swap3A_165 = arith.constant 16 : index
      %swap3A_166 = tpu.vector_load %arg6[%swap3A_164, %swap3A_165] {strides = array<i32>} : memref<128x128xf32, #tpu.memory_space<vmem>>, vector<16xf32>,
      tpu.vector_store %arg6[%swap3A_164, %swap3A_165], %mul3A_163 {strides = array<i32>} : memref<128x128xf32, #tpu.memory_space<vmem>>, vector<16xf32>,
      %mul3A_167 = arith.mulf %get3A_99, %min3A_159 : vector<16xf32>
      %swap3A_168 = arith.index_cast %scan3A_91 : i32 to index
      %swap3A_169 = arith.constant 32 : index
      %swap3A_170 = tpu.vector_load %arg6[%swap3A_168, %swap3A_169] {strides = array<i32>} : memref<128x128xf32, #tpu.memory_space<vmem>>, vector<16xf32>,
      tpu.vector_store %arg6[%swap3A_168, %swap3A_169], %mul3A_167 {strides = array<i32>} : memref<128x128xf32, #tpu.memory_space<vmem>>, vector<16xf32>,
      %mul3A_171 = arith.mulf %get3A_102, %min3A_159 : vector<16xf32>
      %swap3A_172 = arith.index_cast %scan3A_91 : i32 to index
      %swap3A_173 = arith.constant 48 : index
      %swap3A_174 = tpu.vector_load %arg6[%swap3A_172, %swap3A_173] {strides = array<i32>} : memref<128x128xf32, #tpu.memory_space<vmem>>, vector<16xf32>,
      tpu.vector_store %arg6[%swap3A_172, %swap3A_173], %mul3A_171 {strides = array<i32>} : memref<128x128xf32, #tpu.memory_space<vmem>>, vector<16xf32>,
      %mul3A_175 = arith.mulf %get3A_105, %min3A_159 : vector<16xf32>
      %swap3A_176 = arith.index_cast %scan3A_91 : i32 to index
      %swap3A_177 = arith.constant 64 : index
      %swap3A_178 = tpu.vector_load %arg6[%swap3A_176, %swap3A_177] {strides = array<i32>} : memref<128x128xf32, #tpu.memory_space<vmem>>, vector<16xf32>,
      tpu.vector_store %arg6[%swap3A_176, %swap3A_177], %mul3A_175 {strides = array<i32>} : memref<128x128xf32, #tpu.memory_space<vmem>>, vector<16xf32>,
      %mul3A_179 = arith.mulf %get3A_108, %min3A_159 : vector<16xf32>
      %swap3A_180 = arith.index_cast %scan3A_91 : i32 to index
      %swap3A_181 = arith.constant 80 : index
      %swap3A_182 = tpu.vector_load %arg6[%swap3A_180, %swap3A_181] {strides = array<i32>} : memref<128x128xf32, #tpu.memory_space<vmem>>, vector<16xf32>,
      tpu.vector_store %arg6[%swap3A_180, %swap3A_181], %mul3A_179 {strides = array<i32>} : memref<128x128xf32, #tpu.memory_space<vmem>>, vector<16xf32>,
      %mul3A_183 = arith.mulf %get3A_111, %min3A_159 : vector<16xf32>
      %swap3A_184 = arith.index_cast %scan3A_91 : i32 to index
      %swap3A_185 = arith.constant 96 : index
      %swap3A_186 = tpu.vector_load %arg6[%swap3A_184, %swap3A_185] {strides = array<i32>} : memref<128x128xf32, #tpu.memory_space<vmem>>, vector<16xf32>,
      tpu.vector_store %arg6[%swap3A_184, %swap3A_185], %mul3A_183 {strides = array<i32>} : memref<128x128xf32, #tpu.memory_space<vmem>>, vector<16xf32>,
      %mul3A_187 = arith.mulf %get3A_114, %min3A_159 : vector<16xf32>
      %swap3A_188 = arith.index_cast %scan3A_91 : i32 to index
      %swap3A_189 = arith.constant 112 : index
      %swap3A_190 = tpu.vector_load %arg6[%swap3A_188, %swap3A_189] {strides = array<i32>} : memref<128x128xf32, #tpu.memory_space<vmem>>, vector<16xf32>,
      tpu.vector_store %arg6[%swap3A_188, %swap3A_189], %mul3A_187 {strides = array<i32>} : memref<128x128xf32, #tpu.memory_space<vmem>>, vector<16xf32>,
      %scan3A_191 = arith.constant 1 : i32
      %scan3A_192 = arith.addi %scan3A_91, %scan3A_191 : i32
      %get3A_193 = arith.index_cast %scan3A_192 : i32 to index
      %get3A_194 = arith.constant 0 : index
      %get3A_195 = tpu.vector_load %arg6[%get3A_193, %get3A_194] {strides = array<i32>} : memref<128x128xf32, #tpu.memory_space<vmem>>, vector<16xf32>,
      %get3A_196 = arith.index_cast %scan3A_192 : i32 to index
      %get3A_197 = arith.constant 16 : index
      %get3A_198 = tpu.vector_load %arg6[%get3A_196, %get3A_197] {strides = array<i32>} : memref<128x128xf32, #tpu.memory_space<vmem>>, vector<16xf32>,
      %get3A_199 = arith.index_cast %scan3A_192 : i32 to index
      %get3A_200 = arith.constant 32 : index
      %get3A_201 = tpu.vector_load %arg6[%get3A_199, %get3A_200] {strides = array<i32>} : memref<128x128xf32, #tpu.memory_space<vmem>>, vector<16xf32>,
      %get3A_202 = arith.index_cast %scan3A_192 : i32 to index
      %get3A_203 = arith.constant 48 : index
      %get3A_204 = tpu.vector_load %arg6[%get3A_202, %get3A_203] {strides = array<i32>} : memref<128x128xf32, #tpu.memory_space<vmem>>, vector<16xf32>,
      %get3A_205 = arith.index_cast %scan3A_192 : i32 to index
      %get3A_206 = arith.constant 64 : index
      %get3A_207 = tpu.vector_load %arg6[%get3A_205, %get3A_206] {strides = array<i32>} : memref<128x128xf32, #tpu.memory_space<vmem>>, vector<16xf32>,
      %get3A_208 = arith.index_cast %scan3A_192 : i32 to index
      %get3A_209 = arith.constant 80 : index
      %get3A_210 = tpu.vector_load %arg6[%get3A_208, %get3A_209] {strides = array<i32>} : memref<128x128xf32, #tpu.memory_space<vmem>>, vector<16xf32>,
      %get3A_211 = arith.index_cast %scan3A_192 : i32 to index
      %get3A_212 = arith.constant 96 : index
      %get3A_213 = tpu.vector_load %arg6[%get3A_211, %get3A_212] {strides = array<i32>} : memref<128x128xf32, #tpu.memory_space<vmem>>, vector<16xf32>,
      %get3A_214 = arith.index_cast %scan3A_192 : i32 to index
      %get3A_215 = arith.constant 112 : index
      %get3A_216 = tpu.vector_load %arg6[%get3A_214, %get3A_215] {strides = array<i32>} : memref<128x128xf32, #tpu.memory_space<vmem>>, vector<16xf32>,
      %mul3A_217 = arith.mulf %get3A_195, %get3A_195 : vector<16xf32>
      %mul3A_218 = arith.mulf %get3A_198, %get3A_198 : vector<16xf32>
      %add3A_219 = arith.addf %mul3A_217, %mul3A_218 : vector<16xf32>
      %mul3A_220 = arith.mulf %get3A_201, %get3A_201 : vector<16xf32>
      %add3A_221 = arith.addf %add3A_219, %mul3A_220 : vector<16xf32>
      %mul3A_222 = arith.mulf %get3A_204, %get3A_204 : vector<16xf32>
      %add3A_223 = arith.addf %add3A_221, %mul3A_222 : vector<16xf32>
      %mul3A_224 = arith.mulf %get3A_207, %get3A_207 : vector<16xf32>
      %add3A_225 = arith.addf %add3A_223, %mul3A_224 : vector<16xf32>
      %mul3A_226 = arith.mulf %get3A_210, %get3A_210 : vector<16xf32>
      %add3A_227 = arith.addf %add3A_225, %mul3A_226 : vector<16xf32>
      %mul3A_228 = arith.mulf %get3A_213, %get3A_213 : vector<16xf32>
      %add3A_229 = arith.addf %add3A_227, %mul3A_228 : vector<16xf32>
      %mul3A_230 = arith.mulf %get3A_216, %get3A_216 : vector<16xf32>
      %add3A_231 = arith.addf %add3A_229, %mul3A_230 : vector<16xf32>
      %reduce_sum3A_232 = arith.constant true
      %reduce_sum3A_233 = vector.broadcast %reduce_sum3A_232 : i1 to vector<16xi1>
      %reduce_sum3A_234 = tpu.scan <sum>, %add3A_231 masked %reduce_sum3A_233 : vector<16xf32>, vector<16xi1> -> vector<16xf32>
      %reduce_sum3A_235 = vector.extract %reduce_sum3A_234[15] : f32 from vector<16xf32>
      %broadcast_in_dim3A_236 = vector.broadcast %reduce_sum3A_235 : f32 to vector<16xf32>
      %max3A_237 = arith.constant 1.000000e-18 : f32
      %max3A_238 = vector.broadcast %max3A_237 : f32 to vector<16xf32>
      %max3A_239 = arith.maximumf %broadcast_in_dim3A_236, %max3A_238 : vector<16xf32>
      %bitcast3A_240 = vector.bitcast %max3A_239 : vector<16xf32> to vector<16xi32>
      %shift_right_arithmetic3A_241 = arith.constant 1 : i32
      %shift_right_arithmetic3A_242 = vector.broadcast %shift_right_arithmetic3A_241 : i32 to vector<16xi32>
      %shift_right_arithmetic3A_243 = arith.shrsi %bitcast3A_240, %shift_right_arithmetic3A_242 : vector<16xi32>
      %sub3A_244 = arith.constant 1597463007 : i32
      %sub3A_245 = vector.broadcast %sub3A_244 : i32 to vector<16xi32>
      %sub3A_246 = arith.subi %sub3A_245, %shift_right_arithmetic3A_243 : vector<16xi32>
      %bitcast3A_247 = vector.bitcast %sub3A_246 : vector<16xi32> to vector<16xf32>
      %mul3A_248 = arith.constant 5.000000e-01 : f32
      %mul3A_249 = vector.broadcast %mul3A_248 : f32 to vector<16xf32>
      %mul3A_250 = arith.mulf %mul3A_249, %max3A_239 : vector<16xf32>
      %mul3A_251 = arith.mulf %mul3A_250, %bitcast3A_247 : vector<16xf32>
      %mul3A_252 = arith.mulf %mul3A_251, %bitcast3A_247 : vector<16xf32>
      %sub3A_253 = arith.constant 1.500000e+00 : f32
      %sub3A_254 = vector.broadcast %sub3A_253 : f32 to vector<16xf32>
      %sub3A_255 = arith.subf %sub3A_254, %mul3A_252 : vector<16xf32>
      %mul3A_256 = arith.mulf %bitcast3A_247, %sub3A_255 : vector<16xf32>
      %mul3A_257 = arith.mulf %mul3A_250, %mul3A_256 : vector<16xf32>
      %mul3A_258 = arith.mulf %mul3A_257, %mul3A_256 : vector<16xf32>
      %sub3A_259 = arith.constant 1.500000e+00 : f32
      %sub3A_260 = vector.broadcast %sub3A_259 : f32 to vector<16xf32>
      %sub3A_261 = arith.subf %sub3A_260, %mul3A_258 : vector<16xf32>
      %mul3A_262 = arith.mulf %mul3A_256, %sub3A_261 : vector<16xf32>
      %mul3A_263 = arith.constant 0.949999988 : f32
      %mul3A_264 = vector.broadcast %mul3A_263 : f32 to vector<16xf32>
      %mul3A_265 = arith.mulf %mul3A_264, %mul3A_262 : vector<16xf32>
      %min3A_266 = arith.constant 1.000000e+00 : f32
      %min3A_267 = vector.broadcast %min3A_266 : f32 to vector<16xf32>
      %min3A_268 = arith.minimumf %mul3A_265, %min3A_267 : vector<16xf32>
      %mul3A_269 = arith.mulf %get3A_195, %min3A_268 : vector<16xf32>
      %swap3A_270 = arith.index_cast %scan3A_192 : i32 to index
      %swap3A_271 = arith.constant 0 : index
      %swap3A_272 = tpu.vector_load %arg6[%swap3A_270, %swap3A_271] {strides = array<i32>} : memref<128x128xf32, #tpu.memory_space<vmem>>, vector<16xf32>,
      tpu.vector_store %arg6[%swap3A_270, %swap3A_271], %mul3A_269 {strides = array<i32>} : memref<128x128xf32, #tpu.memory_space<vmem>>, vector<16xf32>,
      %mul3A_273 = arith.mulf %get3A_198, %min3A_268 : vector<16xf32>
      %swap3A_274 = arith.index_cast %scan3A_192 : i32 to index
      %swap3A_275 = arith.constant 16 : index
      %swap3A_276 = tpu.vector_load %arg6[%swap3A_274, %swap3A_275] {strides = array<i32>} : memref<128x128xf32, #tpu.memory_space<vmem>>, vector<16xf32>,
      tpu.vector_store %arg6[%swap3A_274, %swap3A_275], %mul3A_273 {strides = array<i32>} : memref<128x128xf32, #tpu.memory_space<vmem>>, vector<16xf32>,
      %mul3A_277 = arith.mulf %get3A_201, %min3A_268 : vector<16xf32>
      %swap3A_278 = arith.index_cast %scan3A_192 : i32 to index
      %swap3A_279 = arith.constant 32 : index
      %swap3A_280 = tpu.vector_load %arg6[%swap3A_278, %swap3A_279] {strides = array<i32>} : memref<128x128xf32, #tpu.memory_space<vmem>>, vector<16xf32>,
      tpu.vector_store %arg6[%swap3A_278, %swap3A_279], %mul3A_277 {strides = array<i32>} : memref<128x128xf32, #tpu.memory_space<vmem>>, vector<16xf32>,
      %mul3A_281 = arith.mulf %get3A_204, %min3A_268 : vector<16xf32>
      %swap3A_282 = arith.index_cast %scan3A_192 : i32 to index
      %swap3A_283 = arith.constant 48 : index
      %swap3A_284 = tpu.vector_load %arg6[%swap3A_282, %swap3A_283] {strides = array<i32>} : memref<128x128xf32, #tpu.memory_space<vmem>>, vector<16xf32>,
      tpu.vector_store %arg6[%swap3A_282, %swap3A_283], %mul3A_281 {strides = array<i32>} : memref<128x128xf32, #tpu.memory_space<vmem>>, vector<16xf32>,
      %mul3A_285 = arith.mulf %get3A_207, %min3A_268 : vector<16xf32>
      %swap3A_286 = arith.index_cast %scan3A_192 : i32 to index
      %swap3A_287 = arith.constant 64 : index
      %swap3A_288 = tpu.vector_load %arg6[%swap3A_286, %swap3A_287] {strides = array<i32>} : memref<128x128xf32, #tpu.memory_space<vmem>>, vector<16xf32>,
      tpu.vector_store %arg6[%swap3A_286, %swap3A_287], %mul3A_285 {strides = array<i32>} : memref<128x128xf32, #tpu.memory_space<vmem>>, vector<16xf32>,
      %mul3A_289 = arith.mulf %get3A_210, %min3A_268 : vector<16xf32>
      %swap3A_290 = arith.index_cast %scan3A_192 : i32 to index
      %swap3A_291 = arith.constant 80 : index
      %swap3A_292 = tpu.vector_load %arg6[%swap3A_290, %swap3A_291] {strides = array<i32>} : memref<128x128xf32, #tpu.memory_space<vmem>>, vector<16xf32>,
      tpu.vector_store %arg6[%swap3A_290, %swap3A_291], %mul3A_289 {strides = array<i32>} : memref<128x128xf32, #tpu.memory_space<vmem>>, vector<16xf32>,
      %mul3A_293 = arith.mulf %get3A_213, %min3A_268 : vector<16xf32>
      %swap3A_294 = arith.index_cast %scan3A_192 : i32 to index
      %swap3A_295 = arith.constant 96 : index
      %swap3A_296 = tpu.vector_load %arg6[%swap3A_294, %swap3A_295] {strides = array<i32>} : memref<128x128xf32, #tpu.memory_space<vmem>>, vector<16xf32>,
      tpu.vector_store %arg6[%swap3A_294, %swap3A_295], %mul3A_293 {strides = array<i32>} : memref<128x128xf32, #tpu.memory_space<vmem>>, vector<16xf32>,
      %mul3A_297 = arith.mulf %get3A_216, %min3A_268 : vector<16xf32>
      %swap3A_298 = arith.index_cast %scan3A_192 : i32 to index
      %swap3A_299 = arith.constant 112 : index
      %swap3A_300 = tpu.vector_load %arg6[%swap3A_298, %swap3A_299] {strides = array<i32>} : memref<128x128xf32, #tpu.memory_space<vmem>>, vector<16xf32>,
      tpu.vector_store %arg6[%swap3A_298, %swap3A_299], %mul3A_297 {strides = array<i32>} : memref<128x128xf32, #tpu.memory_space<vmem>>, vector<16xf32>,
      %scan3A_301 = arith.constant 2 : i32
      %scan3A_302 = arith.addi %scan3A_91, %scan3A_301 : i32
      %get3A_303 = arith.index_cast %scan3A_302 : i32 to index
      %get3A_304 = arith.constant 0 : index
      %get3A_305 = tpu.vector_load %arg6[%get3A_303, %get3A_304] {strides = array<i32>} : memref<128x128xf32, #tpu.memory_space<vmem>>, vector<16xf32>,
      %get3A_306 = arith.index_cast %scan3A_302 : i32 to index
      %get3A_307 = arith.constant 16 : index
      %get3A_308 = tpu.vector_load %arg6[%get3A_306, %get3A_307] {strides = array<i32>} : memref<128x128xf32, #tpu.memory_space<vmem>>, vector<16xf32>,
      %get3A_309 = arith.index_cast %scan3A_302 : i32 to index
      %get3A_310 = arith.constant 32 : index
      %get3A_311 = tpu.vector_load %arg6[%get3A_309, %get3A_310] {strides = array<i32>} : memref<128x128xf32, #tpu.memory_space<vmem>>, vector<16xf32>,
      %get3A_312 = arith.index_cast %scan3A_302 : i32 to index
      %get3A_313 = arith.constant 48 : index
      %get3A_314 = tpu.vector_load %arg6[%get3A_312, %get3A_313] {strides = array<i32>} : memref<128x128xf32, #tpu.memory_space<vmem>>, vector<16xf32>,
      %get3A_315 = arith.index_cast %scan3A_302 : i32 to index
      %get3A_316 = arith.constant 64 : index
      %get3A_317 = tpu.vector_load %arg6[%get3A_315, %get3A_316] {strides = array<i32>} : memref<128x128xf32, #tpu.memory_space<vmem>>, vector<16xf32>,
      %get3A_318 = arith.index_cast %scan3A_302 : i32 to index
      %get3A_319 = arith.constant 80 : index
      %get3A_320 = tpu.vector_load %arg6[%get3A_318, %get3A_319] {strides = array<i32>} : memref<128x128xf32, #tpu.memory_space<vmem>>, vector<16xf32>,
      %get3A_321 = arith.index_cast %scan3A_302 : i32 to index
      %get3A_322 = arith.constant 96 : index
      %get3A_323 = tpu.vector_load %arg6[%get3A_321, %get3A_322] {strides = array<i32>} : memref<128x128xf32, #tpu.memory_space<vmem>>, vector<16xf32>,
      %get3A_324 = arith.index_cast %scan3A_302 : i32 to index
      %get3A_325 = arith.constant 112 : index
      %get3A_326 = tpu.vector_load %arg6[%get3A_324, %get3A_325] {strides = array<i32>} : memref<128x128xf32, #tpu.memory_space<vmem>>, vector<16xf32>,
      %mul3A_327 = arith.mulf %get3A_305, %get3A_305 : vector<16xf32>
      %mul3A_328 = arith.mulf %get3A_308, %get3A_308 : vector<16xf32>
      %add3A_329 = arith.addf %mul3A_327, %mul3A_328 : vector<16xf32>
      %mul3A_330 = arith.mulf %get3A_311, %get3A_311 : vector<16xf32>
      %add3A_331 = arith.addf %add3A_329, %mul3A_330 : vector<16xf32>
      %mul3A_332 = arith.mulf %get3A_314, %get3A_314 : vector<16xf32>
      %add3A_333 = arith.addf %add3A_331, %mul3A_332 : vector<16xf32>
      %mul3A_334 = arith.mulf %get3A_317, %get3A_317 : vector<16xf32>
      %add3A_335 = arith.addf %add3A_333, %mul3A_334 : vector<16xf32>
      %mul3A_336 = arith.mulf %get3A_320, %get3A_320 : vector<16xf32>
      %add3A_337 = arith.addf %add3A_335, %mul3A_336 : vector<16xf32>
      %mul3A_338 = arith.mulf %get3A_323, %get3A_323 : vector<16xf32>
      %add3A_339 = arith.addf %add3A_337, %mul3A_338 : vector<16xf32>
      %mul3A_340 = arith.mulf %get3A_326, %get3A_326 : vector<16xf32>
      %add3A_341 = arith.addf %add3A_339, %mul3A_340 : vector<16xf32>
      %reduce_sum3A_342 = arith.constant true
      %reduce_sum3A_343 = vector.broadcast %reduce_sum3A_342 : i1 to vector<16xi1>
      %reduce_sum3A_344 = tpu.scan <sum>, %add3A_341 masked %reduce_sum3A_343 : vector<16xf32>, vector<16xi1> -> vector<16xf32>
      %reduce_sum3A_345 = vector.extract %reduce_sum3A_344[15] : f32 from vector<16xf32>
      %broadcast_in_dim3A_346 = vector.broadcast %reduce_sum3A_345 : f32 to vector<16xf32>
      %max3A_347 = arith.constant 1.000000e-18 : f32
      %max3A_348 = vector.broadcast %max3A_347 : f32 to vector<16xf32>
      %max3A_349 = arith.maximumf %broadcast_in_dim3A_346, %max3A_348 : vector<16xf32>
      %bitcast3A_350 = vector.bitcast %max3A_349 : vector<16xf32> to vector<16xi32>
      %shift_right_arithmetic3A_351 = arith.constant 1 : i32
      %shift_right_arithmetic3A_352 = vector.broadcast %shift_right_arithmetic3A_351 : i32 to vector<16xi32>
      %shift_right_arithmetic3A_353 = arith.shrsi %bitcast3A_350, %shift_right_arithmetic3A_352 : vector<16xi32>
      %sub3A_354 = arith.constant 1597463007 : i32
      %sub3A_355 = vector.broadcast %sub3A_354 : i32 to vector<16xi32>
      %sub3A_356 = arith.subi %sub3A_355, %shift_right_arithmetic3A_353 : vector<16xi32>
      %bitcast3A_357 = vector.bitcast %sub3A_356 : vector<16xi32> to vector<16xf32>
      %mul3A_358 = arith.constant 5.000000e-01 : f32
      %mul3A_359 = vector.broadcast %mul3A_358 : f32 to vector<16xf32>
      %mul3A_360 = arith.mulf %mul3A_359, %max3A_349 : vector<16xf32>
      %mul3A_361 = arith.mulf %mul3A_360, %bitcast3A_357 : vector<16xf32>
      %mul3A_362 = arith.mulf %mul3A_361, %bitcast3A_357 : vector<16xf32>
      %sub3A_363 = arith.constant 1.500000e+00 : f32
      %sub3A_364 = vector.broadcast %sub3A_363 : f32 to vector<16xf32>
      %sub3A_365 = arith.subf %sub3A_364, %mul3A_362 : vector<16xf32>
      %mul3A_366 = arith.mulf %bitcast3A_357, %sub3A_365 : vector<16xf32>
      %mul3A_367 = arith.mulf %mul3A_360, %mul3A_366 : vector<16xf32>
      %mul3A_368 = arith.mulf %mul3A_367, %mul3A_366 : vector<16xf32>
      %sub3A_369 = arith.constant 1.500000e+00 : f32
      %sub3A_370 = vector.broadcast %sub3A_369 : f32 to vector<16xf32>
      %sub3A_371 = arith.subf %sub3A_370, %mul3A_368 : vector<16xf32>
      %mul3A_372 = arith.mulf %mul3A_366, %sub3A_371 : vector<16xf32>
      %mul3A_373 = arith.constant 0.949999988 : f32
      %mul3A_374 = vector.broadcast %mul3A_373 : f32 to vector<16xf32>
      %mul3A_375 = arith.mulf %mul3A_374, %mul3A_372 : vector<16xf32>
      %min3A_376 = arith.constant 1.000000e+00 : f32
      %min3A_377 = vector.broadcast %min3A_376 : f32 to vector<16xf32>
      %min3A_378 = arith.minimumf %mul3A_375, %min3A_377 : vector<16xf32>
      %mul3A_379 = arith.mulf %get3A_305, %min3A_378 : vector<16xf32>
      %swap3A_380 = arith.index_cast %scan3A_302 : i32 to index
      %swap3A_381 = arith.constant 0 : index
      %swap3A_382 = tpu.vector_load %arg6[%swap3A_380, %swap3A_381] {strides = array<i32>} : memref<128x128xf32, #tpu.memory_space<vmem>>, vector<16xf32>,
      tpu.vector_store %arg6[%swap3A_380, %swap3A_381], %mul3A_379 {strides = array<i32>} : memref<128x128xf32, #tpu.memory_space<vmem>>, vector<16xf32>,
      %mul3A_383 = arith.mulf %get3A_308, %min3A_378 : vector<16xf32>
      %swap3A_384 = arith.index_cast %scan3A_302 : i32 to index
      %swap3A_385 = arith.constant 16 : index
      %swap3A_386 = tpu.vector_load %arg6[%swap3A_384, %swap3A_385] {strides = array<i32>} : memref<128x128xf32, #tpu.memory_space<vmem>>, vector<16xf32>,
      tpu.vector_store %arg6[%swap3A_384, %swap3A_385], %mul3A_383 {strides = array<i32>} : memref<128x128xf32, #tpu.memory_space<vmem>>, vector<16xf32>,
      %mul3A_387 = arith.mulf %get3A_311, %min3A_378 : vector<16xf32>
      %swap3A_388 = arith.index_cast %scan3A_302 : i32 to index
      %swap3A_389 = arith.constant 32 : index
      %swap3A_390 = tpu.vector_load %arg6[%swap3A_388, %swap3A_389] {strides = array<i32>} : memref<128x128xf32, #tpu.memory_space<vmem>>, vector<16xf32>,
      tpu.vector_store %arg6[%swap3A_388, %swap3A_389], %mul3A_387 {strides = array<i32>} : memref<128x128xf32, #tpu.memory_space<vmem>>, vector<16xf32>,
      %mul3A_391 = arith.mulf %get3A_314, %min3A_378 : vector<16xf32>
      %swap3A_392 = arith.index_cast %scan3A_302 : i32 to index
      %swap3A_393 = arith.constant 48 : index
      %swap3A_394 = tpu.vector_load %arg6[%swap3A_392, %swap3A_393] {strides = array<i32>} : memref<128x128xf32, #tpu.memory_space<vmem>>, vector<16xf32>,
      tpu.vector_store %arg6[%swap3A_392, %swap3A_393], %mul3A_391 {strides = array<i32>} : memref<128x128xf32, #tpu.memory_space<vmem>>, vector<16xf32>,
      %mul3A_395 = arith.mulf %get3A_317, %min3A_378 : vector<16xf32>
      %swap3A_396 = arith.index_cast %scan3A_302 : i32 to index
      %swap3A_397 = arith.constant 64 : index
      %swap3A_398 = tpu.vector_load %arg6[%swap3A_396, %swap3A_397] {strides = array<i32>} : memref<128x128xf32, #tpu.memory_space<vmem>>, vector<16xf32>,
      tpu.vector_store %arg6[%swap3A_396, %swap3A_397], %mul3A_395 {strides = array<i32>} : memref<128x128xf32, #tpu.memory_space<vmem>>, vector<16xf32>,
      %mul3A_399 = arith.mulf %get3A_320, %min3A_378 : vector<16xf32>
      %swap3A_400 = arith.index_cast %scan3A_302 : i32 to index
      %swap3A_401 = arith.constant 80 : index
      %swap3A_402 = tpu.vector_load %arg6[%swap3A_400, %swap3A_401] {strides = array<i32>} : memref<128x128xf32, #tpu.memory_space<vmem>>, vector<16xf32>,
      tpu.vector_store %arg6[%swap3A_400, %swap3A_401], %mul3A_399 {strides = array<i32>} : memref<128x128xf32, #tpu.memory_space<vmem>>, vector<16xf32>,
      %mul3A_403 = arith.mulf %get3A_323, %min3A_378 : vector<16xf32>
      %swap3A_404 = arith.index_cast %scan3A_302 : i32 to index
      %swap3A_405 = arith.constant 96 : index
      %swap3A_406 = tpu.vector_load %arg6[%swap3A_404, %swap3A_405] {strides = array<i32>} : memref<128x128xf32, #tpu.memory_space<vmem>>, vector<16xf32>,
      tpu.vector_store %arg6[%swap3A_404, %swap3A_405], %mul3A_403 {strides = array<i32>} : memref<128x128xf32, #tpu.memory_space<vmem>>, vector<16xf32>,
      %mul3A_407 = arith.mulf %get3A_326, %min3A_378 : vector<16xf32>
      %swap3A_408 = arith.index_cast %scan3A_302 : i32 to index
      %swap3A_409 = arith.constant 112 : index
      %swap3A_410 = tpu.vector_load %arg6[%swap3A_408, %swap3A_409] {strides = array<i32>} : memref<128x128xf32, #tpu.memory_space<vmem>>, vector<16xf32>,
      tpu.vector_store %arg6[%swap3A_408, %swap3A_409], %mul3A_407 {strides = array<i32>} : memref<128x128xf32, #tpu.memory_space<vmem>>, vector<16xf32>,
      %scan3A_411 = arith.constant 3 : i32
      %scan3A_412 = arith.addi %scan3A_91, %scan3A_411 : i32
      %get3A_413 = arith.index_cast %scan3A_412 : i32 to index
      %get3A_414 = arith.constant 0 : index
      %get3A_415 = tpu.vector_load %arg6[%get3A_413, %get3A_414] {strides = array<i32>} : memref<128x128xf32, #tpu.memory_space<vmem>>, vector<16xf32>,
      %get3A_416 = arith.index_cast %scan3A_412 : i32 to index
      %get3A_417 = arith.constant 16 : index
      %get3A_418 = tpu.vector_load %arg6[%get3A_416, %get3A_417] {strides = array<i32>} : memref<128x128xf32, #tpu.memory_space<vmem>>, vector<16xf32>,
      %get3A_419 = arith.index_cast %scan3A_412 : i32 to index
      %get3A_420 = arith.constant 32 : index
      %get3A_421 = tpu.vector_load %arg6[%get3A_419, %get3A_420] {strides = array<i32>} : memref<128x128xf32, #tpu.memory_space<vmem>>, vector<16xf32>,
      %get3A_422 = arith.index_cast %scan3A_412 : i32 to index
      %get3A_423 = arith.constant 48 : index
      %get3A_424 = tpu.vector_load %arg6[%get3A_422, %get3A_423] {strides = array<i32>} : memref<128x128xf32, #tpu.memory_space<vmem>>, vector<16xf32>,
      %get3A_425 = arith.index_cast %scan3A_412 : i32 to index
      %get3A_426 = arith.constant 64 : index
      %get3A_427 = tpu.vector_load %arg6[%get3A_425, %get3A_426] {strides = array<i32>} : memref<128x128xf32, #tpu.memory_space<vmem>>, vector<16xf32>,
      %get3A_428 = arith.index_cast %scan3A_412 : i32 to index
      %get3A_429 = arith.constant 80 : index
      %get3A_430 = tpu.vector_load %arg6[%get3A_428, %get3A_429] {strides = array<i32>} : memref<128x128xf32, #tpu.memory_space<vmem>>, vector<16xf32>,
      %get3A_431 = arith.index_cast %scan3A_412 : i32 to index
      %get3A_432 = arith.constant 96 : index
      %get3A_433 = tpu.vector_load %arg6[%get3A_431, %get3A_432] {strides = array<i32>} : memref<128x128xf32, #tpu.memory_space<vmem>>, vector<16xf32>,
      %get3A_434 = arith.index_cast %scan3A_412 : i32 to index
      %get3A_435 = arith.constant 112 : index
      %get3A_436 = tpu.vector_load %arg6[%get3A_434, %get3A_435] {strides = array<i32>} : memref<128x128xf32, #tpu.memory_space<vmem>>, vector<16xf32>,
      %mul3A_437 = arith.mulf %get3A_415, %get3A_415 : vector<16xf32>
      %mul3A_438 = arith.mulf %get3A_418, %get3A_418 : vector<16xf32>
      %add3A_439 = arith.addf %mul3A_437, %mul3A_438 : vector<16xf32>
      %mul3A_440 = arith.mulf %get3A_421, %get3A_421 : vector<16xf32>
      %add3A_441 = arith.addf %add3A_439, %mul3A_440 : vector<16xf32>
      %mul3A_442 = arith.mulf %get3A_424, %get3A_424 : vector<16xf32>
      %add3A_443 = arith.addf %add3A_441, %mul3A_442 : vector<16xf32>
      %mul3A_444 = arith.mulf %get3A_427, %get3A_427 : vector<16xf32>
      %add3A_445 = arith.addf %add3A_443, %mul3A_444 : vector<16xf32>
      %mul3A_446 = arith.mulf %get3A_430, %get3A_430 : vector<16xf32>
      %add3A_447 = arith.addf %add3A_445, %mul3A_446 : vector<16xf32>
      %mul3A_448 = arith.mulf %get3A_433, %get3A_433 : vector<16xf32>
      %add3A_449 = arith.addf %add3A_447, %mul3A_448 : vector<16xf32>
      %mul3A_450 = arith.mulf %get3A_436, %get3A_436 : vector<16xf32>
      %add3A_451 = arith.addf %add3A_449, %mul3A_450 : vector<16xf32>
      %reduce_sum3A_452 = arith.constant true
      %reduce_sum3A_453 = vector.broadcast %reduce_sum3A_452 : i1 to vector<16xi1>
      %reduce_sum3A_454 = tpu.scan <sum>, %add3A_451 masked %reduce_sum3A_453 : vector<16xf32>, vector<16xi1> -> vector<16xf32>
      %reduce_sum3A_455 = vector.extract %reduce_sum3A_454[15] : f32 from vector<16xf32>
      %broadcast_in_dim3A_456 = vector.broadcast %reduce_sum3A_455 : f32 to vector<16xf32>
      %max3A_457 = arith.constant 1.000000e-18 : f32
      %max3A_458 = vector.broadcast %max3A_457 : f32 to vector<16xf32>
      %max3A_459 = arith.maximumf %broadcast_in_dim3A_456, %max3A_458 : vector<16xf32>
      %bitcast3A_460 = vector.bitcast %max3A_459 : vector<16xf32> to vector<16xi32>
      %shift_right_arithmetic3A_461 = arith.constant 1 : i32
      %shift_right_arithmetic3A_462 = vector.broadcast %shift_right_arithmetic3A_461 : i32 to vector<16xi32>
      %shift_right_arithmetic3A_463 = arith.shrsi %bitcast3A_460, %shift_right_arithmetic3A_462 : vector<16xi32>
      %sub3A_464 = arith.constant 1597463007 : i32
      %sub3A_465 = vector.broadcast %sub3A_464 : i32 to vector<16xi32>
      %sub3A_466 = arith.subi %sub3A_465, %shift_right_arithmetic3A_463 : vector<16xi32>
      %bitcast3A_467 = vector.bitcast %sub3A_466 : vector<16xi32> to vector<16xf32>
      %mul3A_468 = arith.constant 5.000000e-01 : f32
      %mul3A_469 = vector.broadcast %mul3A_468 : f32 to vector<16xf32>
      %mul3A_470 = arith.mulf %mul3A_469, %max3A_459 : vector<16xf32>
      %mul3A_471 = arith.mulf %mul3A_470, %bitcast3A_467 : vector<16xf32>
      %mul3A_472 = arith.mulf %mul3A_471, %bitcast3A_467 : vector<16xf32>
      %sub3A_473 = arith.constant 1.500000e+00 : f32
      %sub3A_474 = vector.broadcast %sub3A_473 : f32 to vector<16xf32>
      %sub3A_475 = arith.subf %sub3A_474, %mul3A_472 : vector<16xf32>
      %mul3A_476 = arith.mulf %bitcast3A_467, %sub3A_475 : vector<16xf32>
      %mul3A_477 = arith.mulf %mul3A_470, %mul3A_476 : vector<16xf32>
      %mul3A_478 = arith.mulf %mul3A_477, %mul3A_476 : vector<16xf32>
      %sub3A_479 = arith.constant 1.500000e+00 : f32
      %sub3A_480 = vector.broadcast %sub3A_479 : f32 to vector<16xf32>
      %sub3A_481 = arith.subf %sub3A_480, %mul3A_478 : vector<16xf32>
      %mul3A_482 = arith.mulf %mul3A_476, %sub3A_481 : vector<16xf32>
      %mul3A_483 = arith.constant 0.949999988 : f32
      %mul3A_484 = vector.broadcast %mul3A_483 : f32 to vector<16xf32>
      %mul3A_485 = arith.mulf %mul3A_484, %mul3A_482 : vector<16xf32>
      %min3A_486 = arith.constant 1.000000e+00 : f32
      %min3A_487 = vector.broadcast %min3A_486 : f32 to vector<16xf32>
      %min3A_488 = arith.minimumf %mul3A_485, %min3A_487 : vector<16xf32>
      %mul3A_489 = arith.mulf %get3A_415, %min3A_488 : vector<16xf32>
      %swap3A_490 = arith.index_cast %scan3A_412 : i32 to index
      %swap3A_491 = arith.constant 0 : index
      %swap3A_492 = tpu.vector_load %arg6[%swap3A_490, %swap3A_491] {strides = array<i32>} : memref<128x128xf32, #tpu.memory_space<vmem>>, vector<16xf32>,
      tpu.vector_store %arg6[%swap3A_490, %swap3A_491], %mul3A_489 {strides = array<i32>} : memref<128x128xf32, #tpu.memory_space<vmem>>, vector<16xf32>,
      %mul3A_493 = arith.mulf %get3A_418, %min3A_488 : vector<16xf32>
      %swap3A_494 = arith.index_cast %scan3A_412 : i32 to index
      %swap3A_495 = arith.constant 16 : index
      %swap3A_496 = tpu.vector_load %arg6[%swap3A_494, %swap3A_495] {strides = array<i32>} : memref<128x128xf32, #tpu.memory_space<vmem>>, vector<16xf32>,
      tpu.vector_store %arg6[%swap3A_494, %swap3A_495], %mul3A_493 {strides = array<i32>} : memref<128x128xf32, #tpu.memory_space<vmem>>, vector<16xf32>,
      %mul3A_497 = arith.mulf %get3A_421, %min3A_488 : vector<16xf32>
      %swap3A_498 = arith.index_cast %scan3A_412 : i32 to index
      %swap3A_499 = arith.constant 32 : index
      %swap3A_500 = tpu.vector_load %arg6[%swap3A_498, %swap3A_499] {strides = array<i32>} : memref<128x128xf32, #tpu.memory_space<vmem>>, vector<16xf32>,
      tpu.vector_store %arg6[%swap3A_498, %swap3A_499], %mul3A_497 {strides = array<i32>} : memref<128x128xf32, #tpu.memory_space<vmem>>, vector<16xf32>,
      %mul3A_501 = arith.mulf %get3A_424, %min3A_488 : vector<16xf32>
      %swap3A_502 = arith.index_cast %scan3A_412 : i32 to index
      %swap3A_503 = arith.constant 48 : index
      %swap3A_504 = tpu.vector_load %arg6[%swap3A_502, %swap3A_503] {strides = array<i32>} : memref<128x128xf32, #tpu.memory_space<vmem>>, vector<16xf32>,
      tpu.vector_store %arg6[%swap3A_502, %swap3A_503], %mul3A_501 {strides = array<i32>} : memref<128x128xf32, #tpu.memory_space<vmem>>, vector<16xf32>,
      %mul3A_505 = arith.mulf %get3A_427, %min3A_488 : vector<16xf32>
      %swap3A_506 = arith.index_cast %scan3A_412 : i32 to index
      %swap3A_507 = arith.constant 64 : index
      %swap3A_508 = tpu.vector_load %arg6[%swap3A_506, %swap3A_507] {strides = array<i32>} : memref<128x128xf32, #tpu.memory_space<vmem>>, vector<16xf32>,
      tpu.vector_store %arg6[%swap3A_506, %swap3A_507], %mul3A_505 {strides = array<i32>} : memref<128x128xf32, #tpu.memory_space<vmem>>, vector<16xf32>,
      %mul3A_509 = arith.mulf %get3A_430, %min3A_488 : vector<16xf32>
      %swap3A_510 = arith.index_cast %scan3A_412 : i32 to index
      %swap3A_511 = arith.constant 80 : index
      %swap3A_512 = tpu.vector_load %arg6[%swap3A_510, %swap3A_511] {strides = array<i32>} : memref<128x128xf32, #tpu.memory_space<vmem>>, vector<16xf32>,
      tpu.vector_store %arg6[%swap3A_510, %swap3A_511], %mul3A_509 {strides = array<i32>} : memref<128x128xf32, #tpu.memory_space<vmem>>, vector<16xf32>,
      %mul3A_513 = arith.mulf %get3A_433, %min3A_488 : vector<16xf32>
      %swap3A_514 = arith.index_cast %scan3A_412 : i32 to index
      %swap3A_515 = arith.constant 96 : index
      %swap3A_516 = tpu.vector_load %arg6[%swap3A_514, %swap3A_515] {strides = array<i32>} : memref<128x128xf32, #tpu.memory_space<vmem>>, vector<16xf32>,
      tpu.vector_store %arg6[%swap3A_514, %swap3A_515], %mul3A_513 {strides = array<i32>} : memref<128x128xf32, #tpu.memory_space<vmem>>, vector<16xf32>,
      %mul3A_517 = arith.mulf %get3A_436, %min3A_488 : vector<16xf32>
      %swap3A_518 = arith.index_cast %scan3A_412 : i32 to index
      %swap3A_519 = arith.constant 112 : index
      %swap3A_520 = tpu.vector_load %arg6[%swap3A_518, %swap3A_519] {strides = array<i32>} : memref<128x128xf32, #tpu.memory_space<vmem>>, vector<16xf32>,
      tpu.vector_store %arg6[%swap3A_518, %swap3A_519], %mul3A_517 {strides = array<i32>} : memref<128x128xf32, #tpu.memory_space<vmem>>, vector<16xf32>,
    }
    %scan3A_31 = arith.constant 128 : i32
    %add3A_32 = arith.constant 6144 : i32
    %add3A_33 = arith.addi %mul3A_2, %add3A_32 : i32
    %dma_start3A_34 = arith.constant 0 : i32
    %dma_start3A_35 = tpu.memref_slice %arg4[%add3A_33, %dma_start3A_34] : memref<204800x128xf32, #tpu.memory_space<hbm>> -> memref<128x128xf32, #tpu.memory_space<hbm>>
    %dma_start3A_36 = arith.constant 0 : i32
    %dma_start3A_37 = tpu.memref_slice %arg4[%add3A_33, %dma_start3A_36] : memref<204800x128xf32, #tpu.memory_space<hbm>> -> memref<128x128xf32, #tpu.memory_space<hbm>>
    tpu.enqueue_dma source(%arg6 : memref<128x128xf32, #tpu.memory_space<vmem>>) target(%dma_start3A_37 : memref<128x128xf32, #tpu.memory_space<hbm>>) target_semaphore(%arg18 : memref<!tpu.dma_semaphore, #tpu.memory_space<semaphore_mem>>)
    %dma_wait3A_38 = arith.constant 6272 : i32
    %dma_wait3A_39 = tpu.memref_slice %arg5[%dma_wait3A_38] : memref<6400xi32, #tpu.memory_space<vmem>> -> memref<128xi32, #tpu.memory_space<vmem>>
    %dma_wait3A_40 = arith.constant 0 : i32
    %dma_wait3A_41 = arith.constant 0 : i32
    %dma_wait3A_42 = tpu.memref_slice %arg3[%dma_wait3A_40, %dma_wait3A_41] : memref<100000x128xf32, #tpu.memory_space<hbm>> -> memref<100000x128xf32, #tpu.memory_space<hbm>>
    tpu.wait_indirect_dma semaphore(%arg13 : memref<!tpu.dma_semaphore, #tpu.memory_space<semaphore_mem>>) src(%dma_wait3A_42 : memref<100000x128xf32, #tpu.memory_space<hbm>>) dst(%arg7 : memref<128x128xf32, #tpu.memory_space<vmem>>)
    %scan3A_43 = arith.constant 0 : i32
    %scan3A_44 = arith.constant 0 : i32
    %scan3A_45 = arith.constant 128 : i32
    %scan3A_46 = arith.addi %scan3A_44, %scan3A_45 : i32
    %scan3A_47 = arith.constant 4 : i32
    scf.for %scan3A_91 = %scan3A_44 to %scan3A_46 step %scan3A_47  : i32 {
      %get3A = arith.index_cast %scan3A_91 : i32 to index
      %get3A_92 = arith.constant 0 : index
      %get3A_93 = tpu.vector_load %arg7[%get3A, %get3A_92] {strides = array<i32>} : memref<128x128xf32, #tpu.memory_space<vmem>>, vector<16xf32>,
      %get3A_94 = arith.index_cast %scan3A_91 : i32 to index
      %get3A_95 = arith.constant 16 : index
      %get3A_96 = tpu.vector_load %arg7[%get3A_94, %get3A_95] {strides = array<i32>} : memref<128x128xf32, #tpu.memory_space<vmem>>, vector<16xf32>,
      %get3A_97 = arith.index_cast %scan3A_91 : i32 to index
      %get3A_98 = arith.constant 32 : index
      %get3A_99 = tpu.vector_load %arg7[%get3A_97, %get3A_98] {strides = array<i32>} : memref<128x128xf32, #tpu.memory_space<vmem>>, vector<16xf32>,
      %get3A_100 = arith.index_cast %scan3A_91 : i32 to index
      %get3A_101 = arith.constant 48 : index
      %get3A_102 = tpu.vector_load %arg7[%get3A_100, %get3A_101] {strides = array<i32>} : memref<128x128xf32, #tpu.memory_space<vmem>>, vector<16xf32>,
      %get3A_103 = arith.index_cast %scan3A_91 : i32 to index
      %get3A_104 = arith.constant 64 : index
      %get3A_105 = tpu.vector_load %arg7[%get3A_103, %get3A_104] {strides = array<i32>} : memref<128x128xf32, #tpu.memory_space<vmem>>, vector<16xf32>,
      %get3A_106 = arith.index_cast %scan3A_91 : i32 to index
      %get3A_107 = arith.constant 80 : index
      %get3A_108 = tpu.vector_load %arg7[%get3A_106, %get3A_107] {strides = array<i32>} : memref<128x128xf32, #tpu.memory_space<vmem>>, vector<16xf32>,
      %get3A_109 = arith.index_cast %scan3A_91 : i32 to index
      %get3A_110 = arith.constant 96 : index
      %get3A_111 = tpu.vector_load %arg7[%get3A_109, %get3A_110] {strides = array<i32>} : memref<128x128xf32, #tpu.memory_space<vmem>>, vector<16xf32>,
      %get3A_112 = arith.index_cast %scan3A_91 : i32 to index
      %get3A_113 = arith.constant 112 : index
      %get3A_114 = tpu.vector_load %arg7[%get3A_112, %get3A_113] {strides = array<i32>} : memref<128x128xf32, #tpu.memory_space<vmem>>, vector<16xf32>,
      %mul3A_115 = arith.mulf %get3A_93, %get3A_93 : vector<16xf32>
      %mul3A_116 = arith.mulf %get3A_96, %get3A_96 : vector<16xf32>
      %add3A_117 = arith.addf %mul3A_115, %mul3A_116 : vector<16xf32>
      %mul3A_118 = arith.mulf %get3A_99, %get3A_99 : vector<16xf32>
      %add3A_119 = arith.addf %add3A_117, %mul3A_118 : vector<16xf32>
      %mul3A_120 = arith.mulf %get3A_102, %get3A_102 : vector<16xf32>
      %add3A_121 = arith.addf %add3A_119, %mul3A_120 : vector<16xf32>
      %mul3A_122 = arith.mulf %get3A_105, %get3A_105 : vector<16xf32>
      %add3A_123 = arith.addf %add3A_121, %mul3A_122 : vector<16xf32>
      %mul3A_124 = arith.mulf %get3A_108, %get3A_108 : vector<16xf32>
      %add3A_125 = arith.addf %add3A_123, %mul3A_124 : vector<16xf32>
      %mul3A_126 = arith.mulf %get3A_111, %get3A_111 : vector<16xf32>
      %add3A_127 = arith.addf %add3A_125, %mul3A_126 : vector<16xf32>
      %mul3A_128 = arith.mulf %get3A_114, %get3A_114 : vector<16xf32>
      %add3A_129 = arith.addf %add3A_127, %mul3A_128 : vector<16xf32>
      %reduce_sum3A = arith.constant true
      %reduce_sum3A_130 = vector.broadcast %reduce_sum3A : i1 to vector<16xi1>
      %reduce_sum3A_131 = tpu.scan <sum>, %add3A_129 masked %reduce_sum3A_130 : vector<16xf32>, vector<16xi1> -> vector<16xf32>
      %reduce_sum3A_132 = vector.extract %reduce_sum3A_131[15] : f32 from vector<16xf32>
      %broadcast_in_dim3A = vector.broadcast %reduce_sum3A_132 : f32 to vector<16xf32>
      %max3A = arith.constant 1.000000e-18 : f32
      %max3A_133 = vector.broadcast %max3A : f32 to vector<16xf32>
      %max3A_134 = arith.maximumf %broadcast_in_dim3A, %max3A_133 : vector<16xf32>
      %bitcast3A = vector.bitcast %max3A_134 : vector<16xf32> to vector<16xi32>
      %shift_right_arithmetic3A = arith.constant 1 : i32
      %shift_right_arithmetic3A_135 = vector.broadcast %shift_right_arithmetic3A : i32 to vector<16xi32>
      %shift_right_arithmetic3A_136 = arith.shrsi %bitcast3A, %shift_right_arithmetic3A_135 : vector<16xi32>
      %sub3A = arith.constant 1597463007 : i32
      %sub3A_137 = vector.broadcast %sub3A : i32 to vector<16xi32>
      %sub3A_138 = arith.subi %sub3A_137, %shift_right_arithmetic3A_136 : vector<16xi32>
      %bitcast3A_139 = vector.bitcast %sub3A_138 : vector<16xi32> to vector<16xf32>
      %mul3A_140 = arith.constant 5.000000e-01 : f32
      %mul3A_141 = vector.broadcast %mul3A_140 : f32 to vector<16xf32>
      %mul3A_142 = arith.mulf %mul3A_141, %max3A_134 : vector<16xf32>
      %mul3A_143 = arith.mulf %mul3A_142, %bitcast3A_139 : vector<16xf32>
      %mul3A_144 = arith.mulf %mul3A_143, %bitcast3A_139 : vector<16xf32>
      %sub3A_145 = arith.constant 1.500000e+00 : f32
      %sub3A_146 = vector.broadcast %sub3A_145 : f32 to vector<16xf32>
      %sub3A_147 = arith.subf %sub3A_146, %mul3A_144 : vector<16xf32>
      %mul3A_148 = arith.mulf %bitcast3A_139, %sub3A_147 : vector<16xf32>
      %mul3A_149 = arith.mulf %mul3A_142, %mul3A_148 : vector<16xf32>
      %mul3A_150 = arith.mulf %mul3A_149, %mul3A_148 : vector<16xf32>
      %sub3A_151 = arith.constant 1.500000e+00 : f32
      %sub3A_152 = vector.broadcast %sub3A_151 : f32 to vector<16xf32>
      %sub3A_153 = arith.subf %sub3A_152, %mul3A_150 : vector<16xf32>
      %mul3A_154 = arith.mulf %mul3A_148, %sub3A_153 : vector<16xf32>
      %mul3A_155 = arith.constant 0.949999988 : f32
      %mul3A_156 = vector.broadcast %mul3A_155 : f32 to vector<16xf32>
      %mul3A_157 = arith.mulf %mul3A_156, %mul3A_154 : vector<16xf32>
      %min3A = arith.constant 1.000000e+00 : f32
      %min3A_158 = vector.broadcast %min3A : f32 to vector<16xf32>
      %min3A_159 = arith.minimumf %mul3A_157, %min3A_158 : vector<16xf32>
      %mul3A_160 = arith.mulf %get3A_93, %min3A_159 : vector<16xf32>
      %swap3A = arith.index_cast %scan3A_91 : i32 to index
      %swap3A_161 = arith.constant 0 : index
      %swap3A_162 = tpu.vector_load %arg7[%swap3A, %swap3A_161] {strides = array<i32>} : memref<128x128xf32, #tpu.memory_space<vmem>>, vector<16xf32>,
      tpu.vector_store %arg7[%swap3A, %swap3A_161], %mul3A_160 {strides = array<i32>} : memref<128x128xf32, #tpu.memory_space<vmem>>, vector<16xf32>,
      %mul3A_163 = arith.mulf %get3A_96, %min3A_159 : vector<16xf32>
      %swap3A_164 = arith.index_cast %scan3A_91 : i32 to index
      %swap3A_165 = arith.constant 16 : index
      %swap3A_166 = tpu.vector_load %arg7[%swap3A_164, %swap3A_165] {strides = array<i32>} : memref<128x128xf32, #tpu.memory_space<vmem>>, vector<16xf32>,
      tpu.vector_store %arg7[%swap3A_164, %swap3A_165], %mul3A_163 {strides = array<i32>} : memref<128x128xf32, #tpu.memory_space<vmem>>, vector<16xf32>,
      %mul3A_167 = arith.mulf %get3A_99, %min3A_159 : vector<16xf32>
      %swap3A_168 = arith.index_cast %scan3A_91 : i32 to index
      %swap3A_169 = arith.constant 32 : index
      %swap3A_170 = tpu.vector_load %arg7[%swap3A_168, %swap3A_169] {strides = array<i32>} : memref<128x128xf32, #tpu.memory_space<vmem>>, vector<16xf32>,
      tpu.vector_store %arg7[%swap3A_168, %swap3A_169], %mul3A_167 {strides = array<i32>} : memref<128x128xf32, #tpu.memory_space<vmem>>, vector<16xf32>,
      %mul3A_171 = arith.mulf %get3A_102, %min3A_159 : vector<16xf32>
      %swap3A_172 = arith.index_cast %scan3A_91 : i32 to index
      %swap3A_173 = arith.constant 48 : index
      %swap3A_174 = tpu.vector_load %arg7[%swap3A_172, %swap3A_173] {strides = array<i32>} : memref<128x128xf32, #tpu.memory_space<vmem>>, vector<16xf32>,
      tpu.vector_store %arg7[%swap3A_172, %swap3A_173], %mul3A_171 {strides = array<i32>} : memref<128x128xf32, #tpu.memory_space<vmem>>, vector<16xf32>,
      %mul3A_175 = arith.mulf %get3A_105, %min3A_159 : vector<16xf32>
      %swap3A_176 = arith.index_cast %scan3A_91 : i32 to index
      %swap3A_177 = arith.constant 64 : index
      %swap3A_178 = tpu.vector_load %arg7[%swap3A_176, %swap3A_177] {strides = array<i32>} : memref<128x128xf32, #tpu.memory_space<vmem>>, vector<16xf32>,
      tpu.vector_store %arg7[%swap3A_176, %swap3A_177], %mul3A_175 {strides = array<i32>} : memref<128x128xf32, #tpu.memory_space<vmem>>, vector<16xf32>,
      %mul3A_179 = arith.mulf %get3A_108, %min3A_159 : vector<16xf32>
      %swap3A_180 = arith.index_cast %scan3A_91 : i32 to index
      %swap3A_181 = arith.constant 80 : index
      %swap3A_182 = tpu.vector_load %arg7[%swap3A_180, %swap3A_181] {strides = array<i32>} : memref<128x128xf32, #tpu.memory_space<vmem>>, vector<16xf32>,
      tpu.vector_store %arg7[%swap3A_180, %swap3A_181], %mul3A_179 {strides = array<i32>} : memref<128x128xf32, #tpu.memory_space<vmem>>, vector<16xf32>,
      %mul3A_183 = arith.mulf %get3A_111, %min3A_159 : vector<16xf32>
      %swap3A_184 = arith.index_cast %scan3A_91 : i32 to index
      %swap3A_185 = arith.constant 96 : index
      %swap3A_186 = tpu.vector_load %arg7[%swap3A_184, %swap3A_185] {strides = array<i32>} : memref<128x128xf32, #tpu.memory_space<vmem>>, vector<16xf32>,
      tpu.vector_store %arg7[%swap3A_184, %swap3A_185], %mul3A_183 {strides = array<i32>} : memref<128x128xf32, #tpu.memory_space<vmem>>, vector<16xf32>,
      %mul3A_187 = arith.mulf %get3A_114, %min3A_159 : vector<16xf32>
      %swap3A_188 = arith.index_cast %scan3A_91 : i32 to index
      %swap3A_189 = arith.constant 112 : index
      %swap3A_190 = tpu.vector_load %arg7[%swap3A_188, %swap3A_189] {strides = array<i32>} : memref<128x128xf32, #tpu.memory_space<vmem>>, vector<16xf32>,
      tpu.vector_store %arg7[%swap3A_188, %swap3A_189], %mul3A_187 {strides = array<i32>} : memref<128x128xf32, #tpu.memory_space<vmem>>, vector<16xf32>,
      %scan3A_191 = arith.constant 1 : i32
      %scan3A_192 = arith.addi %scan3A_91, %scan3A_191 : i32
      %get3A_193 = arith.index_cast %scan3A_192 : i32 to index
      %get3A_194 = arith.constant 0 : index
      %get3A_195 = tpu.vector_load %arg7[%get3A_193, %get3A_194] {strides = array<i32>} : memref<128x128xf32, #tpu.memory_space<vmem>>, vector<16xf32>,
      %get3A_196 = arith.index_cast %scan3A_192 : i32 to index
      %get3A_197 = arith.constant 16 : index
      %get3A_198 = tpu.vector_load %arg7[%get3A_196, %get3A_197] {strides = array<i32>} : memref<128x128xf32, #tpu.memory_space<vmem>>, vector<16xf32>,
      %get3A_199 = arith.index_cast %scan3A_192 : i32 to index
      %get3A_200 = arith.constant 32 : index
      %get3A_201 = tpu.vector_load %arg7[%get3A_199, %get3A_200] {strides = array<i32>} : memref<128x128xf32, #tpu.memory_space<vmem>>, vector<16xf32>,
      %get3A_202 = arith.index_cast %scan3A_192 : i32 to index
      %get3A_203 = arith.constant 48 : index
      %get3A_204 = tpu.vector_load %arg7[%get3A_202, %get3A_203] {strides = array<i32>} : memref<128x128xf32, #tpu.memory_space<vmem>>, vector<16xf32>,
      %get3A_205 = arith.index_cast %scan3A_192 : i32 to index
      %get3A_206 = arith.constant 64 : index
      %get3A_207 = tpu.vector_load %arg7[%get3A_205, %get3A_206] {strides = array<i32>} : memref<128x128xf32, #tpu.memory_space<vmem>>, vector<16xf32>,
      %get3A_208 = arith.index_cast %scan3A_192 : i32 to index
      %get3A_209 = arith.constant 80 : index
      %get3A_210 = tpu.vector_load %arg7[%get3A_208, %get3A_209] {strides = array<i32>} : memref<128x128xf32, #tpu.memory_space<vmem>>, vector<16xf32>,
      %get3A_211 = arith.index_cast %scan3A_192 : i32 to index
      %get3A_212 = arith.constant 96 : index
      %get3A_213 = tpu.vector_load %arg7[%get3A_211, %get3A_212] {strides = array<i32>} : memref<128x128xf32, #tpu.memory_space<vmem>>, vector<16xf32>,
      %get3A_214 = arith.index_cast %scan3A_192 : i32 to index
      %get3A_215 = arith.constant 112 : index
      %get3A_216 = tpu.vector_load %arg7[%get3A_214, %get3A_215] {strides = array<i32>} : memref<128x128xf32, #tpu.memory_space<vmem>>, vector<16xf32>,
      %mul3A_217 = arith.mulf %get3A_195, %get3A_195 : vector<16xf32>
      %mul3A_218 = arith.mulf %get3A_198, %get3A_198 : vector<16xf32>
      %add3A_219 = arith.addf %mul3A_217, %mul3A_218 : vector<16xf32>
      %mul3A_220 = arith.mulf %get3A_201, %get3A_201 : vector<16xf32>
      %add3A_221 = arith.addf %add3A_219, %mul3A_220 : vector<16xf32>
      %mul3A_222 = arith.mulf %get3A_204, %get3A_204 : vector<16xf32>
      %add3A_223 = arith.addf %add3A_221, %mul3A_222 : vector<16xf32>
      %mul3A_224 = arith.mulf %get3A_207, %get3A_207 : vector<16xf32>
      %add3A_225 = arith.addf %add3A_223, %mul3A_224 : vector<16xf32>
      %mul3A_226 = arith.mulf %get3A_210, %get3A_210 : vector<16xf32>
      %add3A_227 = arith.addf %add3A_225, %mul3A_226 : vector<16xf32>
      %mul3A_228 = arith.mulf %get3A_213, %get3A_213 : vector<16xf32>
      %add3A_229 = arith.addf %add3A_227, %mul3A_228 : vector<16xf32>
      %mul3A_230 = arith.mulf %get3A_216, %get3A_216 : vector<16xf32>
      %add3A_231 = arith.addf %add3A_229, %mul3A_230 : vector<16xf32>
      %reduce_sum3A_232 = arith.constant true
      %reduce_sum3A_233 = vector.broadcast %reduce_sum3A_232 : i1 to vector<16xi1>
      %reduce_sum3A_234 = tpu.scan <sum>, %add3A_231 masked %reduce_sum3A_233 : vector<16xf32>, vector<16xi1> -> vector<16xf32>
      %reduce_sum3A_235 = vector.extract %reduce_sum3A_234[15] : f32 from vector<16xf32>
      %broadcast_in_dim3A_236 = vector.broadcast %reduce_sum3A_235 : f32 to vector<16xf32>
      %max3A_237 = arith.constant 1.000000e-18 : f32
      %max3A_238 = vector.broadcast %max3A_237 : f32 to vector<16xf32>
      %max3A_239 = arith.maximumf %broadcast_in_dim3A_236, %max3A_238 : vector<16xf32>
      %bitcast3A_240 = vector.bitcast %max3A_239 : vector<16xf32> to vector<16xi32>
      %shift_right_arithmetic3A_241 = arith.constant 1 : i32
      %shift_right_arithmetic3A_242 = vector.broadcast %shift_right_arithmetic3A_241 : i32 to vector<16xi32>
      %shift_right_arithmetic3A_243 = arith.shrsi %bitcast3A_240, %shift_right_arithmetic3A_242 : vector<16xi32>
      %sub3A_244 = arith.constant 1597463007 : i32
      %sub3A_245 = vector.broadcast %sub3A_244 : i32 to vector<16xi32>
      %sub3A_246 = arith.subi %sub3A_245, %shift_right_arithmetic3A_243 : vector<16xi32>
      %bitcast3A_247 = vector.bitcast %sub3A_246 : vector<16xi32> to vector<16xf32>
      %mul3A_248 = arith.constant 5.000000e-01 : f32
      %mul3A_249 = vector.broadcast %mul3A_248 : f32 to vector<16xf32>
      %mul3A_250 = arith.mulf %mul3A_249, %max3A_239 : vector<16xf32>
      %mul3A_251 = arith.mulf %mul3A_250, %bitcast3A_247 : vector<16xf32>
      %mul3A_252 = arith.mulf %mul3A_251, %bitcast3A_247 : vector<16xf32>
      %sub3A_253 = arith.constant 1.500000e+00 : f32
      %sub3A_254 = vector.broadcast %sub3A_253 : f32 to vector<16xf32>
      %sub3A_255 = arith.subf %sub3A_254, %mul3A_252 : vector<16xf32>
      %mul3A_256 = arith.mulf %bitcast3A_247, %sub3A_255 : vector<16xf32>
      %mul3A_257 = arith.mulf %mul3A_250, %mul3A_256 : vector<16xf32>
      %mul3A_258 = arith.mulf %mul3A_257, %mul3A_256 : vector<16xf32>
      %sub3A_259 = arith.constant 1.500000e+00 : f32
      %sub3A_260 = vector.broadcast %sub3A_259 : f32 to vector<16xf32>
      %sub3A_261 = arith.subf %sub3A_260, %mul3A_258 : vector<16xf32>
      %mul3A_262 = arith.mulf %mul3A_256, %sub3A_261 : vector<16xf32>
      %mul3A_263 = arith.constant 0.949999988 : f32
      %mul3A_264 = vector.broadcast %mul3A_263 : f32 to vector<16xf32>
      %mul3A_265 = arith.mulf %mul3A_264, %mul3A_262 : vector<16xf32>
      %min3A_266 = arith.constant 1.000000e+00 : f32
      %min3A_267 = vector.broadcast %min3A_266 : f32 to vector<16xf32>
      %min3A_268 = arith.minimumf %mul3A_265, %min3A_267 : vector<16xf32>
      %mul3A_269 = arith.mulf %get3A_195, %min3A_268 : vector<16xf32>
      %swap3A_270 = arith.index_cast %scan3A_192 : i32 to index
      %swap3A_271 = arith.constant 0 : index
      %swap3A_272 = tpu.vector_load %arg7[%swap3A_270, %swap3A_271] {strides = array<i32>} : memref<128x128xf32, #tpu.memory_space<vmem>>, vector<16xf32>,
      tpu.vector_store %arg7[%swap3A_270, %swap3A_271], %mul3A_269 {strides = array<i32>} : memref<128x128xf32, #tpu.memory_space<vmem>>, vector<16xf32>,
      %mul3A_273 = arith.mulf %get3A_198, %min3A_268 : vector<16xf32>
      %swap3A_274 = arith.index_cast %scan3A_192 : i32 to index
      %swap3A_275 = arith.constant 16 : index
      %swap3A_276 = tpu.vector_load %arg7[%swap3A_274, %swap3A_275] {strides = array<i32>} : memref<128x128xf32, #tpu.memory_space<vmem>>, vector<16xf32>,
      tpu.vector_store %arg7[%swap3A_274, %swap3A_275], %mul3A_273 {strides = array<i32>} : memref<128x128xf32, #tpu.memory_space<vmem>>, vector<16xf32>,
      %mul3A_277 = arith.mulf %get3A_201, %min3A_268 : vector<16xf32>
      %swap3A_278 = arith.index_cast %scan3A_192 : i32 to index
      %swap3A_279 = arith.constant 32 : index
      %swap3A_280 = tpu.vector_load %arg7[%swap3A_278, %swap3A_279] {strides = array<i32>} : memref<128x128xf32, #tpu.memory_space<vmem>>, vector<16xf32>,
      tpu.vector_store %arg7[%swap3A_278, %swap3A_279], %mul3A_277 {strides = array<i32>} : memref<128x128xf32, #tpu.memory_space<vmem>>, vector<16xf32>,
      %mul3A_281 = arith.mulf %get3A_204, %min3A_268 : vector<16xf32>
      %swap3A_282 = arith.index_cast %scan3A_192 : i32 to index
      %swap3A_283 = arith.constant 48 : index
      %swap3A_284 = tpu.vector_load %arg7[%swap3A_282, %swap3A_283] {strides = array<i32>} : memref<128x128xf32, #tpu.memory_space<vmem>>, vector<16xf32>,
      tpu.vector_store %arg7[%swap3A_282, %swap3A_283], %mul3A_281 {strides = array<i32>} : memref<128x128xf32, #tpu.memory_space<vmem>>, vector<16xf32>,
      %mul3A_285 = arith.mulf %get3A_207, %min3A_268 : vector<16xf32>
      %swap3A_286 = arith.index_cast %scan3A_192 : i32 to index
      %swap3A_287 = arith.constant 64 : index
      %swap3A_288 = tpu.vector_load %arg7[%swap3A_286, %swap3A_287] {strides = array<i32>} : memref<128x128xf32, #tpu.memory_space<vmem>>, vector<16xf32>,
      tpu.vector_store %arg7[%swap3A_286, %swap3A_287], %mul3A_285 {strides = array<i32>} : memref<128x128xf32, #tpu.memory_space<vmem>>, vector<16xf32>,
      %mul3A_289 = arith.mulf %get3A_210, %min3A_268 : vector<16xf32>
      %swap3A_290 = arith.index_cast %scan3A_192 : i32 to index
      %swap3A_291 = arith.constant 80 : index
      %swap3A_292 = tpu.vector_load %arg7[%swap3A_290, %swap3A_291] {strides = array<i32>} : memref<128x128xf32, #tpu.memory_space<vmem>>, vector<16xf32>,
      tpu.vector_store %arg7[%swap3A_290, %swap3A_291], %mul3A_289 {strides = array<i32>} : memref<128x128xf32, #tpu.memory_space<vmem>>, vector<16xf32>,
      %mul3A_293 = arith.mulf %get3A_213, %min3A_268 : vector<16xf32>
      %swap3A_294 = arith.index_cast %scan3A_192 : i32 to index
      %swap3A_295 = arith.constant 96 : index
      %swap3A_296 = tpu.vector_load %arg7[%swap3A_294, %swap3A_295] {strides = array<i32>} : memref<128x128xf32, #tpu.memory_space<vmem>>, vector<16xf32>,
      tpu.vector_store %arg7[%swap3A_294, %swap3A_295], %mul3A_293 {strides = array<i32>} : memref<128x128xf32, #tpu.memory_space<vmem>>, vector<16xf32>,
      %mul3A_297 = arith.mulf %get3A_216, %min3A_268 : vector<16xf32>
      %swap3A_298 = arith.index_cast %scan3A_192 : i32 to index
      %swap3A_299 = arith.constant 112 : index
      %swap3A_300 = tpu.vector_load %arg7[%swap3A_298, %swap3A_299] {strides = array<i32>} : memref<128x128xf32, #tpu.memory_space<vmem>>, vector<16xf32>,
      tpu.vector_store %arg7[%swap3A_298, %swap3A_299], %mul3A_297 {strides = array<i32>} : memref<128x128xf32, #tpu.memory_space<vmem>>, vector<16xf32>,
      %scan3A_301 = arith.constant 2 : i32
      %scan3A_302 = arith.addi %scan3A_91, %scan3A_301 : i32
      %get3A_303 = arith.index_cast %scan3A_302 : i32 to index
      %get3A_304 = arith.constant 0 : index
      %get3A_305 = tpu.vector_load %arg7[%get3A_303, %get3A_304] {strides = array<i32>} : memref<128x128xf32, #tpu.memory_space<vmem>>, vector<16xf32>,
      %get3A_306 = arith.index_cast %scan3A_302 : i32 to index
      %get3A_307 = arith.constant 16 : index
      %get3A_308 = tpu.vector_load %arg7[%get3A_306, %get3A_307] {strides = array<i32>} : memref<128x128xf32, #tpu.memory_space<vmem>>, vector<16xf32>,
      %get3A_309 = arith.index_cast %scan3A_302 : i32 to index
      %get3A_310 = arith.constant 32 : index
      %get3A_311 = tpu.vector_load %arg7[%get3A_309, %get3A_310] {strides = array<i32>} : memref<128x128xf32, #tpu.memory_space<vmem>>, vector<16xf32>,
      %get3A_312 = arith.index_cast %scan3A_302 : i32 to index
      %get3A_313 = arith.constant 48 : index
      %get3A_314 = tpu.vector_load %arg7[%get3A_312, %get3A_313] {strides = array<i32>} : memref<128x128xf32, #tpu.memory_space<vmem>>, vector<16xf32>,
      %get3A_315 = arith.index_cast %scan3A_302 : i32 to index
      %get3A_316 = arith.constant 64 : index
      %get3A_317 = tpu.vector_load %arg7[%get3A_315, %get3A_316] {strides = array<i32>} : memref<128x128xf32, #tpu.memory_space<vmem>>, vector<16xf32>,
      %get3A_318 = arith.index_cast %scan3A_302 : i32 to index
      %get3A_319 = arith.constant 80 : index
      %get3A_320 = tpu.vector_load %arg7[%get3A_318, %get3A_319] {strides = array<i32>} : memref<128x128xf32, #tpu.memory_space<vmem>>, vector<16xf32>,
      %get3A_321 = arith.index_cast %scan3A_302 : i32 to index
      %get3A_322 = arith.constant 96 : index
      %get3A_323 = tpu.vector_load %arg7[%get3A_321, %get3A_322] {strides = array<i32>} : memref<128x128xf32, #tpu.memory_space<vmem>>, vector<16xf32>,
      %get3A_324 = arith.index_cast %scan3A_302 : i32 to index
      %get3A_325 = arith.constant 112 : index
      %get3A_326 = tpu.vector_load %arg7[%get3A_324, %get3A_325] {strides = array<i32>} : memref<128x128xf32, #tpu.memory_space<vmem>>, vector<16xf32>,
      %mul3A_327 = arith.mulf %get3A_305, %get3A_305 : vector<16xf32>
      %mul3A_328 = arith.mulf %get3A_308, %get3A_308 : vector<16xf32>
      %add3A_329 = arith.addf %mul3A_327, %mul3A_328 : vector<16xf32>
      %mul3A_330 = arith.mulf %get3A_311, %get3A_311 : vector<16xf32>
      %add3A_331 = arith.addf %add3A_329, %mul3A_330 : vector<16xf32>
      %mul3A_332 = arith.mulf %get3A_314, %get3A_314 : vector<16xf32>
      %add3A_333 = arith.addf %add3A_331, %mul3A_332 : vector<16xf32>
      %mul3A_334 = arith.mulf %get3A_317, %get3A_317 : vector<16xf32>
      %add3A_335 = arith.addf %add3A_333, %mul3A_334 : vector<16xf32>
      %mul3A_336 = arith.mulf %get3A_320, %get3A_320 : vector<16xf32>
      %add3A_337 = arith.addf %add3A_335, %mul3A_336 : vector<16xf32>
      %mul3A_338 = arith.mulf %get3A_323, %get3A_323 : vector<16xf32>
      %add3A_339 = arith.addf %add3A_337, %mul3A_338 : vector<16xf32>
      %mul3A_340 = arith.mulf %get3A_326, %get3A_326 : vector<16xf32>
      %add3A_341 = arith.addf %add3A_339, %mul3A_340 : vector<16xf32>
      %reduce_sum3A_342 = arith.constant true
      %reduce_sum3A_343 = vector.broadcast %reduce_sum3A_342 : i1 to vector<16xi1>
      %reduce_sum3A_344 = tpu.scan <sum>, %add3A_341 masked %reduce_sum3A_343 : vector<16xf32>, vector<16xi1> -> vector<16xf32>
      %reduce_sum3A_345 = vector.extract %reduce_sum3A_344[15] : f32 from vector<16xf32>
      %broadcast_in_dim3A_346 = vector.broadcast %reduce_sum3A_345 : f32 to vector<16xf32>
      %max3A_347 = arith.constant 1.000000e-18 : f32
      %max3A_348 = vector.broadcast %max3A_347 : f32 to vector<16xf32>
      %max3A_349 = arith.maximumf %broadcast_in_dim3A_346, %max3A_348 : vector<16xf32>
      %bitcast3A_350 = vector.bitcast %max3A_349 : vector<16xf32> to vector<16xi32>
      %shift_right_arithmetic3A_351 = arith.constant 1 : i32
      %shift_right_arithmetic3A_352 = vector.broadcast %shift_right_arithmetic3A_351 : i32 to vector<16xi32>
      %shift_right_arithmetic3A_353 = arith.shrsi %bitcast3A_350, %shift_right_arithmetic3A_352 : vector<16xi32>
      %sub3A_354 = arith.constant 1597463007 : i32
      %sub3A_355 = vector.broadcast %sub3A_354 : i32 to vector<16xi32>
      %sub3A_356 = arith.subi %sub3A_355, %shift_right_arithmetic3A_353 : vector<16xi32>
      %bitcast3A_357 = vector.bitcast %sub3A_356 : vector<16xi32> to vector<16xf32>
      %mul3A_358 = arith.constant 5.000000e-01 : f32
      %mul3A_359 = vector.broadcast %mul3A_358 : f32 to vector<16xf32>
      %mul3A_360 = arith.mulf %mul3A_359, %max3A_349 : vector<16xf32>
      %mul3A_361 = arith.mulf %mul3A_360, %bitcast3A_357 : vector<16xf32>
      %mul3A_362 = arith.mulf %mul3A_361, %bitcast3A_357 : vector<16xf32>
      %sub3A_363 = arith.constant 1.500000e+00 : f32
      %sub3A_364 = vector.broadcast %sub3A_363 : f32 to vector<16xf32>
      %sub3A_365 = arith.subf %sub3A_364, %mul3A_362 : vector<16xf32>
      %mul3A_366 = arith.mulf %bitcast3A_357, %sub3A_365 : vector<16xf32>
      %mul3A_367 = arith.mulf %mul3A_360, %mul3A_366 : vector<16xf32>
      %mul3A_368 = arith.mulf %mul3A_367, %mul3A_366 : vector<16xf32>
      %sub3A_369 = arith.constant 1.500000e+00 : f32
      %sub3A_370 = vector.broadcast %sub3A_369 : f32 to vector<16xf32>
      %sub3A_371 = arith.subf %sub3A_370, %mul3A_368 : vector<16xf32>
      %mul3A_372 = arith.mulf %mul3A_366, %sub3A_371 : vector<16xf32>
      %mul3A_373 = arith.constant 0.949999988 : f32
      %mul3A_374 = vector.broadcast %mul3A_373 : f32 to vector<16xf32>
      %mul3A_375 = arith.mulf %mul3A_374, %mul3A_372 : vector<16xf32>
      %min3A_376 = arith.constant 1.000000e+00 : f32
      %min3A_377 = vector.broadcast %min3A_376 : f32 to vector<16xf32>
      %min3A_378 = arith.minimumf %mul3A_375, %min3A_377 : vector<16xf32>
      %mul3A_379 = arith.mulf %get3A_305, %min3A_378 : vector<16xf32>
      %swap3A_380 = arith.index_cast %scan3A_302 : i32 to index
      %swap3A_381 = arith.constant 0 : index
      %swap3A_382 = tpu.vector_load %arg7[%swap3A_380, %swap3A_381] {strides = array<i32>} : memref<128x128xf32, #tpu.memory_space<vmem>>, vector<16xf32>,
      tpu.vector_store %arg7[%swap3A_380, %swap3A_381], %mul3A_379 {strides = array<i32>} : memref<128x128xf32, #tpu.memory_space<vmem>>, vector<16xf32>,
      %mul3A_383 = arith.mulf %get3A_308, %min3A_378 : vector<16xf32>
      %swap3A_384 = arith.index_cast %scan3A_302 : i32 to index
      %swap3A_385 = arith.constant 16 : index
      %swap3A_386 = tpu.vector_load %arg7[%swap3A_384, %swap3A_385] {strides = array<i32>} : memref<128x128xf32, #tpu.memory_space<vmem>>, vector<16xf32>,
      tpu.vector_store %arg7[%swap3A_384, %swap3A_385], %mul3A_383 {strides = array<i32>} : memref<128x128xf32, #tpu.memory_space<vmem>>, vector<16xf32>,
      %mul3A_387 = arith.mulf %get3A_311, %min3A_378 : vector<16xf32>
      %swap3A_388 = arith.index_cast %scan3A_302 : i32 to index
      %swap3A_389 = arith.constant 32 : index
      %swap3A_390 = tpu.vector_load %arg7[%swap3A_388, %swap3A_389] {strides = array<i32>} : memref<128x128xf32, #tpu.memory_space<vmem>>, vector<16xf32>,
      tpu.vector_store %arg7[%swap3A_388, %swap3A_389], %mul3A_387 {strides = array<i32>} : memref<128x128xf32, #tpu.memory_space<vmem>>, vector<16xf32>,
      %mul3A_391 = arith.mulf %get3A_314, %min3A_378 : vector<16xf32>
      %swap3A_392 = arith.index_cast %scan3A_302 : i32 to index
      %swap3A_393 = arith.constant 48 : index
      %swap3A_394 = tpu.vector_load %arg7[%swap3A_392, %swap3A_393] {strides = array<i32>} : memref<128x128xf32, #tpu.memory_space<vmem>>, vector<16xf32>,
      tpu.vector_store %arg7[%swap3A_392, %swap3A_393], %mul3A_391 {strides = array<i32>} : memref<128x128xf32, #tpu.memory_space<vmem>>, vector<16xf32>,
      %mul3A_395 = arith.mulf %get3A_317, %min3A_378 : vector<16xf32>
      %swap3A_396 = arith.index_cast %scan3A_302 : i32 to index
      %swap3A_397 = arith.constant 64 : index
      %swap3A_398 = tpu.vector_load %arg7[%swap3A_396, %swap3A_397] {strides = array<i32>} : memref<128x128xf32, #tpu.memory_space<vmem>>, vector<16xf32>,
      tpu.vector_store %arg7[%swap3A_396, %swap3A_397], %mul3A_395 {strides = array<i32>} : memref<128x128xf32, #tpu.memory_space<vmem>>, vector<16xf32>,
      %mul3A_399 = arith.mulf %get3A_320, %min3A_378 : vector<16xf32>
      %swap3A_400 = arith.index_cast %scan3A_302 : i32 to index
      %swap3A_401 = arith.constant 80 : index
      %swap3A_402 = tpu.vector_load %arg7[%swap3A_400, %swap3A_401] {strides = array<i32>} : memref<128x128xf32, #tpu.memory_space<vmem>>, vector<16xf32>,
      tpu.vector_store %arg7[%swap3A_400, %swap3A_401], %mul3A_399 {strides = array<i32>} : memref<128x128xf32, #tpu.memory_space<vmem>>, vector<16xf32>,
      %mul3A_403 = arith.mulf %get3A_323, %min3A_378 : vector<16xf32>
      %swap3A_404 = arith.index_cast %scan3A_302 : i32 to index
      %swap3A_405 = arith.constant 96 : index
      %swap3A_406 = tpu.vector_load %arg7[%swap3A_404, %swap3A_405] {strides = array<i32>} : memref<128x128xf32, #tpu.memory_space<vmem>>, vector<16xf32>,
      tpu.vector_store %arg7[%swap3A_404, %swap3A_405], %mul3A_403 {strides = array<i32>} : memref<128x128xf32, #tpu.memory_space<vmem>>, vector<16xf32>,
      %mul3A_407 = arith.mulf %get3A_326, %min3A_378 : vector<16xf32>
      %swap3A_408 = arith.index_cast %scan3A_302 : i32 to index
      %swap3A_409 = arith.constant 112 : index
      %swap3A_410 = tpu.vector_load %arg7[%swap3A_408, %swap3A_409] {strides = array<i32>} : memref<128x128xf32, #tpu.memory_space<vmem>>, vector<16xf32>,
      tpu.vector_store %arg7[%swap3A_408, %swap3A_409], %mul3A_407 {strides = array<i32>} : memref<128x128xf32, #tpu.memory_space<vmem>>, vector<16xf32>,
      %scan3A_411 = arith.constant 3 : i32
      %scan3A_412 = arith.addi %scan3A_91, %scan3A_411 : i32
      %get3A_413 = arith.index_cast %scan3A_412 : i32 to index
      %get3A_414 = arith.constant 0 : index
      %get3A_415 = tpu.vector_load %arg7[%get3A_413, %get3A_414] {strides = array<i32>} : memref<128x128xf32, #tpu.memory_space<vmem>>, vector<16xf32>,
      %get3A_416 = arith.index_cast %scan3A_412 : i32 to index
      %get3A_417 = arith.constant 16 : index
      %get3A_418 = tpu.vector_load %arg7[%get3A_416, %get3A_417] {strides = array<i32>} : memref<128x128xf32, #tpu.memory_space<vmem>>, vector<16xf32>,
      %get3A_419 = arith.index_cast %scan3A_412 : i32 to index
      %get3A_420 = arith.constant 32 : index
      %get3A_421 = tpu.vector_load %arg7[%get3A_419, %get3A_420] {strides = array<i32>} : memref<128x128xf32, #tpu.memory_space<vmem>>, vector<16xf32>,
      %get3A_422 = arith.index_cast %scan3A_412 : i32 to index
      %get3A_423 = arith.constant 48 : index
      %get3A_424 = tpu.vector_load %arg7[%get3A_422, %get3A_423] {strides = array<i32>} : memref<128x128xf32, #tpu.memory_space<vmem>>, vector<16xf32>,
      %get3A_425 = arith.index_cast %scan3A_412 : i32 to index
      %get3A_426 = arith.constant 64 : index
      %get3A_427 = tpu.vector_load %arg7[%get3A_425, %get3A_426] {strides = array<i32>} : memref<128x128xf32, #tpu.memory_space<vmem>>, vector<16xf32>,
      %get3A_428 = arith.index_cast %scan3A_412 : i32 to index
      %get3A_429 = arith.constant 80 : index
      %get3A_430 = tpu.vector_load %arg7[%get3A_428, %get3A_429] {strides = array<i32>} : memref<128x128xf32, #tpu.memory_space<vmem>>, vector<16xf32>,
      %get3A_431 = arith.index_cast %scan3A_412 : i32 to index
      %get3A_432 = arith.constant 96 : index
      %get3A_433 = tpu.vector_load %arg7[%get3A_431, %get3A_432] {strides = array<i32>} : memref<128x128xf32, #tpu.memory_space<vmem>>, vector<16xf32>,
      %get3A_434 = arith.index_cast %scan3A_412 : i32 to index
      %get3A_435 = arith.constant 112 : index
      %get3A_436 = tpu.vector_load %arg7[%get3A_434, %get3A_435] {strides = array<i32>} : memref<128x128xf32, #tpu.memory_space<vmem>>, vector<16xf32>,
      %mul3A_437 = arith.mulf %get3A_415, %get3A_415 : vector<16xf32>
      %mul3A_438 = arith.mulf %get3A_418, %get3A_418 : vector<16xf32>
      %add3A_439 = arith.addf %mul3A_437, %mul3A_438 : vector<16xf32>
      %mul3A_440 = arith.mulf %get3A_421, %get3A_421 : vector<16xf32>
      %add3A_441 = arith.addf %add3A_439, %mul3A_440 : vector<16xf32>
      %mul3A_442 = arith.mulf %get3A_424, %get3A_424 : vector<16xf32>
      %add3A_443 = arith.addf %add3A_441, %mul3A_442 : vector<16xf32>
      %mul3A_444 = arith.mulf %get3A_427, %get3A_427 : vector<16xf32>
      %add3A_445 = arith.addf %add3A_443, %mul3A_444 : vector<16xf32>
      %mul3A_446 = arith.mulf %get3A_430, %get3A_430 : vector<16xf32>
      %add3A_447 = arith.addf %add3A_445, %mul3A_446 : vector<16xf32>
      %mul3A_448 = arith.mulf %get3A_433, %get3A_433 : vector<16xf32>
      %add3A_449 = arith.addf %add3A_447, %mul3A_448 : vector<16xf32>
      %mul3A_450 = arith.mulf %get3A_436, %get3A_436 : vector<16xf32>
      %add3A_451 = arith.addf %add3A_449, %mul3A_450 : vector<16xf32>
      %reduce_sum3A_452 = arith.constant true
      %reduce_sum3A_453 = vector.broadcast %reduce_sum3A_452 : i1 to vector<16xi1>
      %reduce_sum3A_454 = tpu.scan <sum>, %add3A_451 masked %reduce_sum3A_453 : vector<16xf32>, vector<16xi1> -> vector<16xf32>
      %reduce_sum3A_455 = vector.extract %reduce_sum3A_454[15] : f32 from vector<16xf32>
      %broadcast_in_dim3A_456 = vector.broadcast %reduce_sum3A_455 : f32 to vector<16xf32>
      %max3A_457 = arith.constant 1.000000e-18 : f32
      %max3A_458 = vector.broadcast %max3A_457 : f32 to vector<16xf32>
      %max3A_459 = arith.maximumf %broadcast_in_dim3A_456, %max3A_458 : vector<16xf32>
      %bitcast3A_460 = vector.bitcast %max3A_459 : vector<16xf32> to vector<16xi32>
      %shift_right_arithmetic3A_461 = arith.constant 1 : i32
      %shift_right_arithmetic3A_462 = vector.broadcast %shift_right_arithmetic3A_461 : i32 to vector<16xi32>
      %shift_right_arithmetic3A_463 = arith.shrsi %bitcast3A_460, %shift_right_arithmetic3A_462 : vector<16xi32>
      %sub3A_464 = arith.constant 1597463007 : i32
      %sub3A_465 = vector.broadcast %sub3A_464 : i32 to vector<16xi32>
      %sub3A_466 = arith.subi %sub3A_465, %shift_right_arithmetic3A_463 : vector<16xi32>
      %bitcast3A_467 = vector.bitcast %sub3A_466 : vector<16xi32> to vector<16xf32>
      %mul3A_468 = arith.constant 5.000000e-01 : f32
      %mul3A_469 = vector.broadcast %mul3A_468 : f32 to vector<16xf32>
      %mul3A_470 = arith.mulf %mul3A_469, %max3A_459 : vector<16xf32>
      %mul3A_471 = arith.mulf %mul3A_470, %bitcast3A_467 : vector<16xf32>
      %mul3A_472 = arith.mulf %mul3A_471, %bitcast3A_467 : vector<16xf32>
      %sub3A_473 = arith.constant 1.500000e+00 : f32
      %sub3A_474 = vector.broadcast %sub3A_473 : f32 to vector<16xf32>
      %sub3A_475 = arith.subf %sub3A_474, %mul3A_472 : vector<16xf32>
      %mul3A_476 = arith.mulf %bitcast3A_467, %sub3A_475 : vector<16xf32>
      %mul3A_477 = arith.mulf %mul3A_470, %mul3A_476 : vector<16xf32>
      %mul3A_478 = arith.mulf %mul3A_477, %mul3A_476 : vector<16xf32>
      %sub3A_479 = arith.constant 1.500000e+00 : f32
      %sub3A_480 = vector.broadcast %sub3A_479 : f32 to vector<16xf32>
      %sub3A_481 = arith.subf %sub3A_480, %mul3A_478 : vector<16xf32>
      %mul3A_482 = arith.mulf %mul3A_476, %sub3A_481 : vector<16xf32>
      %mul3A_483 = arith.constant 0.949999988 : f32
      %mul3A_484 = vector.broadcast %mul3A_483 : f32 to vector<16xf32>
      %mul3A_485 = arith.mulf %mul3A_484, %mul3A_482 : vector<16xf32>
      %min3A_486 = arith.constant 1.000000e+00 : f32
      %min3A_487 = vector.broadcast %min3A_486 : f32 to vector<16xf32>
      %min3A_488 = arith.minimumf %mul3A_485, %min3A_487 : vector<16xf32>
      %mul3A_489 = arith.mulf %get3A_415, %min3A_488 : vector<16xf32>
      %swap3A_490 = arith.index_cast %scan3A_412 : i32 to index
      %swap3A_491 = arith.constant 0 : index
      %swap3A_492 = tpu.vector_load %arg7[%swap3A_490, %swap3A_491] {strides = array<i32>} : memref<128x128xf32, #tpu.memory_space<vmem>>, vector<16xf32>,
      tpu.vector_store %arg7[%swap3A_490, %swap3A_491], %mul3A_489 {strides = array<i32>} : memref<128x128xf32, #tpu.memory_space<vmem>>, vector<16xf32>,
      %mul3A_493 = arith.mulf %get3A_418, %min3A_488 : vector<16xf32>
      %swap3A_494 = arith.index_cast %scan3A_412 : i32 to index
      %swap3A_495 = arith.constant 16 : index
      %swap3A_496 = tpu.vector_load %arg7[%swap3A_494, %swap3A_495] {strides = array<i32>} : memref<128x128xf32, #tpu.memory_space<vmem>>, vector<16xf32>,
      tpu.vector_store %arg7[%swap3A_494, %swap3A_495], %mul3A_493 {strides = array<i32>} : memref<128x128xf32, #tpu.memory_space<vmem>>, vector<16xf32>,
      %mul3A_497 = arith.mulf %get3A_421, %min3A_488 : vector<16xf32>
      %swap3A_498 = arith.index_cast %scan3A_412 : i32 to index
      %swap3A_499 = arith.constant 32 : index
      %swap3A_500 = tpu.vector_load %arg7[%swap3A_498, %swap3A_499] {strides = array<i32>} : memref<128x128xf32, #tpu.memory_space<vmem>>, vector<16xf32>,
      tpu.vector_store %arg7[%swap3A_498, %swap3A_499], %mul3A_497 {strides = array<i32>} : memref<128x128xf32, #tpu.memory_space<vmem>>, vector<16xf32>,
      %mul3A_501 = arith.mulf %get3A_424, %min3A_488 : vector<16xf32>
      %swap3A_502 = arith.index_cast %scan3A_412 : i32 to index
      %swap3A_503 = arith.constant 48 : index
      %swap3A_504 = tpu.vector_load %arg7[%swap3A_502, %swap3A_503] {strides = array<i32>} : memref<128x128xf32, #tpu.memory_space<vmem>>, vector<16xf32>,
      tpu.vector_store %arg7[%swap3A_502, %swap3A_503], %mul3A_501 {strides = array<i32>} : memref<128x128xf32, #tpu.memory_space<vmem>>, vector<16xf32>,
      %mul3A_505 = arith.mulf %get3A_427, %min3A_488 : vector<16xf32>
      %swap3A_506 = arith.index_cast %scan3A_412 : i32 to index
      %swap3A_507 = arith.constant 64 : index
      %swap3A_508 = tpu.vector_load %arg7[%swap3A_506, %swap3A_507] {strides = array<i32>} : memref<128x128xf32, #tpu.memory_space<vmem>>, vector<16xf32>,
      tpu.vector_store %arg7[%swap3A_506, %swap3A_507], %mul3A_505 {strides = array<i32>} : memref<128x128xf32, #tpu.memory_space<vmem>>, vector<16xf32>,
      %mul3A_509 = arith.mulf %get3A_430, %min3A_488 : vector<16xf32>
      %swap3A_510 = arith.index_cast %scan3A_412 : i32 to index
      %swap3A_511 = arith.constant 80 : index
      %swap3A_512 = tpu.vector_load %arg7[%swap3A_510, %swap3A_511] {strides = array<i32>} : memref<128x128xf32, #tpu.memory_space<vmem>>, vector<16xf32>,
      tpu.vector_store %arg7[%swap3A_510, %swap3A_511], %mul3A_509 {strides = array<i32>} : memref<128x128xf32, #tpu.memory_space<vmem>>, vector<16xf32>,
      %mul3A_513 = arith.mulf %get3A_433, %min3A_488 : vector<16xf32>
      %swap3A_514 = arith.index_cast %scan3A_412 : i32 to index
      %swap3A_515 = arith.constant 96 : index
      %swap3A_516 = tpu.vector_load %arg7[%swap3A_514, %swap3A_515] {strides = array<i32>} : memref<128x128xf32, #tpu.memory_space<vmem>>, vector<16xf32>,
      tpu.vector_store %arg7[%swap3A_514, %swap3A_515], %mul3A_513 {strides = array<i32>} : memref<128x128xf32, #tpu.memory_space<vmem>>, vector<16xf32>,
      %mul3A_517 = arith.mulf %get3A_436, %min3A_488 : vector<16xf32>
      %swap3A_518 = arith.index_cast %scan3A_412 : i32 to index
      %swap3A_519 = arith.constant 112 : index
      %swap3A_520 = tpu.vector_load %arg7[%swap3A_518, %swap3A_519] {strides = array<i32>} : memref<128x128xf32, #tpu.memory_space<vmem>>, vector<16xf32>,
      tpu.vector_store %arg7[%swap3A_518, %swap3A_519], %mul3A_517 {strides = array<i32>} : memref<128x128xf32, #tpu.memory_space<vmem>>, vector<16xf32>,
    }
    %scan3A_48 = arith.constant 128 : i32
    %add3A_49 = arith.constant 6272 : i32
    %add3A_50 = arith.addi %mul3A_2, %add3A_49 : i32
    %dma_start3A_51 = arith.constant 0 : i32
    %dma_start3A_52 = tpu.memref_slice %arg4[%add3A_50, %dma_start3A_51] : memref<204800x128xf32, #tpu.memory_space<hbm>> -> memref<128x128xf32, #tpu.memory_space<hbm>>
    %dma_start3A_53 = arith.constant 0 : i32
    %dma_start3A_54 = tpu.memref_slice %arg4[%add3A_50, %dma_start3A_53] : memref<204800x128xf32, #tpu.memory_space<hbm>> -> memref<128x128xf32, #tpu.memory_space<hbm>>
    tpu.enqueue_dma source(%arg7 : memref<128x128xf32, #tpu.memory_space<vmem>>) target(%dma_start3A_54 : memref<128x128xf32, #tpu.memory_space<hbm>>) target_semaphore(%arg19 : memref<!tpu.dma_semaphore, #tpu.memory_space<semaphore_mem>>)
    %add3A_55 = arith.constant 5632 : i32
    %add3A_56 = arith.addi %mul3A_2, %add3A_55 : i32
    %dma_wait3A_57 = arith.constant 0 : i32
    %dma_wait3A_58 = tpu.memref_slice %arg4[%add3A_56, %dma_wait3A_57] : memref<204800x128xf32, #tpu.memory_space<hbm>> -> memref<128x128xf32, #tpu.memory_space<hbm>>
    %dma_wait3A_59 = arith.constant 0 : i32
    %dma_wait3A_60 = tpu.memref_slice %arg4[%add3A_56, %dma_wait3A_59] : memref<204800x128xf32, #tpu.memory_space<hbm>> -> memref<128x128xf32, #tpu.memory_space<hbm>>
    tpu.wait_dma2 semaphore(%arg20 : memref<!tpu.dma_semaphore, #tpu.memory_space<semaphore_mem>>) src(%arg8 : memref<128x128xf32, #tpu.memory_space<vmem>>) dst(%dma_wait3A_60 : memref<128x128xf32, #tpu.memory_space<hbm>>)
    %add3A_61 = arith.constant 5760 : i32
    %add3A_62 = arith.addi %mul3A_2, %add3A_61 : i32
    %dma_wait3A_63 = arith.constant 0 : i32
    %dma_wait3A_64 = tpu.memref_slice %arg4[%add3A_62, %dma_wait3A_63] : memref<204800x128xf32, #tpu.memory_space<hbm>> -> memref<128x128xf32, #tpu.memory_space<hbm>>
    %dma_wait3A_65 = arith.constant 0 : i32
    %dma_wait3A_66 = tpu.memref_slice %arg4[%add3A_62, %dma_wait3A_65] : memref<204800x128xf32, #tpu.memory_space<hbm>> -> memref<128x128xf32, #tpu.memory_space<hbm>>
    tpu.wait_dma2 semaphore(%arg21 : memref<!tpu.dma_semaphore, #tpu.memory_space<semaphore_mem>>) src(%arg9 : memref<128x128xf32, #tpu.memory_space<vmem>>) dst(%dma_wait3A_66 : memref<128x128xf32, #tpu.memory_space<hbm>>)
    %add3A_67 = arith.constant 5888 : i32
    %add3A_68 = arith.addi %mul3A_2, %add3A_67 : i32
    %dma_wait3A_69 = arith.constant 0 : i32
    %dma_wait3A_70 = tpu.memref_slice %arg4[%add3A_68, %dma_wait3A_69] : memref<204800x128xf32, #tpu.memory_space<hbm>> -> memref<128x128xf32, #tpu.memory_space<hbm>>
    %dma_wait3A_71 = arith.constant 0 : i32
    %dma_wait3A_72 = tpu.memref_slice %arg4[%add3A_68, %dma_wait3A_71] : memref<204800x128xf32, #tpu.memory_space<hbm>> -> memref<128x128xf32, #tpu.memory_space<hbm>>
    tpu.wait_dma2 semaphore(%arg22 : memref<!tpu.dma_semaphore, #tpu.memory_space<semaphore_mem>>) src(%arg10 : memref<128x128xf32, #tpu.memory_space<vmem>>) dst(%dma_wait3A_72 : memref<128x128xf32, #tpu.memory_space<hbm>>)
    %add3A_73 = arith.constant 6016 : i32
    %add3A_74 = arith.addi %mul3A_2, %add3A_73 : i32
    %dma_wait3A_75 = arith.constant 0 : i32
    %dma_wait3A_76 = tpu.memref_slice %arg4[%add3A_74, %dma_wait3A_75] : memref<204800x128xf32, #tpu.memory_space<hbm>> -> memref<128x128xf32, #tpu.memory_space<hbm>>
    %dma_wait3A_77 = arith.constant 0 : i32
    %dma_wait3A_78 = tpu.memref_slice %arg4[%add3A_74, %dma_wait3A_77] : memref<204800x128xf32, #tpu.memory_space<hbm>> -> memref<128x128xf32, #tpu.memory_space<hbm>>
    tpu.wait_dma2 semaphore(%arg23 : memref<!tpu.dma_semaphore, #tpu.memory_space<semaphore_mem>>) src(%arg11 : memref<128x128xf32, #tpu.memory_space<vmem>>) dst(%dma_wait3A_78 : memref<128x128xf32, #tpu.memory_space<hbm>>)
    %add3A_79 = arith.constant 6144 : i32
    %add3A_80 = arith.addi %mul3A_2, %add3A_79 : i32
    %dma_wait3A_81 = arith.constant 0 : i32
    %dma_wait3A_82 = tpu.memref_slice %arg4[%add3A_80, %dma_wait3A_81] : memref<204800x128xf32, #tpu.memory_space<hbm>> -> memref<128x128xf32, #tpu.memory_space<hbm>>
    %dma_wait3A_83 = arith.constant 0 : i32
    %dma_wait3A_84 = tpu.memref_slice %arg4[%add3A_80, %dma_wait3A_83] : memref<204800x128xf32, #tpu.memory_space<hbm>> -> memref<128x128xf32, #tpu.memory_space<hbm>>
    tpu.wait_dma2 semaphore(%arg18 : memref<!tpu.dma_semaphore, #tpu.memory_space<semaphore_mem>>) src(%arg6 : memref<128x128xf32, #tpu.memory_space<vmem>>) dst(%dma_wait3A_84 : memref<128x128xf32, #tpu.memory_space<hbm>>)
    %add3A_85 = arith.constant 6272 : i32
    %add3A_86 = arith.addi %mul3A_2, %add3A_85 : i32
    %dma_wait3A_87 = arith.constant 0 : i32
    %dma_wait3A_88 = tpu.memref_slice %arg4[%add3A_86, %dma_wait3A_87] : memref<204800x128xf32, #tpu.memory_space<hbm>> -> memref<128x128xf32, #tpu.memory_space<hbm>>
    %dma_wait3A_89 = arith.constant 0 : i32
    %dma_wait3A_90 = tpu.memref_slice %arg4[%add3A_86, %dma_wait3A_89] : memref<204800x128xf32, #tpu.memory_space<hbm>> -> memref<128x128xf32, #tpu.memory_space<hbm>>
    tpu.wait_dma2 semaphore(%arg19 : memref<!tpu.dma_semaphore, #tpu.memory_space<semaphore_mem>>) src(%arg7 : memref<128x128xf32, #tpu.memory_space<vmem>>) dst(%dma_wait3A_90 : memref<128x128xf32, #tpu.memory_space<hbm>>)
    return
  }
}

</mosaic_0001>

<sc_bundles>
// kernel: kernel.3.cloned.1.call-start
scs
__scs_entry_jumppad:
0x0: {  	(pc) =	sbr.rel $0x88, $3  }
0x1: {  	(tag) =	ssettag $0x0;
	lr =	simm.s32 $0x1  }
0x2: {  	[smem:$0x3F9F] =	sst lr;
	_ =	strace $0xD0000000  }
0x3: {  	_ = 	snop  }
0x4: {  	_ = 	snop  }
0x5: {  	_ = 	snop  }
0x6: {  	_ = 	snop  }
0x7: {  	_ = 	snop  }
__scs_overlays_trampoline_lowered:
0x8: {  	[smem:$0x3FAE] =	sst s0  }
0x9: {  	[smem:$0x3FAF] =	sst s1  }
0xa: {  	[smem:$0x3FB0] =	sst s2  }
0xb: {  	[smem:$0x3FB1] =	sst s3  }
0xc: {  	[smem:$0x3FB2] =	sst s4  }
0xd: {  	[smem:$0x3FB3] =	sst s5  }
0xe: {  	[smem:$0x3FB4] =	sst s6  }
0xf: {  	[smem:$0x3FB5] =	sst s7  }
0x10: {  	[smem:$0x3FB6] =	sst s8  }
0x11: {  	[smem:$0x3FB7] =	sst s9;
	s0 =	simm.s32 @!p0 $0x0  }
0x12: {  	s1 =	sld [smem:$0x3F9D];
	s0 =	simm.s32 @p0 $0x1  }
0x13: {  	[smem:$0x3FB8] =	sst s0;
	s0 =	simm.s32 @!p1 $0x0  }
0x14: {  	s2 =	sld [smem:$0x3F9C];
	s0 =	simm.s32 @p1 $0x1  }
0x15: {  	[smem:$0x3FB9] =	sst s0;
	s0 =	simm.s32 @!p2 $0x0  }
0x16: {  	s3 =	sld [smem:$0x3FDB];
	s0 =	simm.s32 @p2 $0x1  }
0x17: {  	s4 =	simm.s32 $0x1BF5;
	[smem:$0x3FBB] =	sst s0  }
0x18: {  	s0 =	sld [smem:$0x3F9E];
	_ =	swait.ge [sflag:s4], $0x0  }
0x19: {  	s7 =	sld [smem:$0x3F9F]  }
0x1a: {  	s8 =	sadd.s32 $0xFFFFE003, lr  }
0x1b: {  	s9 =	sadd.s32 $0xFFFFFEF7, lr;
	s5 =	simm.s32 $0xFFFFFFFF;
	p2 =	slt.u32 s8, $0xFFFFF086  }
0x1c: {  	p1 =	slt.u32 s9, $0xF7A;
	s5 =	simm.s32 @!p2 $0x0  }
0x1d: {  	s5 =	simm.s32 @p1 $0x1;
	p0 =	seq.s32 s7, s2  }
0x1e: {  	s7 =	smul.u32 @!p0 $0xF7A, s2;
	p2 =	seq.s32 @!p0 s5, $0x0  }
0x1f: {  	s9 =	smul.u32 $0xF7A, s1;
	s8 =	simm.s32 @!p0 $0x1BF5;
	p2 =	por !p2, p0  }
0x20: {  	[sflag:s8] =	ssyncset.s32 @!p0 $0xFFFFF086;
	s6 =	sadd.s32 @!p0 s3, s7;
	s7 =	simm.s32 @!p0 $0x108  }
0x21: {  	s3 =	sadd.s32 s3, s9;
	s6 =	sadd.s32 @!p0 $0x88, s6;
	s7 =	simm.s32 @p2 $0x1082  }
0x22: {  	[simem:s7], [sflag:s8] =	dma.local @!p0 [hbm:s6], $0xF7A  }
0x23: {  	s9 =	sor.u32 $0xD0000000, s2;
	s6 =	simm.s32 $0x108;
	_ =	swait.ge @!p0 [sflag:s8], $0x0  }
0x24: {  	s3 =	sadd.s32 $0x88, s3;
	s6 =	simm.s32 @!p1 $0x1082;
	[sflag:s4] =	ssyncset.s32 $0xFFFFF086  }
0x25: {  	[simem:s6], [sflag:s4] =	dma.local [hbm:s3], $0xF7A  }
0x26: {  	[smem:$0x3F9F] =	sst s1;
	(tag) =	ssettag s2;
	_ =	strace s9  }
0x27: {  	s1 =	sld [smem:$0x3FAF]  }
0x28: {  	s2 =	sld [smem:$0x3FB0]  }
0x29: {  	s4 =	sld [smem:$0x3FB2]  }
0x2a: {  	p0 =	seq.s32 s5, $0x0;
	s5 =	sld [smem:$0x3FB3]  }
0x2b: {  	s6 =	sld [smem:$0x3FB4]  }
0x2c: {  	s7 =	sld [smem:$0x3FB5]  }
0x2d: {  	s3 =	simm.s32 $0x108;
	s8 =	sld [smem:$0x3FB6]  }
0x2e: {  	s3 =	simm.s32 @!p0 $0x1082;
	s9 =	sld [smem:$0x3FB7]  }
0x2f: {  	lr =	sadd.s32 s0, s3;
	s0 =	sld [smem:$0x3FAE]  }
0x30: {  	s3 =	sld [smem:$0x3FB1]  }
0x31: {  	[smem:$0x3FBA] =	sst s10  }
0x32: {  	s10 =	sld [smem:$0x3FB8];
	_ =	sdelay $0x3  }
0x33: {  	p0 =	seq.s32 s10, $0x1;
	s10 =	sld [smem:$0x3FBA];
	_ =	sdelay $0x3  }
0x34: {  	[smem:$0x3FBA] =	sst s10  }
0x35: {  	s10 =	sld [smem:$0x3FB9];
	_ =	sdelay $0x3  }
0x36: {  	p1 =	seq.s32 s10, $0x1;
	s10 =	sld [smem:$0x3FBA];
	_ =	sdelay $0x3  }
0x37: {  	[smem:$0x3FBA] =	sst s10  }
0x38: {  	s10 =	sld [smem:$0x3FBB]  }
0x39: {  	_ = 	snop;
	(pc) =	sbr.ind lr, $3  }
0x3a: {  	_ = 	snop  }
0x3b: {  	_ = 	snop  }
0x3c: {  	p2 =	seq.s32 s10, $0x1;
	s10 =	sld [smem:$0x3FBA]  }
0x3d: {  	_ =	shalt  }
0x3e: {  	_ =	shalt  }
0x3f: {  	_ =	shalt  }
0x40: {  	_ =	shalt  }
0x41: {  	_ =	shalt  }
0x42: {  	_ =	shalt  }
0x43: {  	_ =	shalt  }
0x44: {  	_ =	shalt  }
0x45: {  	_ =	shalt  }
0x46: {  	_ =	shalt  }
0x47: {  	_ =	shalt  }
0x48: {  	_ =	shalt  }
0x49: {  	_ =	shalt  }
0x4a: {  	_ =	shalt  }
0x4b: {  	_ =	shalt  }
0x4c: {  	_ =	shalt  }
0x4d: {  	_ =	shalt  }
0x4e: {  	_ =	shalt  }
0x4f: {  	_ =	shalt  }
0x50: {  	_ =	shalt  }
0x51: {  	_ =	shalt  }
0x52: {  	_ =	shalt  }
0x53: {  	_ =	shalt  }
0x54: {  	_ =	shalt  }
0x55: {  	_ =	shalt  }
0x56: {  	_ =	shalt  }
0x57: {  	_ =	shalt  }
0x58: {  	_ =	shalt  }
0x59: {  	_ =	shalt  }
0x5a: {  	_ =	shalt  }
0x5b: {  	_ =	shalt  }
0x5c: {  	_ =	shalt  }
0x5d: {  	_ =	shalt  }
0x5e: {  	_ =	shalt  }
0x5f: {  	_ =	shalt  }
0x60: {  	_ =	shalt  }
0x61: {  	_ =	shalt  }
0x62: {  	_ =	shalt  }
0x63: {  	_ =	shalt  }
0x64: {  	_ =	shalt  }
0x65: {  	_ =	shalt  }
0x66: {  	_ =	shalt  }
0x67: {  	_ =	shalt  }
0x68: {  	_ =	shalt  }
0x69: {  	_ =	shalt  }
0x6a: {  	_ =	shalt  }
0x6b: {  	_ =	shalt  }
0x6c: {  	_ =	shalt  }
0x6d: {  	_ =	shalt  }
0x6e: {  	_ =	shalt  }
0x6f: {  	_ =	shalt  }
0x70: {  	_ =	shalt  }
0x71: {  	_ =	shalt  }
0x72: {  	_ =	shalt  }
0x73: {  	_ =	shalt  }
0x74: {  	_ =	shalt  }
0x75: {  	_ =	shalt  }
0x76: {  	_ =	shalt  }
0x77: {  	_ =	shalt  }
0x78: {  	_ =	shalt  }
0x79: {  	_ =	shalt  }
0x7a: {  	_ =	shalt  }
0x7b: {  	_ =	shalt  }
0x7c: {  	_ =	shalt  }
0x7d: {  	_ =	shalt  }
0x7e: {  	_ =	shalt  }
0x7f: {  	_ =	shalt  }
0x80: {  	_ =	shalt  }
0x81: {  	_ =	shalt  }
0x82: {  	_ =	shalt  }
0x83: {  	_ =	shalt  }
0x84: {  	_ =	shalt  }
0x85: {  	_ =	shalt  }
0x86: {  	_ =	shalt  }
0x87: {  	_ =	shalt  }
.Lfunc_end0:
.L_simem_size_0:
called_computation_lowered:
.L_overlay_start_0:
0x88: {  	s2 =	sld [smem:$0x3FD9]  }
0x89: {  	s3 =	sld [smem:$0x3FFE];
	_ =	sdelay $0x1  }
0x8a: {  	s1 =	srdreg.scid  }
0x8b: {  	s0 =	sand.u32 $0x1, s1  }
0x8c: {  	s17 =	sshll.u32 s0, $0xA;
	s2 =	sadd.s32 s3, s2  }
0x8d: {  	s2 =	sadd.s32 s2, s17  }
0x8e: {  	[smem:$0x3FC6] =	sst s2  }
0x8f: {  	_ = 	snop  }
0x90: {  	s2 =	sld [smem:$0x3FC8]  }
0x91: {  	s18 =	sld [smem:$0x3FD0];
	(tm) =	ssettm $0x1  }
0x92: {  	s4 =	sld [smem:$0x3FFB];
	_ =	sdelay $0x3  }
0x93: {  	_ =	strace s4  }
0x94: {  	s4 =	sld [smem:$0x3FFC];
	_ =	sdelay $0x3  }
0x95: {  	_ =	strace s4  }
0x96: {  	s4 =	sld [smem:$0x3FFD];
	_ =	sdelay $0x3  }
0x97: {  	_ =	strace s4  }
0x98: {  	_ =	strace $0x8FFFFFFF  }
0x99: {  	s19 =	sld [smem:$0x3FDB];
	_ =	sdelay $0x1  }
0x9a: {  	s5 =	simm.s32 $_scs_section_size  }
0x9b: {  	s6 =	simm.s32 $_size__tile_overlayer_lowered;
	s7 =	simm.s32 $_tile_overlayer_lowered  }
0x9c: {  	s22 =	simm.s32 $0x1BFF;
	s21 =	sshll.u32 s7, $0x1;
	s4 =	sadd.s32 s5, s19  }
0x9d: {  	s8 =	simm.s32 $0x0;
	s20 =	sshll.u32 s6, $0x1;
	s6 =	sadd.s32 s21, s4  }
0x9e: {  	[timem:s8], [sflag:s22] =	dma.local [hbm:s6], s20  }
0x9f: {  	_ =	swait.ge [sflag:s22], s20  }
0xa0: {  	s5 =	ssub.s32 $0x0, s20;
	[sflag:s22] =	ssyncset.done $0x0  }
0xa1: {  	[sflag:s22] =	ssyncadd.s32 s5;
	_ =	sdelay $0x1  }
0xa2: {  	s23 =	simm.s32 $0x1B8B  }
0xa3: {  	_ =	swait.ge [sflag:s23], $0x1  }
0xa4: {  	[sflag:s23] =	ssyncset.done $0x0  }
0xa5: {  	s25 =	simm.s32 $0x1B8E;
	s24 =	sld [smem:$0x3FFE];
	[sflag:s23] =	ssyncadd.s32 $0xFFFFFFFF  }
0xa6: {  	s26 =	simm.s32 $execute0_lowered;
	[smem:$0x3FD2] =	sst s25  }
0xa7: {  	s6 =	sshll.u32 s26, $0x1;
	_ =	strace $0x80000046;
	[dreg:$0x1] =	wrdreg $0xFFFFFFFF  }
0xa8: {  	s28 =	simm.s32 $_size_execute0_lowered;
	s4 =	sadd.s32 s4, s6;
	[dreg:$0x0] =	wrdreg $0x0  }
0xa9: {  	s6 =	sshll.u32 s28, $0x1;
	[dreg:$0x2] =	wrdreg s4  }
0xaa: {  	[dreg:$0x3] =	wrdreg s6  }
0xab: {  	[dreg:$0x4] =	wrdreg $0xC0  }
0xac: {  	_ =	task [dreg:s8], $0x5FFFF  }
0xad: {  	[dreg:$0x1] =	wrdreg $0xFFFFFFFF  }
0xae: {  	[dreg:$0x0] =	wrdreg $0x60  }
0xaf: {  	[dreg:$0x2] =	wrdreg s24  }
0xb0: {  	[dreg:$0x3] =	wrdreg s2  }
0xb1: {  	[dreg:$0x4] =	wrdreg s18  }
0xb2: {  	[dreg:$0x5] =	wrdreg $0x9  }
0xb3: {  	_ =	task.clear_ibuf [dreg:s8], $0x6FFFF;
	_ =	strace $0x90000046  }
0xb4: {  	s29 =	simm.s32 $0x9;
	_ =	strace $0x80000048  }
0xb5: {  	_ =	swait.ge [sflag:s29], $0x1  }
0xb6: {  	[sflag:s29] =	ssyncadd.s32 $0xFFFFFFFF  }
0xb7: {  	_ =	strace $0x90000048  }
0xb8: {  	_ =	sfence  }
0xb9: {  	s30 =	sld [smem:$0x0];
	_ =	sdelay $0x2  }
0xba: {  	s31 =	sshll.u32 s1, $0xD;
	s1 =	sshrl.u32 s1, $0x2  }
0xbb: {  	s3 =	sand.u32 $0x4000, s31;
	s1 =	sadd.s32 s1, s30  }
0xbc: {  	s0 =	sor.u32 s3, s0;
	s1 =	sshll.u32 s1, $0x11  }
0xbd: {  	s0 =	sor.u32 s1, s0  }
0xbe: {  	s0 =	sadd.s32 $0x8F2B, s0  }
0xbf: {  	[sflag:s0] =	ssyncadd.remote.s32 $0x1  }
0xc0: {  	_ =	sfence.sel $0xFFFF  }
0xc1: {  	[dreg:$0x0] =	wrdreg $0xFFFFFFFF;
	(pc) =	sbr.abs _section_cstart, $3  }
0xc2: {  	[dreg:$0x1] =	wrdreg $0xFFFFFFFF  }
0xc3: {  	_ =	task.clear_ibuf [dreg:s8], $0x2FFFF;
	_ =	strace $0x9FFFFFFF  }
0xc4: {  	(tm) =	ssettm $0x7FFFFFFF  }
0xc5: {  	_ =	shalt  }
tec
execute0_lowered:
.L_overlay_start_1:
0x0: {  	(tag) =	ssettag $0x1  }
0x1: {  	s0 =	rddreg [dreg:$0x0];
	s1 =	srdreg.scid  }
0x2: {  	s3 =	stileid.u32;
	s2 =	rddreg [dreg:$0x1];
	s14 =	simm.s32 $0x80  }
0x3: {  	s15 =	simm.s32 $0x1900;
	s16 =	simm.s32 $0x5900;
	s18 =	simm.s32 $0x9900  }
0x4: {  	s19 =	simm.s32 $0x1;
	s20 =	simm.s32 $0xD900;
	s21 =	simm.s32 $0x2  }
0x5: {  	s22 =	simm.s32 $0x11900;
	s28 =	simm.s32 $0x5;
	s29 =	simm.s32 $0x8  }
0x6: {  	s30 =	simm.s32 $0x6;
	s1 =	sand.u32 $0x1, s1;
	s4 =	sshll.u32 s3, $0x1  }
0x7: {  	s31 =	simm.s32 $0x9;
	s3 =	rddreg [dreg:$0x2];
	s6 =	sor.u32 s1, s4  }
0x8: {  	s4 =	simm.s32 $0x0;
	s1 =	ssub.s32 $0x2, s1;
	s5 =	smul.u32 $0x1900, s6  }
0x9: {  	[smem:$0x7FF] =	sst s4;
	s6 =	smul.u32 $0xC8000, s6;
	s23 =	sshrl.u32 s1, $0x1  }
0xa: {  	_ =	strace $0x80000047;
	s1 =	ssub.s32 s1, s23;
	s23 =	simm.s32 $0x3  }
0xb: {  	s7 =	sshrl.u32 s5, $0x3;
	s8 =	sshrl.u32 s6, $0x3;
	s9 =	sadd.s32 $0x8000, s6  }
0xc: {  	s26 =	smax.u32 s1, $0x1;
	s1 =	simm.s32 $0x0;
	s0 =	sadd.s32 s7, s0  }
0xd: {  	s24 =	sadd.s32 s3, s8;
	[dreg:$0x7] =	wrdreg s26;
	s0 =	sadd.s32 $0x400, s0  }
0xe: {  	s8 =	sor.u32 $0x4000, s6;
	s25 =	sadd.s32 $0x18000, s24;
	[dreg:$0x4] =	wrdreg s0  }
0xf: {  	s26 =	simm.s32 $0x7;
	[dreg:$0x5] =	wrdreg s25;
	s0 =	sadd.s32 $0x18800, s24  }
0x10: {  	s24 =	simm.s32 $0x15900;
	s25 =	simm.s32 $0x4;
	[dreg:$0x6] =	wrdreg s0  }
.LBB2_1:
0x11: {  	[dreg:$0x8] =	wrdreg s1  }
0x12: {  	s0 =	rddreg [dreg:$0x4];
	s13 =	simm.s32 $0xD  }
0x13: {  	[tilespmem:s4], [sflag:$0xD] =	stream.linear.gather [hbm4b:s0+s4], $0x1900, $0x38;
	[tilespmem:$0x19900] =	vst v63  }
0x14: {  	_ =	swait.ge [sflag:s13], $0x1900  }
0x15: {  	[sflag:s13] =	ssyncset.done $0x0  }
0x16: {  	[sflag:s13] =	ssyncadd.s32 $0xFFFFE700  }
0x17: {  	[tilespmem:s15], [sflag:$0x1] =	stream.indirect.gather [hbm4b:s2+s14], $0x80, s4, s14, $0xb8;
	[tilespmem:$0x19900] =	vst v63  }
0x18: {  	_ = 	snop  }
0x19: {  	[tilespmem:s16], [sflag:$0x2] =	stream.indirect.gather [hbm4b:s2+s14], $0x80, s14, s14, $0xb8;
	[tilespmem:$0x19900] =	vst v63  }
0x1a: {  	s17 =	simm.s32 $0x100;
	s10 =	simm.s32 $0x0  }
0x1b: {  	[tilespmem:s18], [sflag:$0x3] =	stream.indirect.gather [hbm4b:s2+s14], $0x80, s17, s14, $0xb8;
	[tilespmem:$0x19900] =	vst v63  }
.LBB2_2:
0x1c: {  	_ =	swait.ge [sflag:s19], $0x4000  }
0x1d: {  	[sflag:s19] =	ssyncset.done $0x0  }
0x1e: {  	s1 =	simm.s32 $0x1A00;
	[sflag:s19] =	ssyncadd.s32 $0xFFFFC000  }
0x1f: {  	v30 =	vld [tilespmem:s1+$0x90]  }
0x20: {  	v28 =	vld [tilespmem:s1+$0x80]  }
0x21: {  	v26 =	vld [tilespmem:s1+$0x10]  }
0x22: {  	v27 =	vld [tilespmem:s1+$0xA0]  }
0x23: {  	v31 =	vld [tilespmem:s1+$0x0]  }
0x24: {  	v13 =	vld [tilespmem:s1+$0xB0]  }
0x25: {  	v29 =	vld [tilespmem:s1+$0x20];
	v0 =	vmul.f32 v30, v30;
	v1 =	vmul.f32 v28, v28  }
0x26: {  	v15 =	vld [tilespmem:s1+$0xC0]  }
0x27: {  	v8 =	vld [tilespmem:s1+$0x30];
	v0 =	vadd.f32 v0, v1;
	v1 =	vmul.f32 v27, v27  }
0x28: {  	v12 =	vld [tilespmem:s1+$0xD0];
	v2 =	vmul.f32 v26, v26;
	v3 =	vmul.f32 v31, v31  }
0x29: {  	v5 =	vld [tilespmem:s1+$0x40];
	v0 =	vadd.f32 v1, v0;
	v1 =	vmul.f32 v13, v13  }
0x2a: {  	v4 =	vmul.f32 v29, v29;
	v2 =	vadd.f32 v2, v3;
	v3 =	vld [tilespmem:s1+$0xE0]  }
0x2b: {  	v16 =	vld [tilespmem:s1+$0x50];
	v0 =	vadd.f32 v1, v0;
	v1 =	vmul.f32 v15, v15  }
0x2c: {  	v20 =	vld [tilespmem:s1+$0xF0];
	v6 =	vmul.f32 v8, v8;
	v2 =	vadd.f32 v4, v2  }
0x2d: {  	v19 =	vld [tilespmem:s1+$0x60];
	v0 =	vadd.f32 v1, v0;
	v1 =	vmul.f32 v12, v12  }
0x2e: {  	v4 =	vmul.f32 v5, v5;
	v2 =	vadd.f32 v6, v2  }
0x2f: {  	v22 =	vld [tilespmem:s1+$0x70];
	v0 =	vadd.f32 v1, v0;
	v1 =	vmul.f32 v3, v3  }
0x30: {  	v6 =	vmul.f32 v16, v16;
	v2 =	vadd.f32 v4, v2  }
0x31: {  	v0 =	vadd.f32 v1, v0;
	v1 =	vmul.f32 v20, v20  }
0x32: {  	v4 =	vmul.f32 v19, v19;
	v2 =	vadd.f32 v6, v2  }
0x33: {  	v0 =	vadd.f32 v1, v0  }
0x34: {  	v6 =	vmul.f32 v22, v22;
	v1 =	vadd.f32 v4, v2  }
0x35: {  	(xrf2) =	vadd.scan.msk.f32 $0xffff, v0  }
0x36: {  	v2 =	vadd.f32 v6, v1;
	v1 =	vld [tilespmem:s1+$0xFFFFFF10];
	_ =	sdelay $0x1  }
0x37: {  	v0 =	vld [tilespmem:s1+$0xFFFFFF00]  }
0x38: {  	(xrf2) =	vadd.scan.msk.f32 $0xffff, v2;
	_ =	sdelay $0x1  }
0x39: {  	v2 =	vld [tilespmem:s1+$0xFFFFFF20];
	v7 =	vmul.f32 v1, v1;
	_ =	sdelay $0x1  }
0x3a: {  	v4 =	vld [tilespmem:s1+$0xFFFFFF30];
	v6 =	vmul.f32 v0, v0;
	_ =	sdelay $0x1  }
0x3b: {  	v9 =	vld [tilespmem:s1+$0xFFFFFF40];
	v6 =	vadd.f32 v7, v6;
	v7, _, _ =	vpop (xrf2)  }
0x3c: {  	v10 =	vmul.f32 v2, v2;
	v7 =	vmax.f32 v7, $1.000000050e-18;
	_ =	sdelay $0x1  }
0x3d: {  	v14 =	vld [tilespmem:s1+$0xFFFFFF50];
	v17 =	vmul.f32 v4, v4;
	v6 =	vadd.f32 v10, v6  }
0x3e: {  	v10 =	vbroadcast v7, $0xF;
	v7, _, _ =	vpop (xrf2)  }
0x3f: {  	v11 =	vld [tilespmem:s1+$0xFFFFFF60];
	v18 =	vmul.f32 v9, v9;
	v17 =	vadd.f32 v17, v6;
	v7 =	vmax.f32 v7, $1.000000050e-18  }
0x40: {  	v21 =	vshra.s32 v10, $0x1;
	v25 =	vmul.f32 $5.000000000e-01, v10;
	v10 =	vld [tilespmem:s1+$0xFFFFFF80];
	v23 =	vbroadcast v7, $0xF  }
0x41: {  	v18 =	vadd.f32 v18, v17;
	v7 =	vld [tilespmem:s1+$0xFFFFFF90]  }
0x42: {  	v6 =	vld [tilespmem:s1+$0xFFFFFF70];
	v24 =	vsub.s32 $0x5F3759DF, v21;
	v21 =	vmul.f32 v14, v14;
	v17 =	vshra.s32 v23, $0x1  }
0x43: {  	v32 =	vmul.f32 $5.000000000e-01, v23;
	v23 =	vmul.f32 v24, v25;
	v33 =	vsub.s32 $0x5F3759DF, v17;
	v17 =	vld [tilespmem:s1+$0xFFFFFFA0];
	_ =	sdelay $0x1  }
0x44: {  	v34 =	vmul.f32 v11, v11;
	v21 =	vadd.f32 v21, v18;
	v18 =	vld [tilespmem:s1+$0xFFFFFFB0];
	v23 =	vmul.f32 v24, v23  }
0x45: {  	v38 =	vmul.f32 v10, v10;
	v37 =	vmul.f32 v7, v7  }
0x46: {  	v34 =	vadd.f32 v34, v21;
	v21 =	vld [tilespmem:s1+$0xFFFFFFC0];
	v35 =	vmul.f32 v33, v32;
	v23 =	vsub.f32 $1.500000000e+00, v23  }
0x47: {  	v36 =	vmul.f32 v6, v6;
	v48 =	vadd.f32 v37, v38;
	v49 =	vmul.f32 v17, v17  }
0x48: {  	v35 =	vmul.f32 v33, v35;
	v50 =	vmul.f32 v24, v23;
	v23 =	vld [tilespmem:s1+$0xFFFFFFD0]  }
0x49: {  	v34 =	vadd.f32 v36, v34;
	v51 =	vmul.f32 v18, v18;
	v52 =	vadd.f32 v49, v48  }
0x4a: {  	v35 =	vsub.f32 $1.500000000e+00, v35;
	v24 =	vld [tilespmem:s1+$0xFFFFFFE0];
	v25 =	vmul.f32 v50, v25  }
0x4b: {  	(xrf2) =	vadd.scan.msk.f32 $0xffff, v34;
	v53 =	vmul.f32 v21, v21;
	v34 =	vadd.f32 v51, v52  }
0x4c: {  	v33 =	vmul.f32 v33, v35;
	v54 =	vmul.f32 v25, v50;
	v25 =	vld [tilespmem:s1+$0xFFFFFFF0]  }
0x4d: {  	v55 =	vmul.f32 v23, v23;
	v34 =	vadd.f32 v53, v34  }
0x4e: {  	v32 =	vmul.f32 v33, v32  }
0x4f: {  	v56 =	vmul.f32 v24, v24;
	v34 =	vadd.f32 v55, v34  }
0x50: {  	v32 =	vmul.f32 v32, v33  }
0x51: {  	v35 =	vsub.f32 $1.500000000e+00, v54;
	v58 =	vmul.f32 v25, v25;
	v57 =	vadd.f32 v56, v34  }
0x52: {  	v32 =	vsub.f32 $1.500000000e+00, v32  }
0x53: {  	v35 =	vmul.f32 v35, v50;
	v34 =	vadd.f32 v58, v57  }
0x54: {  	v32 =	vmul.f32 v32, v33  }
0x55: {  	v60, _, _ =	vpop (xrf2);
	v35 =	vmul.f32 $9.499999880e-01, v35;
	(xrf2) =	vadd.scan.msk.f32 $0xffff, v34  }
0x56: {  	v61 =	vmax.f32 v60, $1.000000050e-18;
	v59 =	vmul.f32 $9.499999880e-01, v32  }
0x57: {  	v62 =	vbroadcast v61, $0xF;
	v32 =	vmin.f32 v35, $1.000000000e+00  }
0x58: {  	v30 =	vmul.f32 v32, v30;
	v33 =	vmin.f32 v59, $1.000000000e+00  }
0x59: {  	v34 =	vmul.f32 $5.000000000e-01, v62;
	v36 =	vmul.f32 v33, v31  }
0x5a: {  	v63 =	vshra.s32 v62, $0x1;
	v31 =	vmul.f32 v32, v28;
	v28 =	vmul.f32 v33, v29;
	[tilespmem:s1+$0x90] =	vst v30  }
0x5b: {  	s0 =	simm.s32 $0x0;
	s11 =	simm.s32 $0x1A00;
	v35 =	vsub.s32 $0x5F3759DF, v63;
	v29 =	vmul.f32 v33, v26;
	v30 =	vmul.f32 v32, v27;
	[tilespmem:s1+$0x0] =	vst v36  }
.LBB2_3:
0x5c: {  	s0 =	sadd.s32 $0x4, s0;
	v27 =	vmul.f32 v35, v34;
	[tilespmem:s1+$0x20] =	vst v28;
	v37 =	vmul.f32 v32, v13;
	s11 =	sadd.s32 $0x200, s11  }
0x5d: {  	v8 =	vmul.f32 v33, v8;
	v15 =	vmul.f32 v32, v15;
	v26 =	vld [tilespmem:s11+$0x20];
	p0 =	slt.u32 s0, $0x7C;
	[tilespmem:s1+$0x10] =	vst v29  }
0x5e: {  	v5 =	vmul.f32 v33, v5;
	v28 =	vld [tilespmem:s11+$0x90];
	v36 =	vmul.f32 v35, v27;
	[tilespmem:s1+$0x80] =	vst v31  }
0x5f: {  	v16 =	vmul.f32 v33, v16;
	v19 =	vmul.f32 v33, v19;
	v29 =	vld [tilespmem:s11+$0x80];
	[tilespmem:s1+$0xB0] =	vst v37;
	v13, _, _ =	vpop (xrf2)  }
0x60: {  	v22 =	vmul.f32 v33, v22;
	v27 =	vld [tilespmem:s11+$0x10];
	v36 =	vsub.f32 $1.500000000e+00, v36;
	v13 =	vmax.f32 v13, $1.000000050e-18;
	[tilespmem:s1+$0x30] =	vst v8  }
0x61: {  	v3 =	vmul.f32 v32, v3;
	v8 =	vmul.f32 v32, v12;
	v31 =	vld [tilespmem:s11+$0x0];
	[tilespmem:s1+$0xA0] =	vst v30  }
0x62: {  	v12 =	vbroadcast v13, $0xF;
	v30 =	vld [tilespmem:s11+$0xA0];
	v33 =	vmul.f32 v35, v36;
	[tilespmem:s1+$0xC0] =	vst v15  }
0x63: {  	v15 =	vmul.f32 v32, v20;
	v13 =	vld [tilespmem:s11+$0xB0];
	[tilespmem:s1+$0xD0] =	vst v8  }
0x64: {  	v20 =	vmul.f32 v28, v28;
	v32 =	vshra.s32 v12, $0x1;
	v35 =	vmul.f32 $5.000000000e-01, v12;
	v8 =	vld [tilespmem:s11+$0x30];
	[tilespmem:s1+$0x40] =	vst v5  }
0x65: {  	v12 =	vmul.f32 v29, v29;
	v34 =	vmul.f32 v33, v34;
	v32 =	vsub.s32 $0x5F3759DF, v32;
	v5 =	vld [tilespmem:s11+$0x40];
	[tilespmem:s1+$0xF0] =	vst v15  }
0x66: {  	v36 =	vmul.f32 v27, v27;
	v37 =	vmul.f32 v32, v35;
	v15 =	vld [tilespmem:s11+$0xC0];
	[tilespmem:s1+$0xE0] =	vst v3  }
0x67: {  	v20 =	vadd.f32 v20, v12;
	v34 =	vmul.f32 v34, v33;
	v3 =	vld [tilespmem:s11+$0xE0];
	v38 =	vmul.f32 v30, v30;
	[tilespmem:s1+$0x50] =	vst v16  }
0x68: {  	v40 =	vmul.f32 v26, v26;
	v39 =	vmul.f32 v31, v31;
	v12 =	vld [tilespmem:s11+$0xD0];
	[tilespmem:s1+$0x70] =	vst v22  }
0x69: {  	v22 =	vmul.f32 v13, v13;
	v34 =	vsub.f32 $1.500000000e+00, v34;
	v16 =	vld [tilespmem:s11+$0x50];
	v20 =	vadd.f32 v38, v20;
	[tilespmem:s1+$0x60] =	vst v19  }
0x6a: {  	v37 =	vmul.f32 v32, v37;
	v36 =	vadd.f32 v36, v39;
	v38 =	vmul.f32 v8, v8  }
0x6b: {  	v33 =	vmul.f32 v34, v33;
	v19 =	vld [tilespmem:s11+$0x60];
	v39 =	vadd.f32 v22, v20;
	v41 =	vmul.f32 v15, v15  }
0x6c: {  	v37 =	vsub.f32 $1.500000000e+00, v37;
	v34 =	vadd.f32 v40, v36;
	v36 =	vmul.f32 v5, v5;
	v20 =	vld [tilespmem:s11+$0xF0]  }
0x6d: {  	v33 =	vmul.f32 $9.499999880e-01, v33;
	v22 =	vld [tilespmem:s11+$0x70];
	v39 =	vadd.f32 v41, v39;
	v40 =	vmul.f32 v12, v12  }
0x6e: {  	v32 =	vmul.f32 v32, v37;
	v34 =	vadd.f32 v38, v34;
	v38 =	vmul.f32 v16, v16  }
0x6f: {  	v33 =	vmin.f32 v33, $1.000000000e+00;
	v37 =	vadd.f32 v40, v39;
	v39 =	vmul.f32 v3, v3  }
0x70: {  	v34 =	vadd.f32 v36, v34;
	v11 =	vmul.f32 v33, v11;
	v36 =	vmul.f32 v19, v19  }
0x71: {  	v35 =	vmul.f32 v32, v35;
	v37 =	vadd.f32 v39, v37;
	v39 =	vmul.f32 v20, v20  }
0x72: {  	v4 =	vmul.f32 v33, v4;
	v34 =	vadd.f32 v38, v34;
	v38 =	vmul.f32 v22, v22;
	[tilespmem:s1+$0xFFFFFF60] =	vst v11  }
0x73: {  	v0 =	vmul.f32 v33, v0;
	v35 =	vmul.f32 v35, v32;
	v11 =	vld [tilespmem:s11+$0xFFFFFF60];
	v37 =	vadd.f32 v39, v37  }
0x74: {  	v1 =	vmul.f32 v33, v1;
	v2 =	vmul.f32 v33, v2;
	v34 =	vadd.f32 v36, v34;
	[tilespmem:s1+$0xFFFFFF30] =	vst v4  }
0x75: {  	v9 =	vmul.f32 v33, v9;
	v35 =	vsub.f32 $1.500000000e+00, v35;
	v4 =	vld [tilespmem:s11+$0xFFFFFF30];
	(xrf2) =	vadd.scan.msk.f32 $0xffff, v37;
	[tilespmem:s1+$0xFFFFFF00] =	vst v0  }
0x76: {  	v14 =	vmul.f32 v33, v14;
	v6 =	vmul.f32 v33, v6;
	v34 =	vadd.f32 v38, v34;
	v0 =	vld [tilespmem:s11+$0xFFFFFF00];
	[tilespmem:s1+$0xFFFFFF10] =	vst v1  }
0x77: {  	v32 =	vmul.f32 v35, v32;
	v1 =	vld [tilespmem:s11+$0xFFFFFF10];
	[tilespmem:s1+$0xFFFFFF20] =	vst v2  }
0x78: {  	v2 =	vld [tilespmem:s11+$0xFFFFFF20];
	(xrf2) =	vadd.scan.msk.f32 $0xffff, v34;
	[tilespmem:s1+$0xFFFFFF70] =	vst v6  }
0x79: {  	[tilespmem:s1+$0xFFFFFF50] =	vst v14;
	v14 =	vmul.f32 $9.499999880e-01, v32  }
0x7a: {  	v32 =	vmul.f32 v11, v11;
	v6 =	vld [tilespmem:s11+$0xFFFFFF70];
	[tilespmem:s1+$0xFFFFFF40] =	vst v9  }
0x7b: {  	v34 =	vmul.f32 v4, v4;
	v33 =	vmul.f32 v0, v0;
	v35 =	vmin.f32 v14, $1.000000000e+00  }
0x7c: {  	v14 =	vmul.f32 v1, v1;
	v7 =	vmul.f32 v35, v7  }
0x7d: {  	v10 =	vmul.f32 v35, v10;
	v36 =	vmul.f32 v2, v2  }
0x7e: {  	v17 =	vmul.f32 v35, v17;
	v18 =	vmul.f32 v35, v18;
	v9 =	vld [tilespmem:s11+$0xFFFFFF40];
	v33 =	vadd.f32 v14, v33;
	[tilespmem:s1+$0xFFFFFF90] =	vst v7  }
0x7f: {  	v21 =	vmul.f32 v35, v21;
	v23 =	vmul.f32 v35, v23;
	v14 =	vld [tilespmem:s11+$0xFFFFFF50];
	v37, _, _ =	vpop (xrf2);
	[tilespmem:s1+$0xFFFFFF80] =	vst v10  }
0x80: {  	v38 =	vadd.f32 v36, v33;
	v36 =	vmul.f32 v6, v6;
	v7 =	vld [tilespmem:s11+$0xFFFFFF90];
	v37 =	vmax.f32 v37, $1.000000050e-18;
	[tilespmem:s1+$0xFFFFFFB0] =	vst v18  }
0x81: {  	v10 =	vld [tilespmem:s11+$0xFFFFFF80];
	v37 =	vbroadcast v37, $0xF;
	[tilespmem:s1+$0xFFFFFFA0] =	vst v17;
	v17 =	vmul.f32 v35, v24  }
0x82: {  	v25 =	vmul.f32 v35, v25;
	v24 =	vadd.f32 v34, v38;
	v33, _, _ =	vpop (xrf2);
	[tilespmem:s1+$0xFFFFFFC0] =	vst v21  }
0x83: {  	v21 =	vmul.f32 v9, v9;
	v18 =	vld [tilespmem:s11+$0xFFFFFFB0];
	v33 =	vmax.f32 v33, $1.000000050e-18;
	v34 =	vshra.s32 v37, $0x1;
	[tilespmem:s1+$0xFFFFFFE0] =	vst v17  }
0x84: {  	v17 =	vld [tilespmem:s11+$0xFFFFFFA0];
	v33 =	vbroadcast v33, $0xF;
	v34 =	vsub.s32 $0x5F3759DF, v34;
	[tilespmem:s1+$0xFFFFFFD0] =	vst v23  }
0x85: {  	v37 =	vmul.f32 $5.000000000e-01, v37;
	v24 =	vadd.f32 v21, v24;
	v21 =	vld [tilespmem:s11+$0xFFFFFFC0];
	v35 =	vmul.f32 v7, v7;
	[tilespmem:s1+$0xFFFFFFF0] =	vst v25;
	s1 =	smov.u32 s11  }
0x86: {  	v25 =	vmul.f32 v14, v14;
	v38 =	vshra.s32 v33, $0x1;
	v33 =	vmul.f32 $5.000000000e-01, v33  }
0x87: {  	v40 =	vmul.f32 v34, v37;
	v39 =	vmul.f32 v10, v10;
	v23 =	vld [tilespmem:s11+$0xFFFFFFD0];
	v38 =	vsub.s32 $0x5F3759DF, v38  }
0x88: {  	v25 =	vadd.f32 v25, v24;
	v41 =	vmul.f32 v18, v18;
	v42 =	vmul.f32 v38, v33  }
0x89: {  	v40 =	vmul.f32 v34, v40;
	v35 =	vadd.f32 v35, v39;
	v24 =	vld [tilespmem:s11+$0xFFFFFFE0];
	v39 =	vmul.f32 v17, v17  }
0x8a: {  	v25 =	vadd.f32 v32, v25;
	v32 =	vmul.f32 v21, v21;
	v42 =	vmul.f32 v38, v42  }
0x8b: {  	v35 =	vadd.f32 v39, v35;
	v39 =	vsub.f32 $1.500000000e+00, v40  }
0x8c: {  	v36 =	vadd.f32 v36, v25;
	v40 =	vmul.f32 v23, v23;
	v42 =	vsub.f32 $1.500000000e+00, v42  }
0x8d: {  	v35 =	vadd.f32 v41, v35;
	v34 =	vmul.f32 v34, v39  }
0x8e: {  	v25 =	vld [tilespmem:s11+$0xFFFFFFF0];
	v39 =	vmul.f32 v24, v24;
	v38 =	vmul.f32 v38, v42;
	(xrf2) =	vadd.scan.msk.f32 $0xffff, v36  }
0x8f: {  	v32 =	vadd.f32 v32, v35;
	v35 =	vmul.f32 v34, v37  }
0x90: {  	v33 =	vmul.f32 v38, v33  }
0x91: {  	v32 =	vadd.f32 v40, v32;
	v35 =	vmul.f32 v35, v34  }
0x92: {  	v33 =	vmul.f32 v33, v38  }
0x93: {  	v32 =	vadd.f32 v39, v32;
	v36 =	vmul.f32 v25, v25;
	v35 =	vsub.f32 $1.500000000e+00, v35  }
0x94: {  	v33 =	vsub.f32 $1.500000000e+00, v33  }
0x95: {  	v36 =	vadd.f32 v36, v32;
	v34 =	vmul.f32 v35, v34  }
0x96: {  	v33 =	vmul.f32 v33, v38  }
0x97: {  	v34 =	vmul.f32 $9.499999880e-01, v34;
	(xrf2) =	vadd.scan.msk.f32 $0xffff, v36  }
0x98: {  	v33 =	vmul.f32 $9.499999880e-01, v33;
	v32, _, _ =	vpop (xrf2)  }
.Ltmp0:
0x99: {  	v35 =	vmax.f32 v32, $1.000000050e-18;
	v32 =	vmin.f32 v34, $1.000000000e+00;
	(pc) =	sbr.rel @p0 .LBB2_3-.Ltmp0, $4  }
0x9a: {  	v34 =	vbroadcast v35, $0xF;
	v33 =	vmin.f32 v33, $1.000000000e+00;
	v35 =	vmul.f32 v32, v28  }
0x9b: {  	v36 =	vmul.f32 v33, v31;
	v31 =	vmul.f32 v32, v29  }
0x9c: {  	v28 =	vmul.f32 v33, v26;
	v29 =	vshra.s32 v34, $0x1;
	v34 =	vmul.f32 $5.000000000e-01, v34;
	[tilespmem:s11+$0x90] =	vst v35  }
0x9d: {  	v30 =	vmul.f32 v32, v30;
	v35 =	vsub.s32 $0x5F3759DF, v29;
	[tilespmem:s11+$0x0] =	vst v36;
	v29 =	vmul.f32 v33, v27  }
0x9e: {  	_ = 	snop  }
0x9f: {  	v26 =	vmul.f32 v35, v34;
	_ =	sdelay $0x1  }
0xa0: {  	v26 =	vmul.f32 v35, v26;
	v27, _, _ =	vpop (xrf2)  }
0xa1: {  	v27 =	vmax.f32 v27, $1.000000050e-18  }
0xa2: {  	v26 =	vsub.f32 $1.500000000e+00, v26;
	v27 =	vbroadcast v27, $0xF;
	_ =	sdelay $0x1  }
0xa3: {  	v26 =	vmul.f32 v35, v26;
	v42 =	vshra.s32 v27, $0x1;
	v27 =	vmul.f32 $5.000000000e-01, v27  }
0xa4: {  	[tilespmem:s1+$0x20] =	vst v28;
	v13 =	vmul.f32 v32, v13;
	v28 =	vsub.s32 $0x5F3759DF, v42  }
0xa5: {  	[tilespmem:s1+$0x10] =	vst v29;
	v29 =	vmul.f32 v26, v34;
	v43 =	vmul.f32 v28, v27  }
0xa6: {  	v8 =	vmul.f32 v33, v8;
	[tilespmem:s1+$0x80] =	vst v31  }
0xa7: {  	[tilespmem:s1+$0xB0] =	vst v13;
	v13 =	vmul.f32 v29, v26;
	v29 =	vmul.f32 v28, v43  }
0xa8: {  	v15 =	vmul.f32 v32, v15;
	[tilespmem:s1+$0xA0] =	vst v30  }
0xa9: {  	[tilespmem:s1+$0x30] =	vst v8;
	v8 =	vmul.f32 v32, v12;
	v12 =	vsub.f32 $1.500000000e+00, v13;
	v13 =	vsub.f32 $1.500000000e+00, v29  }
0xaa: {  	v5 =	vmul.f32 v33, v5;
	v3 =	vmul.f32 v32, v3;
	[tilespmem:s1+$0xC0] =	vst v15  }
0xab: {  	[tilespmem:s1+$0xD0] =	vst v8;
	v8 =	vmul.f32 v12, v26;
	v12 =	vmul.f32 v28, v13  }
0xac: {  	v15 =	vmul.f32 v32, v20;
	[tilespmem:s1+$0xE0] =	vst v3;
	v3 =	vmul.f32 v33, v19  }
0xad: {  	[tilespmem:s1+$0x40] =	vst v5;
	v5 =	vmul.f32 $9.499999880e-01, v8;
	v8 =	vmul.f32 v12, v27  }
0xae: {  	[tilespmem:s1+$0xF0] =	vst v15;
	v15 =	vmul.f32 v33, v22  }
0xaf: {  	[tilespmem:s1+$0x60] =	vst v3;
	v13 =	vmul.f32 v33, v16;
	v5 =	vmin.f32 v5, $1.000000000e+00;
	v8 =	vmul.f32 v8, v12  }
0xb0: {  	[tilespmem:s1+$0x70] =	vst v15;
	v11 =	vmul.f32 v5, v11  }
0xb1: {  	[tilespmem:s1+$0x50] =	vst v13;
	v3 =	vmul.f32 v5, v4;
	v4 =	vsub.f32 $1.500000000e+00, v8  }
0xb2: {  	v0 =	vmul.f32 v5, v0;
	[tilespmem:s1+$0xFFFFFF60] =	vst v11  }
0xb3: {  	v1 =	vmul.f32 v5, v1;
	[tilespmem:s1+$0xFFFFFF30] =	vst v3;
	v3 =	vmul.f32 v4, v12  }
0xb4: {  	v2 =	vmul.f32 v5, v2;
	[tilespmem:s1+$0xFFFFFF00] =	vst v0  }
0xb5: {  	[tilespmem:s1+$0xFFFFFF10] =	vst v1;
	v0 =	vmul.f32 v5, v6;
	v1 =	vmul.f32 $9.499999880e-01, v3  }
0xb6: {  	[tilespmem:s1+$0xFFFFFF20] =	vst v2;
	v2 =	vmul.f32 v5, v9  }
0xb7: {  	[tilespmem:s1+$0xFFFFFF70] =	vst v0;
	v3 =	vmul.f32 v5, v14;
	v0 =	vmin.f32 v1, $1.000000000e+00  }
0xb8: {  	[tilespmem:s1+$0xFFFFFF40] =	vst v2;
	v1 =	vmul.f32 v0, v7  }
0xb9: {  	[tilespmem:s1+$0xFFFFFF50] =	vst v3;
	v2 =	vmul.f32 v0, v10  }
0xba: {  	v3 =	vmul.f32 v0, v17;
	[tilespmem:s1+$0xFFFFFF90] =	vst v1  }
0xbb: {  	v1 =	vmul.f32 v0, v18;
	[tilespmem:s1+$0xFFFFFF80] =	vst v2  }
0xbc: {  	v2 =	vmul.f32 v0, v21;
	[tilespmem:s1+$0xFFFFFFA0] =	vst v3  }
0xbd: {  	s0 =	smul.u32 $0x300, s10;
	v3 =	vmul.f32 v0, v23;
	[tilespmem:s1+$0xFFFFFFB0] =	vst v1  }
0xbe: {  	v1 =	vmul.f32 v0, v24;
	[tilespmem:s1+$0xFFFFFFC0] =	vst v2  }
0xbf: {  	s0 =	sadd.s32 s5, s0;
	v0 =	vmul.f32 v0, v25;
	[tilespmem:s1+$0xFFFFFFD0] =	vst v3  }
0xc0: {  	s0 =	sshll.u32 s0, $0x4;
	[tilespmem:s1+$0xFFFFFFE0] =	vst v1  }
0xc1: {  	s13 =	smul.u32 $0x6, s10;
	p0 =	seq.s32 s10, $0x0;
	s0 =	sadd.s32 s3, s0;
	[tilespmem:s1+$0xFFFFFFF0] =	vst v0  }
0xc2: {  	[hbm4b:s0+s4] =	stream.linear.scatter [tilespmem:s15], [sflag:$0x7], $0x4000, $0x38;
	[tilespmem:$0x19900] =	vst v63  }
0xc3: {  	s0 =	simm.s32 @!p0 $0xA  }
0xc4: {  	s11 =	sadd.s32 $0x3, s13;
	_ =	swait.ge @!p0 [sflag:s0], $0x4000  }
0xc5: {  	s12 =	sshll.u32 s11, $0x7;
	[sflag:s0] =	ssyncset.done @!p0 $0x0  }
0xc6: {  	s17 =	sand.u32 $0x3FFFFF80, s12;
	[sflag:s0] =	ssyncadd.s32 @!p0 $0xFFFFC000  }
0xc7: {  	[tilespmem:s20], [sflag:$0x4] =	stream.indirect.gather [hbm4b:s2+s14], $0x80, s17, s14, $0xb8;
	[tilespmem:$0x19900] =	vst v63  }
0xc8: {  	_ =	swait.ge [sflag:s21], $0x4000  }
0xc9: {  	[sflag:s21] =	ssyncset.done $0x0  }
0xca: {  	s12 =	simm.s32 $0x5A00;
	[sflag:s21] =	ssyncadd.s32 $0xFFFFC000  }
0xcb: {  	v30 =	vld [tilespmem:s12+$0x90]  }
0xcc: {  	v28 =	vld [tilespmem:s12+$0x80]  }
0xcd: {  	v26 =	vld [tilespmem:s12+$0x10]  }
0xce: {  	v27 =	vld [tilespmem:s12+$0xA0]  }
0xcf: {  	v31 =	vld [tilespmem:s12+$0x0]  }
0xd0: {  	v13 =	vld [tilespmem:s12+$0xB0]  }
0xd1: {  	v29 =	vld [tilespmem:s12+$0x20];
	v0 =	vmul.f32 v30, v30;
	v1 =	vmul.f32 v28, v28  }
0xd2: {  	v15 =	vld [tilespmem:s12+$0xC0]  }
0xd3: {  	v8 =	vld [tilespmem:s12+$0x30];
	v0 =	vadd.f32 v0, v1;
	v1 =	vmul.f32 v27, v27  }
0xd4: {  	v12 =	vld [tilespmem:s12+$0xD0];
	v2 =	vmul.f32 v26, v26;
	v3 =	vmul.f32 v31, v31  }
0xd5: {  	v5 =	vld [tilespmem:s12+$0x40];
	v0 =	vadd.f32 v1, v0;
	v1 =	vmul.f32 v13, v13  }
0xd6: {  	v4 =	vmul.f32 v29, v29;
	v2 =	vadd.f32 v2, v3;
	v3 =	vld [tilespmem:s12+$0xE0]  }
0xd7: {  	v16 =	vld [tilespmem:s12+$0x50];
	v0 =	vadd.f32 v1, v0;
	v1 =	vmul.f32 v15, v15  }
0xd8: {  	v20 =	vld [tilespmem:s12+$0xF0];
	v6 =	vmul.f32 v8, v8;
	v2 =	vadd.f32 v4, v2  }
0xd9: {  	v19 =	vld [tilespmem:s12+$0x60];
	v0 =	vadd.f32 v1, v0;
	v1 =	vmul.f32 v12, v12  }
0xda: {  	v4 =	vmul.f32 v5, v5;
	v2 =	vadd.f32 v6, v2  }
0xdb: {  	v22 =	vld [tilespmem:s12+$0x70];
	v0 =	vadd.f32 v1, v0;
	v1 =	vmul.f32 v3, v3  }
0xdc: {  	v6 =	vmul.f32 v16, v16;
	v2 =	vadd.f32 v4, v2  }
0xdd: {  	v0 =	vadd.f32 v1, v0;
	v1 =	vmul.f32 v20, v20  }
0xde: {  	v4 =	vmul.f32 v19, v19;
	v2 =	vadd.f32 v6, v2  }
0xdf: {  	v0 =	vadd.f32 v1, v0  }
0xe0: {  	v6 =	vmul.f32 v22, v22;
	v1 =	vadd.f32 v4, v2  }
0xe1: {  	(xrf2) =	vadd.scan.msk.f32 $0xffff, v0  }
0xe2: {  	v2 =	vadd.f32 v6, v1;
	v1 =	vld [tilespmem:s12+$0xFFFFFF10];
	_ =	sdelay $0x1  }
0xe3: {  	v0 =	vld [tilespmem:s12+$0xFFFFFF00]  }
0xe4: {  	(xrf2) =	vadd.scan.msk.f32 $0xffff, v2;
	_ =	sdelay $0x1  }
0xe5: {  	v2 =	vld [tilespmem:s12+$0xFFFFFF20];
	v7 =	vmul.f32 v1, v1;
	_ =	sdelay $0x1  }
0xe6: {  	v4 =	vld [tilespmem:s12+$0xFFFFFF30];
	v6 =	vmul.f32 v0, v0;
	_ =	sdelay $0x1  }
0xe7: {  	v9 =	vld [tilespmem:s12+$0xFFFFFF40];
	v6 =	vadd.f32 v7, v6;
	v7, _, _ =	vpop (xrf2)  }
0xe8: {  	v10 =	vmul.f32 v2, v2;
	v7 =	vmax.f32 v7, $1.000000050e-18;
	_ =	sdelay $0x1  }
0xe9: {  	v14 =	vld [tilespmem:s12+$0xFFFFFF50];
	v17 =	vmul.f32 v4, v4;
	v6 =	vadd.f32 v10, v6  }
0xea: {  	v10 =	vbroadcast v7, $0xF;
	v7, _, _ =	vpop (xrf2)  }
0xeb: {  	v11 =	vld [tilespmem:s12+$0xFFFFFF60];
	v18 =	vmul.f32 v9, v9;
	v17 =	vadd.f32 v17, v6;
	v7 =	vmax.f32 v7, $1.000000050e-18  }
0xec: {  	v21 =	vshra.s32 v10, $0x1;
	v25 =	vmul.f32 $5.000000000e-01, v10;
	v10 =	vld [tilespmem:s12+$0xFFFFFF80];
	v23 =	vbroadcast v7, $0xF  }
0xed: {  	v18 =	vadd.f32 v18, v17;
	v7 =	vld [tilespmem:s12+$0xFFFFFF90]  }
0xee: {  	v6 =	vld [tilespmem:s12+$0xFFFFFF70];
	v24 =	vsub.s32 $0x5F3759DF, v21;
	v21 =	vmul.f32 v14, v14;
	v17 =	vshra.s32 v23, $0x1  }
0xef: {  	v44 =	vmul.f32 $5.000000000e-01, v23;
	v23 =	vmul.f32 v24, v25;
	v45 =	vsub.s32 $0x5F3759DF, v17;
	v17 =	vld [tilespmem:s12+$0xFFFFFFA0];
	_ =	sdelay $0x1  }
0xf0: {  	v46 =	vmul.f32 v11, v11;
	v21 =	vadd.f32 v21, v18;
	v18 =	vld [tilespmem:s12+$0xFFFFFFB0];
	v23 =	vmul.f32 v24, v23  }
0xf1: {  	v38 =	vmul.f32 v10, v10;
	v37 =	vmul.f32 v7, v7  }
0xf2: {  	v34 =	vadd.f32 v46, v21;
	v21 =	vld [tilespmem:s12+$0xFFFFFFC0];
	v47 =	vmul.f32 v45, v44;
	v23 =	vsub.f32 $1.500000000e+00, v23  }
0xf3: {  	v36 =	vmul.f32 v6, v6;
	v48 =	vadd.f32 v37, v38;
	v49 =	vmul.f32 v17, v17  }
0xf4: {  	v35 =	vmul.f32 v45, v47;
	v50 =	vmul.f32 v24, v23;
	v23 =	vld [tilespmem:s12+$0xFFFFFFD0]  }
0xf5: {  	v34 =	vadd.f32 v36, v34;
	v51 =	vmul.f32 v18, v18;
	v52 =	vadd.f32 v49, v48  }
0xf6: {  	v35 =	vsub.f32 $1.500000000e+00, v35;
	v24 =	vld [tilespmem:s12+$0xFFFFFFE0];
	v25 =	vmul.f32 v50, v25  }
0xf7: {  	(xrf2) =	vadd.scan.msk.f32 $0xffff, v34;
	v53 =	vmul.f32 v21, v21;
	v34 =	vadd.f32 v51, v52  }
0xf8: {  	v33 =	vmul.f32 v45, v35;
	v54 =	vmul.f32 v25, v50;
	v25 =	vld [tilespmem:s12+$0xFFFFFFF0]  }
0xf9: {  	v55 =	vmul.f32 v23, v23;
	v34 =	vadd.f32 v53, v34  }
0xfa: {  	v32 =	vmul.f32 v33, v44  }
0xfb: {  	v56 =	vmul.f32 v24, v24;
	v34 =	vadd.f32 v55, v34  }
0xfc: {  	v32 =	vmul.f32 v32, v33  }
0xfd: {  	v35 =	vsub.f32 $1.500000000e+00, v54;
	v58 =	vmul.f32 v25, v25;
	v57 =	vadd.f32 v56, v34  }
0xfe: {  	v32 =	vsub.f32 $1.500000000e+00, v32  }
0xff: {  	v35 =	vmul.f32 v35, v50;
	v34 =	vadd.f32 v58, v57  }
0x100: {  	v32 =	vmul.f32 v32, v33  }
0x101: {  	v60, _, _ =	vpop (xrf2);
	v35 =	vmul.f32 $9.499999880e-01, v35;
	(xrf2) =	vadd.scan.msk.f32 $0xffff, v34  }
0x102: {  	v61 =	vmax.f32 v60, $1.000000050e-18;
	v59 =	vmul.f32 $9.499999880e-01, v32  }
0x103: {  	v62 =	vbroadcast v61, $0xF;
	v32 =	vmin.f32 v35, $1.000000000e+00  }
0x104: {  	v30 =	vmul.f32 v32, v30;
	v33 =	vmin.f32 v59, $1.000000000e+00  }
0x105: {  	v34 =	vmul.f32 $5.000000000e-01, v62;
	v36 =	vmul.f32 v33, v31  }
0x106: {  	v63 =	vshra.s32 v62, $0x1;
	v31 =	vmul.f32 v32, v28;
	v28 =	vmul.f32 v33, v29;
	[tilespmem:s12+$0x90] =	vst v30  }
0x107: {  	s1 =	simm.s32 $0x5A00;
	s0 =	simm.s32 $0x0;
	v35 =	vsub.s32 $0x5F3759DF, v63;
	v29 =	vmul.f32 v33, v26;
	v30 =	vmul.f32 v32, v27;
	[tilespmem:s12+$0x0] =	vst v36  }
.LBB2_5:
0x108: {  	s0 =	sadd.s32 $0x4, s0;
	v27 =	vmul.f32 v35, v34;
	[tilespmem:s12+$0x20] =	vst v28;
	v37 =	vmul.f32 v32, v13;
	s1 =	sadd.s32 $0x200, s1  }
0x109: {  	v8 =	vmul.f32 v33, v8;
	v15 =	vmul.f32 v32, v15;
	v26 =	vld [tilespmem:s1+$0x20];
	p1 =	slt.u32 s0, $0x7C;
	[tilespmem:s12+$0x10] =	vst v29  }
0x10a: {  	v5 =	vmul.f32 v33, v5;
	v28 =	vld [tilespmem:s1+$0x90];
	v36 =	vmul.f32 v35, v27;
	[tilespmem:s12+$0x80] =	vst v31  }
0x10b: {  	v16 =	vmul.f32 v33, v16;
	v19 =	vmul.f32 v33, v19;
	v29 =	vld [tilespmem:s1+$0x80];
	[tilespmem:s12+$0xB0] =	vst v37;
	v13, _, _ =	vpop (xrf2)  }
0x10c: {  	v22 =	vmul.f32 v33, v22;
	v27 =	vld [tilespmem:s1+$0x10];
	v36 =	vsub.f32 $1.500000000e+00, v36;
	v13 =	vmax.f32 v13, $1.000000050e-18;
	[tilespmem:s12+$0x30] =	vst v8  }
0x10d: {  	v3 =	vmul.f32 v32, v3;
	v8 =	vmul.f32 v32, v12;
	v31 =	vld [tilespmem:s1+$0x0];
	[tilespmem:s12+$0xA0] =	vst v30  }
0x10e: {  	v12 =	vbroadcast v13, $0xF;
	v30 =	vld [tilespmem:s1+$0xA0];
	v33 =	vmul.f32 v35, v36;
	[tilespmem:s12+$0xC0] =	vst v15  }
0x10f: {  	v15 =	vmul.f32 v32, v20;
	v13 =	vld [tilespmem:s1+$0xB0];
	[tilespmem:s12+$0xD0] =	vst v8  }
0x110: {  	v20 =	vmul.f32 v28, v28;
	v32 =	vshra.s32 v12, $0x1;
	v35 =	vmul.f32 $5.000000000e-01, v12;
	v8 =	vld [tilespmem:s1+$0x30];
	[tilespmem:s12+$0x40] =	vst v5  }
0x111: {  	v12 =	vmul.f32 v29, v29;
	v34 =	vmul.f32 v33, v34;
	v32 =	vsub.s32 $0x5F3759DF, v32;
	v5 =	vld [tilespmem:s1+$0x40];
	[tilespmem:s12+$0xF0] =	vst v15  }
0x112: {  	v36 =	vmul.f32 v27, v27;
	v37 =	vmul.f32 v32, v35;
	v15 =	vld [tilespmem:s1+$0xC0];
	[tilespmem:s12+$0xE0] =	vst v3  }
0x113: {  	v20 =	vadd.f32 v20, v12;
	v34 =	vmul.f32 v34, v33;
	v3 =	vld [tilespmem:s1+$0xE0];
	v38 =	vmul.f32 v30, v30;
	[tilespmem:s12+$0x50] =	vst v16  }
0x114: {  	v40 =	vmul.f32 v26, v26;
	v39 =	vmul.f32 v31, v31;
	v12 =	vld [tilespmem:s1+$0xD0];
	[tilespmem:s12+$0x70] =	vst v22  }
0x115: {  	v22 =	vmul.f32 v13, v13;
	v34 =	vsub.f32 $1.500000000e+00, v34;
	v16 =	vld [tilespmem:s1+$0x50];
	v20 =	vadd.f32 v38, v20;
	[tilespmem:s12+$0x60] =	vst v19  }
0x116: {  	v37 =	vmul.f32 v32, v37;
	v36 =	vadd.f32 v36, v39;
	v38 =	vmul.f32 v8, v8  }
0x117: {  	v33 =	vmul.f32 v34, v33;
	v19 =	vld [tilespmem:s1+$0x60];
	v39 =	vadd.f32 v22, v20;
	v41 =	vmul.f32 v15, v15  }
0x118: {  	v37 =	vsub.f32 $1.500000000e+00, v37;
	v34 =	vadd.f32 v40, v36;
	v36 =	vmul.f32 v5, v5;
	v20 =	vld [tilespmem:s1+$0xF0]  }
0x119: {  	v33 =	vmul.f32 $9.499999880e-01, v33;
	v22 =	vld [tilespmem:s1+$0x70];
	v39 =	vadd.f32 v41, v39;
	v40 =	vmul.f32 v12, v12  }
0x11a: {  	v32 =	vmul.f32 v32, v37;
	v34 =	vadd.f32 v38, v34;
	v38 =	vmul.f32 v16, v16  }
0x11b: {  	v33 =	vmin.f32 v33, $1.000000000e+00;
	v37 =	vadd.f32 v40, v39;
	v39 =	vmul.f32 v3, v3  }
0x11c: {  	v34 =	vadd.f32 v36, v34;
	v11 =	vmul.f32 v33, v11;
	v36 =	vmul.f32 v19, v19  }
0x11d: {  	v35 =	vmul.f32 v32, v35;
	v37 =	vadd.f32 v39, v37;
	v39 =	vmul.f32 v20, v20  }
0x11e: {  	v4 =	vmul.f32 v33, v4;
	v34 =	vadd.f32 v38, v34;
	v38 =	vmul.f32 v22, v22;
	[tilespmem:s12+$0xFFFFFF60] =	vst v11  }
0x11f: {  	v0 =	vmul.f32 v33, v0;
	v35 =	vmul.f32 v35, v32;
	v11 =	vld [tilespmem:s1+$0xFFFFFF60];
	v37 =	vadd.f32 v39, v37  }
0x120: {  	v1 =	vmul.f32 v33, v1;
	v2 =	vmul.f32 v33, v2;
	v34 =	vadd.f32 v36, v34;
	[tilespmem:s12+$0xFFFFFF30] =	vst v4  }
0x121: {  	v9 =	vmul.f32 v33, v9;
	v35 =	vsub.f32 $1.500000000e+00, v35;
	v4 =	vld [tilespmem:s1+$0xFFFFFF30];
	(xrf2) =	vadd.scan.msk.f32 $0xffff, v37;
	[tilespmem:s12+$0xFFFFFF00] =	vst v0  }
0x122: {  	v14 =	vmul.f32 v33, v14;
	v6 =	vmul.f32 v33, v6;
	v34 =	vadd.f32 v38, v34;
	v0 =	vld [tilespmem:s1+$0xFFFFFF00];
	[tilespmem:s12+$0xFFFFFF10] =	vst v1  }
0x123: {  	v32 =	vmul.f32 v35, v32;
	v1 =	vld [tilespmem:s1+$0xFFFFFF10];
	[tilespmem:s12+$0xFFFFFF20] =	vst v2  }
0x124: {  	v2 =	vld [tilespmem:s1+$0xFFFFFF20];
	(xrf2) =	vadd.scan.msk.f32 $0xffff, v34;
	[tilespmem:s12+$0xFFFFFF70] =	vst v6  }
0x125: {  	[tilespmem:s12+$0xFFFFFF50] =	vst v14;
	v14 =	vmul.f32 $9.499999880e-01, v32  }
0x126: {  	v32 =	vmul.f32 v11, v11;
	v6 =	vld [tilespmem:s1+$0xFFFFFF70];
	[tilespmem:s12+$0xFFFFFF40] =	vst v9  }
0x127: {  	v34 =	vmul.f32 v4, v4;
	v33 =	vmul.f32 v0, v0;
	v35 =	vmin.f32 v14, $1.000000000e+00  }
0x128: {  	v14 =	vmul.f32 v1, v1;
	v7 =	vmul.f32 v35, v7  }
0x129: {  	v10 =	vmul.f32 v35, v10;
	v36 =	vmul.f32 v2, v2  }
0x12a: {  	v17 =	vmul.f32 v35, v17;
	v18 =	vmul.f32 v35, v18;
	v9 =	vld [tilespmem:s1+$0xFFFFFF40];
	v33 =	vadd.f32 v14, v33;
	[tilespmem:s12+$0xFFFFFF90] =	vst v7  }
0x12b: {  	v21 =	vmul.f32 v35, v21;
	v23 =	vmul.f32 v35, v23;
	v14 =	vld [tilespmem:s1+$0xFFFFFF50];
	v37, _, _ =	vpop (xrf2);
	[tilespmem:s12+$0xFFFFFF80] =	vst v10  }
0x12c: {  	v38 =	vadd.f32 v36, v33;
	v36 =	vmul.f32 v6, v6;
	v7 =	vld [tilespmem:s1+$0xFFFFFF90];
	v37 =	vmax.f32 v37, $1.000000050e-18;
	[tilespmem:s12+$0xFFFFFFB0] =	vst v18  }
0x12d: {  	v10 =	vld [tilespmem:s1+$0xFFFFFF80];
	v37 =	vbroadcast v37, $0xF;
	[tilespmem:s12+$0xFFFFFFA0] =	vst v17;
	v17 =	vmul.f32 v35, v24  }
0x12e: {  	v25 =	vmul.f32 v35, v25;
	v24 =	vadd.f32 v34, v38;
	v33, _, _ =	vpop (xrf2);
	[tilespmem:s12+$0xFFFFFFC0] =	vst v21  }
0x12f: {  	v21 =	vmul.f32 v9, v9;
	v18 =	vld [tilespmem:s1+$0xFFFFFFB0];
	v33 =	vmax.f32 v33, $1.000000050e-18;
	v34 =	vshra.s32 v37, $0x1;
	[tilespmem:s12+$0xFFFFFFE0] =	vst v17  }
0x130: {  	v17 =	vld [tilespmem:s1+$0xFFFFFFA0];
	v33 =	vbroadcast v33, $0xF;
	v34 =	vsub.s32 $0x5F3759DF, v34;
	[tilespmem:s12+$0xFFFFFFD0] =	vst v23  }
0x131: {  	v37 =	vmul.f32 $5.000000000e-01, v37;
	v24 =	vadd.f32 v21, v24;
	v21 =	vld [tilespmem:s1+$0xFFFFFFC0];
	v35 =	vmul.f32 v7, v7;
	[tilespmem:s12+$0xFFFFFFF0] =	vst v25;
	s12 =	smov.u32 s1  }
0x132: {  	v25 =	vmul.f32 v14, v14;
	v38 =	vshra.s32 v33, $0x1;
	v33 =	vmul.f32 $5.000000000e-01, v33  }
0x133: {  	v40 =	vmul.f32 v34, v37;
	v39 =	vmul.f32 v10, v10;
	v23 =	vld [tilespmem:s1+$0xFFFFFFD0];
	v38 =	vsub.s32 $0x5F3759DF, v38  }
0x134: {  	v25 =	vadd.f32 v25, v24;
	v41 =	vmul.f32 v18, v18;
	v42 =	vmul.f32 v38, v33  }
0x135: {  	v40 =	vmul.f32 v34, v40;
	v35 =	vadd.f32 v35, v39;
	v24 =	vld [tilespmem:s1+$0xFFFFFFE0];
	v39 =	vmul.f32 v17, v17  }
0x136: {  	v25 =	vadd.f32 v32, v25;
	v32 =	vmul.f32 v21, v21;
	v42 =	vmul.f32 v38, v42  }
0x137: {  	v35 =	vadd.f32 v39, v35;
	v39 =	vsub.f32 $1.500000000e+00, v40  }
0x138: {  	v36 =	vadd.f32 v36, v25;
	v40 =	vmul.f32 v23, v23;
	v42 =	vsub.f32 $1.500000000e+00, v42  }
0x139: {  	v35 =	vadd.f32 v41, v35;
	v34 =	vmul.f32 v34, v39  }
0x13a: {  	v25 =	vld [tilespmem:s1+$0xFFFFFFF0];
	v39 =	vmul.f32 v24, v24;
	v38 =	vmul.f32 v38, v42;
	(xrf2) =	vadd.scan.msk.f32 $0xffff, v36  }
0x13b: {  	v32 =	vadd.f32 v32, v35;
	v35 =	vmul.f32 v34, v37  }
0x13c: {  	v33 =	vmul.f32 v38, v33  }
0x13d: {  	v32 =	vadd.f32 v40, v32;
	v35 =	vmul.f32 v35, v34  }
0x13e: {  	v33 =	vmul.f32 v33, v38  }
0x13f: {  	v32 =	vadd.f32 v39, v32;
	v36 =	vmul.f32 v25, v25;
	v35 =	vsub.f32 $1.500000000e+00, v35  }
0x140: {  	v33 =	vsub.f32 $1.500000000e+00, v33  }
0x141: {  	v36 =	vadd.f32 v36, v32;
	v34 =	vmul.f32 v35, v34  }
0x142: {  	v33 =	vmul.f32 v33, v38  }
0x143: {  	v34 =	vmul.f32 $9.499999880e-01, v34;
	(xrf2) =	vadd.scan.msk.f32 $0xffff, v36  }
0x144: {  	v33 =	vmul.f32 $9.499999880e-01, v33;
	v32, _, _ =	vpop (xrf2)  }
.Ltmp1:
0x145: {  	v35 =	vmax.f32 v32, $1.000000050e-18;
	v32 =	vmin.f32 v34, $1.000000000e+00;
	(pc) =	sbr.rel @p1 .LBB2_5-.Ltmp1, $4  }
0x146: {  	v34 =	vbroadcast v35, $0xF;
	v33 =	vmin.f32 v33, $1.000000000e+00;
	v35 =	vmul.f32 v32, v28  }
0x147: {  	v36 =	vmul.f32 v33, v31;
	v31 =	vmul.f32 v32, v29  }
0x148: {  	v28 =	vmul.f32 v33, v26;
	v29 =	vshra.s32 v34, $0x1;
	v34 =	vmul.f32 $5.000000000e-01, v34;
	[tilespmem:s1+$0x90] =	vst v35  }
0x149: {  	v30 =	vmul.f32 v32, v30;
	v35 =	vsub.s32 $0x5F3759DF, v29;
	[tilespmem:s1+$0x0] =	vst v36;
	v29 =	vmul.f32 v33, v27  }
0x14a: {  	_ = 	snop  }
0x14b: {  	v26 =	vmul.f32 v35, v34;
	_ =	sdelay $0x1  }
0x14c: {  	v26 =	vmul.f32 v35, v26;
	v27, _, _ =	vpop (xrf2)  }
0x14d: {  	v27 =	vmax.f32 v27, $1.000000050e-18  }
0x14e: {  	v26 =	vsub.f32 $1.500000000e+00, v26;
	v27 =	vbroadcast v27, $0xF;
	_ =	sdelay $0x1  }
0x14f: {  	v26 =	vmul.f32 v35, v26;
	v42 =	vshra.s32 v27, $0x1;
	v27 =	vmul.f32 $5.000000000e-01, v27  }
0x150: {  	[tilespmem:s12+$0x20] =	vst v28;
	v13 =	vmul.f32 v32, v13;
	v28 =	vsub.s32 $0x5F3759DF, v42  }
0x151: {  	[tilespmem:s12+$0x10] =	vst v29;
	v29 =	vmul.f32 v26, v34;
	v43 =	vmul.f32 v28, v27  }
0x152: {  	v8 =	vmul.f32 v33, v8;
	[tilespmem:s12+$0x80] =	vst v31  }
0x153: {  	[tilespmem:s12+$0xB0] =	vst v13;
	v13 =	vmul.f32 v29, v26;
	v29 =	vmul.f32 v28, v43  }
0x154: {  	v15 =	vmul.f32 v32, v15;
	[tilespmem:s12+$0xA0] =	vst v30  }
0x155: {  	[tilespmem:s12+$0x30] =	vst v8;
	v8 =	vmul.f32 v32, v12;
	v12 =	vsub.f32 $1.500000000e+00, v13;
	v13 =	vsub.f32 $1.500000000e+00, v29  }
0x156: {  	v5 =	vmul.f32 v33, v5;
	v3 =	vmul.f32 v32, v3;
	[tilespmem:s12+$0xC0] =	vst v15  }
0x157: {  	[tilespmem:s12+$0xD0] =	vst v8;
	v8 =	vmul.f32 v12, v26;
	v12 =	vmul.f32 v28, v13  }
0x158: {  	v15 =	vmul.f32 v32, v20;
	[tilespmem:s12+$0xE0] =	vst v3;
	v3 =	vmul.f32 v33, v19  }
0x159: {  	[tilespmem:s12+$0x40] =	vst v5;
	v5 =	vmul.f32 $9.499999880e-01, v8;
	v8 =	vmul.f32 v12, v27  }
0x15a: {  	[tilespmem:s12+$0xF0] =	vst v15;
	v15 =	vmul.f32 v33, v22  }
0x15b: {  	[tilespmem:s12+$0x60] =	vst v3;
	v13 =	vmul.f32 v33, v16;
	v5 =	vmin.f32 v5, $1.000000000e+00;
	v8 =	vmul.f32 v8, v12  }
0x15c: {  	[tilespmem:s12+$0x70] =	vst v15;
	v11 =	vmul.f32 v5, v11  }
0x15d: {  	[tilespmem:s12+$0x50] =	vst v13;
	v3 =	vmul.f32 v5, v4;
	v4 =	vsub.f32 $1.500000000e+00, v8  }
0x15e: {  	v0 =	vmul.f32 v5, v0;
	[tilespmem:s12+$0xFFFFFF60] =	vst v11  }
0x15f: {  	v1 =	vmul.f32 v5, v1;
	[tilespmem:s12+$0xFFFFFF30] =	vst v3;
	v3 =	vmul.f32 v4, v12  }
0x160: {  	v2 =	vmul.f32 v5, v2;
	[tilespmem:s12+$0xFFFFFF00] =	vst v0  }
0x161: {  	[tilespmem:s12+$0xFFFFFF10] =	vst v1;
	v0 =	vmul.f32 v5, v6;
	v1 =	vmul.f32 $9.499999880e-01, v3  }
0x162: {  	[tilespmem:s12+$0xFFFFFF20] =	vst v2;
	v2 =	vmul.f32 v5, v9  }
0x163: {  	[tilespmem:s12+$0xFFFFFF70] =	vst v0;
	v3 =	vmul.f32 v5, v14;
	v0 =	vmin.f32 v1, $1.000000000e+00  }
0x164: {  	[tilespmem:s12+$0xFFFFFF40] =	vst v2;
	v1 =	vmul.f32 v0, v7  }
0x165: {  	[tilespmem:s12+$0xFFFFFF50] =	vst v3;
	v2 =	vmul.f32 v0, v10  }
0x166: {  	v3 =	vmul.f32 v0, v17;
	[tilespmem:s12+$0xFFFFFF90] =	vst v1  }
0x167: {  	v1 =	vmul.f32 v0, v18;
	[tilespmem:s12+$0xFFFFFF80] =	vst v2  }
0x168: {  	v2 =	vmul.f32 v0, v21;
	[tilespmem:s12+$0xFFFFFFA0] =	vst v3  }
0x169: {  	s1 =	smul.u32 $0x18000, s10;
	v3 =	vmul.f32 v0, v23;
	[tilespmem:s12+$0xFFFFFFB0] =	vst v1  }
0x16a: {  	v1 =	vmul.f32 v0, v24;
	[tilespmem:s12+$0xFFFFFFC0] =	vst v2  }
0x16b: {  	s0 =	sadd.s32 s1, s8;
	v0 =	vmul.f32 v0, v25;
	[tilespmem:s12+$0xFFFFFFD0] =	vst v3  }
0x16c: {  	s0 =	sshrl.u32 s0, $0x3;
	[tilespmem:s12+$0xFFFFFFE0] =	vst v1  }
0x16d: {  	s0 =	sadd.s32 s3, s0;
	[tilespmem:s12+$0xFFFFFFF0] =	vst v0  }
0x16e: {  	[hbm4b:s0+s4] =	stream.linear.scatter [tilespmem:s16], [sflag:$0x8], $0x4000, $0x38;
	[tilespmem:$0x19900] =	vst v63  }
0x16f: {  	s0 =	simm.s32 @!p0 $0xB  }
0x170: {  	s12 =	sadd.s32 $0x4, s13;
	_ =	swait.ge @!p0 [sflag:s0], $0x4000  }
0x171: {  	s7 =	sshll.u32 s12, $0x7;
	[sflag:s0] =	ssyncset.done @!p0 $0x0  }
0x172: {  	s17 =	sand.u32 $0x3FFFFF80, s7;
	[sflag:s0] =	ssyncadd.s32 @!p0 $0xFFFFC000  }
0x173: {  	[tilespmem:s22], [sflag:$0x5] =	stream.indirect.gather [hbm4b:s2+s14], $0x80, s17, s14, $0xb8;
	[tilespmem:$0x19900] =	vst v63  }
0x174: {  	_ =	swait.ge [sflag:s23], $0x4000  }
0x175: {  	[sflag:s23] =	ssyncset.done $0x0  }
0x176: {  	s0 =	simm.s32 $0x9A00;
	[sflag:s23] =	ssyncadd.s32 $0xFFFFC000  }
0x177: {  	v30 =	vld [tilespmem:s0+$0x90]  }
0x178: {  	v28 =	vld [tilespmem:s0+$0x80]  }
0x179: {  	v26 =	vld [tilespmem:s0+$0x10]  }
0x17a: {  	v27 =	vld [tilespmem:s0+$0xA0]  }
0x17b: {  	v31 =	vld [tilespmem:s0+$0x0]  }
0x17c: {  	v13 =	vld [tilespmem:s0+$0xB0]  }
0x17d: {  	v29 =	vld [tilespmem:s0+$0x20];
	v0 =	vmul.f32 v30, v30;
	v1 =	vmul.f32 v28, v28  }
0x17e: {  	v15 =	vld [tilespmem:s0+$0xC0]  }
0x17f: {  	v8 =	vld [tilespmem:s0+$0x30];
	v0 =	vadd.f32 v0, v1;
	v1 =	vmul.f32 v27, v27  }
0x180: {  	v12 =	vld [tilespmem:s0+$0xD0];
	v2 =	vmul.f32 v26, v26;
	v3 =	vmul.f32 v31, v31  }
0x181: {  	v5 =	vld [tilespmem:s0+$0x40];
	v0 =	vadd.f32 v1, v0;
	v1 =	vmul.f32 v13, v13  }
0x182: {  	v4 =	vmul.f32 v29, v29;
	v2 =	vadd.f32 v2, v3;
	v3 =	vld [tilespmem:s0+$0xE0]  }
0x183: {  	v16 =	vld [tilespmem:s0+$0x50];
	v0 =	vadd.f32 v1, v0;
	v1 =	vmul.f32 v15, v15  }
0x184: {  	v20 =	vld [tilespmem:s0+$0xF0];
	v6 =	vmul.f32 v8, v8;
	v2 =	vadd.f32 v4, v2  }
0x185: {  	v19 =	vld [tilespmem:s0+$0x60];
	v0 =	vadd.f32 v1, v0;
	v1 =	vmul.f32 v12, v12  }
0x186: {  	v4 =	vmul.f32 v5, v5;
	v2 =	vadd.f32 v6, v2  }
0x187: {  	v22 =	vld [tilespmem:s0+$0x70];
	v0 =	vadd.f32 v1, v0;
	v1 =	vmul.f32 v3, v3  }
0x188: {  	v6 =	vmul.f32 v16, v16;
	v2 =	vadd.f32 v4, v2  }
0x189: {  	v0 =	vadd.f32 v1, v0;
	v1 =	vmul.f32 v20, v20  }
0x18a: {  	v4 =	vmul.f32 v19, v19;
	v2 =	vadd.f32 v6, v2  }
0x18b: {  	v0 =	vadd.f32 v1, v0  }
0x18c: {  	v6 =	vmul.f32 v22, v22;
	v1 =	vadd.f32 v4, v2  }
0x18d: {  	(xrf2) =	vadd.scan.msk.f32 $0xffff, v0  }
0x18e: {  	v2 =	vadd.f32 v6, v1;
	v1 =	vld [tilespmem:s0+$0xFFFFFF10];
	_ =	sdelay $0x1  }
0x18f: {  	v0 =	vld [tilespmem:s0+$0xFFFFFF00]  }
0x190: {  	(xrf2) =	vadd.scan.msk.f32 $0xffff, v2;
	_ =	sdelay $0x1  }
0x191: {  	v2 =	vld [tilespmem:s0+$0xFFFFFF20];
	v7 =	vmul.f32 v1, v1;
	_ =	sdelay $0x1  }
0x192: {  	v4 =	vld [tilespmem:s0+$0xFFFFFF30];
	v6 =	vmul.f32 v0, v0;
	_ =	sdelay $0x1  }
0x193: {  	v9 =	vld [tilespmem:s0+$0xFFFFFF40];
	v6 =	vadd.f32 v7, v6;
	v7, _, _ =	vpop (xrf2)  }
0x194: {  	v10 =	vmul.f32 v2, v2;
	v7 =	vmax.f32 v7, $1.000000050e-18;
	_ =	sdelay $0x1  }
0x195: {  	v14 =	vld [tilespmem:s0+$0xFFFFFF50];
	v17 =	vmul.f32 v4, v4;
	v6 =	vadd.f32 v10, v6  }
0x196: {  	v10 =	vbroadcast v7, $0xF;
	v7, _, _ =	vpop (xrf2)  }
0x197: {  	v11 =	vld [tilespmem:s0+$0xFFFFFF60];
	v18 =	vmul.f32 v9, v9;
	v17 =	vadd.f32 v17, v6;
	v7 =	vmax.f32 v7, $1.000000050e-18  }
0x198: {  	v21 =	vshra.s32 v10, $0x1;
	v25 =	vmul.f32 $5.000000000e-01, v10;
	v10 =	vld [tilespmem:s0+$0xFFFFFF80];
	v23 =	vbroadcast v7, $0xF  }
0x199: {  	v18 =	vadd.f32 v18, v17;
	v7 =	vld [tilespmem:s0+$0xFFFFFF90]  }
0x19a: {  	v6 =	vld [tilespmem:s0+$0xFFFFFF70];
	v24 =	vsub.s32 $0x5F3759DF, v21;
	v21 =	vmul.f32 v14, v14;
	v17 =	vshra.s32 v23, $0x1  }
0x19b: {  	v44 =	vmul.f32 $5.000000000e-01, v23;
	v23 =	vmul.f32 v24, v25;
	v45 =	vsub.s32 $0x5F3759DF, v17;
	v17 =	vld [tilespmem:s0+$0xFFFFFFA0];
	_ =	sdelay $0x1  }
0x19c: {  	v46 =	vmul.f32 v11, v11;
	v21 =	vadd.f32 v21, v18;
	v18 =	vld [tilespmem:s0+$0xFFFFFFB0];
	v23 =	vmul.f32 v24, v23  }
0x19d: {  	v38 =	vmul.f32 v10, v10;
	v37 =	vmul.f32 v7, v7  }
0x19e: {  	v34 =	vadd.f32 v46, v21;
	v21 =	vld [tilespmem:s0+$0xFFFFFFC0];
	v47 =	vmul.f32 v45, v44;
	v23 =	vsub.f32 $1.500000000e+00, v23  }
0x19f: {  	v36 =	vmul.f32 v6, v6;
	v48 =	vadd.f32 v37, v38;
	v49 =	vmul.f32 v17, v17  }
0x1a0: {  	v35 =	vmul.f32 v45, v47;
	v50 =	vmul.f32 v24, v23;
	v23 =	vld [tilespmem:s0+$0xFFFFFFD0]  }
0x1a1: {  	v34 =	vadd.f32 v36, v34;
	v51 =	vmul.f32 v18, v18;
	v52 =	vadd.f32 v49, v48  }
0x1a2: {  	v35 =	vsub.f32 $1.500000000e+00, v35;
	v24 =	vld [tilespmem:s0+$0xFFFFFFE0];
	v25 =	vmul.f32 v50, v25  }
0x1a3: {  	(xrf2) =	vadd.scan.msk.f32 $0xffff, v34;
	v53 =	vmul.f32 v21, v21;
	v34 =	vadd.f32 v51, v52  }
0x1a4: {  	v33 =	vmul.f32 v45, v35;
	v54 =	vmul.f32 v25, v50;
	v25 =	vld [tilespmem:s0+$0xFFFFFFF0]  }
0x1a5: {  	v55 =	vmul.f32 v23, v23;
	v34 =	vadd.f32 v53, v34  }
0x1a6: {  	v32 =	vmul.f32 v33, v44  }
0x1a7: {  	v56 =	vmul.f32 v24, v24;
	v34 =	vadd.f32 v55, v34  }
0x1a8: {  	v32 =	vmul.f32 v32, v33  }
0x1a9: {  	v35 =	vsub.f32 $1.500000000e+00, v54;
	v58 =	vmul.f32 v25, v25;
	v57 =	vadd.f32 v56, v34  }
0x1aa: {  	v32 =	vsub.f32 $1.500000000e+00, v32  }
0x1ab: {  	v35 =	vmul.f32 v35, v50;
	v34 =	vadd.f32 v58, v57  }
0x1ac: {  	v32 =	vmul.f32 v32, v33  }
0x1ad: {  	v60, _, _ =	vpop (xrf2);
	v35 =	vmul.f32 $9.499999880e-01, v35;
	(xrf2) =	vadd.scan.msk.f32 $0xffff, v34  }
0x1ae: {  	v61 =	vmax.f32 v60, $1.000000050e-18;
	v59 =	vmul.f32 $9.499999880e-01, v32  }
0x1af: {  	v62 =	vbroadcast v61, $0xF;
	v32 =	vmin.f32 v35, $1.000000000e+00  }
0x1b0: {  	v30 =	vmul.f32 v32, v30;
	v33 =	vmin.f32 v59, $1.000000000e+00  }
0x1b1: {  	v34 =	vmul.f32 $5.000000000e-01, v62;
	v36 =	vmul.f32 v33, v31  }
0x1b2: {  	v63 =	vshra.s32 v62, $0x1;
	v31 =	vmul.f32 v32, v28;
	v28 =	vmul.f32 v33, v29;
	[tilespmem:s0+$0x90] =	vst v30  }
0x1b3: {  	s7 =	simm.s32 $0x9A00;
	s17 =	simm.s32 $0x0;
	v35 =	vsub.s32 $0x5F3759DF, v63;
	v29 =	vmul.f32 v33, v26;
	v30 =	vmul.f32 v32, v27;
	[tilespmem:s0+$0x0] =	vst v36  }
.LBB2_7:
0x1b4: {  	s17 =	sadd.s32 $0x4, s17;
	v27 =	vmul.f32 v35, v34;
	[tilespmem:s0+$0x20] =	vst v28;
	v37 =	vmul.f32 v32, v13;
	s7 =	sadd.s32 $0x200, s7  }
0x1b5: {  	v8 =	vmul.f32 v33, v8;
	v15 =	vmul.f32 v32, v15;
	v26 =	vld [tilespmem:s7+$0x20];
	p1 =	slt.u32 s17, $0x7C;
	[tilespmem:s0+$0x10] =	vst v29  }
0x1b6: {  	v5 =	vmul.f32 v33, v5;
	v28 =	vld [tilespmem:s7+$0x90];
	v36 =	vmul.f32 v35, v27;
	[tilespmem:s0+$0x80] =	vst v31  }
0x1b7: {  	v16 =	vmul.f32 v33, v16;
	v19 =	vmul.f32 v33, v19;
	v29 =	vld [tilespmem:s7+$0x80];
	[tilespmem:s0+$0xB0] =	vst v37;
	v13, _, _ =	vpop (xrf2)  }
0x1b8: {  	v22 =	vmul.f32 v33, v22;
	v27 =	vld [tilespmem:s7+$0x10];
	v36 =	vsub.f32 $1.500000000e+00, v36;
	v13 =	vmax.f32 v13, $1.000000050e-18;
	[tilespmem:s0+$0x30] =	vst v8  }
0x1b9: {  	v3 =	vmul.f32 v32, v3;
	v8 =	vmul.f32 v32, v12;
	v31 =	vld [tilespmem:s7+$0x0];
	[tilespmem:s0+$0xA0] =	vst v30  }
0x1ba: {  	v12 =	vbroadcast v13, $0xF;
	v30 =	vld [tilespmem:s7+$0xA0];
	v33 =	vmul.f32 v35, v36;
	[tilespmem:s0+$0xC0] =	vst v15  }
0x1bb: {  	v15 =	vmul.f32 v32, v20;
	v13 =	vld [tilespmem:s7+$0xB0];
	[tilespmem:s0+$0xD0] =	vst v8  }
0x1bc: {  	v20 =	vmul.f32 v28, v28;
	v32 =	vshra.s32 v12, $0x1;
	v35 =	vmul.f32 $5.000000000e-01, v12;
	v8 =	vld [tilespmem:s7+$0x30];
	[tilespmem:s0+$0x40] =	vst v5  }
0x1bd: {  	v12 =	vmul.f32 v29, v29;
	v34 =	vmul.f32 v33, v34;
	v32 =	vsub.s32 $0x5F3759DF, v32;
	v5 =	vld [tilespmem:s7+$0x40];
	[tilespmem:s0+$0xF0] =	vst v15  }
0x1be: {  	v36 =	vmul.f32 v27, v27;
	v37 =	vmul.f32 v32, v35;
	v15 =	vld [tilespmem:s7+$0xC0];
	[tilespmem:s0+$0xE0] =	vst v3  }
0x1bf: {  	v20 =	vadd.f32 v20, v12;
	v34 =	vmul.f32 v34, v33;
	v3 =	vld [tilespmem:s7+$0xE0];
	v38 =	vmul.f32 v30, v30;
	[tilespmem:s0+$0x50] =	vst v16  }
0x1c0: {  	v40 =	vmul.f32 v26, v26;
	v39 =	vmul.f32 v31, v31;
	v12 =	vld [tilespmem:s7+$0xD0];
	[tilespmem:s0+$0x70] =	vst v22  }
0x1c1: {  	v22 =	vmul.f32 v13, v13;
	v34 =	vsub.f32 $1.500000000e+00, v34;
	v16 =	vld [tilespmem:s7+$0x50];
	v20 =	vadd.f32 v38, v20;
	[tilespmem:s0+$0x60] =	vst v19  }
0x1c2: {  	v37 =	vmul.f32 v32, v37;
	v36 =	vadd.f32 v36, v39;
	v38 =	vmul.f32 v8, v8  }
0x1c3: {  	v33 =	vmul.f32 v34, v33;
	v19 =	vld [tilespmem:s7+$0x60];
	v39 =	vadd.f32 v22, v20;
	v41 =	vmul.f32 v15, v15  }
0x1c4: {  	v37 =	vsub.f32 $1.500000000e+00, v37;
	v34 =	vadd.f32 v40, v36;
	v36 =	vmul.f32 v5, v5;
	v20 =	vld [tilespmem:s7+$0xF0]  }
0x1c5: {  	v33 =	vmul.f32 $9.499999880e-01, v33;
	v22 =	vld [tilespmem:s7+$0x70];
	v39 =	vadd.f32 v41, v39;
	v40 =	vmul.f32 v12, v12  }
0x1c6: {  	v32 =	vmul.f32 v32, v37;
	v34 =	vadd.f32 v38, v34;
	v38 =	vmul.f32 v16, v16  }
0x1c7: {  	v33 =	vmin.f32 v33, $1.000000000e+00;
	v37 =	vadd.f32 v40, v39;
	v39 =	vmul.f32 v3, v3  }
0x1c8: {  	v34 =	vadd.f32 v36, v34;
	v11 =	vmul.f32 v33, v11;
	v36 =	vmul.f32 v19, v19  }
0x1c9: {  	v35 =	vmul.f32 v32, v35;
	v37 =	vadd.f32 v39, v37;
	v39 =	vmul.f32 v20, v20  }
0x1ca: {  	v4 =	vmul.f32 v33, v4;
	v34 =	vadd.f32 v38, v34;
	v38 =	vmul.f32 v22, v22;
	[tilespmem:s0+$0xFFFFFF60] =	vst v11  }
0x1cb: {  	v0 =	vmul.f32 v33, v0;
	v35 =	vmul.f32 v35, v32;
	v11 =	vld [tilespmem:s7+$0xFFFFFF60];
	v37 =	vadd.f32 v39, v37  }
0x1cc: {  	v1 =	vmul.f32 v33, v1;
	v2 =	vmul.f32 v33, v2;
	v34 =	vadd.f32 v36, v34;
	[tilespmem:s0+$0xFFFFFF30] =	vst v4  }
0x1cd: {  	v9 =	vmul.f32 v33, v9;
	v35 =	vsub.f32 $1.500000000e+00, v35;
	v4 =	vld [tilespmem:s7+$0xFFFFFF30];
	(xrf2) =	vadd.scan.msk.f32 $0xffff, v37;
	[tilespmem:s0+$0xFFFFFF00] =	vst v0  }
0x1ce: {  	v14 =	vmul.f32 v33, v14;
	v6 =	vmul.f32 v33, v6;
	v34 =	vadd.f32 v38, v34;
	v0 =	vld [tilespmem:s7+$0xFFFFFF00];
	[tilespmem:s0+$0xFFFFFF10] =	vst v1  }
0x1cf: {  	v32 =	vmul.f32 v35, v32;
	v1 =	vld [tilespmem:s7+$0xFFFFFF10];
	[tilespmem:s0+$0xFFFFFF20] =	vst v2  }
0x1d0: {  	v2 =	vld [tilespmem:s7+$0xFFFFFF20];
	(xrf2) =	vadd.scan.msk.f32 $0xffff, v34;
	[tilespmem:s0+$0xFFFFFF70] =	vst v6  }
0x1d1: {  	[tilespmem:s0+$0xFFFFFF50] =	vst v14;
	v14 =	vmul.f32 $9.499999880e-01, v32  }
0x1d2: {  	v32 =	vmul.f32 v11, v11;
	v6 =	vld [tilespmem:s7+$0xFFFFFF70];
	[tilespmem:s0+$0xFFFFFF40] =	vst v9  }
0x1d3: {  	v34 =	vmul.f32 v4, v4;
	v33 =	vmul.f32 v0, v0;
	v35 =	vmin.f32 v14, $1.000000000e+00  }
0x1d4: {  	v14 =	vmul.f32 v1, v1;
	v7 =	vmul.f32 v35, v7  }
0x1d5: {  	v10 =	vmul.f32 v35, v10;
	v36 =	vmul.f32 v2, v2  }
0x1d6: {  	v17 =	vmul.f32 v35, v17;
	v18 =	vmul.f32 v35, v18;
	v9 =	vld [tilespmem:s7+$0xFFFFFF40];
	v33 =	vadd.f32 v14, v33;
	[tilespmem:s0+$0xFFFFFF90] =	vst v7  }
0x1d7: {  	v21 =	vmul.f32 v35, v21;
	v23 =	vmul.f32 v35, v23;
	v14 =	vld [tilespmem:s7+$0xFFFFFF50];
	v37, _, _ =	vpop (xrf2);
	[tilespmem:s0+$0xFFFFFF80] =	vst v10  }
0x1d8: {  	v38 =	vadd.f32 v36, v33;
	v36 =	vmul.f32 v6, v6;
	v7 =	vld [tilespmem:s7+$0xFFFFFF90];
	v37 =	vmax.f32 v37, $1.000000050e-18;
	[tilespmem:s0+$0xFFFFFFB0] =	vst v18  }
0x1d9: {  	v10 =	vld [tilespmem:s7+$0xFFFFFF80];
	v37 =	vbroadcast v37, $0xF;
	[tilespmem:s0+$0xFFFFFFA0] =	vst v17;
	v17 =	vmul.f32 v35, v24  }
0x1da: {  	v25 =	vmul.f32 v35, v25;
	v24 =	vadd.f32 v34, v38;
	v33, _, _ =	vpop (xrf2);
	[tilespmem:s0+$0xFFFFFFC0] =	vst v21  }
0x1db: {  	v21 =	vmul.f32 v9, v9;
	v18 =	vld [tilespmem:s7+$0xFFFFFFB0];
	v33 =	vmax.f32 v33, $1.000000050e-18;
	v34 =	vshra.s32 v37, $0x1;
	[tilespmem:s0+$0xFFFFFFE0] =	vst v17  }
0x1dc: {  	v17 =	vld [tilespmem:s7+$0xFFFFFFA0];
	v33 =	vbroadcast v33, $0xF;
	v34 =	vsub.s32 $0x5F3759DF, v34;
	[tilespmem:s0+$0xFFFFFFD0] =	vst v23  }
0x1dd: {  	v37 =	vmul.f32 $5.000000000e-01, v37;
	v24 =	vadd.f32 v21, v24;
	v21 =	vld [tilespmem:s7+$0xFFFFFFC0];
	v35 =	vmul.f32 v7, v7;
	[tilespmem:s0+$0xFFFFFFF0] =	vst v25;
	s0 =	smov.u32 s7  }
0x1de: {  	v25 =	vmul.f32 v14, v14;
	v38 =	vshra.s32 v33, $0x1;
	v33 =	vmul.f32 $5.000000000e-01, v33  }
0x1df: {  	v40 =	vmul.f32 v34, v37;
	v39 =	vmul.f32 v10, v10;
	v23 =	vld [tilespmem:s7+$0xFFFFFFD0];
	v38 =	vsub.s32 $0x5F3759DF, v38  }
0x1e0: {  	v25 =	vadd.f32 v25, v24;
	v41 =	vmul.f32 v18, v18;
	v42 =	vmul.f32 v38, v33  }
0x1e1: {  	v40 =	vmul.f32 v34, v40;
	v35 =	vadd.f32 v35, v39;
	v24 =	vld [tilespmem:s7+$0xFFFFFFE0];
	v39 =	vmul.f32 v17, v17  }
0x1e2: {  	v25 =	vadd.f32 v32, v25;
	v32 =	vmul.f32 v21, v21;
	v42 =	vmul.f32 v38, v42  }
0x1e3: {  	v35 =	vadd.f32 v39, v35;
	v39 =	vsub.f32 $1.500000000e+00, v40  }
0x1e4: {  	v36 =	vadd.f32 v36, v25;
	v40 =	vmul.f32 v23, v23;
	v42 =	vsub.f32 $1.500000000e+00, v42  }
0x1e5: {  	v35 =	vadd.f32 v41, v35;
	v34 =	vmul.f32 v34, v39  }
0x1e6: {  	v25 =	vld [tilespmem:s7+$0xFFFFFFF0];
	v39 =	vmul.f32 v24, v24;
	v38 =	vmul.f32 v38, v42;
	(xrf2) =	vadd.scan.msk.f32 $0xffff, v36  }
0x1e7: {  	v32 =	vadd.f32 v32, v35;
	v35 =	vmul.f32 v34, v37  }
0x1e8: {  	v33 =	vmul.f32 v38, v33  }
0x1e9: {  	v32 =	vadd.f32 v40, v32;
	v35 =	vmul.f32 v35, v34  }
0x1ea: {  	v33 =	vmul.f32 v33, v38  }
0x1eb: {  	v32 =	vadd.f32 v39, v32;
	v36 =	vmul.f32 v25, v25;
	v35 =	vsub.f32 $1.500000000e+00, v35  }
0x1ec: {  	v33 =	vsub.f32 $1.500000000e+00, v33  }
0x1ed: {  	v36 =	vadd.f32 v36, v32;
	v34 =	vmul.f32 v35, v34  }
0x1ee: {  	v33 =	vmul.f32 v33, v38  }
0x1ef: {  	v34 =	vmul.f32 $9.499999880e-01, v34;
	(xrf2) =	vadd.scan.msk.f32 $0xffff, v36  }
0x1f0: {  	v33 =	vmul.f32 $9.499999880e-01, v33;
	v32, _, _ =	vpop (xrf2)  }
.Ltmp2:
0x1f1: {  	v35 =	vmax.f32 v32, $1.000000050e-18;
	v32 =	vmin.f32 v34, $1.000000000e+00;
	(pc) =	sbr.rel @p1 .LBB2_7-.Ltmp2, $4  }
0x1f2: {  	v34 =	vbroadcast v35, $0xF;
	v33 =	vmin.f32 v33, $1.000000000e+00;
	v35 =	vmul.f32 v32, v28  }
0x1f3: {  	v36 =	vmul.f32 v33, v31;
	v31 =	vmul.f32 v32, v29  }
0x1f4: {  	v28 =	vmul.f32 v33, v26;
	v29 =	vshra.s32 v34, $0x1;
	v34 =	vmul.f32 $5.000000000e-01, v34;
	[tilespmem:s7+$0x90] =	vst v35  }
0x1f5: {  	v30 =	vmul.f32 v32, v30;
	v35 =	vsub.s32 $0x5F3759DF, v29;
	[tilespmem:s7+$0x0] =	vst v36;
	v29 =	vmul.f32 v33, v27  }
0x1f6: {  	_ = 	snop  }
0x1f7: {  	v26 =	vmul.f32 v35, v34;
	_ =	sdelay $0x1  }
0x1f8: {  	v26 =	vmul.f32 v35, v26;
	v27, _, _ =	vpop (xrf2)  }
0x1f9: {  	v27 =	vmax.f32 v27, $1.000000050e-18  }
0x1fa: {  	v26 =	vsub.f32 $1.500000000e+00, v26;
	v27 =	vbroadcast v27, $0xF;
	_ =	sdelay $0x1  }
0x1fb: {  	v26 =	vmul.f32 v35, v26;
	v42 =	vshra.s32 v27, $0x1;
	v27 =	vmul.f32 $5.000000000e-01, v27  }
0x1fc: {  	[tilespmem:s0+$0x20] =	vst v28;
	v13 =	vmul.f32 v32, v13;
	v28 =	vsub.s32 $0x5F3759DF, v42  }
0x1fd: {  	[tilespmem:s0+$0x10] =	vst v29;
	v29 =	vmul.f32 v26, v34;
	v43 =	vmul.f32 v28, v27  }
0x1fe: {  	v8 =	vmul.f32 v33, v8;
	[tilespmem:s0+$0x80] =	vst v31  }
0x1ff: {  	[tilespmem:s0+$0xB0] =	vst v13;
	v13 =	vmul.f32 v29, v26;
	v29 =	vmul.f32 v28, v43  }
0x200: {  	v15 =	vmul.f32 v32, v15;
	[tilespmem:s0+$0xA0] =	vst v30  }
0x201: {  	[tilespmem:s0+$0x30] =	vst v8;
	v8 =	vmul.f32 v32, v12;
	v12 =	vsub.f32 $1.500000000e+00, v13;
	v13 =	vsub.f32 $1.500000000e+00, v29  }
0x202: {  	v5 =	vmul.f32 v33, v5;
	v3 =	vmul.f32 v32, v3;
	[tilespmem:s0+$0xC0] =	vst v15  }
0x203: {  	[tilespmem:s0+$0xD0] =	vst v8;
	v8 =	vmul.f32 v12, v26;
	v12 =	vmul.f32 v28, v13  }
0x204: {  	v15 =	vmul.f32 v32, v20;
	[tilespmem:s0+$0xE0] =	vst v3;
	v3 =	vmul.f32 v33, v19  }
0x205: {  	[tilespmem:s0+$0x40] =	vst v5;
	v5 =	vmul.f32 $9.499999880e-01, v8;
	v8 =	vmul.f32 v12, v27  }
0x206: {  	[tilespmem:s0+$0xF0] =	vst v15;
	v15 =	vmul.f32 v33, v22  }
0x207: {  	[tilespmem:s0+$0x60] =	vst v3;
	v13 =	vmul.f32 v33, v16;
	v5 =	vmin.f32 v5, $1.000000000e+00;
	v8 =	vmul.f32 v8, v12  }
0x208: {  	[tilespmem:s0+$0x70] =	vst v15;
	v11 =	vmul.f32 v5, v11  }
0x209: {  	[tilespmem:s0+$0x50] =	vst v13;
	v3 =	vmul.f32 v5, v4;
	v4 =	vsub.f32 $1.500000000e+00, v8  }
0x20a: {  	v0 =	vmul.f32 v5, v0;
	[tilespmem:s0+$0xFFFFFF60] =	vst v11  }
0x20b: {  	v1 =	vmul.f32 v5, v1;
	[tilespmem:s0+$0xFFFFFF30] =	vst v3;
	v3 =	vmul.f32 v4, v12  }
0x20c: {  	v2 =	vmul.f32 v5, v2;
	[tilespmem:s0+$0xFFFFFF00] =	vst v0  }
0x20d: {  	[tilespmem:s0+$0xFFFFFF10] =	vst v1;
	v0 =	vmul.f32 v5, v6;
	v1 =	vmul.f32 $9.499999880e-01, v3  }
0x20e: {  	[tilespmem:s0+$0xFFFFFF20] =	vst v2;
	v2 =	vmul.f32 v5, v9  }
0x20f: {  	[tilespmem:s0+$0xFFFFFF70] =	vst v0;
	v3 =	vmul.f32 v5, v14;
	v0 =	vmin.f32 v1, $1.000000000e+00  }
0x210: {  	[tilespmem:s0+$0xFFFFFF40] =	vst v2;
	v1 =	vmul.f32 v0, v7  }
0x211: {  	[tilespmem:s0+$0xFFFFFF50] =	vst v3;
	v2 =	vmul.f32 v0, v10  }
0x212: {  	v3 =	vmul.f32 v0, v17;
	[tilespmem:s0+$0xFFFFFF90] =	vst v1  }
0x213: {  	v1 =	vmul.f32 v0, v18;
	[tilespmem:s0+$0xFFFFFF80] =	vst v2  }
0x214: {  	v2 =	vmul.f32 v0, v21;
	[tilespmem:s0+$0xFFFFFFA0] =	vst v3  }
0x215: {  	v3 =	vmul.f32 v0, v23;
	[tilespmem:s0+$0xFFFFFFB0] =	vst v1  }
0x216: {  	v1 =	vmul.f32 v0, v24;
	[tilespmem:s0+$0xFFFFFFC0] =	vst v2  }
0x217: {  	s1 =	sadd.s32 s1, s9;
	v0 =	vmul.f32 v0, v25;
	[tilespmem:s0+$0xFFFFFFD0] =	vst v3  }
0x218: {  	s1 =	sshrl.u32 s1, $0x3;
	[tilespmem:s0+$0xFFFFFFE0] =	vst v1  }
0x219: {  	s1 =	sadd.s32 s3, s1;
	[tilespmem:s0+$0xFFFFFFF0] =	vst v0;
	s0 =	simm.s32 @!p0 $0xC  }
0x21a: {  	[hbm4b:s1+s4] =	stream.linear.scatter [tilespmem:s18], [sflag:$0x9], $0x4000, $0x38;
	[tilespmem:$0x19900] =	vst v63  }
0x21b: {  	s13 =	sadd.s32 $0x5, s13;
	_ =	swait.ge @!p0 [sflag:s0], $0x4000  }
0x21c: {  	s7 =	sshll.u32 s13, $0x7;
	[sflag:s0] =	ssyncset.done @!p0 $0x0  }
0x21d: {  	s17 =	sand.u32 $0x3FFFFF80, s7;
	[sflag:s0] =	ssyncadd.s32 @!p0 $0xFFFFC000  }
0x21e: {  	[tilespmem:s24], [sflag:$0x6] =	stream.indirect.gather [hbm4b:s2+s14], $0x80, s17, s14, $0xb8;
	[tilespmem:$0x19900] =	vst v63  }
0x21f: {  	_ =	swait.ge [sflag:s25], $0x4000  }
0x220: {  	[sflag:s25] =	ssyncset.done $0x0  }
0x221: {  	s1 =	simm.s32 $0xDA00;
	[sflag:s25] =	ssyncadd.s32 $0xFFFFC000  }
0x222: {  	v30 =	vld [tilespmem:s1+$0x90]  }
0x223: {  	v28 =	vld [tilespmem:s1+$0x80]  }
0x224: {  	v26 =	vld [tilespmem:s1+$0x10]  }
0x225: {  	v27 =	vld [tilespmem:s1+$0xA0]  }
0x226: {  	v31 =	vld [tilespmem:s1+$0x0]  }
0x227: {  	v13 =	vld [tilespmem:s1+$0xB0]  }
0x228: {  	v29 =	vld [tilespmem:s1+$0x20];
	v0 =	vmul.f32 v30, v30;
	v1 =	vmul.f32 v28, v28  }
0x229: {  	v15 =	vld [tilespmem:s1+$0xC0]  }
0x22a: {  	v8 =	vld [tilespmem:s1+$0x30];
	v0 =	vadd.f32 v0, v1;
	v1 =	vmul.f32 v27, v27  }
0x22b: {  	v12 =	vld [tilespmem:s1+$0xD0];
	v2 =	vmul.f32 v26, v26;
	v3 =	vmul.f32 v31, v31  }
0x22c: {  	v5 =	vld [tilespmem:s1+$0x40];
	v0 =	vadd.f32 v1, v0;
	v1 =	vmul.f32 v13, v13  }
0x22d: {  	v4 =	vmul.f32 v29, v29;
	v2 =	vadd.f32 v2, v3;
	v3 =	vld [tilespmem:s1+$0xE0]  }
0x22e: {  	v16 =	vld [tilespmem:s1+$0x50];
	v0 =	vadd.f32 v1, v0;
	v1 =	vmul.f32 v15, v15  }
0x22f: {  	v20 =	vld [tilespmem:s1+$0xF0];
	v6 =	vmul.f32 v8, v8;
	v2 =	vadd.f32 v4, v2  }
0x230: {  	v19 =	vld [tilespmem:s1+$0x60];
	v0 =	vadd.f32 v1, v0;
	v1 =	vmul.f32 v12, v12  }
0x231: {  	v4 =	vmul.f32 v5, v5;
	v2 =	vadd.f32 v6, v2  }
0x232: {  	v22 =	vld [tilespmem:s1+$0x70];
	v0 =	vadd.f32 v1, v0;
	v1 =	vmul.f32 v3, v3  }
0x233: {  	v6 =	vmul.f32 v16, v16;
	v2 =	vadd.f32 v4, v2  }
0x234: {  	v0 =	vadd.f32 v1, v0;
	v1 =	vmul.f32 v20, v20  }
0x235: {  	v4 =	vmul.f32 v19, v19;
	v2 =	vadd.f32 v6, v2  }
0x236: {  	v0 =	vadd.f32 v1, v0  }
0x237: {  	v6 =	vmul.f32 v22, v22;
	v1 =	vadd.f32 v4, v2  }
0x238: {  	(xrf2) =	vadd.scan.msk.f32 $0xffff, v0  }
0x239: {  	v2 =	vadd.f32 v6, v1;
	v1 =	vld [tilespmem:s1+$0xFFFFFF10];
	_ =	sdelay $0x1  }
0x23a: {  	v0 =	vld [tilespmem:s1+$0xFFFFFF00]  }
0x23b: {  	(xrf2) =	vadd.scan.msk.f32 $0xffff, v2;
	_ =	sdelay $0x1  }
0x23c: {  	v2 =	vld [tilespmem:s1+$0xFFFFFF20];
	v7 =	vmul.f32 v1, v1;
	_ =	sdelay $0x1  }
0x23d: {  	v4 =	vld [tilespmem:s1+$0xFFFFFF30];
	v6 =	vmul.f32 v0, v0;
	_ =	sdelay $0x1  }
0x23e: {  	v9 =	vld [tilespmem:s1+$0xFFFFFF40];
	v6 =	vadd.f32 v7, v6;
	v7, _, _ =	vpop (xrf2)  }
0x23f: {  	v10 =	vmul.f32 v2, v2;
	v7 =	vmax.f32 v7, $1.000000050e-18;
	_ =	sdelay $0x1  }
0x240: {  	v14 =	vld [tilespmem:s1+$0xFFFFFF50];
	v17 =	vmul.f32 v4, v4;
	v6 =	vadd.f32 v10, v6  }
0x241: {  	v10 =	vbroadcast v7, $0xF;
	v7, _, _ =	vpop (xrf2)  }
0x242: {  	v11 =	vld [tilespmem:s1+$0xFFFFFF60];
	v18 =	vmul.f32 v9, v9;
	v17 =	vadd.f32 v17, v6;
	v7 =	vmax.f32 v7, $1.000000050e-18  }
0x243: {  	v21 =	vshra.s32 v10, $0x1;
	v25 =	vmul.f32 $5.000000000e-01, v10;
	v10 =	vld [tilespmem:s1+$0xFFFFFF80];
	v23 =	vbroadcast v7, $0xF  }
0x244: {  	v18 =	vadd.f32 v18, v17;
	v7 =	vld [tilespmem:s1+$0xFFFFFF90]  }
0x245: {  	v6 =	vld [tilespmem:s1+$0xFFFFFF70];
	v24 =	vsub.s32 $0x5F3759DF, v21;
	v21 =	vmul.f32 v14, v14;
	v17 =	vshra.s32 v23, $0x1  }
0x246: {  	v44 =	vmul.f32 $5.000000000e-01, v23;
	v23 =	vmul.f32 v24, v25;
	v45 =	vsub.s32 $0x5F3759DF, v17;
	v17 =	vld [tilespmem:s1+$0xFFFFFFA0];
	_ =	sdelay $0x1  }
0x247: {  	v46 =	vmul.f32 v11, v11;
	v21 =	vadd.f32 v21, v18;
	v18 =	vld [tilespmem:s1+$0xFFFFFFB0];
	v23 =	vmul.f32 v24, v23  }
0x248: {  	v38 =	vmul.f32 v10, v10;
	v37 =	vmul.f32 v7, v7  }
0x249: {  	v34 =	vadd.f32 v46, v21;
	v21 =	vld [tilespmem:s1+$0xFFFFFFC0];
	v47 =	vmul.f32 v45, v44;
	v23 =	vsub.f32 $1.500000000e+00, v23  }
0x24a: {  	v36 =	vmul.f32 v6, v6;
	v48 =	vadd.f32 v37, v38;
	v49 =	vmul.f32 v17, v17  }
0x24b: {  	v35 =	vmul.f32 v45, v47;
	v50 =	vmul.f32 v24, v23;
	v23 =	vld [tilespmem:s1+$0xFFFFFFD0]  }
0x24c: {  	v34 =	vadd.f32 v36, v34;
	v51 =	vmul.f32 v18, v18;
	v52 =	vadd.f32 v49, v48  }
0x24d: {  	v35 =	vsub.f32 $1.500000000e+00, v35;
	v24 =	vld [tilespmem:s1+$0xFFFFFFE0];
	v25 =	vmul.f32 v50, v25  }
0x24e: {  	(xrf2) =	vadd.scan.msk.f32 $0xffff, v34;
	v53 =	vmul.f32 v21, v21;
	v34 =	vadd.f32 v51, v52  }
0x24f: {  	v33 =	vmul.f32 v45, v35;
	v54 =	vmul.f32 v25, v50;
	v25 =	vld [tilespmem:s1+$0xFFFFFFF0]  }
0x250: {  	v55 =	vmul.f32 v23, v23;
	v34 =	vadd.f32 v53, v34  }
0x251: {  	v32 =	vmul.f32 v33, v44  }
0x252: {  	v56 =	vmul.f32 v24, v24;
	v34 =	vadd.f32 v55, v34  }
0x253: {  	v32 =	vmul.f32 v32, v33  }
0x254: {  	v35 =	vsub.f32 $1.500000000e+00, v54;
	v58 =	vmul.f32 v25, v25;
	v57 =	vadd.f32 v56, v34  }
0x255: {  	v32 =	vsub.f32 $1.500000000e+00, v32  }
0x256: {  	v35 =	vmul.f32 v35, v50;
	v34 =	vadd.f32 v58, v57  }
0x257: {  	v32 =	vmul.f32 v32, v33  }
0x258: {  	v60, _, _ =	vpop (xrf2);
	v35 =	vmul.f32 $9.499999880e-01, v35;
	(xrf2) =	vadd.scan.msk.f32 $0xffff, v34  }
0x259: {  	v61 =	vmax.f32 v60, $1.000000050e-18;
	v59 =	vmul.f32 $9.499999880e-01, v32  }
0x25a: {  	v62 =	vbroadcast v61, $0xF;
	v32 =	vmin.f32 v35, $1.000000000e+00  }
0x25b: {  	v30 =	vmul.f32 v32, v30;
	v33 =	vmin.f32 v59, $1.000000000e+00  }
0x25c: {  	v34 =	vmul.f32 $5.000000000e-01, v62;
	v36 =	vmul.f32 v33, v31  }
0x25d: {  	v63 =	vshra.s32 v62, $0x1;
	v31 =	vmul.f32 v32, v28;
	v28 =	vmul.f32 v33, v29;
	[tilespmem:s1+$0x90] =	vst v30  }
0x25e: {  	s7 =	simm.s32 $0xDA00;
	s0 =	simm.s32 $0x0;
	v35 =	vsub.s32 $0x5F3759DF, v63;
	v29 =	vmul.f32 v33, v26;
	v30 =	vmul.f32 v32, v27;
	[tilespmem:s1+$0x0] =	vst v36  }
.LBB2_9:
0x25f: {  	s0 =	sadd.s32 $0x4, s0;
	v27 =	vmul.f32 v35, v34;
	[tilespmem:s1+$0x20] =	vst v28;
	v37 =	vmul.f32 v32, v13;
	s7 =	sadd.s32 $0x200, s7  }
0x260: {  	v8 =	vmul.f32 v33, v8;
	v15 =	vmul.f32 v32, v15;
	v26 =	vld [tilespmem:s7+$0x20];
	p0 =	slt.u32 s0, $0x7C;
	[tilespmem:s1+$0x10] =	vst v29  }
0x261: {  	v5 =	vmul.f32 v33, v5;
	v28 =	vld [tilespmem:s7+$0x90];
	v36 =	vmul.f32 v35, v27;
	[tilespmem:s1+$0x80] =	vst v31  }
0x262: {  	v16 =	vmul.f32 v33, v16;
	v19 =	vmul.f32 v33, v19;
	v29 =	vld [tilespmem:s7+$0x80];
	[tilespmem:s1+$0xB0] =	vst v37;
	v13, _, _ =	vpop (xrf2)  }
0x263: {  	v22 =	vmul.f32 v33, v22;
	v27 =	vld [tilespmem:s7+$0x10];
	v36 =	vsub.f32 $1.500000000e+00, v36;
	v13 =	vmax.f32 v13, $1.000000050e-18;
	[tilespmem:s1+$0x30] =	vst v8  }
0x264: {  	v3 =	vmul.f32 v32, v3;
	v8 =	vmul.f32 v32, v12;
	v31 =	vld [tilespmem:s7+$0x0];
	[tilespmem:s1+$0xA0] =	vst v30  }
0x265: {  	v12 =	vbroadcast v13, $0xF;
	v30 =	vld [tilespmem:s7+$0xA0];
	v33 =	vmul.f32 v35, v36;
	[tilespmem:s1+$0xC0] =	vst v15  }
0x266: {  	v15 =	vmul.f32 v32, v20;
	v13 =	vld [tilespmem:s7+$0xB0];
	[tilespmem:s1+$0xD0] =	vst v8  }
0x267: {  	v20 =	vmul.f32 v28, v28;
	v32 =	vshra.s32 v12, $0x1;
	v35 =	vmul.f32 $5.000000000e-01, v12;
	v8 =	vld [tilespmem:s7+$0x30];
	[tilespmem:s1+$0x40] =	vst v5  }
0x268: {  	v12 =	vmul.f32 v29, v29;
	v34 =	vmul.f32 v33, v34;
	v32 =	vsub.s32 $0x5F3759DF, v32;
	v5 =	vld [tilespmem:s7+$0x40];
	[tilespmem:s1+$0xF0] =	vst v15  }
0x269: {  	v36 =	vmul.f32 v27, v27;
	v37 =	vmul.f32 v32, v35;
	v15 =	vld [tilespmem:s7+$0xC0];
	[tilespmem:s1+$0xE0] =	vst v3  }
0x26a: {  	v20 =	vadd.f32 v20, v12;
	v34 =	vmul.f32 v34, v33;
	v3 =	vld [tilespmem:s7+$0xE0];
	v38 =	vmul.f32 v30, v30;
	[tilespmem:s1+$0x50] =	vst v16  }
0x26b: {  	v40 =	vmul.f32 v26, v26;
	v39 =	vmul.f32 v31, v31;
	v12 =	vld [tilespmem:s7+$0xD0];
	[tilespmem:s1+$0x70] =	vst v22  }
0x26c: {  	v22 =	vmul.f32 v13, v13;
	v34 =	vsub.f32 $1.500000000e+00, v34;
	v16 =	vld [tilespmem:s7+$0x50];
	v20 =	vadd.f32 v38, v20;
	[tilespmem:s1+$0x60] =	vst v19  }
0x26d: {  	v37 =	vmul.f32 v32, v37;
	v36 =	vadd.f32 v36, v39;
	v38 =	vmul.f32 v8, v8  }
0x26e: {  	v33 =	vmul.f32 v34, v33;
	v19 =	vld [tilespmem:s7+$0x60];
	v39 =	vadd.f32 v22, v20;
	v41 =	vmul.f32 v15, v15  }
0x26f: {  	v37 =	vsub.f32 $1.500000000e+00, v37;
	v34 =	vadd.f32 v40, v36;
	v36 =	vmul.f32 v5, v5;
	v20 =	vld [tilespmem:s7+$0xF0]  }
0x270: {  	v33 =	vmul.f32 $9.499999880e-01, v33;
	v22 =	vld [tilespmem:s7+$0x70];
	v39 =	vadd.f32 v41, v39;
	v40 =	vmul.f32 v12, v12  }
0x271: {  	v32 =	vmul.f32 v32, v37;
	v34 =	vadd.f32 v38, v34;
	v38 =	vmul.f32 v16, v16  }
0x272: {  	v33 =	vmin.f32 v33, $1.000000000e+00;
	v37 =	vadd.f32 v40, v39;
	v39 =	vmul.f32 v3, v3  }
0x273: {  	v34 =	vadd.f32 v36, v34;
	v11 =	vmul.f32 v33, v11;
	v36 =	vmul.f32 v19, v19  }
0x274: {  	v35 =	vmul.f32 v32, v35;
	v37 =	vadd.f32 v39, v37;
	v39 =	vmul.f32 v20, v20  }
0x275: {  	v4 =	vmul.f32 v33, v4;
	v34 =	vadd.f32 v38, v34;
	v38 =	vmul.f32 v22, v22;
	[tilespmem:s1+$0xFFFFFF60] =	vst v11  }
0x276: {  	v0 =	vmul.f32 v33, v0;
	v35 =	vmul.f32 v35, v32;
	v11 =	vld [tilespmem:s7+$0xFFFFFF60];
	v37 =	vadd.f32 v39, v37  }
0x277: {  	v1 =	vmul.f32 v33, v1;
	v2 =	vmul.f32 v33, v2;
	v34 =	vadd.f32 v36, v34;
	[tilespmem:s1+$0xFFFFFF30] =	vst v4  }
0x278: {  	v9 =	vmul.f32 v33, v9;
	v35 =	vsub.f32 $1.500000000e+00, v35;
	v4 =	vld [tilespmem:s7+$0xFFFFFF30];
	(xrf2) =	vadd.scan.msk.f32 $0xffff, v37;
	[tilespmem:s1+$0xFFFFFF00] =	vst v0  }
0x279: {  	v14 =	vmul.f32 v33, v14;
	v6 =	vmul.f32 v33, v6;
	v34 =	vadd.f32 v38, v34;
	v0 =	vld [tilespmem:s7+$0xFFFFFF00];
	[tilespmem:s1+$0xFFFFFF10] =	vst v1  }
0x27a: {  	v32 =	vmul.f32 v35, v32;
	v1 =	vld [tilespmem:s7+$0xFFFFFF10];
	[tilespmem:s1+$0xFFFFFF20] =	vst v2  }
0x27b: {  	v2 =	vld [tilespmem:s7+$0xFFFFFF20];
	(xrf2) =	vadd.scan.msk.f32 $0xffff, v34;
	[tilespmem:s1+$0xFFFFFF70] =	vst v6  }
0x27c: {  	[tilespmem:s1+$0xFFFFFF50] =	vst v14;
	v14 =	vmul.f32 $9.499999880e-01, v32  }
0x27d: {  	v32 =	vmul.f32 v11, v11;
	v6 =	vld [tilespmem:s7+$0xFFFFFF70];
	[tilespmem:s1+$0xFFFFFF40] =	vst v9  }
0x27e: {  	v34 =	vmul.f32 v4, v4;
	v33 =	vmul.f32 v0, v0;
	v35 =	vmin.f32 v14, $1.000000000e+00  }
0x27f: {  	v14 =	vmul.f32 v1, v1;
	v7 =	vmul.f32 v35, v7  }
0x280: {  	v10 =	vmul.f32 v35, v10;
	v36 =	vmul.f32 v2, v2  }
0x281: {  	v17 =	vmul.f32 v35, v17;
	v18 =	vmul.f32 v35, v18;
	v9 =	vld [tilespmem:s7+$0xFFFFFF40];
	v33 =	vadd.f32 v14, v33;
	[tilespmem:s1+$0xFFFFFF90] =	vst v7  }
0x282: {  	v21 =	vmul.f32 v35, v21;
	v23 =	vmul.f32 v35, v23;
	v14 =	vld [tilespmem:s7+$0xFFFFFF50];
	v37, _, _ =	vpop (xrf2);
	[tilespmem:s1+$0xFFFFFF80] =	vst v10  }
0x283: {  	v38 =	vadd.f32 v36, v33;
	v36 =	vmul.f32 v6, v6;
	v7 =	vld [tilespmem:s7+$0xFFFFFF90];
	v37 =	vmax.f32 v37, $1.000000050e-18;
	[tilespmem:s1+$0xFFFFFFB0] =	vst v18  }
0x284: {  	v10 =	vld [tilespmem:s7+$0xFFFFFF80];
	v37 =	vbroadcast v37, $0xF;
	[tilespmem:s1+$0xFFFFFFA0] =	vst v17;
	v17 =	vmul.f32 v35, v24  }
0x285: {  	v25 =	vmul.f32 v35, v25;
	v24 =	vadd.f32 v34, v38;
	v33, _, _ =	vpop (xrf2);
	[tilespmem:s1+$0xFFFFFFC0] =	vst v21  }
0x286: {  	v21 =	vmul.f32 v9, v9;
	v18 =	vld [tilespmem:s7+$0xFFFFFFB0];
	v33 =	vmax.f32 v33, $1.000000050e-18;
	v34 =	vshra.s32 v37, $0x1;
	[tilespmem:s1+$0xFFFFFFE0] =	vst v17  }
0x287: {  	v17 =	vld [tilespmem:s7+$0xFFFFFFA0];
	v33 =	vbroadcast v33, $0xF;
	v34 =	vsub.s32 $0x5F3759DF, v34;
	[tilespmem:s1+$0xFFFFFFD0] =	vst v23  }
0x288: {  	v37 =	vmul.f32 $5.000000000e-01, v37;
	v24 =	vadd.f32 v21, v24;
	v21 =	vld [tilespmem:s7+$0xFFFFFFC0];
	v35 =	vmul.f32 v7, v7;
	[tilespmem:s1+$0xFFFFFFF0] =	vst v25;
	s1 =	smov.u32 s7  }
0x289: {  	v25 =	vmul.f32 v14, v14;
	v38 =	vshra.s32 v33, $0x1;
	v33 =	vmul.f32 $5.000000000e-01, v33  }
0x28a: {  	v40 =	vmul.f32 v34, v37;
	v39 =	vmul.f32 v10, v10;
	v23 =	vld [tilespmem:s7+$0xFFFFFFD0];
	v38 =	vsub.s32 $0x5F3759DF, v38  }
0x28b: {  	v25 =	vadd.f32 v25, v24;
	v41 =	vmul.f32 v18, v18;
	v42 =	vmul.f32 v38, v33  }
0x28c: {  	v40 =	vmul.f32 v34, v40;
	v35 =	vadd.f32 v35, v39;
	v24 =	vld [tilespmem:s7+$0xFFFFFFE0];
	v39 =	vmul.f32 v17, v17  }
0x28d: {  	v25 =	vadd.f32 v32, v25;
	v32 =	vmul.f32 v21, v21;
	v42 =	vmul.f32 v38, v42  }
0x28e: {  	v35 =	vadd.f32 v39, v35;
	v39 =	vsub.f32 $1.500000000e+00, v40  }
0x28f: {  	v36 =	vadd.f32 v36, v25;
	v40 =	vmul.f32 v23, v23;
	v42 =	vsub.f32 $1.500000000e+00, v42  }
0x290: {  	v35 =	vadd.f32 v41, v35;
	v34 =	vmul.f32 v34, v39  }
0x291: {  	v25 =	vld [tilespmem:s7+$0xFFFFFFF0];
	v39 =	vmul.f32 v24, v24;
	v38 =	vmul.f32 v38, v42;
	(xrf2) =	vadd.scan.msk.f32 $0xffff, v36  }
0x292: {  	v32 =	vadd.f32 v32, v35;
	v35 =	vmul.f32 v34, v37  }
0x293: {  	v33 =	vmul.f32 v38, v33  }
0x294: {  	v32 =	vadd.f32 v40, v32;
	v35 =	vmul.f32 v35, v34  }
0x295: {  	v33 =	vmul.f32 v33, v38  }
0x296: {  	v32 =	vadd.f32 v39, v32;
	v36 =	vmul.f32 v25, v25;
	v35 =	vsub.f32 $1.500000000e+00, v35  }
0x297: {  	v33 =	vsub.f32 $1.500000000e+00, v33  }
0x298: {  	v36 =	vadd.f32 v36, v32;
	v34 =	vmul.f32 v35, v34  }
0x299: {  	v33 =	vmul.f32 v33, v38  }
0x29a: {  	v34 =	vmul.f32 $9.499999880e-01, v34;
	(xrf2) =	vadd.scan.msk.f32 $0xffff, v36  }
0x29b: {  	v33 =	vmul.f32 $9.499999880e-01, v33;
	v32, _, _ =	vpop (xrf2)  }
.Ltmp3:
0x29c: {  	v35 =	vmax.f32 v32, $1.000000050e-18;
	v32 =	vmin.f32 v34, $1.000000000e+00;
	(pc) =	sbr.rel @p0 .LBB2_9-.Ltmp3, $4  }
0x29d: {  	v34 =	vbroadcast v35, $0xF;
	v33 =	vmin.f32 v33, $1.000000000e+00;
	v35 =	vmul.f32 v32, v28  }
0x29e: {  	v36 =	vmul.f32 v33, v31;
	v31 =	vmul.f32 v32, v29  }
0x29f: {  	v28 =	vmul.f32 v33, v26;
	v29 =	vshra.s32 v34, $0x1;
	v34 =	vmul.f32 $5.000000000e-01, v34;
	[tilespmem:s7+$0x90] =	vst v35  }
0x2a0: {  	v30 =	vmul.f32 v32, v30;
	v35 =	vsub.s32 $0x5F3759DF, v29;
	[tilespmem:s7+$0x0] =	vst v36;
	v29 =	vmul.f32 v33, v27  }
0x2a1: {  	_ = 	snop  }
0x2a2: {  	v26 =	vmul.f32 v35, v34;
	_ =	sdelay $0x1  }
0x2a3: {  	v26 =	vmul.f32 v35, v26;
	v27, _, _ =	vpop (xrf2)  }
0x2a4: {  	v27 =	vmax.f32 v27, $1.000000050e-18  }
0x2a5: {  	v26 =	vsub.f32 $1.500000000e+00, v26;
	v27 =	vbroadcast v27, $0xF;
	_ =	sdelay $0x1  }
0x2a6: {  	v26 =	vmul.f32 v35, v26;
	v42 =	vshra.s32 v27, $0x1;
	v27 =	vmul.f32 $5.000000000e-01, v27  }
0x2a7: {  	[tilespmem:s1+$0x20] =	vst v28;
	v13 =	vmul.f32 v32, v13;
	v28 =	vsub.s32 $0x5F3759DF, v42  }
0x2a8: {  	[tilespmem:s1+$0x10] =	vst v29;
	v29 =	vmul.f32 v26, v34;
	v43 =	vmul.f32 v28, v27  }
0x2a9: {  	v8 =	vmul.f32 v33, v8;
	[tilespmem:s1+$0x80] =	vst v31  }
0x2aa: {  	[tilespmem:s1+$0xB0] =	vst v13;
	v13 =	vmul.f32 v29, v26;
	v29 =	vmul.f32 v28, v43  }
0x2ab: {  	v15 =	vmul.f32 v32, v15;
	[tilespmem:s1+$0xA0] =	vst v30  }
0x2ac: {  	[tilespmem:s1+$0x30] =	vst v8;
	v8 =	vmul.f32 v32, v12;
	v12 =	vsub.f32 $1.500000000e+00, v13;
	v13 =	vsub.f32 $1.500000000e+00, v29  }
0x2ad: {  	v5 =	vmul.f32 v33, v5;
	v3 =	vmul.f32 v32, v3;
	[tilespmem:s1+$0xC0] =	vst v15  }
0x2ae: {  	[tilespmem:s1+$0xD0] =	vst v8;
	v8 =	vmul.f32 v12, v26;
	v12 =	vmul.f32 v28, v13  }
0x2af: {  	v15 =	vmul.f32 v32, v20;
	[tilespmem:s1+$0xE0] =	vst v3;
	v3 =	vmul.f32 v33, v19  }
0x2b0: {  	[tilespmem:s1+$0x40] =	vst v5;
	v5 =	vmul.f32 $9.499999880e-01, v8;
	v8 =	vmul.f32 v12, v27  }
0x2b1: {  	[tilespmem:s1+$0xF0] =	vst v15;
	v15 =	vmul.f32 v33, v22  }
0x2b2: {  	[tilespmem:s1+$0x60] =	vst v3;
	v13 =	vmul.f32 v33, v16;
	v5 =	vmin.f32 v5, $1.000000000e+00;
	v8 =	vmul.f32 v8, v12  }
0x2b3: {  	[tilespmem:s1+$0x70] =	vst v15;
	v11 =	vmul.f32 v5, v11  }
0x2b4: {  	[tilespmem:s1+$0x50] =	vst v13;
	v3 =	vmul.f32 v5, v4;
	v4 =	vsub.f32 $1.500000000e+00, v8  }
0x2b5: {  	v0 =	vmul.f32 v5, v0;
	[tilespmem:s1+$0xFFFFFF60] =	vst v11  }
0x2b6: {  	v1 =	vmul.f32 v5, v1;
	[tilespmem:s1+$0xFFFFFF30] =	vst v3;
	v3 =	vmul.f32 v4, v12  }
0x2b7: {  	v2 =	vmul.f32 v5, v2;
	[tilespmem:s1+$0xFFFFFF00] =	vst v0  }
0x2b8: {  	[tilespmem:s1+$0xFFFFFF10] =	vst v1;
	v0 =	vmul.f32 v5, v6;
	v1 =	vmul.f32 $9.499999880e-01, v3  }
0x2b9: {  	[tilespmem:s1+$0xFFFFFF20] =	vst v2;
	v2 =	vmul.f32 v5, v9  }
0x2ba: {  	[tilespmem:s1+$0xFFFFFF70] =	vst v0;
	v3 =	vmul.f32 v5, v14;
	v0 =	vmin.f32 v1, $1.000000000e+00  }
0x2bb: {  	[tilespmem:s1+$0xFFFFFF40] =	vst v2;
	v1 =	vmul.f32 v0, v7  }
0x2bc: {  	[tilespmem:s1+$0xFFFFFF50] =	vst v3;
	v2 =	vmul.f32 v0, v10  }
0x2bd: {  	v3 =	vmul.f32 v0, v17;
	[tilespmem:s1+$0xFFFFFF90] =	vst v1  }
0x2be: {  	v1 =	vmul.f32 v0, v18;
	[tilespmem:s1+$0xFFFFFF80] =	vst v2  }
0x2bf: {  	v2 =	vmul.f32 v0, v21;
	[tilespmem:s1+$0xFFFFFFA0] =	vst v3  }
0x2c0: {  	v3 =	vmul.f32 v0, v23;
	[tilespmem:s1+$0xFFFFFFB0] =	vst v1  }
0x2c1: {  	s0 =	sshll.u32 s11, $0xE;
	v1 =	vmul.f32 v0, v24;
	[tilespmem:s1+$0xFFFFFFC0] =	vst v2  }
0x2c2: {  	s0 =	sadd.s32 s6, s0;
	v0 =	vmul.f32 v0, v25;
	[tilespmem:s1+$0xFFFFFFD0] =	vst v3  }
0x2c3: {  	s0 =	sshrl.u32 s0, $0x3;
	[tilespmem:s1+$0xFFFFFFE0] =	vst v1  }
0x2c4: {  	s17 =	smul.u32 $0xC00, s10;
	s0 =	sadd.s32 s3, s0;
	[tilespmem:s1+$0xFFFFFFF0] =	vst v0  }
0x2c5: {  	[hbm4b:s0+s4] =	stream.linear.scatter [tilespmem:s20], [sflag:$0xA], $0x4000, $0x38;
	[tilespmem:$0x19900] =	vst v63  }
0x2c6: {  	_ =	swait.ge [sflag:s26], $0x4000  }
0x2c7: {  	s11 =	sshra.s32 s17, $0x2;
	[sflag:s26] =	ssyncset.done $0x0  }
0x2c8: {  	s0 =	sadd.s32 $0x300, s11;
	[sflag:s26] =	ssyncadd.s32 $0xFFFFC000  }
0x2c9: {  	[tilespmem:s15], [sflag:$0x1] =	stream.indirect.gather [hbm4b:s2+s14], $0x80, s0, s14, $0xb8;
	[tilespmem:$0x19900] =	vst v63  }
0x2ca: {  	_ =	swait.ge [sflag:s28], $0x4000  }
0x2cb: {  	[sflag:s28] =	ssyncset.done $0x0  }
0x2cc: {  	s1 =	simm.s32 $0x11A00;
	[sflag:s28] =	ssyncadd.s32 $0xFFFFC000  }
0x2cd: {  	v30 =	vld [tilespmem:s1+$0x90]  }
0x2ce: {  	v28 =	vld [tilespmem:s1+$0x80]  }
0x2cf: {  	v26 =	vld [tilespmem:s1+$0x10]  }
0x2d0: {  	v27 =	vld [tilespmem:s1+$0xA0]  }
0x2d1: {  	v31 =	vld [tilespmem:s1+$0x0]  }
0x2d2: {  	v13 =	vld [tilespmem:s1+$0xB0]  }
0x2d3: {  	v29 =	vld [tilespmem:s1+$0x20];
	v0 =	vmul.f32 v30, v30;
	v1 =	vmul.f32 v28, v28  }
0x2d4: {  	v15 =	vld [tilespmem:s1+$0xC0]  }
0x2d5: {  	v8 =	vld [tilespmem:s1+$0x30];
	v0 =	vadd.f32 v0, v1;
	v1 =	vmul.f32 v27, v27  }
0x2d6: {  	v12 =	vld [tilespmem:s1+$0xD0];
	v2 =	vmul.f32 v26, v26;
	v3 =	vmul.f32 v31, v31  }
0x2d7: {  	v5 =	vld [tilespmem:s1+$0x40];
	v0 =	vadd.f32 v1, v0;
	v1 =	vmul.f32 v13, v13  }
0x2d8: {  	v4 =	vmul.f32 v29, v29;
	v2 =	vadd.f32 v2, v3;
	v3 =	vld [tilespmem:s1+$0xE0]  }
0x2d9: {  	v16 =	vld [tilespmem:s1+$0x50];
	v0 =	vadd.f32 v1, v0;
	v1 =	vmul.f32 v15, v15  }
0x2da: {  	v20 =	vld [tilespmem:s1+$0xF0];
	v6 =	vmul.f32 v8, v8;
	v2 =	vadd.f32 v4, v2  }
0x2db: {  	v19 =	vld [tilespmem:s1+$0x60];
	v0 =	vadd.f32 v1, v0;
	v1 =	vmul.f32 v12, v12  }
0x2dc: {  	v4 =	vmul.f32 v5, v5;
	v2 =	vadd.f32 v6, v2  }
0x2dd: {  	v22 =	vld [tilespmem:s1+$0x70];
	v0 =	vadd.f32 v1, v0;
	v1 =	vmul.f32 v3, v3  }
0x2de: {  	v6 =	vmul.f32 v16, v16;
	v2 =	vadd.f32 v4, v2  }
0x2df: {  	v0 =	vadd.f32 v1, v0;
	v1 =	vmul.f32 v20, v20  }
0x2e0: {  	v4 =	vmul.f32 v19, v19;
	v2 =	vadd.f32 v6, v2  }
0x2e1: {  	v0 =	vadd.f32 v1, v0  }
0x2e2: {  	v6 =	vmul.f32 v22, v22;
	v1 =	vadd.f32 v4, v2  }
0x2e3: {  	(xrf2) =	vadd.scan.msk.f32 $0xffff, v0  }
0x2e4: {  	v2 =	vadd.f32 v6, v1;
	v1 =	vld [tilespmem:s1+$0xFFFFFF10];
	_ =	sdelay $0x1  }
0x2e5: {  	v0 =	vld [tilespmem:s1+$0xFFFFFF00]  }
0x2e6: {  	(xrf2) =	vadd.scan.msk.f32 $0xffff, v2;
	_ =	sdelay $0x1  }
0x2e7: {  	v2 =	vld [tilespmem:s1+$0xFFFFFF20];
	v7 =	vmul.f32 v1, v1;
	_ =	sdelay $0x1  }
0x2e8: {  	v4 =	vld [tilespmem:s1+$0xFFFFFF30];
	v6 =	vmul.f32 v0, v0;
	_ =	sdelay $0x1  }
0x2e9: {  	v9 =	vld [tilespmem:s1+$0xFFFFFF40];
	v6 =	vadd.f32 v7, v6;
	v7, _, _ =	vpop (xrf2)  }
0x2ea: {  	v10 =	vmul.f32 v2, v2;
	v7 =	vmax.f32 v7, $1.000000050e-18;
	_ =	sdelay $0x1  }
0x2eb: {  	v14 =	vld [tilespmem:s1+$0xFFFFFF50];
	v17 =	vmul.f32 v4, v4;
	v6 =	vadd.f32 v10, v6  }
0x2ec: {  	v10 =	vbroadcast v7, $0xF;
	v7, _, _ =	vpop (xrf2)  }
0x2ed: {  	v11 =	vld [tilespmem:s1+$0xFFFFFF60];
	v18 =	vmul.f32 v9, v9;
	v17 =	vadd.f32 v17, v6;
	v7 =	vmax.f32 v7, $1.000000050e-18  }
0x2ee: {  	v21 =	vshra.s32 v10, $0x1;
	v25 =	vmul.f32 $5.000000000e-01, v10;
	v10 =	vld [tilespmem:s1+$0xFFFFFF80];
	v23 =	vbroadcast v7, $0xF  }
0x2ef: {  	v18 =	vadd.f32 v18, v17;
	v7 =	vld [tilespmem:s1+$0xFFFFFF90]  }
0x2f0: {  	v6 =	vld [tilespmem:s1+$0xFFFFFF70];
	v24 =	vsub.s32 $0x5F3759DF, v21;
	v21 =	vmul.f32 v14, v14;
	v17 =	vshra.s32 v23, $0x1  }
0x2f1: {  	v44 =	vmul.f32 $5.000000000e-01, v23;
	v23 =	vmul.f32 v24, v25;
	v45 =	vsub.s32 $0x5F3759DF, v17;
	v17 =	vld [tilespmem:s1+$0xFFFFFFA0];
	_ =	sdelay $0x1  }
0x2f2: {  	v46 =	vmul.f32 v11, v11;
	v21 =	vadd.f32 v21, v18;
	v18 =	vld [tilespmem:s1+$0xFFFFFFB0];
	v23 =	vmul.f32 v24, v23  }
0x2f3: {  	v38 =	vmul.f32 v10, v10;
	v37 =	vmul.f32 v7, v7  }
0x2f4: {  	v34 =	vadd.f32 v46, v21;
	v21 =	vld [tilespmem:s1+$0xFFFFFFC0];
	v47 =	vmul.f32 v45, v44;
	v23 =	vsub.f32 $1.500000000e+00, v23  }
0x2f5: {  	v36 =	vmul.f32 v6, v6;
	v48 =	vadd.f32 v37, v38;
	v49 =	vmul.f32 v17, v17  }
0x2f6: {  	v35 =	vmul.f32 v45, v47;
	v50 =	vmul.f32 v24, v23;
	v23 =	vld [tilespmem:s1+$0xFFFFFFD0]  }
0x2f7: {  	v34 =	vadd.f32 v36, v34;
	v51 =	vmul.f32 v18, v18;
	v52 =	vadd.f32 v49, v48  }
0x2f8: {  	v35 =	vsub.f32 $1.500000000e+00, v35;
	v24 =	vld [tilespmem:s1+$0xFFFFFFE0];
	v25 =	vmul.f32 v50, v25  }
0x2f9: {  	(xrf2) =	vadd.scan.msk.f32 $0xffff, v34;
	v53 =	vmul.f32 v21, v21;
	v34 =	vadd.f32 v51, v52  }
0x2fa: {  	v33 =	vmul.f32 v45, v35;
	v54 =	vmul.f32 v25, v50;
	v25 =	vld [tilespmem:s1+$0xFFFFFFF0]  }
0x2fb: {  	v55 =	vmul.f32 v23, v23;
	v34 =	vadd.f32 v53, v34  }
0x2fc: {  	v32 =	vmul.f32 v33, v44  }
0x2fd: {  	v56 =	vmul.f32 v24, v24;
	v34 =	vadd.f32 v55, v34  }
0x2fe: {  	v32 =	vmul.f32 v32, v33  }
0x2ff: {  	v35 =	vsub.f32 $1.500000000e+00, v54;
	v58 =	vmul.f32 v25, v25;
	v57 =	vadd.f32 v56, v34  }
0x300: {  	v32 =	vsub.f32 $1.500000000e+00, v32  }
0x301: {  	v35 =	vmul.f32 v35, v50;
	v34 =	vadd.f32 v58, v57  }
0x302: {  	v32 =	vmul.f32 v32, v33  }
0x303: {  	v60, _, _ =	vpop (xrf2);
	v35 =	vmul.f32 $9.499999880e-01, v35;
	(xrf2) =	vadd.scan.msk.f32 $0xffff, v34  }
0x304: {  	v61 =	vmax.f32 v60, $1.000000050e-18;
	v59 =	vmul.f32 $9.499999880e-01, v32  }
0x305: {  	v62 =	vbroadcast v61, $0xF;
	v32 =	vmin.f32 v35, $1.000000000e+00  }
0x306: {  	v30 =	vmul.f32 v32, v30;
	v33 =	vmin.f32 v59, $1.000000000e+00  }
0x307: {  	v34 =	vmul.f32 $5.000000000e-01, v62;
	v36 =	vmul.f32 v33, v31  }
0x308: {  	v63 =	vshra.s32 v62, $0x1;
	v31 =	vmul.f32 v32, v28;
	v28 =	vmul.f32 v33, v29;
	[tilespmem:s1+$0x90] =	vst v30  }
0x309: {  	s7 =	simm.s32 $0x11A00;
	s0 =	simm.s32 $0x0;
	v35 =	vsub.s32 $0x5F3759DF, v63;
	v29 =	vmul.f32 v33, v26;
	v30 =	vmul.f32 v32, v27;
	[tilespmem:s1+$0x0] =	vst v36  }
.LBB2_11:
0x30a: {  	s0 =	sadd.s32 $0x4, s0;
	v27 =	vmul.f32 v35, v34;
	[tilespmem:s1+$0x20] =	vst v28;
	v37 =	vmul.f32 v32, v13;
	s7 =	sadd.s32 $0x200, s7  }
0x30b: {  	v8 =	vmul.f32 v33, v8;
	v15 =	vmul.f32 v32, v15;
	v26 =	vld [tilespmem:s7+$0x20];
	p0 =	slt.u32 s0, $0x7C;
	[tilespmem:s1+$0x10] =	vst v29  }
0x30c: {  	v5 =	vmul.f32 v33, v5;
	v28 =	vld [tilespmem:s7+$0x90];
	v36 =	vmul.f32 v35, v27;
	[tilespmem:s1+$0x80] =	vst v31  }
0x30d: {  	v16 =	vmul.f32 v33, v16;
	v19 =	vmul.f32 v33, v19;
	v29 =	vld [tilespmem:s7+$0x80];
	[tilespmem:s1+$0xB0] =	vst v37;
	v13, _, _ =	vpop (xrf2)  }
0x30e: {  	v22 =	vmul.f32 v33, v22;
	v27 =	vld [tilespmem:s7+$0x10];
	v36 =	vsub.f32 $1.500000000e+00, v36;
	v13 =	vmax.f32 v13, $1.000000050e-18;
	[tilespmem:s1+$0x30] =	vst v8  }
0x30f: {  	v3 =	vmul.f32 v32, v3;
	v8 =	vmul.f32 v32, v12;
	v31 =	vld [tilespmem:s7+$0x0];
	[tilespmem:s1+$0xA0] =	vst v30  }
0x310: {  	v12 =	vbroadcast v13, $0xF;
	v30 =	vld [tilespmem:s7+$0xA0];
	v33 =	vmul.f32 v35, v36;
	[tilespmem:s1+$0xC0] =	vst v15  }
0x311: {  	v15 =	vmul.f32 v32, v20;
	v13 =	vld [tilespmem:s7+$0xB0];
	[tilespmem:s1+$0xD0] =	vst v8  }
0x312: {  	v20 =	vmul.f32 v28, v28;
	v32 =	vshra.s32 v12, $0x1;
	v35 =	vmul.f32 $5.000000000e-01, v12;
	v8 =	vld [tilespmem:s7+$0x30];
	[tilespmem:s1+$0x40] =	vst v5  }
0x313: {  	v12 =	vmul.f32 v29, v29;
	v34 =	vmul.f32 v33, v34;
	v32 =	vsub.s32 $0x5F3759DF, v32;
	v5 =	vld [tilespmem:s7+$0x40];
	[tilespmem:s1+$0xF0] =	vst v15  }
0x314: {  	v36 =	vmul.f32 v27, v27;
	v37 =	vmul.f32 v32, v35;
	v15 =	vld [tilespmem:s7+$0xC0];
	[tilespmem:s1+$0xE0] =	vst v3  }
0x315: {  	v20 =	vadd.f32 v20, v12;
	v34 =	vmul.f32 v34, v33;
	v3 =	vld [tilespmem:s7+$0xE0];
	v38 =	vmul.f32 v30, v30;
	[tilespmem:s1+$0x50] =	vst v16  }
0x316: {  	v40 =	vmul.f32 v26, v26;
	v39 =	vmul.f32 v31, v31;
	v12 =	vld [tilespmem:s7+$0xD0];
	[tilespmem:s1+$0x70] =	vst v22  }
0x317: {  	v22 =	vmul.f32 v13, v13;
	v34 =	vsub.f32 $1.500000000e+00, v34;
	v16 =	vld [tilespmem:s7+$0x50];
	v20 =	vadd.f32 v38, v20;
	[tilespmem:s1+$0x60] =	vst v19  }
0x318: {  	v37 =	vmul.f32 v32, v37;
	v36 =	vadd.f32 v36, v39;
	v38 =	vmul.f32 v8, v8  }
0x319: {  	v33 =	vmul.f32 v34, v33;
	v19 =	vld [tilespmem:s7+$0x60];
	v39 =	vadd.f32 v22, v20;
	v41 =	vmul.f32 v15, v15  }
0x31a: {  	v37 =	vsub.f32 $1.500000000e+00, v37;
	v34 =	vadd.f32 v40, v36;
	v36 =	vmul.f32 v5, v5;
	v20 =	vld [tilespmem:s7+$0xF0]  }
0x31b: {  	v33 =	vmul.f32 $9.499999880e-01, v33;
	v22 =	vld [tilespmem:s7+$0x70];
	v39 =	vadd.f32 v41, v39;
	v40 =	vmul.f32 v12, v12  }
0x31c: {  	v32 =	vmul.f32 v32, v37;
	v34 =	vadd.f32 v38, v34;
	v38 =	vmul.f32 v16, v16  }
0x31d: {  	v33 =	vmin.f32 v33, $1.000000000e+00;
	v37 =	vadd.f32 v40, v39;
	v39 =	vmul.f32 v3, v3  }
0x31e: {  	v34 =	vadd.f32 v36, v34;
	v11 =	vmul.f32 v33, v11;
	v36 =	vmul.f32 v19, v19  }
0x31f: {  	v35 =	vmul.f32 v32, v35;
	v37 =	vadd.f32 v39, v37;
	v39 =	vmul.f32 v20, v20  }
0x320: {  	v4 =	vmul.f32 v33, v4;
	v34 =	vadd.f32 v38, v34;
	v38 =	vmul.f32 v22, v22;
	[tilespmem:s1+$0xFFFFFF60] =	vst v11  }
0x321: {  	v0 =	vmul.f32 v33, v0;
	v35 =	vmul.f32 v35, v32;
	v11 =	vld [tilespmem:s7+$0xFFFFFF60];
	v37 =	vadd.f32 v39, v37  }
0x322: {  	v1 =	vmul.f32 v33, v1;
	v2 =	vmul.f32 v33, v2;
	v34 =	vadd.f32 v36, v34;
	[tilespmem:s1+$0xFFFFFF30] =	vst v4  }
0x323: {  	v9 =	vmul.f32 v33, v9;
	v35 =	vsub.f32 $1.500000000e+00, v35;
	v4 =	vld [tilespmem:s7+$0xFFFFFF30];
	(xrf2) =	vadd.scan.msk.f32 $0xffff, v37;
	[tilespmem:s1+$0xFFFFFF00] =	vst v0  }
0x324: {  	v14 =	vmul.f32 v33, v14;
	v6 =	vmul.f32 v33, v6;
	v34 =	vadd.f32 v38, v34;
	v0 =	vld [tilespmem:s7+$0xFFFFFF00];
	[tilespmem:s1+$0xFFFFFF10] =	vst v1  }
0x325: {  	v32 =	vmul.f32 v35, v32;
	v1 =	vld [tilespmem:s7+$0xFFFFFF10];
	[tilespmem:s1+$0xFFFFFF20] =	vst v2  }
0x326: {  	v2 =	vld [tilespmem:s7+$0xFFFFFF20];
	(xrf2) =	vadd.scan.msk.f32 $0xffff, v34;
	[tilespmem:s1+$0xFFFFFF70] =	vst v6  }
0x327: {  	[tilespmem:s1+$0xFFFFFF50] =	vst v14;
	v14 =	vmul.f32 $9.499999880e-01, v32  }
0x328: {  	v32 =	vmul.f32 v11, v11;
	v6 =	vld [tilespmem:s7+$0xFFFFFF70];
	[tilespmem:s1+$0xFFFFFF40] =	vst v9  }
0x329: {  	v34 =	vmul.f32 v4, v4;
	v33 =	vmul.f32 v0, v0;
	v35 =	vmin.f32 v14, $1.000000000e+00  }
0x32a: {  	v14 =	vmul.f32 v1, v1;
	v7 =	vmul.f32 v35, v7  }
0x32b: {  	v10 =	vmul.f32 v35, v10;
	v36 =	vmul.f32 v2, v2  }
0x32c: {  	v17 =	vmul.f32 v35, v17;
	v18 =	vmul.f32 v35, v18;
	v9 =	vld [tilespmem:s7+$0xFFFFFF40];
	v33 =	vadd.f32 v14, v33;
	[tilespmem:s1+$0xFFFFFF90] =	vst v7  }
0x32d: {  	v21 =	vmul.f32 v35, v21;
	v23 =	vmul.f32 v35, v23;
	v14 =	vld [tilespmem:s7+$0xFFFFFF50];
	v37, _, _ =	vpop (xrf2);
	[tilespmem:s1+$0xFFFFFF80] =	vst v10  }
0x32e: {  	v38 =	vadd.f32 v36, v33;
	v36 =	vmul.f32 v6, v6;
	v7 =	vld [tilespmem:s7+$0xFFFFFF90];
	v37 =	vmax.f32 v37, $1.000000050e-18;
	[tilespmem:s1+$0xFFFFFFB0] =	vst v18  }
0x32f: {  	v10 =	vld [tilespmem:s7+$0xFFFFFF80];
	v37 =	vbroadcast v37, $0xF;
	[tilespmem:s1+$0xFFFFFFA0] =	vst v17;
	v17 =	vmul.f32 v35, v24  }
0x330: {  	v25 =	vmul.f32 v35, v25;
	v24 =	vadd.f32 v34, v38;
	v33, _, _ =	vpop (xrf2);
	[tilespmem:s1+$0xFFFFFFC0] =	vst v21  }
0x331: {  	v21 =	vmul.f32 v9, v9;
	v18 =	vld [tilespmem:s7+$0xFFFFFFB0];
	v33 =	vmax.f32 v33, $1.000000050e-18;
	v34 =	vshra.s32 v37, $0x1;
	[tilespmem:s1+$0xFFFFFFE0] =	vst v17  }
0x332: {  	v17 =	vld [tilespmem:s7+$0xFFFFFFA0];
	v33 =	vbroadcast v33, $0xF;
	v34 =	vsub.s32 $0x5F3759DF, v34;
	[tilespmem:s1+$0xFFFFFFD0] =	vst v23  }
0x333: {  	v37 =	vmul.f32 $5.000000000e-01, v37;
	v24 =	vadd.f32 v21, v24;
	v21 =	vld [tilespmem:s7+$0xFFFFFFC0];
	v35 =	vmul.f32 v7, v7;
	[tilespmem:s1+$0xFFFFFFF0] =	vst v25;
	s1 =	smov.u32 s7  }
0x334: {  	v25 =	vmul.f32 v14, v14;
	v38 =	vshra.s32 v33, $0x1;
	v33 =	vmul.f32 $5.000000000e-01, v33  }
0x335: {  	v40 =	vmul.f32 v34, v37;
	v39 =	vmul.f32 v10, v10;
	v23 =	vld [tilespmem:s7+$0xFFFFFFD0];
	v38 =	vsub.s32 $0x5F3759DF, v38  }
0x336: {  	v25 =	vadd.f32 v25, v24;
	v41 =	vmul.f32 v18, v18;
	v42 =	vmul.f32 v38, v33  }
0x337: {  	v40 =	vmul.f32 v34, v40;
	v35 =	vadd.f32 v35, v39;
	v24 =	vld [tilespmem:s7+$0xFFFFFFE0];
	v39 =	vmul.f32 v17, v17  }
0x338: {  	v25 =	vadd.f32 v32, v25;
	v32 =	vmul.f32 v21, v21;
	v42 =	vmul.f32 v38, v42  }
0x339: {  	v35 =	vadd.f32 v39, v35;
	v39 =	vsub.f32 $1.500000000e+00, v40  }
0x33a: {  	v36 =	vadd.f32 v36, v25;
	v40 =	vmul.f32 v23, v23;
	v42 =	vsub.f32 $1.500000000e+00, v42  }
0x33b: {  	v35 =	vadd.f32 v41, v35;
	v34 =	vmul.f32 v34, v39  }
0x33c: {  	v25 =	vld [tilespmem:s7+$0xFFFFFFF0];
	v39 =	vmul.f32 v24, v24;
	v38 =	vmul.f32 v38, v42;
	(xrf2) =	vadd.scan.msk.f32 $0xffff, v36  }
0x33d: {  	v32 =	vadd.f32 v32, v35;
	v35 =	vmul.f32 v34, v37  }
0x33e: {  	v33 =	vmul.f32 v38, v33  }
0x33f: {  	v32 =	vadd.f32 v40, v32;
	v35 =	vmul.f32 v35, v34  }
0x340: {  	v33 =	vmul.f32 v33, v38  }
0x341: {  	v32 =	vadd.f32 v39, v32;
	v36 =	vmul.f32 v25, v25;
	v35 =	vsub.f32 $1.500000000e+00, v35  }
0x342: {  	v33 =	vsub.f32 $1.500000000e+00, v33  }
0x343: {  	v36 =	vadd.f32 v36, v32;
	v34 =	vmul.f32 v35, v34  }
0x344: {  	v33 =	vmul.f32 v33, v38  }
0x345: {  	v34 =	vmul.f32 $9.499999880e-01, v34;
	(xrf2) =	vadd.scan.msk.f32 $0xffff, v36  }
0x346: {  	v33 =	vmul.f32 $9.499999880e-01, v33;
	v32, _, _ =	vpop (xrf2)  }
.Ltmp4:
0x347: {  	v35 =	vmax.f32 v32, $1.000000050e-18;
	v32 =	vmin.f32 v34, $1.000000000e+00;
	(pc) =	sbr.rel @p0 .LBB2_11-.Ltmp4, $4  }
0x348: {  	v34 =	vbroadcast v35, $0xF;
	v33 =	vmin.f32 v33, $1.000000000e+00;
	v35 =	vmul.f32 v32, v28  }
0x349: {  	v36 =	vmul.f32 v33, v31;
	v31 =	vmul.f32 v32, v29  }
0x34a: {  	v28 =	vmul.f32 v33, v26;
	v29 =	vshra.s32 v34, $0x1;
	v34 =	vmul.f32 $5.000000000e-01, v34;
	[tilespmem:s7+$0x90] =	vst v35  }
0x34b: {  	v30 =	vmul.f32 v32, v30;
	v35 =	vsub.s32 $0x5F3759DF, v29;
	[tilespmem:s7+$0x0] =	vst v36;
	v29 =	vmul.f32 v33, v27  }
0x34c: {  	_ = 	snop  }
0x34d: {  	v26 =	vmul.f32 v35, v34;
	_ =	sdelay $0x1  }
0x34e: {  	v26 =	vmul.f32 v35, v26;
	v27, _, _ =	vpop (xrf2)  }
0x34f: {  	v27 =	vmax.f32 v27, $1.000000050e-18  }
0x350: {  	v26 =	vsub.f32 $1.500000000e+00, v26;
	v27 =	vbroadcast v27, $0xF;
	_ =	sdelay $0x1  }
0x351: {  	v26 =	vmul.f32 v35, v26;
	v42 =	vshra.s32 v27, $0x1;
	v27 =	vmul.f32 $5.000000000e-01, v27  }
0x352: {  	[tilespmem:s1+$0x20] =	vst v28;
	v13 =	vmul.f32 v32, v13;
	v28 =	vsub.s32 $0x5F3759DF, v42  }
0x353: {  	[tilespmem:s1+$0x10] =	vst v29;
	v29 =	vmul.f32 v26, v34;
	v43 =	vmul.f32 v28, v27  }
0x354: {  	v8 =	vmul.f32 v33, v8;
	[tilespmem:s1+$0x80] =	vst v31  }
0x355: {  	[tilespmem:s1+$0xB0] =	vst v13;
	v13 =	vmul.f32 v29, v26;
	v29 =	vmul.f32 v28, v43  }
0x356: {  	v15 =	vmul.f32 v32, v15;
	[tilespmem:s1+$0xA0] =	vst v30  }
0x357: {  	[tilespmem:s1+$0x30] =	vst v8;
	v8 =	vmul.f32 v32, v12;
	v12 =	vsub.f32 $1.500000000e+00, v13;
	v13 =	vsub.f32 $1.500000000e+00, v29  }
0x358: {  	v5 =	vmul.f32 v33, v5;
	v3 =	vmul.f32 v32, v3;
	[tilespmem:s1+$0xC0] =	vst v15  }
0x359: {  	[tilespmem:s1+$0xD0] =	vst v8;
	v8 =	vmul.f32 v12, v26;
	v12 =	vmul.f32 v28, v13  }
0x35a: {  	v15 =	vmul.f32 v32, v20;
	[tilespmem:s1+$0xE0] =	vst v3;
	v3 =	vmul.f32 v33, v19  }
0x35b: {  	[tilespmem:s1+$0x40] =	vst v5;
	v5 =	vmul.f32 $9.499999880e-01, v8;
	v8 =	vmul.f32 v12, v27  }
0x35c: {  	[tilespmem:s1+$0xF0] =	vst v15;
	v15 =	vmul.f32 v33, v22  }
0x35d: {  	[tilespmem:s1+$0x60] =	vst v3;
	v13 =	vmul.f32 v33, v16;
	v5 =	vmin.f32 v5, $1.000000000e+00;
	v8 =	vmul.f32 v8, v12  }
0x35e: {  	[tilespmem:s1+$0x70] =	vst v15;
	v11 =	vmul.f32 v5, v11  }
0x35f: {  	[tilespmem:s1+$0x50] =	vst v13;
	v3 =	vmul.f32 v5, v4;
	v4 =	vsub.f32 $1.500000000e+00, v8  }
0x360: {  	v0 =	vmul.f32 v5, v0;
	[tilespmem:s1+$0xFFFFFF60] =	vst v11  }
0x361: {  	v1 =	vmul.f32 v5, v1;
	[tilespmem:s1+$0xFFFFFF30] =	vst v3;
	v3 =	vmul.f32 v4, v12  }
0x362: {  	v2 =	vmul.f32 v5, v2;
	[tilespmem:s1+$0xFFFFFF00] =	vst v0  }
0x363: {  	[tilespmem:s1+$0xFFFFFF10] =	vst v1;
	v0 =	vmul.f32 v5, v6;
	v1 =	vmul.f32 $9.499999880e-01, v3  }
0x364: {  	[tilespmem:s1+$0xFFFFFF20] =	vst v2;
	v2 =	vmul.f32 v5, v9  }
0x365: {  	[tilespmem:s1+$0xFFFFFF70] =	vst v0;
	v3 =	vmul.f32 v5, v14;
	v0 =	vmin.f32 v1, $1.000000000e+00  }
0x366: {  	[tilespmem:s1+$0xFFFFFF40] =	vst v2;
	v1 =	vmul.f32 v0, v7  }
0x367: {  	[tilespmem:s1+$0xFFFFFF50] =	vst v3;
	v2 =	vmul.f32 v0, v10  }
0x368: {  	v3 =	vmul.f32 v0, v17;
	[tilespmem:s1+$0xFFFFFF90] =	vst v1  }
0x369: {  	v1 =	vmul.f32 v0, v18;
	[tilespmem:s1+$0xFFFFFF80] =	vst v2  }
0x36a: {  	v2 =	vmul.f32 v0, v21;
	[tilespmem:s1+$0xFFFFFFA0] =	vst v3  }
0x36b: {  	v3 =	vmul.f32 v0, v23;
	[tilespmem:s1+$0xFFFFFFB0] =	vst v1  }
0x36c: {  	s0 =	sshll.u32 s12, $0xE;
	v1 =	vmul.f32 v0, v24;
	[tilespmem:s1+$0xFFFFFFC0] =	vst v2  }
0x36d: {  	s0 =	sadd.s32 s6, s0;
	v0 =	vmul.f32 v0, v25;
	[tilespmem:s1+$0xFFFFFFD0] =	vst v3  }
0x36e: {  	s0 =	sshrl.u32 s0, $0x3;
	[tilespmem:s1+$0xFFFFFFE0] =	vst v1  }
0x36f: {  	s0 =	sadd.s32 s3, s0;
	[tilespmem:s1+$0xFFFFFFF0] =	vst v0  }
0x370: {  	[hbm4b:s0+s4] =	stream.linear.scatter [tilespmem:s22], [sflag:$0xB], $0x4000, $0x38;
	[tilespmem:$0x19900] =	vst v63  }
0x371: {  	_ =	swait.ge [sflag:s29], $0x4000  }
0x372: {  	[sflag:s29] =	ssyncset.done $0x0  }
0x373: {  	s17 =	sadd.s32 $0x380, s11;
	[sflag:s29] =	ssyncadd.s32 $0xFFFFC000  }
0x374: {  	[tilespmem:s16], [sflag:$0x2] =	stream.indirect.gather [hbm4b:s2+s14], $0x80, s17, s14, $0xb8;
	[tilespmem:$0x19900] =	vst v63  }
0x375: {  	_ =	swait.ge [sflag:s30], $0x4000  }
0x376: {  	[sflag:s30] =	ssyncset.done $0x0  }
0x377: {  	s1 =	simm.s32 $0x15A00;
	[sflag:s30] =	ssyncadd.s32 $0xFFFFC000  }
0x378: {  	v30 =	vld [tilespmem:s1+$0x90]  }
0x379: {  	v28 =	vld [tilespmem:s1+$0x80]  }
0x37a: {  	v26 =	vld [tilespmem:s1+$0x10]  }
0x37b: {  	v27 =	vld [tilespmem:s1+$0xA0]  }
0x37c: {  	v31 =	vld [tilespmem:s1+$0x0]  }
0x37d: {  	v13 =	vld [tilespmem:s1+$0xB0]  }
0x37e: {  	v29 =	vld [tilespmem:s1+$0x20];
	v0 =	vmul.f32 v30, v30;
	v1 =	vmul.f32 v28, v28  }
0x37f: {  	v15 =	vld [tilespmem:s1+$0xC0]  }
0x380: {  	v8 =	vld [tilespmem:s1+$0x30];
	v0 =	vadd.f32 v0, v1;
	v1 =	vmul.f32 v27, v27  }
0x381: {  	v12 =	vld [tilespmem:s1+$0xD0];
	v2 =	vmul.f32 v26, v26;
	v3 =	vmul.f32 v31, v31  }
0x382: {  	v5 =	vld [tilespmem:s1+$0x40];
	v0 =	vadd.f32 v1, v0;
	v1 =	vmul.f32 v13, v13  }
0x383: {  	v4 =	vmul.f32 v29, v29;
	v2 =	vadd.f32 v2, v3;
	v3 =	vld [tilespmem:s1+$0xE0]  }
0x384: {  	v16 =	vld [tilespmem:s1+$0x50];
	v0 =	vadd.f32 v1, v0;
	v1 =	vmul.f32 v15, v15  }
0x385: {  	v20 =	vld [tilespmem:s1+$0xF0];
	v6 =	vmul.f32 v8, v8;
	v2 =	vadd.f32 v4, v2  }
0x386: {  	v19 =	vld [tilespmem:s1+$0x60];
	v0 =	vadd.f32 v1, v0;
	v1 =	vmul.f32 v12, v12  }
0x387: {  	v4 =	vmul.f32 v5, v5;
	v2 =	vadd.f32 v6, v2  }
0x388: {  	v22 =	vld [tilespmem:s1+$0x70];
	v0 =	vadd.f32 v1, v0;
	v1 =	vmul.f32 v3, v3  }
0x389: {  	v6 =	vmul.f32 v16, v16;
	v2 =	vadd.f32 v4, v2  }
0x38a: {  	v0 =	vadd.f32 v1, v0;
	v1 =	vmul.f32 v20, v20  }
0x38b: {  	v4 =	vmul.f32 v19, v19;
	v2 =	vadd.f32 v6, v2  }
0x38c: {  	v0 =	vadd.f32 v1, v0  }
0x38d: {  	v6 =	vmul.f32 v22, v22;
	v1 =	vadd.f32 v4, v2  }
0x38e: {  	(xrf2) =	vadd.scan.msk.f32 $0xffff, v0  }
0x38f: {  	v2 =	vadd.f32 v6, v1;
	v1 =	vld [tilespmem:s1+$0xFFFFFF10];
	_ =	sdelay $0x1  }
0x390: {  	v0 =	vld [tilespmem:s1+$0xFFFFFF00]  }
0x391: {  	(xrf2) =	vadd.scan.msk.f32 $0xffff, v2;
	_ =	sdelay $0x1  }
0x392: {  	v2 =	vld [tilespmem:s1+$0xFFFFFF20];
	v7 =	vmul.f32 v1, v1;
	_ =	sdelay $0x1  }
0x393: {  	v4 =	vld [tilespmem:s1+$0xFFFFFF30];
	v6 =	vmul.f32 v0, v0;
	_ =	sdelay $0x1  }
0x394: {  	v9 =	vld [tilespmem:s1+$0xFFFFFF40];
	v6 =	vadd.f32 v7, v6;
	v7, _, _ =	vpop (xrf2)  }
0x395: {  	v10 =	vmul.f32 v2, v2;
	v7 =	vmax.f32 v7, $1.000000050e-18;
	_ =	sdelay $0x1  }
0x396: {  	v14 =	vld [tilespmem:s1+$0xFFFFFF50];
	v17 =	vmul.f32 v4, v4;
	v6 =	vadd.f32 v10, v6  }
0x397: {  	v10 =	vbroadcast v7, $0xF;
	v7, _, _ =	vpop (xrf2)  }
0x398: {  	v11 =	vld [tilespmem:s1+$0xFFFFFF60];
	v18 =	vmul.f32 v9, v9;
	v17 =	vadd.f32 v17, v6;
	v7 =	vmax.f32 v7, $1.000000050e-18  }
0x399: {  	v21 =	vshra.s32 v10, $0x1;
	v25 =	vmul.f32 $5.000000000e-01, v10;
	v10 =	vld [tilespmem:s1+$0xFFFFFF80];
	v23 =	vbroadcast v7, $0xF  }
0x39a: {  	v18 =	vadd.f32 v18, v17;
	v7 =	vld [tilespmem:s1+$0xFFFFFF90]  }
0x39b: {  	v6 =	vld [tilespmem:s1+$0xFFFFFF70];
	v24 =	vsub.s32 $0x5F3759DF, v21;
	v21 =	vmul.f32 v14, v14;
	v17 =	vshra.s32 v23, $0x1  }
0x39c: {  	v44 =	vmul.f32 $5.000000000e-01, v23;
	v23 =	vmul.f32 v24, v25;
	v45 =	vsub.s32 $0x5F3759DF, v17;
	v17 =	vld [tilespmem:s1+$0xFFFFFFA0];
	_ =	sdelay $0x1  }
0x39d: {  	v46 =	vmul.f32 v11, v11;
	v21 =	vadd.f32 v21, v18;
	v18 =	vld [tilespmem:s1+$0xFFFFFFB0];
	v23 =	vmul.f32 v24, v23  }
0x39e: {  	v38 =	vmul.f32 v10, v10;
	v37 =	vmul.f32 v7, v7  }
0x39f: {  	v34 =	vadd.f32 v46, v21;
	v21 =	vld [tilespmem:s1+$0xFFFFFFC0];
	v47 =	vmul.f32 v45, v44;
	v23 =	vsub.f32 $1.500000000e+00, v23  }
0x3a0: {  	v36 =	vmul.f32 v6, v6;
	v48 =	vadd.f32 v37, v38;
	v49 =	vmul.f32 v17, v17  }
0x3a1: {  	v35 =	vmul.f32 v45, v47;
	v50 =	vmul.f32 v24, v23;
	v23 =	vld [tilespmem:s1+$0xFFFFFFD0]  }
0x3a2: {  	v34 =	vadd.f32 v36, v34;
	v51 =	vmul.f32 v18, v18;
	v52 =	vadd.f32 v49, v48  }
0x3a3: {  	v35 =	vsub.f32 $1.500000000e+00, v35;
	v24 =	vld [tilespmem:s1+$0xFFFFFFE0];
	v25 =	vmul.f32 v50, v25  }
0x3a4: {  	(xrf2) =	vadd.scan.msk.f32 $0xffff, v34;
	v53 =	vmul.f32 v21, v21;
	v34 =	vadd.f32 v51, v52  }
0x3a5: {  	v33 =	vmul.f32 v45, v35;
	v54 =	vmul.f32 v25, v50;
	v25 =	vld [tilespmem:s1+$0xFFFFFFF0]  }
0x3a6: {  	v55 =	vmul.f32 v23, v23;
	v34 =	vadd.f32 v53, v34  }
0x3a7: {  	v32 =	vmul.f32 v33, v44  }
0x3a8: {  	v56 =	vmul.f32 v24, v24;
	v34 =	vadd.f32 v55, v34  }
0x3a9: {  	v32 =	vmul.f32 v32, v33  }
0x3aa: {  	v35 =	vsub.f32 $1.500000000e+00, v54;
	v58 =	vmul.f32 v25, v25;
	v57 =	vadd.f32 v56, v34  }
0x3ab: {  	v32 =	vsub.f32 $1.500000000e+00, v32  }
0x3ac: {  	v35 =	vmul.f32 v35, v50;
	v34 =	vadd.f32 v58, v57  }
0x3ad: {  	v32 =	vmul.f32 v32, v33  }
0x3ae: {  	v60, _, _ =	vpop (xrf2);
	v35 =	vmul.f32 $9.499999880e-01, v35;
	(xrf2) =	vadd.scan.msk.f32 $0xffff, v34  }
0x3af: {  	v61 =	vmax.f32 v60, $1.000000050e-18;
	v59 =	vmul.f32 $9.499999880e-01, v32  }
0x3b0: {  	v62 =	vbroadcast v61, $0xF;
	v32 =	vmin.f32 v35, $1.000000000e+00  }
0x3b1: {  	v30 =	vmul.f32 v32, v30;
	v33 =	vmin.f32 v59, $1.000000000e+00  }
0x3b2: {  	v34 =	vmul.f32 $5.000000000e-01, v62;
	v36 =	vmul.f32 v33, v31  }
0x3b3: {  	v63 =	vshra.s32 v62, $0x1;
	v31 =	vmul.f32 v32, v28;
	v28 =	vmul.f32 v33, v29;
	[tilespmem:s1+$0x90] =	vst v30  }
0x3b4: {  	s7 =	simm.s32 $0x15A00;
	s0 =	simm.s32 $0x0;
	v35 =	vsub.s32 $0x5F3759DF, v63;
	v29 =	vmul.f32 v33, v26;
	v30 =	vmul.f32 v32, v27;
	[tilespmem:s1+$0x0] =	vst v36  }
.LBB2_13:
0x3b5: {  	s0 =	sadd.s32 $0x4, s0;
	v27 =	vmul.f32 v35, v34;
	[tilespmem:s1+$0x20] =	vst v28;
	v37 =	vmul.f32 v32, v13;
	s7 =	sadd.s32 $0x200, s7  }
0x3b6: {  	v8 =	vmul.f32 v33, v8;
	v15 =	vmul.f32 v32, v15;
	v26 =	vld [tilespmem:s7+$0x20];
	p0 =	slt.u32 s0, $0x7C;
	[tilespmem:s1+$0x10] =	vst v29  }
0x3b7: {  	v5 =	vmul.f32 v33, v5;
	v28 =	vld [tilespmem:s7+$0x90];
	v36 =	vmul.f32 v35, v27;
	[tilespmem:s1+$0x80] =	vst v31  }
0x3b8: {  	v16 =	vmul.f32 v33, v16;
	v19 =	vmul.f32 v33, v19;
	v29 =	vld [tilespmem:s7+$0x80];
	[tilespmem:s1+$0xB0] =	vst v37;
	v13, _, _ =	vpop (xrf2)  }
0x3b9: {  	v22 =	vmul.f32 v33, v22;
	v27 =	vld [tilespmem:s7+$0x10];
	v36 =	vsub.f32 $1.500000000e+00, v36;
	v13 =	vmax.f32 v13, $1.000000050e-18;
	[tilespmem:s1+$0x30] =	vst v8  }
0x3ba: {  	v3 =	vmul.f32 v32, v3;
	v8 =	vmul.f32 v32, v12;
	v31 =	vld [tilespmem:s7+$0x0];
	[tilespmem:s1+$0xA0] =	vst v30  }
0x3bb: {  	v12 =	vbroadcast v13, $0xF;
	v30 =	vld [tilespmem:s7+$0xA0];
	v33 =	vmul.f32 v35, v36;
	[tilespmem:s1+$0xC0] =	vst v15  }
0x3bc: {  	v15 =	vmul.f32 v32, v20;
	v13 =	vld [tilespmem:s7+$0xB0];
	[tilespmem:s1+$0xD0] =	vst v8  }
0x3bd: {  	v20 =	vmul.f32 v28, v28;
	v32 =	vshra.s32 v12, $0x1;
	v35 =	vmul.f32 $5.000000000e-01, v12;
	v8 =	vld [tilespmem:s7+$0x30];
	[tilespmem:s1+$0x40] =	vst v5  }
0x3be: {  	v12 =	vmul.f32 v29, v29;
	v34 =	vmul.f32 v33, v34;
	v32 =	vsub.s32 $0x5F3759DF, v32;
	v5 =	vld [tilespmem:s7+$0x40];
	[tilespmem:s1+$0xF0] =	vst v15  }
0x3bf: {  	v36 =	vmul.f32 v27, v27;
	v37 =	vmul.f32 v32, v35;
	v15 =	vld [tilespmem:s7+$0xC0];
	[tilespmem:s1+$0xE0] =	vst v3  }
0x3c0: {  	v20 =	vadd.f32 v20, v12;
	v34 =	vmul.f32 v34, v33;
	v3 =	vld [tilespmem:s7+$0xE0];
	v38 =	vmul.f32 v30, v30;
	[tilespmem:s1+$0x50] =	vst v16  }
0x3c1: {  	v40 =	vmul.f32 v26, v26;
	v39 =	vmul.f32 v31, v31;
	v12 =	vld [tilespmem:s7+$0xD0];
	[tilespmem:s1+$0x70] =	vst v22  }
0x3c2: {  	v22 =	vmul.f32 v13, v13;
	v34 =	vsub.f32 $1.500000000e+00, v34;
	v16 =	vld [tilespmem:s7+$0x50];
	v20 =	vadd.f32 v38, v20;
	[tilespmem:s1+$0x60] =	vst v19  }
0x3c3: {  	v37 =	vmul.f32 v32, v37;
	v36 =	vadd.f32 v36, v39;
	v38 =	vmul.f32 v8, v8  }
0x3c4: {  	v33 =	vmul.f32 v34, v33;
	v19 =	vld [tilespmem:s7+$0x60];
	v39 =	vadd.f32 v22, v20;
	v41 =	vmul.f32 v15, v15  }
0x3c5: {  	v37 =	vsub.f32 $1.500000000e+00, v37;
	v34 =	vadd.f32 v40, v36;
	v36 =	vmul.f32 v5, v5;
	v20 =	vld [tilespmem:s7+$0xF0]  }
0x3c6: {  	v33 =	vmul.f32 $9.499999880e-01, v33;
	v22 =	vld [tilespmem:s7+$0x70];
	v39 =	vadd.f32 v41, v39;
	v40 =	vmul.f32 v12, v12  }
0x3c7: {  	v32 =	vmul.f32 v32, v37;
	v34 =	vadd.f32 v38, v34;
	v38 =	vmul.f32 v16, v16  }
0x3c8: {  	v33 =	vmin.f32 v33, $1.000000000e+00;
	v37 =	vadd.f32 v40, v39;
	v39 =	vmul.f32 v3, v3  }
0x3c9: {  	v34 =	vadd.f32 v36, v34;
	v11 =	vmul.f32 v33, v11;
	v36 =	vmul.f32 v19, v19  }
0x3ca: {  	v35 =	vmul.f32 v32, v35;
	v37 =	vadd.f32 v39, v37;
	v39 =	vmul.f32 v20, v20  }
0x3cb: {  	v4 =	vmul.f32 v33, v4;
	v34 =	vadd.f32 v38, v34;
	v38 =	vmul.f32 v22, v22;
	[tilespmem:s1+$0xFFFFFF60] =	vst v11  }
0x3cc: {  	v0 =	vmul.f32 v33, v0;
	v35 =	vmul.f32 v35, v32;
	v11 =	vld [tilespmem:s7+$0xFFFFFF60];
	v37 =	vadd.f32 v39, v37  }
0x3cd: {  	v1 =	vmul.f32 v33, v1;
	v2 =	vmul.f32 v33, v2;
	v34 =	vadd.f32 v36, v34;
	[tilespmem:s1+$0xFFFFFF30] =	vst v4  }
0x3ce: {  	v9 =	vmul.f32 v33, v9;
	v35 =	vsub.f32 $1.500000000e+00, v35;
	v4 =	vld [tilespmem:s7+$0xFFFFFF30];
	(xrf2) =	vadd.scan.msk.f32 $0xffff, v37;
	[tilespmem:s1+$0xFFFFFF00] =	vst v0  }
0x3cf: {  	v14 =	vmul.f32 v33, v14;
	v6 =	vmul.f32 v33, v6;
	v34 =	vadd.f32 v38, v34;
	v0 =	vld [tilespmem:s7+$0xFFFFFF00];
	[tilespmem:s1+$0xFFFFFF10] =	vst v1  }
0x3d0: {  	v32 =	vmul.f32 v35, v32;
	v1 =	vld [tilespmem:s7+$0xFFFFFF10];
	[tilespmem:s1+$0xFFFFFF20] =	vst v2  }
0x3d1: {  	v2 =	vld [tilespmem:s7+$0xFFFFFF20];
	(xrf2) =	vadd.scan.msk.f32 $0xffff, v34;
	[tilespmem:s1+$0xFFFFFF70] =	vst v6  }
0x3d2: {  	[tilespmem:s1+$0xFFFFFF50] =	vst v14;
	v14 =	vmul.f32 $9.499999880e-01, v32  }
0x3d3: {  	v32 =	vmul.f32 v11, v11;
	v6 =	vld [tilespmem:s7+$0xFFFFFF70];
	[tilespmem:s1+$0xFFFFFF40] =	vst v9  }
0x3d4: {  	v34 =	vmul.f32 v4, v4;
	v33 =	vmul.f32 v0, v0;
	v35 =	vmin.f32 v14, $1.000000000e+00  }
0x3d5: {  	v14 =	vmul.f32 v1, v1;
	v7 =	vmul.f32 v35, v7  }
0x3d6: {  	v10 =	vmul.f32 v35, v10;
	v36 =	vmul.f32 v2, v2  }
0x3d7: {  	v17 =	vmul.f32 v35, v17;
	v18 =	vmul.f32 v35, v18;
	v9 =	vld [tilespmem:s7+$0xFFFFFF40];
	v33 =	vadd.f32 v14, v33;
	[tilespmem:s1+$0xFFFFFF90] =	vst v7  }
0x3d8: {  	v21 =	vmul.f32 v35, v21;
	v23 =	vmul.f32 v35, v23;
	v14 =	vld [tilespmem:s7+$0xFFFFFF50];
	v37, _, _ =	vpop (xrf2);
	[tilespmem:s1+$0xFFFFFF80] =	vst v10  }
0x3d9: {  	v38 =	vadd.f32 v36, v33;
	v36 =	vmul.f32 v6, v6;
	v7 =	vld [tilespmem:s7+$0xFFFFFF90];
	v37 =	vmax.f32 v37, $1.000000050e-18;
	[tilespmem:s1+$0xFFFFFFB0] =	vst v18  }
0x3da: {  	v10 =	vld [tilespmem:s7+$0xFFFFFF80];
	v37 =	vbroadcast v37, $0xF;
	[tilespmem:s1+$0xFFFFFFA0] =	vst v17;
	v17 =	vmul.f32 v35, v24  }
0x3db: {  	v25 =	vmul.f32 v35, v25;
	v24 =	vadd.f32 v34, v38;
	v33, _, _ =	vpop (xrf2);
	[tilespmem:s1+$0xFFFFFFC0] =	vst v21  }
0x3dc: {  	v21 =	vmul.f32 v9, v9;
	v18 =	vld [tilespmem:s7+$0xFFFFFFB0];
	v33 =	vmax.f32 v33, $1.000000050e-18;
	v34 =	vshra.s32 v37, $0x1;
	[tilespmem:s1+$0xFFFFFFE0] =	vst v17  }
0x3dd: {  	v17 =	vld [tilespmem:s7+$0xFFFFFFA0];
	v33 =	vbroadcast v33, $0xF;
	v34 =	vsub.s32 $0x5F3759DF, v34;
	[tilespmem:s1+$0xFFFFFFD0] =	vst v23  }
0x3de: {  	v37 =	vmul.f32 $5.000000000e-01, v37;
	v24 =	vadd.f32 v21, v24;
	v21 =	vld [tilespmem:s7+$0xFFFFFFC0];
	v35 =	vmul.f32 v7, v7;
	[tilespmem:s1+$0xFFFFFFF0] =	vst v25;
	s1 =	smov.u32 s7  }
0x3df: {  	v25 =	vmul.f32 v14, v14;
	v38 =	vshra.s32 v33, $0x1;
	v33 =	vmul.f32 $5.000000000e-01, v33  }
0x3e0: {  	v40 =	vmul.f32 v34, v37;
	v39 =	vmul.f32 v10, v10;
	v23 =	vld [tilespmem:s7+$0xFFFFFFD0];
	v38 =	vsub.s32 $0x5F3759DF, v38  }
0x3e1: {  	v25 =	vadd.f32 v25, v24;
	v41 =	vmul.f32 v18, v18;
	v42 =	vmul.f32 v38, v33  }
0x3e2: {  	v40 =	vmul.f32 v34, v40;
	v35 =	vadd.f32 v35, v39;
	v24 =	vld [tilespmem:s7+$0xFFFFFFE0];
	v39 =	vmul.f32 v17, v17  }
0x3e3: {  	v25 =	vadd.f32 v32, v25;
	v32 =	vmul.f32 v21, v21;
	v42 =	vmul.f32 v38, v42  }
0x3e4: {  	v35 =	vadd.f32 v39, v35;
	v39 =	vsub.f32 $1.500000000e+00, v40  }
0x3e5: {  	v36 =	vadd.f32 v36, v25;
	v40 =	vmul.f32 v23, v23;
	v42 =	vsub.f32 $1.500000000e+00, v42  }
0x3e6: {  	v35 =	vadd.f32 v41, v35;
	v34 =	vmul.f32 v34, v39  }
0x3e7: {  	v25 =	vld [tilespmem:s7+$0xFFFFFFF0];
	v39 =	vmul.f32 v24, v24;
	v38 =	vmul.f32 v38, v42;
	(xrf2) =	vadd.scan.msk.f32 $0xffff, v36  }
0x3e8: {  	v32 =	vadd.f32 v32, v35;
	v35 =	vmul.f32 v34, v37  }
0x3e9: {  	v33 =	vmul.f32 v38, v33  }
0x3ea: {  	v32 =	vadd.f32 v40, v32;
	v35 =	vmul.f32 v35, v34  }
0x3eb: {  	v33 =	vmul.f32 v33, v38  }
0x3ec: {  	v32 =	vadd.f32 v39, v32;
	v36 =	vmul.f32 v25, v25;
	v35 =	vsub.f32 $1.500000000e+00, v35  }
0x3ed: {  	v33 =	vsub.f32 $1.500000000e+00, v33  }
0x3ee: {  	v36 =	vadd.f32 v36, v32;
	v34 =	vmul.f32 v35, v34  }
0x3ef: {  	v33 =	vmul.f32 v33, v38  }
0x3f0: {  	v34 =	vmul.f32 $9.499999880e-01, v34;
	(xrf2) =	vadd.scan.msk.f32 $0xffff, v36  }
0x3f1: {  	v33 =	vmul.f32 $9.499999880e-01, v33;
	v32, _, _ =	vpop (xrf2)  }
.Ltmp5:
0x3f2: {  	v35 =	vmax.f32 v32, $1.000000050e-18;
	v32 =	vmin.f32 v34, $1.000000000e+00;
	(pc) =	sbr.rel @p0 .LBB2_13-.Ltmp5, $4  }
0x3f3: {  	v34 =	vbroadcast v35, $0xF;
	v33 =	vmin.f32 v33, $1.000000000e+00;
	v35 =	vmul.f32 v32, v28  }
0x3f4: {  	v36 =	vmul.f32 v33, v31;
	v31 =	vmul.f32 v32, v29  }
0x3f5: {  	v28 =	vmul.f32 v33, v26;
	v29 =	vshra.s32 v34, $0x1;
	v34 =	vmul.f32 $5.000000000e-01, v34;
	[tilespmem:s7+$0x90] =	vst v35  }
0x3f6: {  	v30 =	vmul.f32 v32, v30;
	v35 =	vsub.s32 $0x5F3759DF, v29;
	[tilespmem:s7+$0x0] =	vst v36;
	v29 =	vmul.f32 v33, v27  }
0x3f7: {  	_ = 	snop  }
0x3f8: {  	v26 =	vmul.f32 v35, v34;
	_ =	sdelay $0x1  }
0x3f9: {  	v26 =	vmul.f32 v35, v26;
	v27, _, _ =	vpop (xrf2)  }
0x3fa: {  	v27 =	vmax.f32 v27, $1.000000050e-18  }
0x3fb: {  	v26 =	vsub.f32 $1.500000000e+00, v26;
	v27 =	vbroadcast v27, $0xF;
	_ =	sdelay $0x1  }
0x3fc: {  	v26 =	vmul.f32 v35, v26;
	v61 =	vshra.s32 v27, $0x1;
	v27 =	vmul.f32 $5.000000000e-01, v27  }
0x3fd: {  	[tilespmem:s1+$0x20] =	vst v28;
	v62 =	vsub.s32 $0x5F3759DF, v61  }
0x3fe: {  	[tilespmem:s1+$0x80] =	vst v31;
	v63 =	vmul.f32 v26, v34;
	v36 =	vmul.f32 v62, v27  }
0x3ff: {  	v13 =	vmul.f32 v32, v13;
	v8 =	vmul.f32 v33, v8;
	[tilespmem:s1+$0x10] =	vst v29  }
0x400: {  	[tilespmem:s1+$0xA0] =	vst v30;
	v37 =	vmul.f32 v63, v26;
	v38 =	vmul.f32 v62, v36  }
0x401: {  	v15 =	vmul.f32 v32, v15;
	[tilespmem:s1+$0xB0] =	vst v13  }
0x402: {  	v39 =	vmul.f32 v32, v12;
	[tilespmem:s1+$0x30] =	vst v8;
	v40 =	vsub.f32 $1.500000000e+00, v37;
	v41 =	vsub.f32 $1.500000000e+00, v38  }
0x403: {  	v5 =	vmul.f32 v33, v5;
	v42 =	vmul.f32 v32, v20;
	[tilespmem:s1+$0xC0] =	vst v15  }
0x404: {  	[tilespmem:s1+$0xD0] =	vst v39;
	v43 =	vmul.f32 v40, v26;
	v44 =	vmul.f32 v62, v41  }
0x405: {  	v45 =	vmul.f32 v33, v16;
	v3 =	vmul.f32 v32, v3;
	[tilespmem:s1+$0x40] =	vst v5  }
0x406: {  	[tilespmem:s1+$0xF0] =	vst v42;
	v46 =	vmul.f32 $9.499999880e-01, v43;
	v47 =	vmul.f32 v44, v27  }
0x407: {  	v48 =	vmul.f32 v33, v22;
	[tilespmem:s1+$0xE0] =	vst v3  }
0x408: {  	v49 =	vmul.f32 v33, v19;
	[tilespmem:s1+$0x50] =	vst v45;
	v5 =	vmin.f32 v46, $1.000000000e+00;
	v8 =	vmul.f32 v47, v44  }
0x409: {  	[tilespmem:s1+$0x70] =	vst v48;
	v11 =	vmul.f32 v5, v11  }
0x40a: {  	[tilespmem:s1+$0x60] =	vst v49;
	v50 =	vmul.f32 v5, v4;
	v51 =	vsub.f32 $1.500000000e+00, v8  }
0x40b: {  	v0 =	vmul.f32 v5, v0;
	[tilespmem:s1+$0xFFFFFF60] =	vst v11  }
0x40c: {  	v1 =	vmul.f32 v5, v1;
	[tilespmem:s1+$0xFFFFFF30] =	vst v50;
	v52 =	vmul.f32 v51, v44  }
0x40d: {  	v2 =	vmul.f32 v5, v2;
	[tilespmem:s1+$0xFFFFFF00] =	vst v0  }
0x40e: {  	v53 =	vmul.f32 v5, v6;
	[tilespmem:s1+$0xFFFFFF10] =	vst v1;
	v54 =	vmul.f32 $9.499999880e-01, v52  }
0x40f: {  	v55 =	vmul.f32 v5, v14;
	[tilespmem:s1+$0xFFFFFF20] =	vst v2  }
0x410: {  	v56 =	vmul.f32 v5, v9;
	[tilespmem:s1+$0xFFFFFF70] =	vst v53;
	v57 =	vmin.f32 v54, $1.000000000e+00  }
0x411: {  	[tilespmem:s1+$0xFFFFFF50] =	vst v55;
	v1 =	vmul.f32 v57, v7  }
0x412: {  	[tilespmem:s1+$0xFFFFFF40] =	vst v56;
	v58 =	vmul.f32 v57, v10  }
0x413: {  	v59 =	vmul.f32 v57, v18;
	[tilespmem:s1+$0xFFFFFF90] =	vst v1  }
0x414: {  	v60 =	vmul.f32 v57, v17;
	[tilespmem:s1+$0xFFFFFF80] =	vst v58  }
0x415: {  	v61 =	vmul.f32 v57, v21;
	[tilespmem:s1+$0xFFFFFFB0] =	vst v59  }
0x416: {  	p0 =	seq.s32 s10, $0x7;
	v62 =	vmul.f32 v57, v24;
	[tilespmem:s1+$0xFFFFFFA0] =	vst v60  }
.Ltmp6:
0x417: {  	s0 =	sshll.u32 s13, $0xE;
	v63 =	vmul.f32 v57, v23;
	[tilespmem:s1+$0xFFFFFFC0] =	vst v61;
	(pc) =	sbr.rel @p0 .LBB2_16-.Ltmp6, $4  }
0x418: {  	s0 =	sadd.s32 s6, s0;
	v0 =	vmul.f32 v57, v25;
	[tilespmem:s1+$0xFFFFFFE0] =	vst v62  }
0x419: {  	s0 =	sshrl.u32 s0, $0x3;
	[tilespmem:s1+$0xFFFFFFD0] =	vst v63  }
0x41a: {  	s0 =	sadd.s32 s3, s0;
	[tilespmem:s1+$0xFFFFFFF0] =	vst v0  }
0x41b: {  	[hbm4b:s0+s4] =	stream.linear.scatter [tilespmem:s24], [sflag:$0xC], $0x4000, $0x38;
	[tilespmem:$0x19900] =	vst v63  }
.Ltmp7:
0x41c: {  	(pc) =	sbr.rel .LBB2_2-.Ltmp7, $4  }
0x41d: {  	_ =	swait.ge [sflag:s31], $0x4000  }
0x41e: {  	[sflag:s31] =	ssyncset.done $0x0  }
0x41f: {  	s0 =	sadd.s32 $0x400, s11;
	s10 =	sadd.s32 $0x1, s10;
	[sflag:s31] =	ssyncadd.s32 $0xFFFFC000  }
0x420: {  	[tilespmem:s18], [sflag:$0x3] =	stream.indirect.gather [hbm4b:s2+s14], $0x80, s0, s14, $0xb8;
	[tilespmem:$0x19900] =	vst v63  }
.LBB2_16:
0x421: {  	_ =	swait.ge [sflag:s19], $0x4000  }
0x422: {  	[sflag:s19] =	ssyncset.done $0x0  }
0x423: {  	s0 =	simm.s32 $0x1A00;
	[sflag:s19] =	ssyncadd.s32 $0xFFFFC000  }
0x424: {  	v30 =	vld [tilespmem:s0+$0x90]  }
0x425: {  	v28 =	vld [tilespmem:s0+$0x80]  }
0x426: {  	v26 =	vld [tilespmem:s0+$0x10]  }
0x427: {  	v27 =	vld [tilespmem:s0+$0xA0]  }
0x428: {  	v31 =	vld [tilespmem:s0+$0x0]  }
0x429: {  	v13 =	vld [tilespmem:s0+$0xB0]  }
0x42a: {  	v29 =	vld [tilespmem:s0+$0x20];
	v0 =	vmul.f32 v30, v30;
	v1 =	vmul.f32 v28, v28  }
0x42b: {  	v15 =	vld [tilespmem:s0+$0xC0]  }
0x42c: {  	v8 =	vld [tilespmem:s0+$0x30];
	v0 =	vadd.f32 v0, v1;
	v1 =	vmul.f32 v27, v27  }
0x42d: {  	v12 =	vld [tilespmem:s0+$0xD0];
	v2 =	vmul.f32 v26, v26;
	v3 =	vmul.f32 v31, v31  }
0x42e: {  	v5 =	vld [tilespmem:s0+$0x40];
	v0 =	vadd.f32 v1, v0;
	v1 =	vmul.f32 v13, v13  }
0x42f: {  	v4 =	vmul.f32 v29, v29;
	v2 =	vadd.f32 v2, v3;
	v3 =	vld [tilespmem:s0+$0xE0]  }
0x430: {  	v16 =	vld [tilespmem:s0+$0x50];
	v0 =	vadd.f32 v1, v0;
	v1 =	vmul.f32 v15, v15  }
0x431: {  	v20 =	vld [tilespmem:s0+$0xF0];
	v6 =	vmul.f32 v8, v8;
	v2 =	vadd.f32 v4, v2  }
0x432: {  	v19 =	vld [tilespmem:s0+$0x60];
	v0 =	vadd.f32 v1, v0;
	v1 =	vmul.f32 v12, v12  }
0x433: {  	v4 =	vmul.f32 v5, v5;
	v2 =	vadd.f32 v6, v2  }
0x434: {  	v22 =	vld [tilespmem:s0+$0x70];
	v0 =	vadd.f32 v1, v0;
	v1 =	vmul.f32 v3, v3  }
0x435: {  	v6 =	vmul.f32 v16, v16;
	v2 =	vadd.f32 v4, v2  }
0x436: {  	v0 =	vadd.f32 v1, v0;
	v1 =	vmul.f32 v20, v20  }
0x437: {  	v4 =	vmul.f32 v19, v19;
	v2 =	vadd.f32 v6, v2  }
0x438: {  	v0 =	vadd.f32 v1, v0  }
0x439: {  	v6 =	vmul.f32 v22, v22;
	v1 =	vadd.f32 v4, v2  }
0x43a: {  	(xrf2) =	vadd.scan.msk.f32 $0xffff, v0  }
0x43b: {  	v2 =	vadd.f32 v6, v1;
	v1 =	vld [tilespmem:s0+$0xFFFFFF10];
	_ =	sdelay $0x1  }
0x43c: {  	v0 =	vld [tilespmem:s0+$0xFFFFFF00]  }
0x43d: {  	(xrf2) =	vadd.scan.msk.f32 $0xffff, v2;
	_ =	sdelay $0x1  }
0x43e: {  	v2 =	vld [tilespmem:s0+$0xFFFFFF20];
	v7 =	vmul.f32 v1, v1;
	_ =	sdelay $0x1  }
0x43f: {  	v4 =	vld [tilespmem:s0+$0xFFFFFF30];
	v6 =	vmul.f32 v0, v0;
	_ =	sdelay $0x1  }
0x440: {  	v9 =	vld [tilespmem:s0+$0xFFFFFF40];
	v6 =	vadd.f32 v7, v6;
	v7, _, _ =	vpop (xrf2)  }
0x441: {  	v10 =	vmul.f32 v2, v2;
	v7 =	vmax.f32 v7, $1.000000050e-18;
	_ =	sdelay $0x1  }
0x442: {  	v14 =	vld [tilespmem:s0+$0xFFFFFF50];
	v17 =	vmul.f32 v4, v4;
	v6 =	vadd.f32 v10, v6  }
0x443: {  	v10 =	vbroadcast v7, $0xF;
	v7, _, _ =	vpop (xrf2)  }
0x444: {  	v11 =	vld [tilespmem:s0+$0xFFFFFF60];
	v18 =	vmul.f32 v9, v9;
	v17 =	vadd.f32 v17, v6;
	v7 =	vmax.f32 v7, $1.000000050e-18  }
0x445: {  	v21 =	vshra.s32 v10, $0x1;
	v25 =	vmul.f32 $5.000000000e-01, v10;
	v10 =	vld [tilespmem:s0+$0xFFFFFF80];
	v23 =	vbroadcast v7, $0xF  }
0x446: {  	v18 =	vadd.f32 v18, v17;
	v7 =	vld [tilespmem:s0+$0xFFFFFF90]  }
0x447: {  	v6 =	vld [tilespmem:s0+$0xFFFFFF70];
	v24 =	vsub.s32 $0x5F3759DF, v21;
	v21 =	vmul.f32 v14, v14;
	v17 =	vshra.s32 v23, $0x1  }
0x448: {  	v32 =	vmul.f32 $5.000000000e-01, v23;
	v23 =	vmul.f32 v24, v25;
	v33 =	vsub.s32 $0x5F3759DF, v17;
	v17 =	vld [tilespmem:s0+$0xFFFFFFA0];
	_ =	sdelay $0x1  }
0x449: {  	v34 =	vmul.f32 v11, v11;
	v21 =	vadd.f32 v21, v18;
	v18 =	vld [tilespmem:s0+$0xFFFFFFB0];
	v23 =	vmul.f32 v24, v23  }
0x44a: {  	v38 =	vmul.f32 v10, v10;
	v37 =	vmul.f32 v7, v7  }
0x44b: {  	v34 =	vadd.f32 v34, v21;
	v21 =	vld [tilespmem:s0+$0xFFFFFFC0];
	v35 =	vmul.f32 v33, v32;
	v23 =	vsub.f32 $1.500000000e+00, v23  }
0x44c: {  	v36 =	vmul.f32 v6, v6;
	v48 =	vadd.f32 v37, v38;
	v49 =	vmul.f32 v17, v17  }
0x44d: {  	v35 =	vmul.f32 v33, v35;
	v50 =	vmul.f32 v24, v23;
	v23 =	vld [tilespmem:s0+$0xFFFFFFD0]  }
0x44e: {  	v34 =	vadd.f32 v36, v34;
	v51 =	vmul.f32 v18, v18;
	v52 =	vadd.f32 v49, v48  }
0x44f: {  	v35 =	vsub.f32 $1.500000000e+00, v35;
	v24 =	vld [tilespmem:s0+$0xFFFFFFE0];
	v25 =	vmul.f32 v50, v25  }
0x450: {  	(xrf2) =	vadd.scan.msk.f32 $0xffff, v34;
	v53 =	vmul.f32 v21, v21;
	v34 =	vadd.f32 v51, v52  }
0x451: {  	v33 =	vmul.f32 v33, v35;
	v54 =	vmul.f32 v25, v50;
	v25 =	vld [tilespmem:s0+$0xFFFFFFF0]  }
0x452: {  	v55 =	vmul.f32 v23, v23;
	v34 =	vadd.f32 v53, v34  }
0x453: {  	v32 =	vmul.f32 v33, v32  }
0x454: {  	v56 =	vmul.f32 v24, v24;
	v34 =	vadd.f32 v55, v34  }
0x455: {  	v32 =	vmul.f32 v32, v33  }
0x456: {  	v35 =	vsub.f32 $1.500000000e+00, v54;
	v58 =	vmul.f32 v25, v25;
	v57 =	vadd.f32 v56, v34  }
0x457: {  	v32 =	vsub.f32 $1.500000000e+00, v32  }
0x458: {  	v35 =	vmul.f32 v35, v50;
	v34 =	vadd.f32 v58, v57  }
0x459: {  	v32 =	vmul.f32 v32, v33  }
0x45a: {  	v60, _, _ =	vpop (xrf2);
	v35 =	vmul.f32 $9.499999880e-01, v35;
	(xrf2) =	vadd.scan.msk.f32 $0xffff, v34  }
0x45b: {  	v61 =	vmax.f32 v60, $1.000000050e-18;
	v59 =	vmul.f32 $9.499999880e-01, v32  }
0x45c: {  	v62 =	vbroadcast v61, $0xF;
	v32 =	vmin.f32 v35, $1.000000000e+00  }
0x45d: {  	v30 =	vmul.f32 v32, v30;
	v33 =	vmin.f32 v59, $1.000000000e+00  }
0x45e: {  	v34 =	vmul.f32 $5.000000000e-01, v62;
	v36 =	vmul.f32 v33, v31  }
0x45f: {  	v63 =	vshra.s32 v62, $0x1;
	v31 =	vmul.f32 v32, v28;
	v28 =	vmul.f32 v33, v29;
	[tilespmem:s0+$0x90] =	vst v30  }
0x460: {  	s1 =	simm.s32 $0x0;
	s7 =	simm.s32 $0x1A00;
	v35 =	vsub.s32 $0x5F3759DF, v63;
	v29 =	vmul.f32 v33, v26;
	v30 =	vmul.f32 v32, v27;
	[tilespmem:s0+$0x0] =	vst v36  }
.LBB2_17:
0x461: {  	s1 =	sadd.s32 $0x4, s1;
	v27 =	vmul.f32 v35, v34;
	[tilespmem:s0+$0x20] =	vst v28;
	v37 =	vmul.f32 v32, v13;
	s7 =	sadd.s32 $0x200, s7  }
0x462: {  	v8 =	vmul.f32 v33, v8;
	v15 =	vmul.f32 v32, v15;
	v26 =	vld [tilespmem:s7+$0x20];
	p0 =	slt.u32 s1, $0x7C;
	[tilespmem:s0+$0x10] =	vst v29  }
0x463: {  	v5 =	vmul.f32 v33, v5;
	v28 =	vld [tilespmem:s7+$0x90];
	v36 =	vmul.f32 v35, v27;
	[tilespmem:s0+$0x80] =	vst v31  }
0x464: {  	v16 =	vmul.f32 v33, v16;
	v19 =	vmul.f32 v33, v19;
	v29 =	vld [tilespmem:s7+$0x80];
	[tilespmem:s0+$0xB0] =	vst v37;
	v13, _, _ =	vpop (xrf2)  }
0x465: {  	v22 =	vmul.f32 v33, v22;
	v27 =	vld [tilespmem:s7+$0x10];
	v36 =	vsub.f32 $1.500000000e+00, v36;
	v13 =	vmax.f32 v13, $1.000000050e-18;
	[tilespmem:s0+$0x30] =	vst v8  }
0x466: {  	v3 =	vmul.f32 v32, v3;
	v8 =	vmul.f32 v32, v12;
	v31 =	vld [tilespmem:s7+$0x0];
	[tilespmem:s0+$0xA0] =	vst v30  }
0x467: {  	v12 =	vbroadcast v13, $0xF;
	v30 =	vld [tilespmem:s7+$0xA0];
	v33 =	vmul.f32 v35, v36;
	[tilespmem:s0+$0xC0] =	vst v15  }
0x468: {  	v15 =	vmul.f32 v32, v20;
	v13 =	vld [tilespmem:s7+$0xB0];
	[tilespmem:s0+$0xD0] =	vst v8  }
0x469: {  	v20 =	vmul.f32 v28, v28;
	v32 =	vshra.s32 v12, $0x1;
	v35 =	vmul.f32 $5.000000000e-01, v12;
	v8 =	vld [tilespmem:s7+$0x30];
	[tilespmem:s0+$0x40] =	vst v5  }
0x46a: {  	v12 =	vmul.f32 v29, v29;
	v34 =	vmul.f32 v33, v34;
	v32 =	vsub.s32 $0x5F3759DF, v32;
	v5 =	vld [tilespmem:s7+$0x40];
	[tilespmem:s0+$0xF0] =	vst v15  }
0x46b: {  	v36 =	vmul.f32 v27, v27;
	v37 =	vmul.f32 v32, v35;
	v15 =	vld [tilespmem:s7+$0xC0];
	[tilespmem:s0+$0xE0] =	vst v3  }
0x46c: {  	v20 =	vadd.f32 v20, v12;
	v34 =	vmul.f32 v34, v33;
	v3 =	vld [tilespmem:s7+$0xE0];
	v38 =	vmul.f32 v30, v30;
	[tilespmem:s0+$0x50] =	vst v16  }
0x46d: {  	v40 =	vmul.f32 v26, v26;
	v39 =	vmul.f32 v31, v31;
	v12 =	vld [tilespmem:s7+$0xD0];
	[tilespmem:s0+$0x70] =	vst v22  }
0x46e: {  	v22 =	vmul.f32 v13, v13;
	v34 =	vsub.f32 $1.500000000e+00, v34;
	v16 =	vld [tilespmem:s7+$0x50];
	v20 =	vadd.f32 v38, v20;
	[tilespmem:s0+$0x60] =	vst v19  }
0x46f: {  	v37 =	vmul.f32 v32, v37;
	v36 =	vadd.f32 v36, v39;
	v38 =	vmul.f32 v8, v8  }
0x470: {  	v33 =	vmul.f32 v34, v33;
	v19 =	vld [tilespmem:s7+$0x60];
	v39 =	vadd.f32 v22, v20;
	v41 =	vmul.f32 v15, v15  }
0x471: {  	v37 =	vsub.f32 $1.500000000e+00, v37;
	v34 =	vadd.f32 v40, v36;
	v36 =	vmul.f32 v5, v5;
	v20 =	vld [tilespmem:s7+$0xF0]  }
0x472: {  	v33 =	vmul.f32 $9.499999880e-01, v33;
	v22 =	vld [tilespmem:s7+$0x70];
	v39 =	vadd.f32 v41, v39;
	v40 =	vmul.f32 v12, v12  }
0x473: {  	v32 =	vmul.f32 v32, v37;
	v34 =	vadd.f32 v38, v34;
	v38 =	vmul.f32 v16, v16  }
0x474: {  	v33 =	vmin.f32 v33, $1.000000000e+00;
	v37 =	vadd.f32 v40, v39;
	v39 =	vmul.f32 v3, v3  }
0x475: {  	v34 =	vadd.f32 v36, v34;
	v11 =	vmul.f32 v33, v11;
	v36 =	vmul.f32 v19, v19  }
0x476: {  	v35 =	vmul.f32 v32, v35;
	v37 =	vadd.f32 v39, v37;
	v39 =	vmul.f32 v20, v20  }
0x477: {  	v4 =	vmul.f32 v33, v4;
	v34 =	vadd.f32 v38, v34;
	v38 =	vmul.f32 v22, v22;
	[tilespmem:s0+$0xFFFFFF60] =	vst v11  }
0x478: {  	v0 =	vmul.f32 v33, v0;
	v35 =	vmul.f32 v35, v32;
	v11 =	vld [tilespmem:s7+$0xFFFFFF60];
	v37 =	vadd.f32 v39, v37  }
0x479: {  	v1 =	vmul.f32 v33, v1;
	v2 =	vmul.f32 v33, v2;
	v34 =	vadd.f32 v36, v34;
	[tilespmem:s0+$0xFFFFFF30] =	vst v4  }
0x47a: {  	v9 =	vmul.f32 v33, v9;
	v35 =	vsub.f32 $1.500000000e+00, v35;
	v4 =	vld [tilespmem:s7+$0xFFFFFF30];
	(xrf2) =	vadd.scan.msk.f32 $0xffff, v37;
	[tilespmem:s0+$0xFFFFFF00] =	vst v0  }
0x47b: {  	v14 =	vmul.f32 v33, v14;
	v6 =	vmul.f32 v33, v6;
	v34 =	vadd.f32 v38, v34;
	v0 =	vld [tilespmem:s7+$0xFFFFFF00];
	[tilespmem:s0+$0xFFFFFF10] =	vst v1  }
0x47c: {  	v32 =	vmul.f32 v35, v32;
	v1 =	vld [tilespmem:s7+$0xFFFFFF10];
	[tilespmem:s0+$0xFFFFFF20] =	vst v2  }
0x47d: {  	v2 =	vld [tilespmem:s7+$0xFFFFFF20];
	(xrf2) =	vadd.scan.msk.f32 $0xffff, v34;
	[tilespmem:s0+$0xFFFFFF70] =	vst v6  }
0x47e: {  	[tilespmem:s0+$0xFFFFFF50] =	vst v14;
	v14 =	vmul.f32 $9.499999880e-01, v32  }
0x47f: {  	v32 =	vmul.f32 v11, v11;
	v6 =	vld [tilespmem:s7+$0xFFFFFF70];
	[tilespmem:s0+$0xFFFFFF40] =	vst v9  }
0x480: {  	v34 =	vmul.f32 v4, v4;
	v33 =	vmul.f32 v0, v0;
	v35 =	vmin.f32 v14, $1.000000000e+00  }
0x481: {  	v14 =	vmul.f32 v1, v1;
	v7 =	vmul.f32 v35, v7  }
0x482: {  	v10 =	vmul.f32 v35, v10;
	v36 =	vmul.f32 v2, v2  }
0x483: {  	v17 =	vmul.f32 v35, v17;
	v18 =	vmul.f32 v35, v18;
	v9 =	vld [tilespmem:s7+$0xFFFFFF40];
	v33 =	vadd.f32 v14, v33;
	[tilespmem:s0+$0xFFFFFF90] =	vst v7  }
0x484: {  	v21 =	vmul.f32 v35, v21;
	v23 =	vmul.f32 v35, v23;
	v14 =	vld [tilespmem:s7+$0xFFFFFF50];
	v37, _, _ =	vpop (xrf2);
	[tilespmem:s0+$0xFFFFFF80] =	vst v10  }
0x485: {  	v38 =	vadd.f32 v36, v33;
	v36 =	vmul.f32 v6, v6;
	v7 =	vld [tilespmem:s7+$0xFFFFFF90];
	v37 =	vmax.f32 v37, $1.000000050e-18;
	[tilespmem:s0+$0xFFFFFFB0] =	vst v18  }
0x486: {  	v10 =	vld [tilespmem:s7+$0xFFFFFF80];
	v37 =	vbroadcast v37, $0xF;
	[tilespmem:s0+$0xFFFFFFA0] =	vst v17;
	v17 =	vmul.f32 v35, v24  }
0x487: {  	v25 =	vmul.f32 v35, v25;
	v24 =	vadd.f32 v34, v38;
	v33, _, _ =	vpop (xrf2);
	[tilespmem:s0+$0xFFFFFFC0] =	vst v21  }
0x488: {  	v21 =	vmul.f32 v9, v9;
	v18 =	vld [tilespmem:s7+$0xFFFFFFB0];
	v33 =	vmax.f32 v33, $1.000000050e-18;
	v34 =	vshra.s32 v37, $0x1;
	[tilespmem:s0+$0xFFFFFFE0] =	vst v17  }
0x489: {  	v17 =	vld [tilespmem:s7+$0xFFFFFFA0];
	v33 =	vbroadcast v33, $0xF;
	v34 =	vsub.s32 $0x5F3759DF, v34;
	[tilespmem:s0+$0xFFFFFFD0] =	vst v23  }
0x48a: {  	v37 =	vmul.f32 $5.000000000e-01, v37;
	v24 =	vadd.f32 v21, v24;
	v21 =	vld [tilespmem:s7+$0xFFFFFFC0];
	v35 =	vmul.f32 v7, v7;
	[tilespmem:s0+$0xFFFFFFF0] =	vst v25;
	s0 =	smov.u32 s7  }
0x48b: {  	v25 =	vmul.f32 v14, v14;
	v38 =	vshra.s32 v33, $0x1;
	v33 =	vmul.f32 $5.000000000e-01, v33  }
0x48c: {  	v40 =	vmul.f32 v34, v37;
	v39 =	vmul.f32 v10, v10;
	v23 =	vld [tilespmem:s7+$0xFFFFFFD0];
	v38 =	vsub.s32 $0x5F3759DF, v38  }
0x48d: {  	v25 =	vadd.f32 v25, v24;
	v41 =	vmul.f32 v18, v18;
	v42 =	vmul.f32 v38, v33  }
0x48e: {  	v40 =	vmul.f32 v34, v40;
	v35 =	vadd.f32 v35, v39;
	v24 =	vld [tilespmem:s7+$0xFFFFFFE0];
	v39 =	vmul.f32 v17, v17  }
0x48f: {  	v25 =	vadd.f32 v32, v25;
	v32 =	vmul.f32 v21, v21;
	v42 =	vmul.f32 v38, v42  }
0x490: {  	v35 =	vadd.f32 v39, v35;
	v39 =	vsub.f32 $1.500000000e+00, v40  }
0x491: {  	v36 =	vadd.f32 v36, v25;
	v40 =	vmul.f32 v23, v23;
	v42 =	vsub.f32 $1.500000000e+00, v42  }
0x492: {  	v35 =	vadd.f32 v41, v35;
	v34 =	vmul.f32 v34, v39  }
0x493: {  	v25 =	vld [tilespmem:s7+$0xFFFFFFF0];
	v39 =	vmul.f32 v24, v24;
	v38 =	vmul.f32 v38, v42;
	(xrf2) =	vadd.scan.msk.f32 $0xffff, v36  }
0x494: {  	v32 =	vadd.f32 v32, v35;
	v35 =	vmul.f32 v34, v37  }
0x495: {  	v33 =	vmul.f32 v38, v33  }
0x496: {  	v32 =	vadd.f32 v40, v32;
	v35 =	vmul.f32 v35, v34  }
0x497: {  	v33 =	vmul.f32 v33, v38  }
0x498: {  	v32 =	vadd.f32 v39, v32;
	v36 =	vmul.f32 v25, v25;
	v35 =	vsub.f32 $1.500000000e+00, v35  }
0x499: {  	v33 =	vsub.f32 $1.500000000e+00, v33  }
0x49a: {  	v36 =	vadd.f32 v36, v32;
	v34 =	vmul.f32 v35, v34  }
0x49b: {  	v33 =	vmul.f32 v33, v38  }
0x49c: {  	v34 =	vmul.f32 $9.499999880e-01, v34;
	(xrf2) =	vadd.scan.msk.f32 $0xffff, v36  }
0x49d: {  	v33 =	vmul.f32 $9.499999880e-01, v33;
	v32, _, _ =	vpop (xrf2)  }
.Ltmp8:
0x49e: {  	v35 =	vmax.f32 v32, $1.000000050e-18;
	v32 =	vmin.f32 v34, $1.000000000e+00;
	(pc) =	sbr.rel @p0 .LBB2_17-.Ltmp8, $4  }
0x49f: {  	v34 =	vbroadcast v35, $0xF;
	v33 =	vmin.f32 v33, $1.000000000e+00;
	v35 =	vmul.f32 v32, v28  }
0x4a0: {  	v36 =	vmul.f32 v33, v31;
	v31 =	vmul.f32 v32, v29  }
0x4a1: {  	v28 =	vmul.f32 v33, v26;
	v29 =	vshra.s32 v34, $0x1;
	v34 =	vmul.f32 $5.000000000e-01, v34;
	[tilespmem:s7+$0x90] =	vst v35  }
0x4a2: {  	v30 =	vmul.f32 v32, v30;
	v35 =	vsub.s32 $0x5F3759DF, v29;
	[tilespmem:s7+$0x0] =	vst v36;
	v29 =	vmul.f32 v33, v27  }
0x4a3: {  	_ = 	snop  }
0x4a4: {  	v26 =	vmul.f32 v35, v34;
	_ =	sdelay $0x1  }
0x4a5: {  	v26 =	vmul.f32 v35, v26;
	v27, _, _ =	vpop (xrf2)  }
0x4a6: {  	v27 =	vmax.f32 v27, $1.000000050e-18  }
0x4a7: {  	v26 =	vsub.f32 $1.500000000e+00, v26;
	v27 =	vbroadcast v27, $0xF;
	_ =	sdelay $0x1  }
0x4a8: {  	v26 =	vmul.f32 v35, v26;
	v42 =	vshra.s32 v27, $0x1;
	v27 =	vmul.f32 $5.000000000e-01, v27  }
0x4a9: {  	[tilespmem:s0+$0x20] =	vst v28;
	v13 =	vmul.f32 v32, v13;
	v28 =	vsub.s32 $0x5F3759DF, v42  }
0x4aa: {  	[tilespmem:s0+$0x10] =	vst v29;
	v29 =	vmul.f32 v26, v34;
	v43 =	vmul.f32 v28, v27  }
0x4ab: {  	v8 =	vmul.f32 v33, v8;
	[tilespmem:s0+$0x80] =	vst v31  }
0x4ac: {  	[tilespmem:s0+$0xB0] =	vst v13;
	v13 =	vmul.f32 v29, v26;
	v29 =	vmul.f32 v28, v43  }
0x4ad: {  	v15 =	vmul.f32 v32, v15;
	[tilespmem:s0+$0xA0] =	vst v30  }
0x4ae: {  	[tilespmem:s0+$0x30] =	vst v8;
	v8 =	vmul.f32 v32, v12;
	v12 =	vsub.f32 $1.500000000e+00, v13;
	v13 =	vsub.f32 $1.500000000e+00, v29  }
0x4af: {  	v5 =	vmul.f32 v33, v5;
	v3 =	vmul.f32 v32, v3;
	[tilespmem:s0+$0xC0] =	vst v15  }
0x4b0: {  	[tilespmem:s0+$0xD0] =	vst v8;
	v8 =	vmul.f32 v12, v26;
	v12 =	vmul.f32 v28, v13  }
0x4b1: {  	v15 =	vmul.f32 v32, v20;
	[tilespmem:s0+$0xE0] =	vst v3;
	v3 =	vmul.f32 v33, v19  }
0x4b2: {  	[tilespmem:s0+$0x40] =	vst v5;
	v5 =	vmul.f32 $9.499999880e-01, v8;
	v8 =	vmul.f32 v12, v27  }
0x4b3: {  	[tilespmem:s0+$0xF0] =	vst v15;
	v15 =	vmul.f32 v33, v22  }
0x4b4: {  	[tilespmem:s0+$0x60] =	vst v3;
	v13 =	vmul.f32 v33, v16;
	v5 =	vmin.f32 v5, $1.000000000e+00;
	v8 =	vmul.f32 v8, v12  }
0x4b5: {  	[tilespmem:s0+$0x70] =	vst v15;
	v11 =	vmul.f32 v5, v11  }
0x4b6: {  	[tilespmem:s0+$0x50] =	vst v13;
	v3 =	vmul.f32 v5, v4;
	v4 =	vsub.f32 $1.500000000e+00, v8  }
0x4b7: {  	v0 =	vmul.f32 v5, v0;
	[tilespmem:s0+$0xFFFFFF60] =	vst v11  }
0x4b8: {  	v1 =	vmul.f32 v5, v1;
	[tilespmem:s0+$0xFFFFFF30] =	vst v3;
	v3 =	vmul.f32 v4, v12  }
0x4b9: {  	v2 =	vmul.f32 v5, v2;
	[tilespmem:s0+$0xFFFFFF00] =	vst v0  }
0x4ba: {  	[tilespmem:s0+$0xFFFFFF10] =	vst v1;
	v0 =	vmul.f32 v5, v6;
	v1 =	vmul.f32 $9.499999880e-01, v3  }
0x4bb: {  	[tilespmem:s0+$0xFFFFFF20] =	vst v2;
	v2 =	vmul.f32 v5, v9  }
0x4bc: {  	[tilespmem:s0+$0xFFFFFF70] =	vst v0;
	v3 =	vmul.f32 v5, v14;
	v0 =	vmin.f32 v1, $1.000000000e+00  }
0x4bd: {  	[tilespmem:s0+$0xFFFFFF40] =	vst v2;
	v1 =	vmul.f32 v0, v7  }
0x4be: {  	[tilespmem:s0+$0xFFFFFF50] =	vst v3;
	v2 =	vmul.f32 v0, v10  }
0x4bf: {  	v3 =	vmul.f32 v0, v17;
	[tilespmem:s0+$0xFFFFFF90] =	vst v1  }
0x4c0: {  	v1 =	vmul.f32 v0, v18;
	[tilespmem:s0+$0xFFFFFF80] =	vst v2  }
0x4c1: {  	v2 =	vmul.f32 v0, v21;
	[tilespmem:s0+$0xFFFFFFA0] =	vst v3  }
0x4c2: {  	v3 =	vmul.f32 v0, v23;
	[tilespmem:s0+$0xFFFFFFB0] =	vst v1  }
0x4c3: {  	v1 =	vmul.f32 v0, v24;
	[tilespmem:s0+$0xFFFFFFC0] =	vst v2  }
0x4c4: {  	v0 =	vmul.f32 v0, v25;
	[tilespmem:s0+$0xFFFFFFD0] =	vst v3  }
0x4c5: {  	[tilespmem:s0+$0xFFFFFFE0] =	vst v1  }
0x4c6: {  	s17 =	rddreg [dreg:$0x5];
	[tilespmem:s0+$0xFFFFFFF0] =	vst v0  }
0x4c7: {  	[hbm4b:s17+s4] =	stream.linear.scatter [tilespmem:s15], [sflag:$0x7], $0x4000, $0x38;
	[tilespmem:$0x19900] =	vst v63  }
0x4c8: {  	_ =	swait.ge [sflag:s21], $0x4000  }
0x4c9: {  	[sflag:s21] =	ssyncset.done $0x0  }
0x4ca: {  	s0 =	simm.s32 $0x5A00;
	[sflag:s21] =	ssyncadd.s32 $0xFFFFC000  }
0x4cb: {  	v30 =	vld [tilespmem:s0+$0x90]  }
0x4cc: {  	v28 =	vld [tilespmem:s0+$0x80]  }
0x4cd: {  	v26 =	vld [tilespmem:s0+$0x10]  }
0x4ce: {  	v27 =	vld [tilespmem:s0+$0xA0]  }
0x4cf: {  	v31 =	vld [tilespmem:s0+$0x0]  }
0x4d0: {  	v13 =	vld [tilespmem:s0+$0xB0]  }
0x4d1: {  	v29 =	vld [tilespmem:s0+$0x20];
	v0 =	vmul.f32 v30, v30;
	v1 =	vmul.f32 v28, v28  }
0x4d2: {  	v15 =	vld [tilespmem:s0+$0xC0]  }
0x4d3: {  	v8 =	vld [tilespmem:s0+$0x30];
	v0 =	vadd.f32 v0, v1;
	v1 =	vmul.f32 v27, v27  }
0x4d4: {  	v12 =	vld [tilespmem:s0+$0xD0];
	v2 =	vmul.f32 v26, v26;
	v3 =	vmul.f32 v31, v31  }
0x4d5: {  	v5 =	vld [tilespmem:s0+$0x40];
	v0 =	vadd.f32 v1, v0;
	v1 =	vmul.f32 v13, v13  }
0x4d6: {  	v4 =	vmul.f32 v29, v29;
	v2 =	vadd.f32 v2, v3;
	v3 =	vld [tilespmem:s0+$0xE0]  }
0x4d7: {  	v16 =	vld [tilespmem:s0+$0x50];
	v0 =	vadd.f32 v1, v0;
	v1 =	vmul.f32 v15, v15  }
0x4d8: {  	v20 =	vld [tilespmem:s0+$0xF0];
	v6 =	vmul.f32 v8, v8;
	v2 =	vadd.f32 v4, v2  }
0x4d9: {  	v19 =	vld [tilespmem:s0+$0x60];
	v0 =	vadd.f32 v1, v0;
	v1 =	vmul.f32 v12, v12  }
0x4da: {  	v4 =	vmul.f32 v5, v5;
	v2 =	vadd.f32 v6, v2  }
0x4db: {  	v22 =	vld [tilespmem:s0+$0x70];
	v0 =	vadd.f32 v1, v0;
	v1 =	vmul.f32 v3, v3  }
0x4dc: {  	v6 =	vmul.f32 v16, v16;
	v2 =	vadd.f32 v4, v2  }
0x4dd: {  	v0 =	vadd.f32 v1, v0;
	v1 =	vmul.f32 v20, v20  }
0x4de: {  	v4 =	vmul.f32 v19, v19;
	v2 =	vadd.f32 v6, v2  }
0x4df: {  	v0 =	vadd.f32 v1, v0  }
0x4e0: {  	v6 =	vmul.f32 v22, v22;
	v1 =	vadd.f32 v4, v2  }
0x4e1: {  	(xrf2) =	vadd.scan.msk.f32 $0xffff, v0  }
0x4e2: {  	v2 =	vadd.f32 v6, v1;
	v1 =	vld [tilespmem:s0+$0xFFFFFF10];
	_ =	sdelay $0x1  }
0x4e3: {  	v0 =	vld [tilespmem:s0+$0xFFFFFF00]  }
0x4e4: {  	(xrf2) =	vadd.scan.msk.f32 $0xffff, v2;
	_ =	sdelay $0x1  }
0x4e5: {  	v2 =	vld [tilespmem:s0+$0xFFFFFF20];
	v7 =	vmul.f32 v1, v1;
	_ =	sdelay $0x1  }
0x4e6: {  	v4 =	vld [tilespmem:s0+$0xFFFFFF30];
	v6 =	vmul.f32 v0, v0;
	_ =	sdelay $0x1  }
0x4e7: {  	v9 =	vld [tilespmem:s0+$0xFFFFFF40];
	v6 =	vadd.f32 v7, v6;
	v7, _, _ =	vpop (xrf2)  }
0x4e8: {  	v10 =	vmul.f32 v2, v2;
	v7 =	vmax.f32 v7, $1.000000050e-18;
	_ =	sdelay $0x1  }
0x4e9: {  	v14 =	vld [tilespmem:s0+$0xFFFFFF50];
	v17 =	vmul.f32 v4, v4;
	v6 =	vadd.f32 v10, v6  }
0x4ea: {  	v10 =	vbroadcast v7, $0xF;
	v7, _, _ =	vpop (xrf2)  }
0x4eb: {  	v11 =	vld [tilespmem:s0+$0xFFFFFF60];
	v18 =	vmul.f32 v9, v9;
	v17 =	vadd.f32 v17, v6;
	v7 =	vmax.f32 v7, $1.000000050e-18  }
0x4ec: {  	v21 =	vshra.s32 v10, $0x1;
	v25 =	vmul.f32 $5.000000000e-01, v10;
	v10 =	vld [tilespmem:s0+$0xFFFFFF80];
	v23 =	vbroadcast v7, $0xF  }
0x4ed: {  	v18 =	vadd.f32 v18, v17;
	v7 =	vld [tilespmem:s0+$0xFFFFFF90]  }
0x4ee: {  	v6 =	vld [tilespmem:s0+$0xFFFFFF70];
	v24 =	vsub.s32 $0x5F3759DF, v21;
	v21 =	vmul.f32 v14, v14;
	v17 =	vshra.s32 v23, $0x1  }
0x4ef: {  	v44 =	vmul.f32 $5.000000000e-01, v23;
	v23 =	vmul.f32 v24, v25;
	v45 =	vsub.s32 $0x5F3759DF, v17;
	v17 =	vld [tilespmem:s0+$0xFFFFFFA0];
	_ =	sdelay $0x1  }
0x4f0: {  	v46 =	vmul.f32 v11, v11;
	v21 =	vadd.f32 v21, v18;
	v18 =	vld [tilespmem:s0+$0xFFFFFFB0];
	v23 =	vmul.f32 v24, v23  }
0x4f1: {  	v38 =	vmul.f32 v10, v10;
	v37 =	vmul.f32 v7, v7  }
0x4f2: {  	v34 =	vadd.f32 v46, v21;
	v21 =	vld [tilespmem:s0+$0xFFFFFFC0];
	v47 =	vmul.f32 v45, v44;
	v23 =	vsub.f32 $1.500000000e+00, v23  }
0x4f3: {  	v36 =	vmul.f32 v6, v6;
	v48 =	vadd.f32 v37, v38;
	v49 =	vmul.f32 v17, v17  }
0x4f4: {  	v35 =	vmul.f32 v45, v47;
	v50 =	vmul.f32 v24, v23;
	v23 =	vld [tilespmem:s0+$0xFFFFFFD0]  }
0x4f5: {  	v34 =	vadd.f32 v36, v34;
	v51 =	vmul.f32 v18, v18;
	v52 =	vadd.f32 v49, v48  }
0x4f6: {  	v35 =	vsub.f32 $1.500000000e+00, v35;
	v24 =	vld [tilespmem:s0+$0xFFFFFFE0];
	v25 =	vmul.f32 v50, v25  }
0x4f7: {  	(xrf2) =	vadd.scan.msk.f32 $0xffff, v34;
	v53 =	vmul.f32 v21, v21;
	v34 =	vadd.f32 v51, v52  }
0x4f8: {  	v33 =	vmul.f32 v45, v35;
	v54 =	vmul.f32 v25, v50;
	v25 =	vld [tilespmem:s0+$0xFFFFFFF0]  }
0x4f9: {  	v55 =	vmul.f32 v23, v23;
	v34 =	vadd.f32 v53, v34  }
0x4fa: {  	v32 =	vmul.f32 v33, v44  }
0x4fb: {  	v56 =	vmul.f32 v24, v24;
	v34 =	vadd.f32 v55, v34  }
0x4fc: {  	v32 =	vmul.f32 v32, v33  }
0x4fd: {  	v35 =	vsub.f32 $1.500000000e+00, v54;
	v58 =	vmul.f32 v25, v25;
	v57 =	vadd.f32 v56, v34  }
0x4fe: {  	v32 =	vsub.f32 $1.500000000e+00, v32  }
0x4ff: {  	v35 =	vmul.f32 v35, v50;
	v34 =	vadd.f32 v58, v57  }
0x500: {  	v32 =	vmul.f32 v32, v33  }
0x501: {  	v60, _, _ =	vpop (xrf2);
	v35 =	vmul.f32 $9.499999880e-01, v35;
	(xrf2) =	vadd.scan.msk.f32 $0xffff, v34  }
0x502: {  	v61 =	vmax.f32 v60, $1.000000050e-18;
	v59 =	vmul.f32 $9.499999880e-01, v32  }
0x503: {  	v62 =	vbroadcast v61, $0xF;
	v32 =	vmin.f32 v35, $1.000000000e+00  }
0x504: {  	v30 =	vmul.f32 v32, v30;
	v33 =	vmin.f32 v59, $1.000000000e+00  }
0x505: {  	v34 =	vmul.f32 $5.000000000e-01, v62;
	v36 =	vmul.f32 v33, v31  }
0x506: {  	v63 =	vshra.s32 v62, $0x1;
	v31 =	vmul.f32 v32, v28;
	v28 =	vmul.f32 v33, v29;
	[tilespmem:s0+$0x90] =	vst v30  }
0x507: {  	s1 =	simm.s32 $0x0;
	s7 =	simm.s32 $0x5A00;
	v35 =	vsub.s32 $0x5F3759DF, v63;
	v29 =	vmul.f32 v33, v26;
	v30 =	vmul.f32 v32, v27;
	[tilespmem:s0+$0x0] =	vst v36  }
.LBB2_19:
0x508: {  	s1 =	sadd.s32 $0x4, s1;
	v27 =	vmul.f32 v35, v34;
	[tilespmem:s0+$0x20] =	vst v28;
	v37 =	vmul.f32 v32, v13;
	s7 =	sadd.s32 $0x200, s7  }
0x509: {  	v8 =	vmul.f32 v33, v8;
	v15 =	vmul.f32 v32, v15;
	v26 =	vld [tilespmem:s7+$0x20];
	p0 =	slt.u32 s1, $0x7C;
	[tilespmem:s0+$0x10] =	vst v29  }
0x50a: {  	v5 =	vmul.f32 v33, v5;
	v28 =	vld [tilespmem:s7+$0x90];
	v36 =	vmul.f32 v35, v27;
	[tilespmem:s0+$0x80] =	vst v31  }
0x50b: {  	v16 =	vmul.f32 v33, v16;
	v19 =	vmul.f32 v33, v19;
	v29 =	vld [tilespmem:s7+$0x80];
	[tilespmem:s0+$0xB0] =	vst v37;
	v13, _, _ =	vpop (xrf2)  }
0x50c: {  	v22 =	vmul.f32 v33, v22;
	v27 =	vld [tilespmem:s7+$0x10];
	v36 =	vsub.f32 $1.500000000e+00, v36;
	v13 =	vmax.f32 v13, $1.000000050e-18;
	[tilespmem:s0+$0x30] =	vst v8  }
0x50d: {  	v3 =	vmul.f32 v32, v3;
	v8 =	vmul.f32 v32, v12;
	v31 =	vld [tilespmem:s7+$0x0];
	[tilespmem:s0+$0xA0] =	vst v30  }
0x50e: {  	v12 =	vbroadcast v13, $0xF;
	v30 =	vld [tilespmem:s7+$0xA0];
	v33 =	vmul.f32 v35, v36;
	[tilespmem:s0+$0xC0] =	vst v15  }
0x50f: {  	v15 =	vmul.f32 v32, v20;
	v13 =	vld [tilespmem:s7+$0xB0];
	[tilespmem:s0+$0xD0] =	vst v8  }
0x510: {  	v20 =	vmul.f32 v28, v28;
	v32 =	vshra.s32 v12, $0x1;
	v35 =	vmul.f32 $5.000000000e-01, v12;
	v8 =	vld [tilespmem:s7+$0x30];
	[tilespmem:s0+$0x40] =	vst v5  }
0x511: {  	v12 =	vmul.f32 v29, v29;
	v34 =	vmul.f32 v33, v34;
	v32 =	vsub.s32 $0x5F3759DF, v32;
	v5 =	vld [tilespmem:s7+$0x40];
	[tilespmem:s0+$0xF0] =	vst v15  }
0x512: {  	v36 =	vmul.f32 v27, v27;
	v37 =	vmul.f32 v32, v35;
	v15 =	vld [tilespmem:s7+$0xC0];
	[tilespmem:s0+$0xE0] =	vst v3  }
0x513: {  	v20 =	vadd.f32 v20, v12;
	v34 =	vmul.f32 v34, v33;
	v3 =	vld [tilespmem:s7+$0xE0];
	v38 =	vmul.f32 v30, v30;
	[tilespmem:s0+$0x50] =	vst v16  }
0x514: {  	v40 =	vmul.f32 v26, v26;
	v39 =	vmul.f32 v31, v31;
	v12 =	vld [tilespmem:s7+$0xD0];
	[tilespmem:s0+$0x70] =	vst v22  }
0x515: {  	v22 =	vmul.f32 v13, v13;
	v34 =	vsub.f32 $1.500000000e+00, v34;
	v16 =	vld [tilespmem:s7+$0x50];
	v20 =	vadd.f32 v38, v20;
	[tilespmem:s0+$0x60] =	vst v19  }
0x516: {  	v37 =	vmul.f32 v32, v37;
	v36 =	vadd.f32 v36, v39;
	v38 =	vmul.f32 v8, v8  }
0x517: {  	v33 =	vmul.f32 v34, v33;
	v19 =	vld [tilespmem:s7+$0x60];
	v39 =	vadd.f32 v22, v20;
	v41 =	vmul.f32 v15, v15  }
0x518: {  	v37 =	vsub.f32 $1.500000000e+00, v37;
	v34 =	vadd.f32 v40, v36;
	v36 =	vmul.f32 v5, v5;
	v20 =	vld [tilespmem:s7+$0xF0]  }
0x519: {  	v33 =	vmul.f32 $9.499999880e-01, v33;
	v22 =	vld [tilespmem:s7+$0x70];
	v39 =	vadd.f32 v41, v39;
	v40 =	vmul.f32 v12, v12  }
0x51a: {  	v32 =	vmul.f32 v32, v37;
	v34 =	vadd.f32 v38, v34;
	v38 =	vmul.f32 v16, v16  }
0x51b: {  	v33 =	vmin.f32 v33, $1.000000000e+00;
	v37 =	vadd.f32 v40, v39;
	v39 =	vmul.f32 v3, v3  }
0x51c: {  	v34 =	vadd.f32 v36, v34;
	v11 =	vmul.f32 v33, v11;
	v36 =	vmul.f32 v19, v19  }
0x51d: {  	v35 =	vmul.f32 v32, v35;
	v37 =	vadd.f32 v39, v37;
	v39 =	vmul.f32 v20, v20  }
0x51e: {  	v4 =	vmul.f32 v33, v4;
	v34 =	vadd.f32 v38, v34;
	v38 =	vmul.f32 v22, v22;
	[tilespmem:s0+$0xFFFFFF60] =	vst v11  }
0x51f: {  	v0 =	vmul.f32 v33, v0;
	v35 =	vmul.f32 v35, v32;
	v11 =	vld [tilespmem:s7+$0xFFFFFF60];
	v37 =	vadd.f32 v39, v37  }
0x520: {  	v1 =	vmul.f32 v33, v1;
	v2 =	vmul.f32 v33, v2;
	v34 =	vadd.f32 v36, v34;
	[tilespmem:s0+$0xFFFFFF30] =	vst v4  }
0x521: {  	v9 =	vmul.f32 v33, v9;
	v35 =	vsub.f32 $1.500000000e+00, v35;
	v4 =	vld [tilespmem:s7+$0xFFFFFF30];
	(xrf2) =	vadd.scan.msk.f32 $0xffff, v37;
	[tilespmem:s0+$0xFFFFFF00] =	vst v0  }
0x522: {  	v14 =	vmul.f32 v33, v14;
	v6 =	vmul.f32 v33, v6;
	v34 =	vadd.f32 v38, v34;
	v0 =	vld [tilespmem:s7+$0xFFFFFF00];
	[tilespmem:s0+$0xFFFFFF10] =	vst v1  }
0x523: {  	v32 =	vmul.f32 v35, v32;
	v1 =	vld [tilespmem:s7+$0xFFFFFF10];
	[tilespmem:s0+$0xFFFFFF20] =	vst v2  }
0x524: {  	v2 =	vld [tilespmem:s7+$0xFFFFFF20];
	(xrf2) =	vadd.scan.msk.f32 $0xffff, v34;
	[tilespmem:s0+$0xFFFFFF70] =	vst v6  }
0x525: {  	[tilespmem:s0+$0xFFFFFF50] =	vst v14;
	v14 =	vmul.f32 $9.499999880e-01, v32  }
0x526: {  	v32 =	vmul.f32 v11, v11;
	v6 =	vld [tilespmem:s7+$0xFFFFFF70];
	[tilespmem:s0+$0xFFFFFF40] =	vst v9  }
0x527: {  	v34 =	vmul.f32 v4, v4;
	v33 =	vmul.f32 v0, v0;
	v35 =	vmin.f32 v14, $1.000000000e+00  }
0x528: {  	v14 =	vmul.f32 v1, v1;
	v7 =	vmul.f32 v35, v7  }
0x529: {  	v10 =	vmul.f32 v35, v10;
	v36 =	vmul.f32 v2, v2  }
0x52a: {  	v17 =	vmul.f32 v35, v17;
	v18 =	vmul.f32 v35, v18;
	v9 =	vld [tilespmem:s7+$0xFFFFFF40];
	v33 =	vadd.f32 v14, v33;
	[tilespmem:s0+$0xFFFFFF90] =	vst v7  }
0x52b: {  	v21 =	vmul.f32 v35, v21;
	v23 =	vmul.f32 v35, v23;
	v14 =	vld [tilespmem:s7+$0xFFFFFF50];
	v37, _, _ =	vpop (xrf2);
	[tilespmem:s0+$0xFFFFFF80] =	vst v10  }
0x52c: {  	v38 =	vadd.f32 v36, v33;
	v36 =	vmul.f32 v6, v6;
	v7 =	vld [tilespmem:s7+$0xFFFFFF90];
	v37 =	vmax.f32 v37, $1.000000050e-18;
	[tilespmem:s0+$0xFFFFFFB0] =	vst v18  }
0x52d: {  	v10 =	vld [tilespmem:s7+$0xFFFFFF80];
	v37 =	vbroadcast v37, $0xF;
	[tilespmem:s0+$0xFFFFFFA0] =	vst v17;
	v17 =	vmul.f32 v35, v24  }
0x52e: {  	v25 =	vmul.f32 v35, v25;
	v24 =	vadd.f32 v34, v38;
	v33, _, _ =	vpop (xrf2);
	[tilespmem:s0+$0xFFFFFFC0] =	vst v21  }
0x52f: {  	v21 =	vmul.f32 v9, v9;
	v18 =	vld [tilespmem:s7+$0xFFFFFFB0];
	v33 =	vmax.f32 v33, $1.000000050e-18;
	v34 =	vshra.s32 v37, $0x1;
	[tilespmem:s0+$0xFFFFFFE0] =	vst v17  }
0x530: {  	v17 =	vld [tilespmem:s7+$0xFFFFFFA0];
	v33 =	vbroadcast v33, $0xF;
	v34 =	vsub.s32 $0x5F3759DF, v34;
	[tilespmem:s0+$0xFFFFFFD0] =	vst v23  }
0x531: {  	v37 =	vmul.f32 $5.000000000e-01, v37;
	v24 =	vadd.f32 v21, v24;
	v21 =	vld [tilespmem:s7+$0xFFFFFFC0];
	v35 =	vmul.f32 v7, v7;
	[tilespmem:s0+$0xFFFFFFF0] =	vst v25;
	s0 =	smov.u32 s7  }
0x532: {  	v25 =	vmul.f32 v14, v14;
	v38 =	vshra.s32 v33, $0x1;
	v33 =	vmul.f32 $5.000000000e-01, v33  }
0x533: {  	v40 =	vmul.f32 v34, v37;
	v39 =	vmul.f32 v10, v10;
	v23 =	vld [tilespmem:s7+$0xFFFFFFD0];
	v38 =	vsub.s32 $0x5F3759DF, v38  }
0x534: {  	v25 =	vadd.f32 v25, v24;
	v41 =	vmul.f32 v18, v18;
	v42 =	vmul.f32 v38, v33  }
0x535: {  	v40 =	vmul.f32 v34, v40;
	v35 =	vadd.f32 v35, v39;
	v24 =	vld [tilespmem:s7+$0xFFFFFFE0];
	v39 =	vmul.f32 v17, v17  }
0x536: {  	v25 =	vadd.f32 v32, v25;
	v32 =	vmul.f32 v21, v21;
	v42 =	vmul.f32 v38, v42  }
0x537: {  	v35 =	vadd.f32 v39, v35;
	v39 =	vsub.f32 $1.500000000e+00, v40  }
0x538: {  	v36 =	vadd.f32 v36, v25;
	v40 =	vmul.f32 v23, v23;
	v42 =	vsub.f32 $1.500000000e+00, v42  }
0x539: {  	v35 =	vadd.f32 v41, v35;
	v34 =	vmul.f32 v34, v39  }
0x53a: {  	v25 =	vld [tilespmem:s7+$0xFFFFFFF0];
	v39 =	vmul.f32 v24, v24;
	v38 =	vmul.f32 v38, v42;
	(xrf2) =	vadd.scan.msk.f32 $0xffff, v36  }
0x53b: {  	v32 =	vadd.f32 v32, v35;
	v35 =	vmul.f32 v34, v37  }
0x53c: {  	v33 =	vmul.f32 v38, v33  }
0x53d: {  	v32 =	vadd.f32 v40, v32;
	v35 =	vmul.f32 v35, v34  }
0x53e: {  	v33 =	vmul.f32 v33, v38  }
0x53f: {  	v32 =	vadd.f32 v39, v32;
	v36 =	vmul.f32 v25, v25;
	v35 =	vsub.f32 $1.500000000e+00, v35  }
0x540: {  	v33 =	vsub.f32 $1.500000000e+00, v33  }
0x541: {  	v36 =	vadd.f32 v36, v32;
	v34 =	vmul.f32 v35, v34  }
0x542: {  	v33 =	vmul.f32 v33, v38  }
0x543: {  	v34 =	vmul.f32 $9.499999880e-01, v34;
	(xrf2) =	vadd.scan.msk.f32 $0xffff, v36  }
0x544: {  	v33 =	vmul.f32 $9.499999880e-01, v33;
	v32, _, _ =	vpop (xrf2)  }
.Ltmp9:
0x545: {  	v35 =	vmax.f32 v32, $1.000000050e-18;
	v32 =	vmin.f32 v34, $1.000000000e+00;
	(pc) =	sbr.rel @p0 .LBB2_19-.Ltmp9, $4  }
0x546: {  	v34 =	vbroadcast v35, $0xF;
	v33 =	vmin.f32 v33, $1.000000000e+00;
	v35 =	vmul.f32 v32, v28  }
0x547: {  	v36 =	vmul.f32 v33, v31;
	v31 =	vmul.f32 v32, v29  }
0x548: {  	v28 =	vmul.f32 v33, v26;
	v29 =	vshra.s32 v34, $0x1;
	v34 =	vmul.f32 $5.000000000e-01, v34;
	[tilespmem:s7+$0x90] =	vst v35  }
0x549: {  	v30 =	vmul.f32 v32, v30;
	v35 =	vsub.s32 $0x5F3759DF, v29;
	[tilespmem:s7+$0x0] =	vst v36;
	v29 =	vmul.f32 v33, v27  }
0x54a: {  	_ = 	snop  }
0x54b: {  	v26 =	vmul.f32 v35, v34;
	_ =	sdelay $0x1  }
0x54c: {  	v26 =	vmul.f32 v35, v26;
	v27, _, _ =	vpop (xrf2)  }
0x54d: {  	v27 =	vmax.f32 v27, $1.000000050e-18  }
0x54e: {  	v26 =	vsub.f32 $1.500000000e+00, v26;
	v27 =	vbroadcast v27, $0xF;
	_ =	sdelay $0x1  }
0x54f: {  	v26 =	vmul.f32 v35, v26;
	v61 =	vshra.s32 v27, $0x1;
	v27 =	vmul.f32 $5.000000000e-01, v27  }
0x550: {  	[tilespmem:s0+$0x20] =	vst v28;
	v62 =	vsub.s32 $0x5F3759DF, v61  }
0x551: {  	[tilespmem:s0+$0x80] =	vst v31;
	v63 =	vmul.f32 v26, v34;
	v36 =	vmul.f32 v62, v27  }
0x552: {  	v13 =	vmul.f32 v32, v13;
	v8 =	vmul.f32 v33, v8;
	[tilespmem:s0+$0x10] =	vst v29  }
0x553: {  	[tilespmem:s0+$0xA0] =	vst v30;
	v37 =	vmul.f32 v63, v26;
	v38 =	vmul.f32 v62, v36  }
0x554: {  	v15 =	vmul.f32 v32, v15;
	[tilespmem:s0+$0xB0] =	vst v13  }
0x555: {  	v39 =	vmul.f32 v32, v12;
	[tilespmem:s0+$0x30] =	vst v8;
	v40 =	vsub.f32 $1.500000000e+00, v37;
	v41 =	vsub.f32 $1.500000000e+00, v38  }
0x556: {  	v5 =	vmul.f32 v33, v5;
	v42 =	vmul.f32 v32, v20;
	[tilespmem:s0+$0xC0] =	vst v15  }
0x557: {  	[tilespmem:s0+$0xD0] =	vst v39;
	v43 =	vmul.f32 v40, v26;
	v44 =	vmul.f32 v62, v41  }
0x558: {  	v45 =	vmul.f32 v33, v16;
	v3 =	vmul.f32 v32, v3;
	[tilespmem:s0+$0x40] =	vst v5  }
0x559: {  	[tilespmem:s0+$0xF0] =	vst v42;
	v46 =	vmul.f32 $9.499999880e-01, v43;
	v47 =	vmul.f32 v44, v27  }
0x55a: {  	v48 =	vmul.f32 v33, v22;
	[tilespmem:s0+$0xE0] =	vst v3  }
0x55b: {  	v49 =	vmul.f32 v33, v19;
	[tilespmem:s0+$0x50] =	vst v45;
	v5 =	vmin.f32 v46, $1.000000000e+00;
	v8 =	vmul.f32 v47, v44  }
0x55c: {  	[tilespmem:s0+$0x70] =	vst v48;
	v11 =	vmul.f32 v5, v11  }
0x55d: {  	[tilespmem:s0+$0x60] =	vst v49;
	v50 =	vmul.f32 v5, v4;
	v51 =	vsub.f32 $1.500000000e+00, v8  }
0x55e: {  	v0 =	vmul.f32 v5, v0;
	[tilespmem:s0+$0xFFFFFF60] =	vst v11  }
0x55f: {  	v1 =	vmul.f32 v5, v1;
	[tilespmem:s0+$0xFFFFFF30] =	vst v50;
	v52 =	vmul.f32 v51, v44  }
0x560: {  	v2 =	vmul.f32 v5, v2;
	[tilespmem:s0+$0xFFFFFF00] =	vst v0  }
0x561: {  	v53 =	vmul.f32 v5, v6;
	[tilespmem:s0+$0xFFFFFF10] =	vst v1;
	v54 =	vmul.f32 $9.499999880e-01, v52  }
0x562: {  	v55 =	vmul.f32 v5, v14;
	[tilespmem:s0+$0xFFFFFF20] =	vst v2  }
0x563: {  	v56 =	vmul.f32 v5, v9;
	[tilespmem:s0+$0xFFFFFF70] =	vst v53;
	v57 =	vmin.f32 v54, $1.000000000e+00  }
0x564: {  	[tilespmem:s0+$0xFFFFFF50] =	vst v55;
	v1 =	vmul.f32 v57, v7  }
0x565: {  	[tilespmem:s0+$0xFFFFFF40] =	vst v56;
	v58 =	vmul.f32 v57, v10  }
0x566: {  	v59 =	vmul.f32 v57, v18;
	[tilespmem:s0+$0xFFFFFF90] =	vst v1  }
0x567: {  	v60 =	vmul.f32 v57, v17;
	[tilespmem:s0+$0xFFFFFF80] =	vst v58  }
0x568: {  	v61 =	vmul.f32 v57, v21;
	[tilespmem:s0+$0xFFFFFFB0] =	vst v59  }
0x569: {  	v62 =	vmul.f32 v57, v24;
	[tilespmem:s0+$0xFFFFFFA0] =	vst v60  }
0x56a: {  	v63 =	vmul.f32 v57, v23;
	[tilespmem:s0+$0xFFFFFFC0] =	vst v61  }
0x56b: {  	v0 =	vmul.f32 v57, v25;
	[tilespmem:s0+$0xFFFFFFE0] =	vst v62  }
0x56c: {  	[tilespmem:s0+$0xFFFFFFD0] =	vst v63  }
0x56d: {  	s10 =	rddreg [dreg:$0x6];
	[tilespmem:s0+$0xFFFFFFF0] =	vst v0  }
0x56e: {  	[hbm4b:s10+s4] =	stream.linear.scatter [tilespmem:s16], [sflag:$0x8], $0x4000, $0x38;
	[tilespmem:$0x19900] =	vst v63  }
0x56f: {  	_ =	swait.ge [sflag:s31], $0x4000  }
0x570: {  	[sflag:s31] =	ssyncset.done $0x0  }
0x571: {  	s11 =	simm.s32 $0xA;
	[sflag:s31] =	ssyncadd.s32 $0xFFFFC000  }
0x572: {  	_ =	swait.ge [sflag:s11], $0x4000  }
0x573: {  	[sflag:s11] =	ssyncset.done $0x0  }
0x574: {  	s12 =	simm.s32 $0xB;
	[sflag:s11] =	ssyncadd.s32 $0xFFFFC000  }
0x575: {  	_ =	swait.ge [sflag:s12], $0x4000  }
0x576: {  	[sflag:s12] =	ssyncset.done $0x0  }
0x577: {  	s13 =	simm.s32 $0xC;
	[sflag:s12] =	ssyncadd.s32 $0xFFFFC000  }
0x578: {  	_ =	swait.ge [sflag:s13], $0x4000  }
0x579: {  	[sflag:s13] =	ssyncset.done $0x0  }
0x57a: {  	[sflag:s13] =	ssyncadd.s32 $0xFFFFC000  }
0x57b: {  	_ =	swait.ge [sflag:s26], $0x4000  }
0x57c: {  	[sflag:s26] =	ssyncset.done $0x0  }
0x57d: {  	[sflag:s26] =	ssyncadd.s32 $0xFFFFC000  }
0x57e: {  	_ =	swait.ge [sflag:s29], $0x4000  }
0x57f: {  	s1 =	rddreg [dreg:$0x8]  }
0x580: {  	s17 =	rddreg [dreg:$0x7];
	s1 =	sadd.s32 $0x1, s1  }
0x581: {  	p0 =	sne.s32 s1, s17  }
.Ltmp10:
0x582: {  	_ = 	snop;
	(pc) =	sbr.rel @p0 .LBB2_1-.Ltmp10, $3  }
0x583: {  	_ =	sdelay $0x1  }
0x584: {  	[sflag:s29] =	ssyncset.done $0x0  }
0x585: {  	[sflag:s29] =	ssyncadd.s32 $0xFFFFC000  }
0x586: {  	_ =	sfence.sel $0x180000  }
0x587: {  	[bflag:$0x0] =	sbarrier.arrive $0xFFFF  }
0x588: {  	_ =	strace $0x90000047  }
0x589: {  	s0 =	stileid.u32;
	[bflag:$0x2] =	sbarrier.arrive $0xFFFF  }
0x58a: {  	p0 =	sne.s32 s0, $0x0;
	s0 =	rddreg [dreg:$0x3]  }
0x58b: {  	s0 =	sadd.s32 @!p0 $0x100000, s0  }
0x58c: {  	[sflag:s0] =	ssyncadd.tile.s32 @!p0 $0x1;
	_ =	shalt  }
.Lfunc_end2:
_tile_overlayer_lowered:
.L_overlay_start_2:
0x58d: {  	(tag) =	ssettag $0x2  }
0x58e: {  	s0 =	rddreg [dreg:$0x0];
	s2 =	stileid.u32  }
0x58f: {  	s1 =	rddreg [dreg:$0x1];
	p0 =	sne.s32 s2, $0x0  }
0x590: {  	s3 =	rddreg [dreg:$0x2];
	[bflag:$0x3] =	sbarrier.arrive $0xFFFF;
	s2 =	simm.s32 @!p0 $0x1C0D  }
0x591: {  	[timem:s3], [sflag:s2] =	dma.local @!p0 [hbm:s0], s1  }
0x592: {  	s0 =	simm.s32 @!p0 $0xD  }
0x593: {  	_ =	swait.ge @!p0 [sflag:s0], s1  }
0x594: {  	s1 =	ssub.s32 @!p0 $0x0, s1;
	[sflag:s0] =	ssyncset.done @!p0 $0x0  }
0x595: {  	[sflag:s0] =	ssyncadd.s32 @!p0 s1  }
0x596: {  	[bflag:$0x3] =	sbarrier.arrive $0xFFFF  }
0x597: {  	_ =	shalt  }

</sc_bundles>
